<compile_context>
chip_gen: v7x
topology: tpu7x:2x2x1
jax: 0.10.2.dev20260603
libtpu: 0.0.44.dev20260713+nightly
codegen_flags: <defaults>
</compile_context>

<pallas_src>
import functools

import jax
import jax.numpy as jnp
from jax import lax
from jax.experimental import pallas as pl
from jax.experimental.pallas import tpu as pltpu
from jax.experimental.pallas import tpu_sc as plsc

N = 10000
E = 320000
H = 128
T_PAD = 16
NUM_LAYERS = 9

N_PAD = 10240
CHUNK = 128
N_TILES = 16
N_CORES = 2
STRIPE = N_PAD // N_TILES
CH_PER_TILE = -(-E // (CHUNK * N_TILES * N_CORES))
E_PAD = CH_PER_TILE * CHUNK * N_TILES * N_CORES

_mesh = plsc.VectorSubcoreMesh(core_axis_name="c", subcore_axis_name="s")


@functools.partial(
    pl.kernel,
    mesh=_mesh,
    out_type=jax.ShapeDtypeStruct((N_CORES * N_PAD, H), jnp.float32),
    scratch_types=[
        pltpu.VMEM((CHUNK,), jnp.int32),
        pltpu.VMEM((CHUNK,), jnp.int32),
        pltpu.VMEM((CHUNK, H), jnp.float32),
        pltpu.VMEM_SHARED((N_PAD, H), jnp.float32),
        pltpu.SemaphoreType.DMA,
    ],
)
def _spmv_kernel(row_hbm, col_hbm, y_hbm, zeros_hbm, out_hbm,
                 ridx, cidx, buf, z_sh, sem):
    c = lax.axis_index("c")
    s = lax.axis_index("s")
    r0 = s * STRIPE
    w = c * N_TILES + s
    pltpu.sync_copy(zeros_hbm.at[pl.ds(r0, STRIPE)], z_sh.at[pl.ds(r0, STRIPE)])
    plsc.subcore_barrier()
    base = w * CH_PER_TILE

    def body(j, carry):
        off = pl.multiple_of((base + j) * CHUNK, CHUNK)
        pltpu.sync_copy(row_hbm.at[pl.ds(off, CHUNK)], ridx)
        pltpu.sync_copy(col_hbm.at[pl.ds(off, CHUNK)], cidx)
        pltpu.async_copy(y_hbm.at[ridx], buf, sem).wait()
        pltpu.sync_copy(buf, z_sh.at[cidx], add=True)
        return carry

    lax.fori_loop(0, CH_PER_TILE, body, 0)
    plsc.subcore_barrier()
    pltpu.sync_copy(
        z_sh.at[pl.ds(r0, STRIPE)],
        out_hbm.at[pl.ds(c * N_PAD + r0, STRIPE)],
    )


@functools.partial(
    pl.kernel,
    mesh=_mesh,
    out_type=jax.ShapeDtypeStruct((N_CORES * N_PAD, H), jnp.float32),
    scratch_types=[
        pltpu.VMEM((CHUNK,), jnp.int32),
        pltpu.VMEM((CHUNK, H), jnp.float32),
        pltpu.VMEM_SHARED((N_PAD, H), jnp.float32),
    ],
)
def _deg_kernel(col_hbm, ones_hbm, zeros_hbm, out_hbm, cidx, ones_v, z_sh):
    c = lax.axis_index("c")
    s = lax.axis_index("s")
    r0 = s * STRIPE
    w = c * N_TILES + s
    pltpu.sync_copy(zeros_hbm.at[pl.ds(r0, STRIPE)], z_sh.at[pl.ds(r0, STRIPE)])
    pltpu.sync_copy(ones_hbm, ones_v)
    plsc.subcore_barrier()
    base = w * CH_PER_TILE

    def body(j, carry):
        off = pl.multiple_of((base + j) * CHUNK, CHUNK)
        pltpu.sync_copy(col_hbm.at[pl.ds(off, CHUNK)], cidx)
        pltpu.sync_copy(ones_v, z_sh.at[cidx], add=True)
        return carry

    lax.fori_loop(0, CH_PER_TILE, body, 0)
    plsc.subcore_barrier()
    pltpu.sync_copy(
        z_sh.at[pl.ds(r0, STRIPE)],
        out_hbm.at[pl.ds(c * N_PAD + r0, STRIPE)],
    )


BR = 1024


def _prologue_body(t_ref, temb_ref, x_ref, w0_ref, w1_ref, ca_ref, cb_ref,
                   dis_ref, y0_ref, y1_ref):
    t0 = t_ref[0, 0]
    te = temb_ref[pl.ds(t0, 1), :]
    c0 = jnp.dot(te, w0_ref[H:H + T_PAD, :], preferred_element_type=jnp.float32)
    c1 = jnp.dot(te, w1_ref[H:H + T_PAD, :], preferred_element_type=jnp.float32)
    cnt = ca_ref[:, 0:1] + cb_ref[:, 0:1]
    dis = lax.rsqrt(cnt + 1.0)
    dis_ref[...] = jnp.broadcast_to(dis, (BR, 8))
    x = x_ref[...]
    y0_ref[...] = jnp.dot(x, w0_ref[0:H, :], preferred_element_type=jnp.float32) + c0
    y1_ref[...] = (jnp.dot(x, w1_ref[0:H, :], preferred_element_type=jnp.float32) + c1) * dis


def _combine_body(y0_ref, za_ref, zb_ref, y1_ref, dis_ref, b_ref, w0_ref, w1_ref,
                  y0o_ref, y1o_ref):
    dis = dis_ref[:, 0:1]
    z = dis * (za_ref[...] + zb_ref[...] + y1_ref[...])
    eps = jnp.maximum(y0_ref[...] + z + b_ref[0:1, :] + b_ref[1:2, :], 0.0)
    y0o_ref[...] = jnp.dot(eps, w0_ref[...], preferred_element_type=jnp.float32)
    y1o_ref[...] = jnp.dot(eps, w1_ref[...], preferred_element_type=jnp.float32) * dis


def _final_body(y0_ref, za_ref, zb_ref, y1_ref, dis_ref, b_ref, out_ref):
    dis = dis_ref[:, 0:1]
    z = dis * (za_ref[...] + zb_ref[...] + y1_ref[...])
    out_ref[...] = jnp.maximum(y0_ref[...] + z + b_ref[0:1, :] + b_ref[1:2, :], 0.0)


def _row_spec(width):
    return pl.BlockSpec((BR, width), lambda i: (i, 0))


def _full_spec(shape):
    return pl.BlockSpec(shape, lambda i: tuple(0 for _ in shape))


_GRID = (N_PAD // BR,)
_F32 = jnp.float32


def _prologue(t2d, temb, x, w0, w1, ca, cb):
    return pl.pallas_call(
        _prologue_body,
        grid=_GRID,
        in_specs=[
            _full_spec((1, 1)),
            _full_spec((1000, T_PAD)),
            _row_spec(H),
            _full_spec((H + T_PAD, H)),
            _full_spec((H + T_PAD, H)),
            _row_spec(H),
            _row_spec(H),
        ],
        out_specs=[_row_spec(8), _row_spec(H), _row_spec(H)],
        out_shape=[
            jax.ShapeDtypeStruct((N_PAD, 8), _F32),
            jax.ShapeDtypeStruct((N_PAD, H), _F32),
            jax.ShapeDtypeStruct((N_PAD, H), _F32),
        ],
    )(t2d, temb, x, w0, w1, ca, cb)


def _combine(y0, za, zb, y1, dis, b2, w0n, w1n):
    return pl.pallas_call(
        _combine_body,
        grid=_GRID,
        in_specs=[
            _row_spec(H), _row_spec(H), _row_spec(H), _row_spec(H), _row_spec(8),
            _full_spec((2, H)), _full_spec((H, H)), _full_spec((H, H)),
        ],
        out_specs=[_row_spec(H), _row_spec(H)],
        out_shape=[
            jax.ShapeDtypeStruct((N_PAD, H), _F32),
            jax.ShapeDtypeStruct((N_PAD, H), _F32),
        ],
    )(y0, za, zb, y1, dis, b2, w0n, w1n)


def _final(y0, za, zb, y1, dis, b2):
    return pl.pallas_call(
        _final_body,
        grid=_GRID,
        in_specs=[
            _row_spec(H), _row_spec(H), _row_spec(H), _row_spec(H), _row_spec(8),
            _full_spec((2, H)),
        ],
        out_specs=_row_spec(H),
        out_shape=jax.ShapeDtypeStruct((N_PAD, H), _F32),
    )(y0, za, zb, y1, dis, b2)


def kernel(x_t, edge_index, t, t_emb, layers):
    row = edge_index[0]
    col = edge_index[1]
    pad_e = E_PAD - E
    row_p = jnp.concatenate([row, jnp.zeros((pad_e,), jnp.int32)])
    col_p = jnp.concatenate([col, jnp.full((pad_e,), N_PAD - 1, jnp.int32)])
    zerosH = jnp.zeros((N_PAD, H), _F32)
    ones128 = jnp.ones((CHUNK, H), _F32)

    deg2 = _deg_kernel(col_p, ones128, zerosH)
    ca = lax.slice(deg2, (0, 0), (N_PAD, H))
    cb = lax.slice(deg2, (N_PAD, 0), (2 * N_PAD, H))

    x_pad = jnp.concatenate([x_t, jnp.zeros((N_PAD - N, H), _F32)], axis=0)
    temb_p = jnp.concatenate(
        [t_emb, jnp.zeros((t_emb.shape[0], T_PAD - t_emb.shape[1]), _F32)], axis=1)
    t2d = t.reshape(1, 1)

    w0_0, w1_0, b_0 = layers[0]
    w0f = jnp.concatenate([w0_0, jnp.zeros((H + T_PAD - w0_0.shape[0], H), _F32)], axis=0)
    w1f = jnp.concatenate([w1_0, jnp.zeros((H + T_PAD - w1_0.shape[0], H), _F32)], axis=0)

    dis, y0, y1p = _prologue(t2d, temb_p, x_pad, w0f, w1f, ca, cb)

    for i in range(NUM_LAYERS):
        z2 = _spmv_kernel(row_p, col_p, y1p, zerosH)
        za = lax.slice(z2, (0, 0), (N_PAD, H))
        zb = lax.slice(z2, (N_PAD, 0), (2 * N_PAD, H))
        b2 = layers[i][2].reshape(2, H)
        if i + 1 < NUM_LAYERS:
            w0n, w1n, _ = layers[i + 1]
            y0, y1p = _combine(y0, za, zb, y1p, dis, b2, w0n, w1n)
        else:
            out = _final(y0, za, zb, y1p, dis, b2)
    return out[:N, :]

# --- scband reference (transcript-rebuilt; emitter-appended) ---
"""Pipeline reference for scband-gnn-model-56186762166752 (READ-ONLY COPY).

The authoritative reference and input builder live on the scoring server;
editing this copy changes nothing except your own understanding.
"""

import jax, jax.numpy as jnp
import numpy as np

N = 10000
E = 320000
D_IN = 128
T_DIM = 10
HIDDEN = 128
OUT = 128
K_HOPS = 2
NUM_STEPS = 1000
HIDDEN_LAYERS = 8


def setup_inputs(seed: int = 0) -> dict:
    key = jax.random.key(seed)
    ks = jax.random.split(key, 8)
    x_t = jax.random.normal(ks[0], (N, D_IN), dtype=jnp.float32)
    edge_index = jax.random.randint(ks[1], (2, E), 0, N, dtype=jnp.int32)
    t = jax.random.randint(ks[2], (1,), 0, NUM_STEPS, dtype=jnp.int32)
    t_emb = jax.random.normal(ks[3], (NUM_STEPS, T_DIM), dtype=jnp.float32) * 0.02
    dims = [(D_IN + T_DIM, HIDDEN)] + [(HIDDEN, HIDDEN)] * (HIDDEN_LAYERS - 1) + [(HIDDEN, OUT)]
    layers = []
    for i, (din, dout) in enumerate(dims):
        k0 = jax.random.fold_in(key, 100 + i)
        k1 = jax.random.fold_in(key, 200 + i)
        s = (2.0 / (din + dout)) ** 0.5
        W0 = jax.random.normal(k0, (din, dout), dtype=jnp.float32) * s
        W1 = jax.random.normal(k1, (din, dout), dtype=jnp.float32) * s
        b = jnp.zeros((K_HOPS * dout,), dtype=jnp.float32)
        layers.append((W0, W1, b))
    return {"x_t": x_t, "edge_index": edge_index, "t": t, "t_emb": t_emb, "layers": layers}


def _gcn_norm(edge_index, num_nodes):
    # PyG gcn_norm with add_self_loops=True, improved=False, unit edge weights
    row = edge_index[0]
    col = edge_index[1]
    loop = jnp.arange(num_nodes, dtype=row.dtype)
    row = jnp.concatenate([row, loop])
    col = jnp.concatenate([col, loop])
    ew = jnp.ones(row.shape[0], dtype=jnp.float32)
    deg = jnp.zeros((num_nodes,), dtype=jnp.float32).at[col].add(ew)
    dis = jnp.where(deg > 0, jax.lax.rsqrt(jnp.maximum(deg, 1e-12)), 0.0)
    norm = dis[row] * ew * dis[col]
    return row, col, norm


def _propagate(x, row, col, norm, num_nodes):
    msgs = jnp.take(x, row, axis=0) * norm[:, None]
    return jnp.zeros((num_nodes, x.shape[1]), dtype=x.dtype).at[col].add(msgs)


def _mixhop(x, W0, W1, b, row, col, norm, num_nodes):
    # MixHopConv with powers=[0, 1]: cat([lin0(A^0 x), lin1(A^1 x)]) + bias
    out0 = x @ W0
    x1 = _propagate(x, row, col, norm, num_nodes)
    out1 = x1 @ W1
    return jnp.concatenate([out0, out1], axis=-1) + b


def _forward(x_t, t_emb, layers, edge_index, t):
    n = x_t.shape[0]
    b = t.shape[0]
    te = jnp.take(t_emb, t, axis=0)  # [B, T_DIM]
    te = jnp.broadcast_to(te[None, :, :], (n // b, b, T_DIM))
    te = jnp.transpose(te, (1, 0, 2)).reshape(-1, T_DIM)
    eps = jnp.concatenate([x_t, te], axis=-1)
    row, col, norm = _gcn_norm(edge_index, n)
    for i in range(HIDDEN_LAYERS):
        W0, W1, bias = layers[i]
        eps = _mixhop(eps, W0, W1, bias, row, col, norm, n)
        eps = eps.reshape(-1, K_HOPS, HIDDEN).sum(axis=1)
        eps = jax.nn.relu(eps)
    W0, W1, bias = layers[-1]
    eps = _mixhop(eps, W0, W1, bias, row, col, norm, n)
    eps = eps.reshape(-1, K_HOPS, OUT).sum(axis=1)
    eps = jax.nn.relu(eps)
    return eps


def reference(x_t, edge_index, t, t_emb, layers):
    return _forward(x_t, t_emb, layers, edge_index, t)

if __name__ == "__main__":
    import jax
    _d = setup_inputs()
    print(jax.jit(kernel)(*tuple(_d.values())))

</pallas_src>

<mosaic_0001>
#map = affine_map<(d0, d1) -> (0)>
#map1 = affine_map<(d0, d1) -> (0, 0)>
module attributes {stable_mosaic.version = 14 : i64} {
  func.func @_deg_kernel(%arg0: i32, %arg1: i32, %arg2: memref<323584xi32, #tpu.memory_space<hbm>>, %arg3: memref<128x128xf32, #tpu.memory_space<hbm>>, %arg4: memref<10240x128xf32, #tpu.memory_space<hbm>>, %arg5: memref<20480x128xf32, #tpu.memory_space<hbm>>, %arg6: memref<128xi32, #tpu.memory_space<vmem>>, %arg7: memref<128x128xf32, #tpu.memory_space<vmem>>, %arg8: memref<10240x128xf32, #tpu.memory_space<vmem_shared>>) attributes {dimension_semantics = [#tpu.dimension_semantics<core_parallel>, #tpu.dimension_semantics<subcore_parallel>], iteration_bounds = array<i64: 2, 16>, scalar_prefetch = 0 : i64, scratch_operands = 3 : i64, tpu.core_type = #tpu.core_type<sc_vector_subcore>, window_params = [{transform_indices = #map}, {transform_indices = #map1}, {transform_indices = #map1}, {transform_indices = #map1}]} {
    %mul3A = arith.constant 640 : i32
    %mul3A_0 = arith.muli %arg1, %mul3A : i32
    %mul3A_1 = arith.constant 16 : i32
    %mul3A_2 = arith.muli %arg0, %mul3A_1 : i32
    %add3A = arith.addi %mul3A_2, %arg1 : i32
    "tpu.region"() ({
      %run_scoped3A = tpu.sem_alloc : memref<!tpu.dma_semaphore, #tpu.memory_space<semaphore_mem>>
      %dma_start3A = arith.constant 0 : i32
      %dma_start3A_14 = tpu.memref_slice %arg8[%mul3A_0, %dma_start3A] : memref<10240x128xf32, #tpu.memory_space<vmem_shared>> -> memref<640x128xf32, #tpu.memory_space<vmem_shared>>
      %dma_start3A_15 = arith.constant 0 : i32
      %dma_start3A_16 = tpu.memref_slice %arg4[%mul3A_0, %dma_start3A_15] : memref<10240x128xf32, #tpu.memory_space<hbm>> -> memref<640x128xf32, #tpu.memory_space<hbm>>
      tpu.enqueue_dma source(%dma_start3A_16 : memref<640x128xf32, #tpu.memory_space<hbm>>) target(%dma_start3A_14 : memref<640x128xf32, #tpu.memory_space<vmem_shared>>) target_semaphore(%run_scoped3A : memref<!tpu.dma_semaphore, #tpu.memory_space<semaphore_mem>>)
      %dma_wait3A = arith.constant 0 : i32
      %dma_wait3A_17 = tpu.memref_slice %arg8[%mul3A_0, %dma_wait3A] : memref<10240x128xf32, #tpu.memory_space<vmem_shared>> -> memref<640x128xf32, #tpu.memory_space<vmem_shared>>
      %dma_wait3A_18 = arith.constant 0 : i32
      %dma_wait3A_19 = tpu.memref_slice %arg4[%mul3A_0, %dma_wait3A_18] : memref<10240x128xf32, #tpu.memory_space<hbm>> -> memref<640x128xf32, #tpu.memory_space<hbm>>
      tpu.wait_dma2 semaphore(%run_scoped3A : memref<!tpu.dma_semaphore, #tpu.memory_space<semaphore_mem>>) src(%dma_wait3A_19 : memref<640x128xf32, #tpu.memory_space<hbm>>) dst(%dma_wait3A_17 : memref<640x128xf32, #tpu.memory_space<vmem_shared>>)
      tpu.yield
    }) : () -> ()
    "tpu.region"() ({
      %run_scoped3A = tpu.sem_alloc : memref<!tpu.dma_semaphore, #tpu.memory_space<semaphore_mem>>
      tpu.enqueue_dma source(%arg3 : memref<128x128xf32, #tpu.memory_space<hbm>>) target(%arg7 : memref<128x128xf32, #tpu.memory_space<vmem>>) target_semaphore(%run_scoped3A : memref<!tpu.dma_semaphore, #tpu.memory_space<semaphore_mem>>)
      tpu.wait_dma2 semaphore(%run_scoped3A : memref<!tpu.dma_semaphore, #tpu.memory_space<semaphore_mem>>) src(%arg3 : memref<128x128xf32, #tpu.memory_space<hbm>>) dst(%arg7 : memref<128x128xf32, #tpu.memory_space<vmem>>)
      tpu.yield
    }) : () -> ()
    %barrier3A = arith.constant 0 : index
    tpu.barrier barrier_id(%barrier3A)
    %mul3A_3 = arith.constant 79 : i32
    %mul3A_4 = arith.muli %add3A, %mul3A_3 : i32
    %scan3A = arith.constant 0 : i32
    %scan3A_5 = arith.constant 0 : i32
    %scan3A_6 = arith.constant 79 : i32
    %scan3A_7 = arith.addi %scan3A_5, %scan3A_6 : i32
    %scan3A_8 = arith.constant 1 : i32
    scf.for %scan3A_14 = %scan3A_5 to %scan3A_7 step %scan3A_8  : i32 {
      %add3A_15 = arith.addi %mul3A_4, %scan3A_14 : i32
      %mul3A_16 = arith.constant 128 : i32
      %mul3A_17 = arith.muli %add3A_15, %mul3A_16 : i32
      %multiple_of3A = tpu.assume_multiple %mul3A_17, 128 : i32
      "tpu.region"() ({
        %run_scoped3A = tpu.sem_alloc : memref<!tpu.dma_semaphore, #tpu.memory_space<semaphore_mem>>
        %dma_start3A = tpu.memref_slice %arg2[%multiple_of3A] : memref<323584xi32, #tpu.memory_space<hbm>> -> memref<128xi32, #tpu.memory_space<hbm>>
        %dma_start3A_18 = tpu.memref_slice %arg2[%multiple_of3A] : memref<323584xi32, #tpu.memory_space<hbm>> -> memref<128xi32, #tpu.memory_space<hbm>>
        tpu.enqueue_dma source(%dma_start3A_18 : memref<128xi32, #tpu.memory_space<hbm>>) target(%arg6 : memref<128xi32, #tpu.memory_space<vmem>>) target_semaphore(%run_scoped3A : memref<!tpu.dma_semaphore, #tpu.memory_space<semaphore_mem>>)
        %dma_wait3A = tpu.memref_slice %arg2[%multiple_of3A] : memref<323584xi32, #tpu.memory_space<hbm>> -> memref<128xi32, #tpu.memory_space<hbm>>
        %dma_wait3A_19 = tpu.memref_slice %arg2[%multiple_of3A] : memref<323584xi32, #tpu.memory_space<hbm>> -> memref<128xi32, #tpu.memory_space<hbm>>
        tpu.wait_dma2 semaphore(%run_scoped3A : memref<!tpu.dma_semaphore, #tpu.memory_space<semaphore_mem>>) src(%dma_wait3A_19 : memref<128xi32, #tpu.memory_space<hbm>>) dst(%arg6 : memref<128xi32, #tpu.memory_space<vmem>>)
        tpu.yield
      }) : () -> ()
      "tpu.region"() ({
        %run_scoped3A = tpu.sem_alloc : memref<!tpu.dma_semaphore, #tpu.memory_space<semaphore_mem>>
        %dma_start3A = arith.constant 0 : i32
        %dma_start3A_18 = arith.constant 0 : i32
        %dma_start3A_19 = tpu.memref_slice %arg8[%dma_start3A, %dma_start3A_18] : memref<10240x128xf32, #tpu.memory_space<vmem_shared>> -> memref<10240x128xf32, #tpu.memory_space<vmem_shared>>
        tpu.enqueue_indirect_dma source(%arg7 : memref<128x128xf32, #tpu.memory_space<vmem>>) target(%dma_start3A_19 : memref<10240x128xf32, #tpu.memory_space<vmem_shared>>) offsets(%arg6 : memref<128xi32, #tpu.memory_space<vmem>>) semaphore(%run_scoped3A : memref<!tpu.dma_semaphore, #tpu.memory_space<semaphore_mem>>) {add = true}
        %dma_wait3A = arith.constant 0 : i32
        %dma_wait3A_20 = arith.constant 0 : i32
        %dma_wait3A_21 = tpu.memref_slice %arg8[%dma_wait3A, %dma_wait3A_20] : memref<10240x128xf32, #tpu.memory_space<vmem_shared>> -> memref<10240x128xf32, #tpu.memory_space<vmem_shared>>
        tpu.wait_indirect_dma semaphore(%run_scoped3A : memref<!tpu.dma_semaphore, #tpu.memory_space<semaphore_mem>>) src(%arg7 : memref<128x128xf32, #tpu.memory_space<vmem>>) dst(%dma_wait3A_21 : memref<10240x128xf32, #tpu.memory_space<vmem_shared>>)
        tpu.yield
      }) : () -> ()
    }
    %scan3A_9 = arith.constant 79 : i32
    %barrier3A_10 = arith.constant 0 : index
    tpu.barrier barrier_id(%barrier3A_10)
    %mul3A_11 = arith.constant 10240 : i32
    %mul3A_12 = arith.muli %arg0, %mul3A_11 : i32
    %add3A_13 = arith.addi %mul3A_12, %mul3A_0 : i32
    "tpu.region"() ({
      %run_scoped3A = tpu.sem_alloc : memref<!tpu.dma_semaphore, #tpu.memory_space<semaphore_mem>>
      %dma_start3A = arith.constant 0 : i32
      %dma_start3A_14 = tpu.memref_slice %arg5[%add3A_13, %dma_start3A] : memref<20480x128xf32, #tpu.memory_space<hbm>> -> memref<640x128xf32, #tpu.memory_space<hbm>>
      %dma_start3A_15 = arith.constant 0 : i32
      %dma_start3A_16 = tpu.memref_slice %arg8[%mul3A_0, %dma_start3A_15] : memref<10240x128xf32, #tpu.memory_space<vmem_shared>> -> memref<640x128xf32, #tpu.memory_space<vmem_shared>>
      tpu.enqueue_dma source(%dma_start3A_16 : memref<640x128xf32, #tpu.memory_space<vmem_shared>>) target(%dma_start3A_14 : memref<640x128xf32, #tpu.memory_space<hbm>>) target_semaphore(%run_scoped3A : memref<!tpu.dma_semaphore, #tpu.memory_space<semaphore_mem>>)
      %dma_wait3A = arith.constant 0 : i32
      %dma_wait3A_17 = tpu.memref_slice %arg5[%add3A_13, %dma_wait3A] : memref<20480x128xf32, #tpu.memory_space<hbm>> -> memref<640x128xf32, #tpu.memory_space<hbm>>
      %dma_wait3A_18 = arith.constant 0 : i32
      %dma_wait3A_19 = tpu.memref_slice %arg8[%mul3A_0, %dma_wait3A_18] : memref<10240x128xf32, #tpu.memory_space<vmem_shared>> -> memref<640x128xf32, #tpu.memory_space<vmem_shared>>
      tpu.wait_dma2 semaphore(%run_scoped3A : memref<!tpu.dma_semaphore, #tpu.memory_space<semaphore_mem>>) src(%dma_wait3A_19 : memref<640x128xf32, #tpu.memory_space<vmem_shared>>) dst(%dma_wait3A_17 : memref<640x128xf32, #tpu.memory_space<hbm>>)
      tpu.yield
    }) : () -> ()
    return
  }
}

#map = affine_map<(d0, d1) -> (0)>
#map1 = affine_map<(d0, d1) -> (0, 0)>
module attributes {stable_mosaic.version = 14 : i64} {
  func.func @_spmv_kernel(%arg0: i32, %arg1: i32, %arg2: memref<323584xi32, #tpu.memory_space<hbm>>, %arg3: memref<323584xi32, #tpu.memory_space<hbm>>, %arg4: memref<10240x128xf32, #tpu.memory_space<hbm>>, %arg5: memref<10240x128xf32, #tpu.memory_space<hbm>>, %arg6: memref<20480x128xf32, #tpu.memory_space<hbm>>, %arg7: memref<128xi32, #tpu.memory_space<vmem>>, %arg8: memref<128xi32, #tpu.memory_space<vmem>>, %arg9: memref<128x128xf32, #tpu.memory_space<vmem>>, %arg10: memref<10240x128xf32, #tpu.memory_space<vmem_shared>>, %arg11: memref<!tpu.dma_semaphore, #tpu.memory_space<semaphore_mem>>) attributes {dimension_semantics = [#tpu.dimension_semantics<core_parallel>, #tpu.dimension_semantics<subcore_parallel>], iteration_bounds = array<i64: 2, 16>, scalar_prefetch = 0 : i64, scratch_operands = 5 : i64, tpu.core_type = #tpu.core_type<sc_vector_subcore>, window_params = [{transform_indices = #map}, {transform_indices = #map}, {transform_indices = #map1}, {transform_indices = #map1}, {transform_indices = #map1}]} {
    %mul3A = arith.constant 640 : i32
    %mul3A_0 = arith.muli %arg1, %mul3A : i32
    %mul3A_1 = arith.constant 16 : i32
    %mul3A_2 = arith.muli %arg0, %mul3A_1 : i32
    %add3A = arith.addi %mul3A_2, %arg1 : i32
    "tpu.region"() ({
      %run_scoped3A = tpu.sem_alloc : memref<!tpu.dma_semaphore, #tpu.memory_space<semaphore_mem>>
      %dma_start3A = arith.constant 0 : i32
      %dma_start3A_14 = tpu.memref_slice %arg10[%mul3A_0, %dma_start3A] : memref<10240x128xf32, #tpu.memory_space<vmem_shared>> -> memref<640x128xf32, #tpu.memory_space<vmem_shared>>
      %dma_start3A_15 = arith.constant 0 : i32
      %dma_start3A_16 = tpu.memref_slice %arg5[%mul3A_0, %dma_start3A_15] : memref<10240x128xf32, #tpu.memory_space<hbm>> -> memref<640x128xf32, #tpu.memory_space<hbm>>
      tpu.enqueue_dma source(%dma_start3A_16 : memref<640x128xf32, #tpu.memory_space<hbm>>) target(%dma_start3A_14 : memref<640x128xf32, #tpu.memory_space<vmem_shared>>) target_semaphore(%run_scoped3A : memref<!tpu.dma_semaphore, #tpu.memory_space<semaphore_mem>>)
      %dma_wait3A = arith.constant 0 : i32
      %dma_wait3A_17 = tpu.memref_slice %arg10[%mul3A_0, %dma_wait3A] : memref<10240x128xf32, #tpu.memory_space<vmem_shared>> -> memref<640x128xf32, #tpu.memory_space<vmem_shared>>
      %dma_wait3A_18 = arith.constant 0 : i32
      %dma_wait3A_19 = tpu.memref_slice %arg5[%mul3A_0, %dma_wait3A_18] : memref<10240x128xf32, #tpu.memory_space<hbm>> -> memref<640x128xf32, #tpu.memory_space<hbm>>
      tpu.wait_dma2 semaphore(%run_scoped3A : memref<!tpu.dma_semaphore, #tpu.memory_space<semaphore_mem>>) src(%dma_wait3A_19 : memref<640x128xf32, #tpu.memory_space<hbm>>) dst(%dma_wait3A_17 : memref<640x128xf32, #tpu.memory_space<vmem_shared>>)
      tpu.yield
    }) : () -> ()
    %barrier3A = arith.constant 0 : index
    tpu.barrier barrier_id(%barrier3A)
    %mul3A_3 = arith.constant 79 : i32
    %mul3A_4 = arith.muli %add3A, %mul3A_3 : i32
    %scan3A = arith.constant 0 : i32
    %scan3A_5 = arith.constant 0 : i32
    %scan3A_6 = arith.constant 79 : i32
    %scan3A_7 = arith.addi %scan3A_5, %scan3A_6 : i32
    %scan3A_8 = arith.constant 1 : i32
    scf.for %scan3A_14 = %scan3A_5 to %scan3A_7 step %scan3A_8  : i32 {
      %add3A_15 = arith.addi %mul3A_4, %scan3A_14 : i32
      %mul3A_16 = arith.constant 128 : i32
      %mul3A_17 = arith.muli %add3A_15, %mul3A_16 : i32
      %multiple_of3A = tpu.assume_multiple %mul3A_17, 128 : i32
      "tpu.region"() ({
        %run_scoped3A = tpu.sem_alloc : memref<!tpu.dma_semaphore, #tpu.memory_space<semaphore_mem>>
        %dma_start3A_22 = tpu.memref_slice %arg2[%multiple_of3A] : memref<323584xi32, #tpu.memory_space<hbm>> -> memref<128xi32, #tpu.memory_space<hbm>>
        %dma_start3A_23 = tpu.memref_slice %arg2[%multiple_of3A] : memref<323584xi32, #tpu.memory_space<hbm>> -> memref<128xi32, #tpu.memory_space<hbm>>
        tpu.enqueue_dma source(%dma_start3A_23 : memref<128xi32, #tpu.memory_space<hbm>>) target(%arg7 : memref<128xi32, #tpu.memory_space<vmem>>) target_semaphore(%run_scoped3A : memref<!tpu.dma_semaphore, #tpu.memory_space<semaphore_mem>>)
        %dma_wait3A_24 = tpu.memref_slice %arg2[%multiple_of3A] : memref<323584xi32, #tpu.memory_space<hbm>> -> memref<128xi32, #tpu.memory_space<hbm>>
        %dma_wait3A_25 = tpu.memref_slice %arg2[%multiple_of3A] : memref<323584xi32, #tpu.memory_space<hbm>> -> memref<128xi32, #tpu.memory_space<hbm>>
        tpu.wait_dma2 semaphore(%run_scoped3A : memref<!tpu.dma_semaphore, #tpu.memory_space<semaphore_mem>>) src(%dma_wait3A_25 : memref<128xi32, #tpu.memory_space<hbm>>) dst(%arg7 : memref<128xi32, #tpu.memory_space<vmem>>)
        tpu.yield
      }) : () -> ()
      "tpu.region"() ({
        %run_scoped3A = tpu.sem_alloc : memref<!tpu.dma_semaphore, #tpu.memory_space<semaphore_mem>>
        %dma_start3A_22 = tpu.memref_slice %arg3[%multiple_of3A] : memref<323584xi32, #tpu.memory_space<hbm>> -> memref<128xi32, #tpu.memory_space<hbm>>
        %dma_start3A_23 = tpu.memref_slice %arg3[%multiple_of3A] : memref<323584xi32, #tpu.memory_space<hbm>> -> memref<128xi32, #tpu.memory_space<hbm>>
        tpu.enqueue_dma source(%dma_start3A_23 : memref<128xi32, #tpu.memory_space<hbm>>) target(%arg8 : memref<128xi32, #tpu.memory_space<vmem>>) target_semaphore(%run_scoped3A : memref<!tpu.dma_semaphore, #tpu.memory_space<semaphore_mem>>)
        %dma_wait3A_24 = tpu.memref_slice %arg3[%multiple_of3A] : memref<323584xi32, #tpu.memory_space<hbm>> -> memref<128xi32, #tpu.memory_space<hbm>>
        %dma_wait3A_25 = tpu.memref_slice %arg3[%multiple_of3A] : memref<323584xi32, #tpu.memory_space<hbm>> -> memref<128xi32, #tpu.memory_space<hbm>>
        tpu.wait_dma2 semaphore(%run_scoped3A : memref<!tpu.dma_semaphore, #tpu.memory_space<semaphore_mem>>) src(%dma_wait3A_25 : memref<128xi32, #tpu.memory_space<hbm>>) dst(%arg8 : memref<128xi32, #tpu.memory_space<vmem>>)
        tpu.yield
      }) : () -> ()
      %dma_start3A = arith.constant 0 : i32
      %dma_start3A_18 = arith.constant 0 : i32
      %dma_start3A_19 = tpu.memref_slice %arg4[%dma_start3A, %dma_start3A_18] : memref<10240x128xf32, #tpu.memory_space<hbm>> -> memref<10240x128xf32, #tpu.memory_space<hbm>>
      tpu.enqueue_indirect_dma source(%dma_start3A_19 : memref<10240x128xf32, #tpu.memory_space<hbm>>) target(%arg9 : memref<128x128xf32, #tpu.memory_space<vmem>>) offsets(%arg7 : memref<128xi32, #tpu.memory_space<vmem>>) semaphore(%arg11 : memref<!tpu.dma_semaphore, #tpu.memory_space<semaphore_mem>>)
      %dma_wait3A = arith.constant 0 : i32
      %dma_wait3A_20 = arith.constant 0 : i32
      %dma_wait3A_21 = tpu.memref_slice %arg4[%dma_wait3A, %dma_wait3A_20] : memref<10240x128xf32, #tpu.memory_space<hbm>> -> memref<10240x128xf32, #tpu.memory_space<hbm>>
      tpu.wait_indirect_dma semaphore(%arg11 : memref<!tpu.dma_semaphore, #tpu.memory_space<semaphore_mem>>) src(%dma_wait3A_21 : memref<10240x128xf32, #tpu.memory_space<hbm>>) dst(%arg9 : memref<128x128xf32, #tpu.memory_space<vmem>>)
      "tpu.region"() ({
        %run_scoped3A = tpu.sem_alloc : memref<!tpu.dma_semaphore, #tpu.memory_space<semaphore_mem>>
        %dma_start3A_22 = arith.constant 0 : i32
        %dma_start3A_23 = arith.constant 0 : i32
        %dma_start3A_24 = tpu.memref_slice %arg10[%dma_start3A_22, %dma_start3A_23] : memref<10240x128xf32, #tpu.memory_space<vmem_shared>> -> memref<10240x128xf32, #tpu.memory_space<vmem_shared>>
        tpu.enqueue_indirect_dma source(%arg9 : memref<128x128xf32, #tpu.memory_space<vmem>>) target(%dma_start3A_24 : memref<10240x128xf32, #tpu.memory_space<vmem_shared>>) offsets(%arg8 : memref<128xi32, #tpu.memory_space<vmem>>) semaphore(%run_scoped3A : memref<!tpu.dma_semaphore, #tpu.memory_space<semaphore_mem>>) {add = true}
        %dma_wait3A_25 = arith.constant 0 : i32
        %dma_wait3A_26 = arith.constant 0 : i32
        %dma_wait3A_27 = tpu.memref_slice %arg10[%dma_wait3A_25, %dma_wait3A_26] : memref<10240x128xf32, #tpu.memory_space<vmem_shared>> -> memref<10240x128xf32, #tpu.memory_space<vmem_shared>>
        tpu.wait_indirect_dma semaphore(%run_scoped3A : memref<!tpu.dma_semaphore, #tpu.memory_space<semaphore_mem>>) src(%arg9 : memref<128x128xf32, #tpu.memory_space<vmem>>) dst(%dma_wait3A_27 : memref<10240x128xf32, #tpu.memory_space<vmem_shared>>)
        tpu.yield
      }) : () -> ()
    }
    %scan3A_9 = arith.constant 79 : i32
    %barrier3A_10 = arith.constant 0 : index
    tpu.barrier barrier_id(%barrier3A_10)
    %mul3A_11 = arith.constant 10240 : i32
    %mul3A_12 = arith.muli %arg0, %mul3A_11 : i32
    %add3A_13 = arith.addi %mul3A_12, %mul3A_0 : i32
    "tpu.region"() ({
      %run_scoped3A = tpu.sem_alloc : memref<!tpu.dma_semaphore, #tpu.memory_space<semaphore_mem>>
      %dma_start3A = arith.constant 0 : i32
      %dma_start3A_14 = tpu.memref_slice %arg6[%add3A_13, %dma_start3A] : memref<20480x128xf32, #tpu.memory_space<hbm>> -> memref<640x128xf32, #tpu.memory_space<hbm>>
      %dma_start3A_15 = arith.constant 0 : i32
      %dma_start3A_16 = tpu.memref_slice %arg10[%mul3A_0, %dma_start3A_15] : memref<10240x128xf32, #tpu.memory_space<vmem_shared>> -> memref<640x128xf32, #tpu.memory_space<vmem_shared>>
      tpu.enqueue_dma source(%dma_start3A_16 : memref<640x128xf32, #tpu.memory_space<vmem_shared>>) target(%dma_start3A_14 : memref<640x128xf32, #tpu.memory_space<hbm>>) target_semaphore(%run_scoped3A : memref<!tpu.dma_semaphore, #tpu.memory_space<semaphore_mem>>)
      %dma_wait3A = arith.constant 0 : i32
      %dma_wait3A_17 = tpu.memref_slice %arg6[%add3A_13, %dma_wait3A] : memref<20480x128xf32, #tpu.memory_space<hbm>> -> memref<640x128xf32, #tpu.memory_space<hbm>>
      %dma_wait3A_18 = arith.constant 0 : i32
      %dma_wait3A_19 = tpu.memref_slice %arg10[%mul3A_0, %dma_wait3A_18] : memref<10240x128xf32, #tpu.memory_space<vmem_shared>> -> memref<640x128xf32, #tpu.memory_space<vmem_shared>>
      tpu.wait_dma2 semaphore(%run_scoped3A : memref<!tpu.dma_semaphore, #tpu.memory_space<semaphore_mem>>) src(%dma_wait3A_19 : memref<640x128xf32, #tpu.memory_space<vmem_shared>>) dst(%dma_wait3A_17 : memref<640x128xf32, #tpu.memory_space<hbm>>)
      tpu.yield
    }) : () -> ()
    return
  }
}

#map = affine_map<(d0, d1) -> (0)>
#map1 = affine_map<(d0, d1) -> (0, 0)>
module attributes {stable_mosaic.version = 14 : i64} {
  func.func @_spmv_kernel(%arg0: i32, %arg1: i32, %arg2: memref<323584xi32, #tpu.memory_space<hbm>>, %arg3: memref<323584xi32, #tpu.memory_space<hbm>>, %arg4: memref<10240x128xf32, #tpu.memory_space<hbm>>, %arg5: memref<10240x128xf32, #tpu.memory_space<hbm>>, %arg6: memref<20480x128xf32, #tpu.memory_space<hbm>>, %arg7: memref<128xi32, #tpu.memory_space<vmem>>, %arg8: memref<128xi32, #tpu.memory_space<vmem>>, %arg9: memref<128x128xf32, #tpu.memory_space<vmem>>, %arg10: memref<10240x128xf32, #tpu.memory_space<vmem_shared>>, %arg11: memref<!tpu.dma_semaphore, #tpu.memory_space<semaphore_mem>>) attributes {dimension_semantics = [#tpu.dimension_semantics<core_parallel>, #tpu.dimension_semantics<subcore_parallel>], iteration_bounds = array<i64: 2, 16>, scalar_prefetch = 0 : i64, scratch_operands = 5 : i64, tpu.core_type = #tpu.core_type<sc_vector_subcore>, window_params = [{transform_indices = #map}, {transform_indices = #map}, {transform_indices = #map1}, {transform_indices = #map1}, {transform_indices = #map1}]} {
    %mul3A = arith.constant 640 : i32
    %mul3A_0 = arith.muli %arg1, %mul3A : i32
    %mul3A_1 = arith.constant 16 : i32
    %mul3A_2 = arith.muli %arg0, %mul3A_1 : i32
    %add3A = arith.addi %mul3A_2, %arg1 : i32
    "tpu.region"() ({
      %run_scoped3A = tpu.sem_alloc : memref<!tpu.dma_semaphore, #tpu.memory_space<semaphore_mem>>
      %dma_start3A = arith.constant 0 : i32
      %dma_start3A_14 = tpu.memref_slice %arg10[%mul3A_0, %dma_start3A] : memref<10240x128xf32, #tpu.memory_space<vmem_shared>> -> memref<640x128xf32, #tpu.memory_space<vmem_shared>>
      %dma_start3A_15 = arith.constant 0 : i32
      %dma_start3A_16 = tpu.memref_slice %arg5[%mul3A_0, %dma_start3A_15] : memref<10240x128xf32, #tpu.memory_space<hbm>> -> memref<640x128xf32, #tpu.memory_space<hbm>>
      tpu.enqueue_dma source(%dma_start3A_16 : memref<640x128xf32, #tpu.memory_space<hbm>>) target(%dma_start3A_14 : memref<640x128xf32, #tpu.memory_space<vmem_shared>>) target_semaphore(%run_scoped3A : memref<!tpu.dma_semaphore, #tpu.memory_space<semaphore_mem>>)
      %dma_wait3A = arith.constant 0 : i32
      %dma_wait3A_17 = tpu.memref_slice %arg10[%mul3A_0, %dma_wait3A] : memref<10240x128xf32, #tpu.memory_space<vmem_shared>> -> memref<640x128xf32, #tpu.memory_space<vmem_shared>>
      %dma_wait3A_18 = arith.constant 0 : i32
      %dma_wait3A_19 = tpu.memref_slice %arg5[%mul3A_0, %dma_wait3A_18] : memref<10240x128xf32, #tpu.memory_space<hbm>> -> memref<640x128xf32, #tpu.memory_space<hbm>>
      tpu.wait_dma2 semaphore(%run_scoped3A : memref<!tpu.dma_semaphore, #tpu.memory_space<semaphore_mem>>) src(%dma_wait3A_19 : memref<640x128xf32, #tpu.memory_space<hbm>>) dst(%dma_wait3A_17 : memref<640x128xf32, #tpu.memory_space<vmem_shared>>)
      tpu.yield
    }) : () -> ()
    %barrier3A = arith.constant 0 : index
    tpu.barrier barrier_id(%barrier3A)
    %mul3A_3 = arith.constant 79 : i32
    %mul3A_4 = arith.muli %add3A, %mul3A_3 : i32
    %scan3A = arith.constant 0 : i32
    %scan3A_5 = arith.constant 0 : i32
    %scan3A_6 = arith.constant 79 : i32
    %scan3A_7 = arith.addi %scan3A_5, %scan3A_6 : i32
    %scan3A_8 = arith.constant 1 : i32
    scf.for %scan3A_14 = %scan3A_5 to %scan3A_7 step %scan3A_8  : i32 {
      %add3A_15 = arith.addi %mul3A_4, %scan3A_14 : i32
      %mul3A_16 = arith.constant 128 : i32
      %mul3A_17 = arith.muli %add3A_15, %mul3A_16 : i32
      %multiple_of3A = tpu.assume_multiple %mul3A_17, 128 : i32
      "tpu.region"() ({
        %run_scoped3A = tpu.sem_alloc : memref<!tpu.dma_semaphore, #tpu.memory_space<semaphore_mem>>
        %dma_start3A_22 = tpu.memref_slice %arg2[%multiple_of3A] : memref<323584xi32, #tpu.memory_space<hbm>> -> memref<128xi32, #tpu.memory_space<hbm>>
        %dma_start3A_23 = tpu.memref_slice %arg2[%multiple_of3A] : memref<323584xi32, #tpu.memory_space<hbm>> -> memref<128xi32, #tpu.memory_space<hbm>>
        tpu.enqueue_dma source(%dma_start3A_23 : memref<128xi32, #tpu.memory_space<hbm>>) target(%arg7 : memref<128xi32, #tpu.memory_space<vmem>>) target_semaphore(%run_scoped3A : memref<!tpu.dma_semaphore, #tpu.memory_space<semaphore_mem>>)
        %dma_wait3A_24 = tpu.memref_slice %arg2[%multiple_of3A] : memref<323584xi32, #tpu.memory_space<hbm>> -> memref<128xi32, #tpu.memory_space<hbm>>
        %dma_wait3A_25 = tpu.memref_slice %arg2[%multiple_of3A] : memref<323584xi32, #tpu.memory_space<hbm>> -> memref<128xi32, #tpu.memory_space<hbm>>
        tpu.wait_dma2 semaphore(%run_scoped3A : memref<!tpu.dma_semaphore, #tpu.memory_space<semaphore_mem>>) src(%dma_wait3A_25 : memref<128xi32, #tpu.memory_space<hbm>>) dst(%arg7 : memref<128xi32, #tpu.memory_space<vmem>>)
        tpu.yield
      }) : () -> ()
      "tpu.region"() ({
        %run_scoped3A = tpu.sem_alloc : memref<!tpu.dma_semaphore, #tpu.memory_space<semaphore_mem>>
        %dma_start3A_22 = tpu.memref_slice %arg3[%multiple_of3A] : memref<323584xi32, #tpu.memory_space<hbm>> -> memref<128xi32, #tpu.memory_space<hbm>>
        %dma_start3A_23 = tpu.memref_slice %arg3[%multiple_of3A] : memref<323584xi32, #tpu.memory_space<hbm>> -> memref<128xi32, #tpu.memory_space<hbm>>
        tpu.enqueue_dma source(%dma_start3A_23 : memref<128xi32, #tpu.memory_space<hbm>>) target(%arg8 : memref<128xi32, #tpu.memory_space<vmem>>) target_semaphore(%run_scoped3A : memref<!tpu.dma_semaphore, #tpu.memory_space<semaphore_mem>>)
        %dma_wait3A_24 = tpu.memref_slice %arg3[%multiple_of3A] : memref<323584xi32, #tpu.memory_space<hbm>> -> memref<128xi32, #tpu.memory_space<hbm>>
        %dma_wait3A_25 = tpu.memref_slice %arg3[%multiple_of3A] : memref<323584xi32, #tpu.memory_space<hbm>> -> memref<128xi32, #tpu.memory_space<hbm>>
        tpu.wait_dma2 semaphore(%run_scoped3A : memref<!tpu.dma_semaphore, #tpu.memory_space<semaphore_mem>>) src(%dma_wait3A_25 : memref<128xi32, #tpu.memory_space<hbm>>) dst(%arg8 : memref<128xi32, #tpu.memory_space<vmem>>)
        tpu.yield
      }) : () -> ()
      %dma_start3A = arith.constant 0 : i32
      %dma_start3A_18 = arith.constant 0 : i32
      %dma_start3A_19 = tpu.memref_slice %arg4[%dma_start3A, %dma_start3A_18] : memref<10240x128xf32, #tpu.memory_space<hbm>> -> memref<10240x128xf32, #tpu.memory_space<hbm>>
      tpu.enqueue_indirect_dma source(%dma_start3A_19 : memref<10240x128xf32, #tpu.memory_space<hbm>>) target(%arg9 : memref<128x128xf32, #tpu.memory_space<vmem>>) offsets(%arg7 : memref<128xi32, #tpu.memory_space<vmem>>) semaphore(%arg11 : memref<!tpu.dma_semaphore, #tpu.memory_space<semaphore_mem>>)
      %dma_wait3A = arith.constant 0 : i32
      %dma_wait3A_20 = arith.constant 0 : i32
      %dma_wait3A_21 = tpu.memref_slice %arg4[%dma_wait3A, %dma_wait3A_20] : memref<10240x128xf32, #tpu.memory_space<hbm>> -> memref<10240x128xf32, #tpu.memory_space<hbm>>
      tpu.wait_indirect_dma semaphore(%arg11 : memref<!tpu.dma_semaphore, #tpu.memory_space<semaphore_mem>>) src(%dma_wait3A_21 : memref<10240x128xf32, #tpu.memory_space<hbm>>) dst(%arg9 : memref<128x128xf32, #tpu.memory_space<vmem>>)
      "tpu.region"() ({
        %run_scoped3A = tpu.sem_alloc : memref<!tpu.dma_semaphore, #tpu.memory_space<semaphore_mem>>
        %dma_start3A_22 = arith.constant 0 : i32
        %dma_start3A_23 = arith.constant 0 : i32
        %dma_start3A_24 = tpu.memref_slice %arg10[%dma_start3A_22, %dma_start3A_23] : memref<10240x128xf32, #tpu.memory_space<vmem_shared>> -> memref<10240x128xf32, #tpu.memory_space<vmem_shared>>
        tpu.enqueue_indirect_dma source(%arg9 : memref<128x128xf32, #tpu.memory_space<vmem>>) target(%dma_start3A_24 : memref<10240x128xf32, #tpu.memory_space<vmem_shared>>) offsets(%arg8 : memref<128xi32, #tpu.memory_space<vmem>>) semaphore(%run_scoped3A : memref<!tpu.dma_semaphore, #tpu.memory_space<semaphore_mem>>) {add = true}
        %dma_wait3A_25 = arith.constant 0 : i32
        %dma_wait3A_26 = arith.constant 0 : i32
        %dma_wait3A_27 = tpu.memref_slice %arg10[%dma_wait3A_25, %dma_wait3A_26] : memref<10240x128xf32, #tpu.memory_space<vmem_shared>> -> memref<10240x128xf32, #tpu.memory_space<vmem_shared>>
        tpu.wait_indirect_dma semaphore(%run_scoped3A : memref<!tpu.dma_semaphore, #tpu.memory_space<semaphore_mem>>) src(%arg9 : memref<128x128xf32, #tpu.memory_space<vmem>>) dst(%dma_wait3A_27 : memref<10240x128xf32, #tpu.memory_space<vmem_shared>>)
        tpu.yield
      }) : () -> ()
    }
    %scan3A_9 = arith.constant 79 : i32
    %barrier3A_10 = arith.constant 0 : index
    tpu.barrier barrier_id(%barrier3A_10)
    %mul3A_11 = arith.constant 10240 : i32
    %mul3A_12 = arith.muli %arg0, %mul3A_11 : i32
    %add3A_13 = arith.addi %mul3A_12, %mul3A_0 : i32
    "tpu.region"() ({
      %run_scoped3A = tpu.sem_alloc : memref<!tpu.dma_semaphore, #tpu.memory_space<semaphore_mem>>
      %dma_start3A = arith.constant 0 : i32
      %dma_start3A_14 = tpu.memref_slice %arg6[%add3A_13, %dma_start3A] : memref<20480x128xf32, #tpu.memory_space<hbm>> -> memref<640x128xf32, #tpu.memory_space<hbm>>
      %dma_start3A_15 = arith.constant 0 : i32
      %dma_start3A_16 = tpu.memref_slice %arg10[%mul3A_0, %dma_start3A_15] : memref<10240x128xf32, #tpu.memory_space<vmem_shared>> -> memref<640x128xf32, #tpu.memory_space<vmem_shared>>
      tpu.enqueue_dma source(%dma_start3A_16 : memref<640x128xf32, #tpu.memory_space<vmem_shared>>) target(%dma_start3A_14 : memref<640x128xf32, #tpu.memory_space<hbm>>) target_semaphore(%run_scoped3A : memref<!tpu.dma_semaphore, #tpu.memory_space<semaphore_mem>>)
      %dma_wait3A = arith.constant 0 : i32
      %dma_wait3A_17 = tpu.memref_slice %arg6[%add3A_13, %dma_wait3A] : memref<20480x128xf32, #tpu.memory_space<hbm>> -> memref<640x128xf32, #tpu.memory_space<hbm>>
      %dma_wait3A_18 = arith.constant 0 : i32
      %dma_wait3A_19 = tpu.memref_slice %arg10[%mul3A_0, %dma_wait3A_18] : memref<10240x128xf32, #tpu.memory_space<vmem_shared>> -> memref<640x128xf32, #tpu.memory_space<vmem_shared>>
      tpu.wait_dma2 semaphore(%run_scoped3A : memref<!tpu.dma_semaphore, #tpu.memory_space<semaphore_mem>>) src(%dma_wait3A_19 : memref<640x128xf32, #tpu.memory_space<vmem_shared>>) dst(%dma_wait3A_17 : memref<640x128xf32, #tpu.memory_space<hbm>>)
      tpu.yield
    }) : () -> ()
    return
  }
}

#map = affine_map<(d0, d1) -> (0)>
#map1 = affine_map<(d0, d1) -> (0, 0)>
module attributes {stable_mosaic.version = 14 : i64} {
  func.func @_spmv_kernel(%arg0: i32, %arg1: i32, %arg2: memref<323584xi32, #tpu.memory_space<hbm>>, %arg3: memref<323584xi32, #tpu.memory_space<hbm>>, %arg4: memref<10240x128xf32, #tpu.memory_space<hbm>>, %arg5: memref<10240x128xf32, #tpu.memory_space<hbm>>, %arg6: memref<20480x128xf32, #tpu.memory_space<hbm>>, %arg7: memref<128xi32, #tpu.memory_space<vmem>>, %arg8: memref<128xi32, #tpu.memory_space<vmem>>, %arg9: memref<128x128xf32, #tpu.memory_space<vmem>>, %arg10: memref<10240x128xf32, #tpu.memory_space<vmem_shared>>, %arg11: memref<!tpu.dma_semaphore, #tpu.memory_space<semaphore_mem>>) attributes {dimension_semantics = [#tpu.dimension_semantics<core_parallel>, #tpu.dimension_semantics<subcore_parallel>], iteration_bounds = array<i64: 2, 16>, scalar_prefetch = 0 : i64, scratch_operands = 5 : i64, tpu.core_type = #tpu.core_type<sc_vector_subcore>, window_params = [{transform_indices = #map}, {transform_indices = #map}, {transform_indices = #map1}, {transform_indices = #map1}, {transform_indices = #map1}]} {
    %mul3A = arith.constant 640 : i32
    %mul3A_0 = arith.muli %arg1, %mul3A : i32
    %mul3A_1 = arith.constant 16 : i32
    %mul3A_2 = arith.muli %arg0, %mul3A_1 : i32
    %add3A = arith.addi %mul3A_2, %arg1 : i32
    "tpu.region"() ({
      %run_scoped3A = tpu.sem_alloc : memref<!tpu.dma_semaphore, #tpu.memory_space<semaphore_mem>>
      %dma_start3A = arith.constant 0 : i32
      %dma_start3A_14 = tpu.memref_slice %arg10[%mul3A_0, %dma_start3A] : memref<10240x128xf32, #tpu.memory_space<vmem_shared>> -> memref<640x128xf32, #tpu.memory_space<vmem_shared>>
      %dma_start3A_15 = arith.constant 0 : i32
      %dma_start3A_16 = tpu.memref_slice %arg5[%mul3A_0, %dma_start3A_15] : memref<10240x128xf32, #tpu.memory_space<hbm>> -> memref<640x128xf32, #tpu.memory_space<hbm>>
      tpu.enqueue_dma source(%dma_start3A_16 : memref<640x128xf32, #tpu.memory_space<hbm>>) target(%dma_start3A_14 : memref<640x128xf32, #tpu.memory_space<vmem_shared>>) target_semaphore(%run_scoped3A : memref<!tpu.dma_semaphore, #tpu.memory_space<semaphore_mem>>)
      %dma_wait3A = arith.constant 0 : i32
      %dma_wait3A_17 = tpu.memref_slice %arg10[%mul3A_0, %dma_wait3A] : memref<10240x128xf32, #tpu.memory_space<vmem_shared>> -> memref<640x128xf32, #tpu.memory_space<vmem_shared>>
      %dma_wait3A_18 = arith.constant 0 : i32
      %dma_wait3A_19 = tpu.memref_slice %arg5[%mul3A_0, %dma_wait3A_18] : memref<10240x128xf32, #tpu.memory_space<hbm>> -> memref<640x128xf32, #tpu.memory_space<hbm>>
      tpu.wait_dma2 semaphore(%run_scoped3A : memref<!tpu.dma_semaphore, #tpu.memory_space<semaphore_mem>>) src(%dma_wait3A_19 : memref<640x128xf32, #tpu.memory_space<hbm>>) dst(%dma_wait3A_17 : memref<640x128xf32, #tpu.memory_space<vmem_shared>>)
      tpu.yield
    }) : () -> ()
    %barrier3A = arith.constant 0 : index
    tpu.barrier barrier_id(%barrier3A)
    %mul3A_3 = arith.constant 79 : i32
    %mul3A_4 = arith.muli %add3A, %mul3A_3 : i32
    %scan3A = arith.constant 0 : i32
    %scan3A_5 = arith.constant 0 : i32
    %scan3A_6 = arith.constant 79 : i32
    %scan3A_7 = arith.addi %scan3A_5, %scan3A_6 : i32
    %scan3A_8 = arith.constant 1 : i32
    scf.for %scan3A_14 = %scan3A_5 to %scan3A_7 step %scan3A_8  : i32 {
      %add3A_15 = arith.addi %mul3A_4, %scan3A_14 : i32
      %mul3A_16 = arith.constant 128 : i32
      %mul3A_17 = arith.muli %add3A_15, %mul3A_16 : i32
      %multiple_of3A = tpu.assume_multiple %mul3A_17, 128 : i32
      "tpu.region"() ({
        %run_scoped3A = tpu.sem_alloc : memref<!tpu.dma_semaphore, #tpu.memory_space<semaphore_mem>>
        %dma_start3A_22 = tpu.memref_slice %arg2[%multiple_of3A] : memref<323584xi32, #tpu.memory_space<hbm>> -> memref<128xi32, #tpu.memory_space<hbm>>
        %dma_start3A_23 = tpu.memref_slice %arg2[%multiple_of3A] : memref<323584xi32, #tpu.memory_space<hbm>> -> memref<128xi32, #tpu.memory_space<hbm>>
        tpu.enqueue_dma source(%dma_start3A_23 : memref<128xi32, #tpu.memory_space<hbm>>) target(%arg7 : memref<128xi32, #tpu.memory_space<vmem>>) target_semaphore(%run_scoped3A : memref<!tpu.dma_semaphore, #tpu.memory_space<semaphore_mem>>)
        %dma_wait3A_24 = tpu.memref_slice %arg2[%multiple_of3A] : memref<323584xi32, #tpu.memory_space<hbm>> -> memref<128xi32, #tpu.memory_space<hbm>>
        %dma_wait3A_25 = tpu.memref_slice %arg2[%multiple_of3A] : memref<323584xi32, #tpu.memory_space<hbm>> -> memref<128xi32, #tpu.memory_space<hbm>>
        tpu.wait_dma2 semaphore(%run_scoped3A : memref<!tpu.dma_semaphore, #tpu.memory_space<semaphore_mem>>) src(%dma_wait3A_25 : memref<128xi32, #tpu.memory_space<hbm>>) dst(%arg7 : memref<128xi32, #tpu.memory_space<vmem>>)
        tpu.yield
      }) : () -> ()
      "tpu.region"() ({
        %run_scoped3A = tpu.sem_alloc : memref<!tpu.dma_semaphore, #tpu.memory_space<semaphore_mem>>
        %dma_start3A_22 = tpu.memref_slice %arg3[%multiple_of3A] : memref<323584xi32, #tpu.memory_space<hbm>> -> memref<128xi32, #tpu.memory_space<hbm>>
        %dma_start3A_23 = tpu.memref_slice %arg3[%multiple_of3A] : memref<323584xi32, #tpu.memory_space<hbm>> -> memref<128xi32, #tpu.memory_space<hbm>>
        tpu.enqueue_dma source(%dma_start3A_23 : memref<128xi32, #tpu.memory_space<hbm>>) target(%arg8 : memref<128xi32, #tpu.memory_space<vmem>>) target_semaphore(%run_scoped3A : memref<!tpu.dma_semaphore, #tpu.memory_space<semaphore_mem>>)
        %dma_wait3A_24 = tpu.memref_slice %arg3[%multiple_of3A] : memref<323584xi32, #tpu.memory_space<hbm>> -> memref<128xi32, #tpu.memory_space<hbm>>
        %dma_wait3A_25 = tpu.memref_slice %arg3[%multiple_of3A] : memref<323584xi32, #tpu.memory_space<hbm>> -> memref<128xi32, #tpu.memory_space<hbm>>
        tpu.wait_dma2 semaphore(%run_scoped3A : memref<!tpu.dma_semaphore, #tpu.memory_space<semaphore_mem>>) src(%dma_wait3A_25 : memref<128xi32, #tpu.memory_space<hbm>>) dst(%arg8 : memref<128xi32, #tpu.memory_space<vmem>>)
        tpu.yield
      }) : () -> ()
      %dma_start3A = arith.constant 0 : i32
      %dma_start3A_18 = arith.constant 0 : i32
      %dma_start3A_19 = tpu.memref_slice %arg4[%dma_start3A, %dma_start3A_18] : memref<10240x128xf32, #tpu.memory_space<hbm>> -> memref<10240x128xf32, #tpu.memory_space<hbm>>
      tpu.enqueue_indirect_dma source(%dma_start3A_19 : memref<10240x128xf32, #tpu.memory_space<hbm>>) target(%arg9 : memref<128x128xf32, #tpu.memory_space<vmem>>) offsets(%arg7 : memref<128xi32, #tpu.memory_space<vmem>>) semaphore(%arg11 : memref<!tpu.dma_semaphore, #tpu.memory_space<semaphore_mem>>)
      %dma_wait3A = arith.constant 0 : i32
      %dma_wait3A_20 = arith.constant 0 : i32
      %dma_wait3A_21 = tpu.memref_slice %arg4[%dma_wait3A, %dma_wait3A_20] : memref<10240x128xf32, #tpu.memory_space<hbm>> -> memref<10240x128xf32, #tpu.memory_space<hbm>>
      tpu.wait_indirect_dma semaphore(%arg11 : memref<!tpu.dma_semaphore, #tpu.memory_space<semaphore_mem>>) src(%dma_wait3A_21 : memref<10240x128xf32, #tpu.memory_space<hbm>>) dst(%arg9 : memref<128x128xf32, #tpu.memory_space<vmem>>)
      "tpu.region"() ({
        %run_scoped3A = tpu.sem_alloc : memref<!tpu.dma_semaphore, #tpu.memory_space<semaphore_mem>>
        %dma_start3A_22 = arith.constant 0 : i32
        %dma_start3A_23 = arith.constant 0 : i32
        %dma_start3A_24 = tpu.memref_slice %arg10[%dma_start3A_22, %dma_start3A_23] : memref<10240x128xf32, #tpu.memory_space<vmem_shared>> -> memref<10240x128xf32, #tpu.memory_space<vmem_shared>>
        tpu.enqueue_indirect_dma source(%arg9 : memref<128x128xf32, #tpu.memory_space<vmem>>) target(%dma_start3A_24 : memref<10240x128xf32, #tpu.memory_space<vmem_shared>>) offsets(%arg8 : memref<128xi32, #tpu.memory_space<vmem>>) semaphore(%run_scoped3A : memref<!tpu.dma_semaphore, #tpu.memory_space<semaphore_mem>>) {add = true}
        %dma_wait3A_25 = arith.constant 0 : i32
        %dma_wait3A_26 = arith.constant 0 : i32
        %dma_wait3A_27 = tpu.memref_slice %arg10[%dma_wait3A_25, %dma_wait3A_26] : memref<10240x128xf32, #tpu.memory_space<vmem_shared>> -> memref<10240x128xf32, #tpu.memory_space<vmem_shared>>
        tpu.wait_indirect_dma semaphore(%run_scoped3A : memref<!tpu.dma_semaphore, #tpu.memory_space<semaphore_mem>>) src(%arg9 : memref<128x128xf32, #tpu.memory_space<vmem>>) dst(%dma_wait3A_27 : memref<10240x128xf32, #tpu.memory_space<vmem_shared>>)
        tpu.yield
      }) : () -> ()
    }
    %scan3A_9 = arith.constant 79 : i32
    %barrier3A_10 = arith.constant 0 : index
    tpu.barrier barrier_id(%barrier3A_10)
    %mul3A_11 = arith.constant 10240 : i32
    %mul3A_12 = arith.muli %arg0, %mul3A_11 : i32
    %add3A_13 = arith.addi %mul3A_12, %mul3A_0 : i32
    "tpu.region"() ({
      %run_scoped3A = tpu.sem_alloc : memref<!tpu.dma_semaphore, #tpu.memory_space<semaphore_mem>>
      %dma_start3A = arith.constant 0 : i32
      %dma_start3A_14 = tpu.memref_slice %arg6[%add3A_13, %dma_start3A] : memref<20480x128xf32, #tpu.memory_space<hbm>> -> memref<640x128xf32, #tpu.memory_space<hbm>>
      %dma_start3A_15 = arith.constant 0 : i32
      %dma_start3A_16 = tpu.memref_slice %arg10[%mul3A_0, %dma_start3A_15] : memref<10240x128xf32, #tpu.memory_space<vmem_shared>> -> memref<640x128xf32, #tpu.memory_space<vmem_shared>>
      tpu.enqueue_dma source(%dma_start3A_16 : memref<640x128xf32, #tpu.memory_space<vmem_shared>>) target(%dma_start3A_14 : memref<640x128xf32, #tpu.memory_space<hbm>>) target_semaphore(%run_scoped3A : memref<!tpu.dma_semaphore, #tpu.memory_space<semaphore_mem>>)
      %dma_wait3A = arith.constant 0 : i32
      %dma_wait3A_17 = tpu.memref_slice %arg6[%add3A_13, %dma_wait3A] : memref<20480x128xf32, #tpu.memory_space<hbm>> -> memref<640x128xf32, #tpu.memory_space<hbm>>
      %dma_wait3A_18 = arith.constant 0 : i32
      %dma_wait3A_19 = tpu.memref_slice %arg10[%mul3A_0, %dma_wait3A_18] : memref<10240x128xf32, #tpu.memory_space<vmem_shared>> -> memref<640x128xf32, #tpu.memory_space<vmem_shared>>
      tpu.wait_dma2 semaphore(%run_scoped3A : memref<!tpu.dma_semaphore, #tpu.memory_space<semaphore_mem>>) src(%dma_wait3A_19 : memref<640x128xf32, #tpu.memory_space<vmem_shared>>) dst(%dma_wait3A_17 : memref<640x128xf32, #tpu.memory_space<hbm>>)
      tpu.yield
    }) : () -> ()
    return
  }
}

#map = affine_map<(d0, d1) -> (0)>
#map1 = affine_map<(d0, d1) -> (0, 0)>
module attributes {stable_mosaic.version = 14 : i64} {
  func.func @_spmv_kernel(%arg0: i32, %arg1: i32, %arg2: memref<323584xi32, #tpu.memory_space<hbm>>, %arg3: memref<323584xi32, #tpu.memory_space<hbm>>, %arg4: memref<10240x128xf32, #tpu.memory_space<hbm>>, %arg5: memref<10240x128xf32, #tpu.memory_space<hbm>>, %arg6: memref<20480x128xf32, #tpu.memory_space<hbm>>, %arg7: memref<128xi32, #tpu.memory_space<vmem>>, %arg8: memref<128xi32, #tpu.memory_space<vmem>>, %arg9: memref<128x128xf32, #tpu.memory_space<vmem>>, %arg10: memref<10240x128xf32, #tpu.memory_space<vmem_shared>>, %arg11: memref<!tpu.dma_semaphore, #tpu.memory_space<semaphore_mem>>) attributes {dimension_semantics = [#tpu.dimension_semantics<core_parallel>, #tpu.dimension_semantics<subcore_parallel>], iteration_bounds = array<i64: 2, 16>, scalar_prefetch = 0 : i64, scratch_operands = 5 : i64, tpu.core_type = #tpu.core_type<sc_vector_subcore>, window_params = [{transform_indices = #map}, {transform_indices = #map}, {transform_indices = #map1}, {transform_indices = #map1}, {transform_indices = #map1}]} {
    %mul3A = arith.constant 640 : i32
    %mul3A_0 = arith.muli %arg1, %mul3A : i32
    %mul3A_1 = arith.constant 16 : i32
    %mul3A_2 = arith.muli %arg0, %mul3A_1 : i32
    %add3A = arith.addi %mul3A_2, %arg1 : i32
    "tpu.region"() ({
      %run_scoped3A = tpu.sem_alloc : memref<!tpu.dma_semaphore, #tpu.memory_space<semaphore_mem>>
      %dma_start3A = arith.constant 0 : i32
      %dma_start3A_14 = tpu.memref_slice %arg10[%mul3A_0, %dma_start3A] : memref<10240x128xf32, #tpu.memory_space<vmem_shared>> -> memref<640x128xf32, #tpu.memory_space<vmem_shared>>
      %dma_start3A_15 = arith.constant 0 : i32
      %dma_start3A_16 = tpu.memref_slice %arg5[%mul3A_0, %dma_start3A_15] : memref<10240x128xf32, #tpu.memory_space<hbm>> -> memref<640x128xf32, #tpu.memory_space<hbm>>
      tpu.enqueue_dma source(%dma_start3A_16 : memref<640x128xf32, #tpu.memory_space<hbm>>) target(%dma_start3A_14 : memref<640x128xf32, #tpu.memory_space<vmem_shared>>) target_semaphore(%run_scoped3A : memref<!tpu.dma_semaphore, #tpu.memory_space<semaphore_mem>>)
      %dma_wait3A = arith.constant 0 : i32
      %dma_wait3A_17 = tpu.memref_slice %arg10[%mul3A_0, %dma_wait3A] : memref<10240x128xf32, #tpu.memory_space<vmem_shared>> -> memref<640x128xf32, #tpu.memory_space<vmem_shared>>
      %dma_wait3A_18 = arith.constant 0 : i32
      %dma_wait3A_19 = tpu.memref_slice %arg5[%mul3A_0, %dma_wait3A_18] : memref<10240x128xf32, #tpu.memory_space<hbm>> -> memref<640x128xf32, #tpu.memory_space<hbm>>
      tpu.wait_dma2 semaphore(%run_scoped3A : memref<!tpu.dma_semaphore, #tpu.memory_space<semaphore_mem>>) src(%dma_wait3A_19 : memref<640x128xf32, #tpu.memory_space<hbm>>) dst(%dma_wait3A_17 : memref<640x128xf32, #tpu.memory_space<vmem_shared>>)
      tpu.yield
    }) : () -> ()
    %barrier3A = arith.constant 0 : index
    tpu.barrier barrier_id(%barrier3A)
    %mul3A_3 = arith.constant 79 : i32
    %mul3A_4 = arith.muli %add3A, %mul3A_3 : i32
    %scan3A = arith.constant 0 : i32
    %scan3A_5 = arith.constant 0 : i32
    %scan3A_6 = arith.constant 79 : i32
    %scan3A_7 = arith.addi %scan3A_5, %scan3A_6 : i32
    %scan3A_8 = arith.constant 1 : i32
    scf.for %scan3A_14 = %scan3A_5 to %scan3A_7 step %scan3A_8  : i32 {
      %add3A_15 = arith.addi %mul3A_4, %scan3A_14 : i32
      %mul3A_16 = arith.constant 128 : i32
      %mul3A_17 = arith.muli %add3A_15, %mul3A_16 : i32
      %multiple_of3A = tpu.assume_multiple %mul3A_17, 128 : i32
      "tpu.region"() ({
        %run_scoped3A = tpu.sem_alloc : memref<!tpu.dma_semaphore, #tpu.memory_space<semaphore_mem>>
        %dma_start3A_22 = tpu.memref_slice %arg2[%multiple_of3A] : memref<323584xi32, #tpu.memory_space<hbm>> -> memref<128xi32, #tpu.memory_space<hbm>>
        %dma_start3A_23 = tpu.memref_slice %arg2[%multiple_of3A] : memref<323584xi32, #tpu.memory_space<hbm>> -> memref<128xi32, #tpu.memory_space<hbm>>
        tpu.enqueue_dma source(%dma_start3A_23 : memref<128xi32, #tpu.memory_space<hbm>>) target(%arg7 : memref<128xi32, #tpu.memory_space<vmem>>) target_semaphore(%run_scoped3A : memref<!tpu.dma_semaphore, #tpu.memory_space<semaphore_mem>>)
        %dma_wait3A_24 = tpu.memref_slice %arg2[%multiple_of3A] : memref<323584xi32, #tpu.memory_space<hbm>> -> memref<128xi32, #tpu.memory_space<hbm>>
        %dma_wait3A_25 = tpu.memref_slice %arg2[%multiple_of3A] : memref<323584xi32, #tpu.memory_space<hbm>> -> memref<128xi32, #tpu.memory_space<hbm>>
        tpu.wait_dma2 semaphore(%run_scoped3A : memref<!tpu.dma_semaphore, #tpu.memory_space<semaphore_mem>>) src(%dma_wait3A_25 : memref<128xi32, #tpu.memory_space<hbm>>) dst(%arg7 : memref<128xi32, #tpu.memory_space<vmem>>)
        tpu.yield
      }) : () -> ()
      "tpu.region"() ({
        %run_scoped3A = tpu.sem_alloc : memref<!tpu.dma_semaphore, #tpu.memory_space<semaphore_mem>>
        %dma_start3A_22 = tpu.memref_slice %arg3[%multiple_of3A] : memref<323584xi32, #tpu.memory_space<hbm>> -> memref<128xi32, #tpu.memory_space<hbm>>
        %dma_start3A_23 = tpu.memref_slice %arg3[%multiple_of3A] : memref<323584xi32, #tpu.memory_space<hbm>> -> memref<128xi32, #tpu.memory_space<hbm>>
        tpu.enqueue_dma source(%dma_start3A_23 : memref<128xi32, #tpu.memory_space<hbm>>) target(%arg8 : memref<128xi32, #tpu.memory_space<vmem>>) target_semaphore(%run_scoped3A : memref<!tpu.dma_semaphore, #tpu.memory_space<semaphore_mem>>)
        %dma_wait3A_24 = tpu.memref_slice %arg3[%multiple_of3A] : memref<323584xi32, #tpu.memory_space<hbm>> -> memref<128xi32, #tpu.memory_space<hbm>>
        %dma_wait3A_25 = tpu.memref_slice %arg3[%multiple_of3A] : memref<323584xi32, #tpu.memory_space<hbm>> -> memref<128xi32, #tpu.memory_space<hbm>>
        tpu.wait_dma2 semaphore(%run_scoped3A : memref<!tpu.dma_semaphore, #tpu.memory_space<semaphore_mem>>) src(%dma_wait3A_25 : memref<128xi32, #tpu.memory_space<hbm>>) dst(%arg8 : memref<128xi32, #tpu.memory_space<vmem>>)
        tpu.yield
      }) : () -> ()
      %dma_start3A = arith.constant 0 : i32
      %dma_start3A_18 = arith.constant 0 : i32
      %dma_start3A_19 = tpu.memref_slice %arg4[%dma_start3A, %dma_start3A_18] : memref<10240x128xf32, #tpu.memory_space<hbm>> -> memref<10240x128xf32, #tpu.memory_space<hbm>>
      tpu.enqueue_indirect_dma source(%dma_start3A_19 : memref<10240x128xf32, #tpu.memory_space<hbm>>) target(%arg9 : memref<128x128xf32, #tpu.memory_space<vmem>>) offsets(%arg7 : memref<128xi32, #tpu.memory_space<vmem>>) semaphore(%arg11 : memref<!tpu.dma_semaphore, #tpu.memory_space<semaphore_mem>>)
      %dma_wait3A = arith.constant 0 : i32
      %dma_wait3A_20 = arith.constant 0 : i32
      %dma_wait3A_21 = tpu.memref_slice %arg4[%dma_wait3A, %dma_wait3A_20] : memref<10240x128xf32, #tpu.memory_space<hbm>> -> memref<10240x128xf32, #tpu.memory_space<hbm>>
      tpu.wait_indirect_dma semaphore(%arg11 : memref<!tpu.dma_semaphore, #tpu.memory_space<semaphore_mem>>) src(%dma_wait3A_21 : memref<10240x128xf32, #tpu.memory_space<hbm>>) dst(%arg9 : memref<128x128xf32, #tpu.memory_space<vmem>>)
      "tpu.region"() ({
        %run_scoped3A = tpu.sem_alloc : memref<!tpu.dma_semaphore, #tpu.memory_space<semaphore_mem>>
        %dma_start3A_22 = arith.constant 0 : i32
        %dma_start3A_23 = arith.constant 0 : i32
        %dma_start3A_24 = tpu.memref_slice %arg10[%dma_start3A_22, %dma_start3A_23] : memref<10240x128xf32, #tpu.memory_space<vmem_shared>> -> memref<10240x128xf32, #tpu.memory_space<vmem_shared>>
        tpu.enqueue_indirect_dma source(%arg9 : memref<128x128xf32, #tpu.memory_space<vmem>>) target(%dma_start3A_24 : memref<10240x128xf32, #tpu.memory_space<vmem_shared>>) offsets(%arg8 : memref<128xi32, #tpu.memory_space<vmem>>) semaphore(%run_scoped3A : memref<!tpu.dma_semaphore, #tpu.memory_space<semaphore_mem>>) {add = true}
        %dma_wait3A_25 = arith.constant 0 : i32
        %dma_wait3A_26 = arith.constant 0 : i32
        %dma_wait3A_27 = tpu.memref_slice %arg10[%dma_wait3A_25, %dma_wait3A_26] : memref<10240x128xf32, #tpu.memory_space<vmem_shared>> -> memref<10240x128xf32, #tpu.memory_space<vmem_shared>>
        tpu.wait_indirect_dma semaphore(%run_scoped3A : memref<!tpu.dma_semaphore, #tpu.memory_space<semaphore_mem>>) src(%arg9 : memref<128x128xf32, #tpu.memory_space<vmem>>) dst(%dma_wait3A_27 : memref<10240x128xf32, #tpu.memory_space<vmem_shared>>)
        tpu.yield
      }) : () -> ()
    }
    %scan3A_9 = arith.constant 79 : i32
    %barrier3A_10 = arith.constant 0 : index
    tpu.barrier barrier_id(%barrier3A_10)
    %mul3A_11 = arith.constant 10240 : i32
    %mul3A_12 = arith.muli %arg0, %mul3A_11 : i32
    %add3A_13 = arith.addi %mul3A_12, %mul3A_0 : i32
    "tpu.region"() ({
      %run_scoped3A = tpu.sem_alloc : memref<!tpu.dma_semaphore, #tpu.memory_space<semaphore_mem>>
      %dma_start3A = arith.constant 0 : i32
      %dma_start3A_14 = tpu.memref_slice %arg6[%add3A_13, %dma_start3A] : memref<20480x128xf32, #tpu.memory_space<hbm>> -> memref<640x128xf32, #tpu.memory_space<hbm>>
      %dma_start3A_15 = arith.constant 0 : i32
      %dma_start3A_16 = tpu.memref_slice %arg10[%mul3A_0, %dma_start3A_15] : memref<10240x128xf32, #tpu.memory_space<vmem_shared>> -> memref<640x128xf32, #tpu.memory_space<vmem_shared>>
      tpu.enqueue_dma source(%dma_start3A_16 : memref<640x128xf32, #tpu.memory_space<vmem_shared>>) target(%dma_start3A_14 : memref<640x128xf32, #tpu.memory_space<hbm>>) target_semaphore(%run_scoped3A : memref<!tpu.dma_semaphore, #tpu.memory_space<semaphore_mem>>)
      %dma_wait3A = arith.constant 0 : i32
      %dma_wait3A_17 = tpu.memref_slice %arg6[%add3A_13, %dma_wait3A] : memref<20480x128xf32, #tpu.memory_space<hbm>> -> memref<640x128xf32, #tpu.memory_space<hbm>>
      %dma_wait3A_18 = arith.constant 0 : i32
      %dma_wait3A_19 = tpu.memref_slice %arg10[%mul3A_0, %dma_wait3A_18] : memref<10240x128xf32, #tpu.memory_space<vmem_shared>> -> memref<640x128xf32, #tpu.memory_space<vmem_shared>>
      tpu.wait_dma2 semaphore(%run_scoped3A : memref<!tpu.dma_semaphore, #tpu.memory_space<semaphore_mem>>) src(%dma_wait3A_19 : memref<640x128xf32, #tpu.memory_space<vmem_shared>>) dst(%dma_wait3A_17 : memref<640x128xf32, #tpu.memory_space<hbm>>)
      tpu.yield
    }) : () -> ()
    return
  }
}

#map = affine_map<(d0, d1) -> (0)>
#map1 = affine_map<(d0, d1) -> (0, 0)>
module attributes {stable_mosaic.version = 14 : i64} {
  func.func @_spmv_kernel(%arg0: i32, %arg1: i32, %arg2: memref<323584xi32, #tpu.memory_space<hbm>>, %arg3: memref<323584xi32, #tpu.memory_space<hbm>>, %arg4: memref<10240x128xf32, #tpu.memory_space<hbm>>, %arg5: memref<10240x128xf32, #tpu.memory_space<hbm>>, %arg6: memref<20480x128xf32, #tpu.memory_space<hbm>>, %arg7: memref<128xi32, #tpu.memory_space<vmem>>, %arg8: memref<128xi32, #tpu.memory_space<vmem>>, %arg9: memref<128x128xf32, #tpu.memory_space<vmem>>, %arg10: memref<10240x128xf32, #tpu.memory_space<vmem_shared>>, %arg11: memref<!tpu.dma_semaphore, #tpu.memory_space<semaphore_mem>>) attributes {dimension_semantics = [#tpu.dimension_semantics<core_parallel>, #tpu.dimension_semantics<subcore_parallel>], iteration_bounds = array<i64: 2, 16>, scalar_prefetch = 0 : i64, scratch_operands = 5 : i64, tpu.core_type = #tpu.core_type<sc_vector_subcore>, window_params = [{transform_indices = #map}, {transform_indices = #map}, {transform_indices = #map1}, {transform_indices = #map1}, {transform_indices = #map1}]} {
    %mul3A = arith.constant 640 : i32
    %mul3A_0 = arith.muli %arg1, %mul3A : i32
    %mul3A_1 = arith.constant 16 : i32
    %mul3A_2 = arith.muli %arg0, %mul3A_1 : i32
    %add3A = arith.addi %mul3A_2, %arg1 : i32
    "tpu.region"() ({
      %run_scoped3A = tpu.sem_alloc : memref<!tpu.dma_semaphore, #tpu.memory_space<semaphore_mem>>
      %dma_start3A = arith.constant 0 : i32
      %dma_start3A_14 = tpu.memref_slice %arg10[%mul3A_0, %dma_start3A] : memref<10240x128xf32, #tpu.memory_space<vmem_shared>> -> memref<640x128xf32, #tpu.memory_space<vmem_shared>>
      %dma_start3A_15 = arith.constant 0 : i32
      %dma_start3A_16 = tpu.memref_slice %arg5[%mul3A_0, %dma_start3A_15] : memref<10240x128xf32, #tpu.memory_space<hbm>> -> memref<640x128xf32, #tpu.memory_space<hbm>>
      tpu.enqueue_dma source(%dma_start3A_16 : memref<640x128xf32, #tpu.memory_space<hbm>>) target(%dma_start3A_14 : memref<640x128xf32, #tpu.memory_space<vmem_shared>>) target_semaphore(%run_scoped3A : memref<!tpu.dma_semaphore, #tpu.memory_space<semaphore_mem>>)
      %dma_wait3A = arith.constant 0 : i32
      %dma_wait3A_17 = tpu.memref_slice %arg10[%mul3A_0, %dma_wait3A] : memref<10240x128xf32, #tpu.memory_space<vmem_shared>> -> memref<640x128xf32, #tpu.memory_space<vmem_shared>>
      %dma_wait3A_18 = arith.constant 0 : i32
      %dma_wait3A_19 = tpu.memref_slice %arg5[%mul3A_0, %dma_wait3A_18] : memref<10240x128xf32, #tpu.memory_space<hbm>> -> memref<640x128xf32, #tpu.memory_space<hbm>>
      tpu.wait_dma2 semaphore(%run_scoped3A : memref<!tpu.dma_semaphore, #tpu.memory_space<semaphore_mem>>) src(%dma_wait3A_19 : memref<640x128xf32, #tpu.memory_space<hbm>>) dst(%dma_wait3A_17 : memref<640x128xf32, #tpu.memory_space<vmem_shared>>)
      tpu.yield
    }) : () -> ()
    %barrier3A = arith.constant 0 : index
    tpu.barrier barrier_id(%barrier3A)
    %mul3A_3 = arith.constant 79 : i32
    %mul3A_4 = arith.muli %add3A, %mul3A_3 : i32
    %scan3A = arith.constant 0 : i32
    %scan3A_5 = arith.constant 0 : i32
    %scan3A_6 = arith.constant 79 : i32
    %scan3A_7 = arith.addi %scan3A_5, %scan3A_6 : i32
    %scan3A_8 = arith.constant 1 : i32
    scf.for %scan3A_14 = %scan3A_5 to %scan3A_7 step %scan3A_8  : i32 {
      %add3A_15 = arith.addi %mul3A_4, %scan3A_14 : i32
      %mul3A_16 = arith.constant 128 : i32
      %mul3A_17 = arith.muli %add3A_15, %mul3A_16 : i32
      %multiple_of3A = tpu.assume_multiple %mul3A_17, 128 : i32
      "tpu.region"() ({
        %run_scoped3A = tpu.sem_alloc : memref<!tpu.dma_semaphore, #tpu.memory_space<semaphore_mem>>
        %dma_start3A_22 = tpu.memref_slice %arg2[%multiple_of3A] : memref<323584xi32, #tpu.memory_space<hbm>> -> memref<128xi32, #tpu.memory_space<hbm>>
        %dma_start3A_23 = tpu.memref_slice %arg2[%multiple_of3A] : memref<323584xi32, #tpu.memory_space<hbm>> -> memref<128xi32, #tpu.memory_space<hbm>>
        tpu.enqueue_dma source(%dma_start3A_23 : memref<128xi32, #tpu.memory_space<hbm>>) target(%arg7 : memref<128xi32, #tpu.memory_space<vmem>>) target_semaphore(%run_scoped3A : memref<!tpu.dma_semaphore, #tpu.memory_space<semaphore_mem>>)
        %dma_wait3A_24 = tpu.memref_slice %arg2[%multiple_of3A] : memref<323584xi32, #tpu.memory_space<hbm>> -> memref<128xi32, #tpu.memory_space<hbm>>
        %dma_wait3A_25 = tpu.memref_slice %arg2[%multiple_of3A] : memref<323584xi32, #tpu.memory_space<hbm>> -> memref<128xi32, #tpu.memory_space<hbm>>
        tpu.wait_dma2 semaphore(%run_scoped3A : memref<!tpu.dma_semaphore, #tpu.memory_space<semaphore_mem>>) src(%dma_wait3A_25 : memref<128xi32, #tpu.memory_space<hbm>>) dst(%arg7 : memref<128xi32, #tpu.memory_space<vmem>>)
        tpu.yield
      }) : () -> ()
      "tpu.region"() ({
        %run_scoped3A = tpu.sem_alloc : memref<!tpu.dma_semaphore, #tpu.memory_space<semaphore_mem>>
        %dma_start3A_22 = tpu.memref_slice %arg3[%multiple_of3A] : memref<323584xi32, #tpu.memory_space<hbm>> -> memref<128xi32, #tpu.memory_space<hbm>>
        %dma_start3A_23 = tpu.memref_slice %arg3[%multiple_of3A] : memref<323584xi32, #tpu.memory_space<hbm>> -> memref<128xi32, #tpu.memory_space<hbm>>
        tpu.enqueue_dma source(%dma_start3A_23 : memref<128xi32, #tpu.memory_space<hbm>>) target(%arg8 : memref<128xi32, #tpu.memory_space<vmem>>) target_semaphore(%run_scoped3A : memref<!tpu.dma_semaphore, #tpu.memory_space<semaphore_mem>>)
        %dma_wait3A_24 = tpu.memref_slice %arg3[%multiple_of3A] : memref<323584xi32, #tpu.memory_space<hbm>> -> memref<128xi32, #tpu.memory_space<hbm>>
        %dma_wait3A_25 = tpu.memref_slice %arg3[%multiple_of3A] : memref<323584xi32, #tpu.memory_space<hbm>> -> memref<128xi32, #tpu.memory_space<hbm>>
        tpu.wait_dma2 semaphore(%run_scoped3A : memref<!tpu.dma_semaphore, #tpu.memory_space<semaphore_mem>>) src(%dma_wait3A_25 : memref<128xi32, #tpu.memory_space<hbm>>) dst(%arg8 : memref<128xi32, #tpu.memory_space<vmem>>)
        tpu.yield
      }) : () -> ()
      %dma_start3A = arith.constant 0 : i32
      %dma_start3A_18 = arith.constant 0 : i32
      %dma_start3A_19 = tpu.memref_slice %arg4[%dma_start3A, %dma_start3A_18] : memref<10240x128xf32, #tpu.memory_space<hbm>> -> memref<10240x128xf32, #tpu.memory_space<hbm>>
      tpu.enqueue_indirect_dma source(%dma_start3A_19 : memref<10240x128xf32, #tpu.memory_space<hbm>>) target(%arg9 : memref<128x128xf32, #tpu.memory_space<vmem>>) offsets(%arg7 : memref<128xi32, #tpu.memory_space<vmem>>) semaphore(%arg11 : memref<!tpu.dma_semaphore, #tpu.memory_space<semaphore_mem>>)
      %dma_wait3A = arith.constant 0 : i32
      %dma_wait3A_20 = arith.constant 0 : i32
      %dma_wait3A_21 = tpu.memref_slice %arg4[%dma_wait3A, %dma_wait3A_20] : memref<10240x128xf32, #tpu.memory_space<hbm>> -> memref<10240x128xf32, #tpu.memory_space<hbm>>
      tpu.wait_indirect_dma semaphore(%arg11 : memref<!tpu.dma_semaphore, #tpu.memory_space<semaphore_mem>>) src(%dma_wait3A_21 : memref<10240x128xf32, #tpu.memory_space<hbm>>) dst(%arg9 : memref<128x128xf32, #tpu.memory_space<vmem>>)
      "tpu.region"() ({
        %run_scoped3A = tpu.sem_alloc : memref<!tpu.dma_semaphore, #tpu.memory_space<semaphore_mem>>
        %dma_start3A_22 = arith.constant 0 : i32
        %dma_start3A_23 = arith.constant 0 : i32
        %dma_start3A_24 = tpu.memref_slice %arg10[%dma_start3A_22, %dma_start3A_23] : memref<10240x128xf32, #tpu.memory_space<vmem_shared>> -> memref<10240x128xf32, #tpu.memory_space<vmem_shared>>
        tpu.enqueue_indirect_dma source(%arg9 : memref<128x128xf32, #tpu.memory_space<vmem>>) target(%dma_start3A_24 : memref<10240x128xf32, #tpu.memory_space<vmem_shared>>) offsets(%arg8 : memref<128xi32, #tpu.memory_space<vmem>>) semaphore(%run_scoped3A : memref<!tpu.dma_semaphore, #tpu.memory_space<semaphore_mem>>) {add = true}
        %dma_wait3A_25 = arith.constant 0 : i32
        %dma_wait3A_26 = arith.constant 0 : i32
        %dma_wait3A_27 = tpu.memref_slice %arg10[%dma_wait3A_25, %dma_wait3A_26] : memref<10240x128xf32, #tpu.memory_space<vmem_shared>> -> memref<10240x128xf32, #tpu.memory_space<vmem_shared>>
        tpu.wait_indirect_dma semaphore(%run_scoped3A : memref<!tpu.dma_semaphore, #tpu.memory_space<semaphore_mem>>) src(%arg9 : memref<128x128xf32, #tpu.memory_space<vmem>>) dst(%dma_wait3A_27 : memref<10240x128xf32, #tpu.memory_space<vmem_shared>>)
        tpu.yield
      }) : () -> ()
    }
    %scan3A_9 = arith.constant 79 : i32
    %barrier3A_10 = arith.constant 0 : index
    tpu.barrier barrier_id(%barrier3A_10)
    %mul3A_11 = arith.constant 10240 : i32
    %mul3A_12 = arith.muli %arg0, %mul3A_11 : i32
    %add3A_13 = arith.addi %mul3A_12, %mul3A_0 : i32
    "tpu.region"() ({
      %run_scoped3A = tpu.sem_alloc : memref<!tpu.dma_semaphore, #tpu.memory_space<semaphore_mem>>
      %dma_start3A = arith.constant 0 : i32
      %dma_start3A_14 = tpu.memref_slice %arg6[%add3A_13, %dma_start3A] : memref<20480x128xf32, #tpu.memory_space<hbm>> -> memref<640x128xf32, #tpu.memory_space<hbm>>
      %dma_start3A_15 = arith.constant 0 : i32
      %dma_start3A_16 = tpu.memref_slice %arg10[%mul3A_0, %dma_start3A_15] : memref<10240x128xf32, #tpu.memory_space<vmem_shared>> -> memref<640x128xf32, #tpu.memory_space<vmem_shared>>
      tpu.enqueue_dma source(%dma_start3A_16 : memref<640x128xf32, #tpu.memory_space<vmem_shared>>) target(%dma_start3A_14 : memref<640x128xf32, #tpu.memory_space<hbm>>) target_semaphore(%run_scoped3A : memref<!tpu.dma_semaphore, #tpu.memory_space<semaphore_mem>>)
      %dma_wait3A = arith.constant 0 : i32
      %dma_wait3A_17 = tpu.memref_slice %arg6[%add3A_13, %dma_wait3A] : memref<20480x128xf32, #tpu.memory_space<hbm>> -> memref<640x128xf32, #tpu.memory_space<hbm>>
      %dma_wait3A_18 = arith.constant 0 : i32
      %dma_wait3A_19 = tpu.memref_slice %arg10[%mul3A_0, %dma_wait3A_18] : memref<10240x128xf32, #tpu.memory_space<vmem_shared>> -> memref<640x128xf32, #tpu.memory_space<vmem_shared>>
      tpu.wait_dma2 semaphore(%run_scoped3A : memref<!tpu.dma_semaphore, #tpu.memory_space<semaphore_mem>>) src(%dma_wait3A_19 : memref<640x128xf32, #tpu.memory_space<vmem_shared>>) dst(%dma_wait3A_17 : memref<640x128xf32, #tpu.memory_space<hbm>>)
      tpu.yield
    }) : () -> ()
    return
  }
}

#map = affine_map<(d0, d1) -> (0)>
#map1 = affine_map<(d0, d1) -> (0, 0)>
module attributes {stable_mosaic.version = 14 : i64} {
  func.func @_spmv_kernel(%arg0: i32, %arg1: i32, %arg2: memref<323584xi32, #tpu.memory_space<hbm>>, %arg3: memref<323584xi32, #tpu.memory_space<hbm>>, %arg4: memref<10240x128xf32, #tpu.memory_space<hbm>>, %arg5: memref<10240x128xf32, #tpu.memory_space<hbm>>, %arg6: memref<20480x128xf32, #tpu.memory_space<hbm>>, %arg7: memref<128xi32, #tpu.memory_space<vmem>>, %arg8: memref<128xi32, #tpu.memory_space<vmem>>, %arg9: memref<128x128xf32, #tpu.memory_space<vmem>>, %arg10: memref<10240x128xf32, #tpu.memory_space<vmem_shared>>, %arg11: memref<!tpu.dma_semaphore, #tpu.memory_space<semaphore_mem>>) attributes {dimension_semantics = [#tpu.dimension_semantics<core_parallel>, #tpu.dimension_semantics<subcore_parallel>], iteration_bounds = array<i64: 2, 16>, scalar_prefetch = 0 : i64, scratch_operands = 5 : i64, tpu.core_type = #tpu.core_type<sc_vector_subcore>, window_params = [{transform_indices = #map}, {transform_indices = #map}, {transform_indices = #map1}, {transform_indices = #map1}, {transform_indices = #map1}]} {
    %mul3A = arith.constant 640 : i32
    %mul3A_0 = arith.muli %arg1, %mul3A : i32
    %mul3A_1 = arith.constant 16 : i32
    %mul3A_2 = arith.muli %arg0, %mul3A_1 : i32
    %add3A = arith.addi %mul3A_2, %arg1 : i32
    "tpu.region"() ({
      %run_scoped3A = tpu.sem_alloc : memref<!tpu.dma_semaphore, #tpu.memory_space<semaphore_mem>>
      %dma_start3A = arith.constant 0 : i32
      %dma_start3A_14 = tpu.memref_slice %arg10[%mul3A_0, %dma_start3A] : memref<10240x128xf32, #tpu.memory_space<vmem_shared>> -> memref<640x128xf32, #tpu.memory_space<vmem_shared>>
      %dma_start3A_15 = arith.constant 0 : i32
      %dma_start3A_16 = tpu.memref_slice %arg5[%mul3A_0, %dma_start3A_15] : memref<10240x128xf32, #tpu.memory_space<hbm>> -> memref<640x128xf32, #tpu.memory_space<hbm>>
      tpu.enqueue_dma source(%dma_start3A_16 : memref<640x128xf32, #tpu.memory_space<hbm>>) target(%dma_start3A_14 : memref<640x128xf32, #tpu.memory_space<vmem_shared>>) target_semaphore(%run_scoped3A : memref<!tpu.dma_semaphore, #tpu.memory_space<semaphore_mem>>)
      %dma_wait3A = arith.constant 0 : i32
      %dma_wait3A_17 = tpu.memref_slice %arg10[%mul3A_0, %dma_wait3A] : memref<10240x128xf32, #tpu.memory_space<vmem_shared>> -> memref<640x128xf32, #tpu.memory_space<vmem_shared>>
      %dma_wait3A_18 = arith.constant 0 : i32
      %dma_wait3A_19 = tpu.memref_slice %arg5[%mul3A_0, %dma_wait3A_18] : memref<10240x128xf32, #tpu.memory_space<hbm>> -> memref<640x128xf32, #tpu.memory_space<hbm>>
      tpu.wait_dma2 semaphore(%run_scoped3A : memref<!tpu.dma_semaphore, #tpu.memory_space<semaphore_mem>>) src(%dma_wait3A_19 : memref<640x128xf32, #tpu.memory_space<hbm>>) dst(%dma_wait3A_17 : memref<640x128xf32, #tpu.memory_space<vmem_shared>>)
      tpu.yield
    }) : () -> ()
    %barrier3A = arith.constant 0 : index
    tpu.barrier barrier_id(%barrier3A)
    %mul3A_3 = arith.constant 79 : i32
    %mul3A_4 = arith.muli %add3A, %mul3A_3 : i32
    %scan3A = arith.constant 0 : i32
    %scan3A_5 = arith.constant 0 : i32
    %scan3A_6 = arith.constant 79 : i32
    %scan3A_7 = arith.addi %scan3A_5, %scan3A_6 : i32
    %scan3A_8 = arith.constant 1 : i32
    scf.for %scan3A_14 = %scan3A_5 to %scan3A_7 step %scan3A_8  : i32 {
      %add3A_15 = arith.addi %mul3A_4, %scan3A_14 : i32
      %mul3A_16 = arith.constant 128 : i32
      %mul3A_17 = arith.muli %add3A_15, %mul3A_16 : i32
      %multiple_of3A = tpu.assume_multiple %mul3A_17, 128 : i32
      "tpu.region"() ({
        %run_scoped3A = tpu.sem_alloc : memref<!tpu.dma_semaphore, #tpu.memory_space<semaphore_mem>>
        %dma_start3A_22 = tpu.memref_slice %arg2[%multiple_of3A] : memref<323584xi32, #tpu.memory_space<hbm>> -> memref<128xi32, #tpu.memory_space<hbm>>
        %dma_start3A_23 = tpu.memref_slice %arg2[%multiple_of3A] : memref<323584xi32, #tpu.memory_space<hbm>> -> memref<128xi32, #tpu.memory_space<hbm>>
        tpu.enqueue_dma source(%dma_start3A_23 : memref<128xi32, #tpu.memory_space<hbm>>) target(%arg7 : memref<128xi32, #tpu.memory_space<vmem>>) target_semaphore(%run_scoped3A : memref<!tpu.dma_semaphore, #tpu.memory_space<semaphore_mem>>)
        %dma_wait3A_24 = tpu.memref_slice %arg2[%multiple_of3A] : memref<323584xi32, #tpu.memory_space<hbm>> -> memref<128xi32, #tpu.memory_space<hbm>>
        %dma_wait3A_25 = tpu.memref_slice %arg2[%multiple_of3A] : memref<323584xi32, #tpu.memory_space<hbm>> -> memref<128xi32, #tpu.memory_space<hbm>>
        tpu.wait_dma2 semaphore(%run_scoped3A : memref<!tpu.dma_semaphore, #tpu.memory_space<semaphore_mem>>) src(%dma_wait3A_25 : memref<128xi32, #tpu.memory_space<hbm>>) dst(%arg7 : memref<128xi32, #tpu.memory_space<vmem>>)
        tpu.yield
      }) : () -> ()
      "tpu.region"() ({
        %run_scoped3A = tpu.sem_alloc : memref<!tpu.dma_semaphore, #tpu.memory_space<semaphore_mem>>
        %dma_start3A_22 = tpu.memref_slice %arg3[%multiple_of3A] : memref<323584xi32, #tpu.memory_space<hbm>> -> memref<128xi32, #tpu.memory_space<hbm>>
        %dma_start3A_23 = tpu.memref_slice %arg3[%multiple_of3A] : memref<323584xi32, #tpu.memory_space<hbm>> -> memref<128xi32, #tpu.memory_space<hbm>>
        tpu.enqueue_dma source(%dma_start3A_23 : memref<128xi32, #tpu.memory_space<hbm>>) target(%arg8 : memref<128xi32, #tpu.memory_space<vmem>>) target_semaphore(%run_scoped3A : memref<!tpu.dma_semaphore, #tpu.memory_space<semaphore_mem>>)
        %dma_wait3A_24 = tpu.memref_slice %arg3[%multiple_of3A] : memref<323584xi32, #tpu.memory_space<hbm>> -> memref<128xi32, #tpu.memory_space<hbm>>
        %dma_wait3A_25 = tpu.memref_slice %arg3[%multiple_of3A] : memref<323584xi32, #tpu.memory_space<hbm>> -> memref<128xi32, #tpu.memory_space<hbm>>
        tpu.wait_dma2 semaphore(%run_scoped3A : memref<!tpu.dma_semaphore, #tpu.memory_space<semaphore_mem>>) src(%dma_wait3A_25 : memref<128xi32, #tpu.memory_space<hbm>>) dst(%arg8 : memref<128xi32, #tpu.memory_space<vmem>>)
        tpu.yield
      }) : () -> ()
      %dma_start3A = arith.constant 0 : i32
      %dma_start3A_18 = arith.constant 0 : i32
      %dma_start3A_19 = tpu.memref_slice %arg4[%dma_start3A, %dma_start3A_18] : memref<10240x128xf32, #tpu.memory_space<hbm>> -> memref<10240x128xf32, #tpu.memory_space<hbm>>
      tpu.enqueue_indirect_dma source(%dma_start3A_19 : memref<10240x128xf32, #tpu.memory_space<hbm>>) target(%arg9 : memref<128x128xf32, #tpu.memory_space<vmem>>) offsets(%arg7 : memref<128xi32, #tpu.memory_space<vmem>>) semaphore(%arg11 : memref<!tpu.dma_semaphore, #tpu.memory_space<semaphore_mem>>)
      %dma_wait3A = arith.constant 0 : i32
      %dma_wait3A_20 = arith.constant 0 : i32
      %dma_wait3A_21 = tpu.memref_slice %arg4[%dma_wait3A, %dma_wait3A_20] : memref<10240x128xf32, #tpu.memory_space<hbm>> -> memref<10240x128xf32, #tpu.memory_space<hbm>>
      tpu.wait_indirect_dma semaphore(%arg11 : memref<!tpu.dma_semaphore, #tpu.memory_space<semaphore_mem>>) src(%dma_wait3A_21 : memref<10240x128xf32, #tpu.memory_space<hbm>>) dst(%arg9 : memref<128x128xf32, #tpu.memory_space<vmem>>)
      "tpu.region"() ({
        %run_scoped3A = tpu.sem_alloc : memref<!tpu.dma_semaphore, #tpu.memory_space<semaphore_mem>>
        %dma_start3A_22 = arith.constant 0 : i32
        %dma_start3A_23 = arith.constant 0 : i32
        %dma_start3A_24 = tpu.memref_slice %arg10[%dma_start3A_22, %dma_start3A_23] : memref<10240x128xf32, #tpu.memory_space<vmem_shared>> -> memref<10240x128xf32, #tpu.memory_space<vmem_shared>>
        tpu.enqueue_indirect_dma source(%arg9 : memref<128x128xf32, #tpu.memory_space<vmem>>) target(%dma_start3A_24 : memref<10240x128xf32, #tpu.memory_space<vmem_shared>>) offsets(%arg8 : memref<128xi32, #tpu.memory_space<vmem>>) semaphore(%run_scoped3A : memref<!tpu.dma_semaphore, #tpu.memory_space<semaphore_mem>>) {add = true}
        %dma_wait3A_25 = arith.constant 0 : i32
        %dma_wait3A_26 = arith.constant 0 : i32
        %dma_wait3A_27 = tpu.memref_slice %arg10[%dma_wait3A_25, %dma_wait3A_26] : memref<10240x128xf32, #tpu.memory_space<vmem_shared>> -> memref<10240x128xf32, #tpu.memory_space<vmem_shared>>
        tpu.wait_indirect_dma semaphore(%run_scoped3A : memref<!tpu.dma_semaphore, #tpu.memory_space<semaphore_mem>>) src(%arg9 : memref<128x128xf32, #tpu.memory_space<vmem>>) dst(%dma_wait3A_27 : memref<10240x128xf32, #tpu.memory_space<vmem_shared>>)
        tpu.yield
      }) : () -> ()
    }
    %scan3A_9 = arith.constant 79 : i32
    %barrier3A_10 = arith.constant 0 : index
    tpu.barrier barrier_id(%barrier3A_10)
    %mul3A_11 = arith.constant 10240 : i32
    %mul3A_12 = arith.muli %arg0, %mul3A_11 : i32
    %add3A_13 = arith.addi %mul3A_12, %mul3A_0 : i32
    "tpu.region"() ({
      %run_scoped3A = tpu.sem_alloc : memref<!tpu.dma_semaphore, #tpu.memory_space<semaphore_mem>>
      %dma_start3A = arith.constant 0 : i32
      %dma_start3A_14 = tpu.memref_slice %arg6[%add3A_13, %dma_start3A] : memref<20480x128xf32, #tpu.memory_space<hbm>> -> memref<640x128xf32, #tpu.memory_space<hbm>>
      %dma_start3A_15 = arith.constant 0 : i32
      %dma_start3A_16 = tpu.memref_slice %arg10[%mul3A_0, %dma_start3A_15] : memref<10240x128xf32, #tpu.memory_space<vmem_shared>> -> memref<640x128xf32, #tpu.memory_space<vmem_shared>>
      tpu.enqueue_dma source(%dma_start3A_16 : memref<640x128xf32, #tpu.memory_space<vmem_shared>>) target(%dma_start3A_14 : memref<640x128xf32, #tpu.memory_space<hbm>>) target_semaphore(%run_scoped3A : memref<!tpu.dma_semaphore, #tpu.memory_space<semaphore_mem>>)
      %dma_wait3A = arith.constant 0 : i32
      %dma_wait3A_17 = tpu.memref_slice %arg6[%add3A_13, %dma_wait3A] : memref<20480x128xf32, #tpu.memory_space<hbm>> -> memref<640x128xf32, #tpu.memory_space<hbm>>
      %dma_wait3A_18 = arith.constant 0 : i32
      %dma_wait3A_19 = tpu.memref_slice %arg10[%mul3A_0, %dma_wait3A_18] : memref<10240x128xf32, #tpu.memory_space<vmem_shared>> -> memref<640x128xf32, #tpu.memory_space<vmem_shared>>
      tpu.wait_dma2 semaphore(%run_scoped3A : memref<!tpu.dma_semaphore, #tpu.memory_space<semaphore_mem>>) src(%dma_wait3A_19 : memref<640x128xf32, #tpu.memory_space<vmem_shared>>) dst(%dma_wait3A_17 : memref<640x128xf32, #tpu.memory_space<hbm>>)
      tpu.yield
    }) : () -> ()
    return
  }
}

#map = affine_map<(d0, d1) -> (0)>
#map1 = affine_map<(d0, d1) -> (0, 0)>
module attributes {stable_mosaic.version = 14 : i64} {
  func.func @_spmv_kernel(%arg0: i32, %arg1: i32, %arg2: memref<323584xi32, #tpu.memory_space<hbm>>, %arg3: memref<323584xi32, #tpu.memory_space<hbm>>, %arg4: memref<10240x128xf32, #tpu.memory_space<hbm>>, %arg5: memref<10240x128xf32, #tpu.memory_space<hbm>>, %arg6: memref<20480x128xf32, #tpu.memory_space<hbm>>, %arg7: memref<128xi32, #tpu.memory_space<vmem>>, %arg8: memref<128xi32, #tpu.memory_space<vmem>>, %arg9: memref<128x128xf32, #tpu.memory_space<vmem>>, %arg10: memref<10240x128xf32, #tpu.memory_space<vmem_shared>>, %arg11: memref<!tpu.dma_semaphore, #tpu.memory_space<semaphore_mem>>) attributes {dimension_semantics = [#tpu.dimension_semantics<core_parallel>, #tpu.dimension_semantics<subcore_parallel>], iteration_bounds = array<i64: 2, 16>, scalar_prefetch = 0 : i64, scratch_operands = 5 : i64, tpu.core_type = #tpu.core_type<sc_vector_subcore>, window_params = [{transform_indices = #map}, {transform_indices = #map}, {transform_indices = #map1}, {transform_indices = #map1}, {transform_indices = #map1}]} {
    %mul3A = arith.constant 640 : i32
    %mul3A_0 = arith.muli %arg1, %mul3A : i32
    %mul3A_1 = arith.constant 16 : i32
    %mul3A_2 = arith.muli %arg0, %mul3A_1 : i32
    %add3A = arith.addi %mul3A_2, %arg1 : i32
    "tpu.region"() ({
      %run_scoped3A = tpu.sem_alloc : memref<!tpu.dma_semaphore, #tpu.memory_space<semaphore_mem>>
      %dma_start3A = arith.constant 0 : i32
      %dma_start3A_14 = tpu.memref_slice %arg10[%mul3A_0, %dma_start3A] : memref<10240x128xf32, #tpu.memory_space<vmem_shared>> -> memref<640x128xf32, #tpu.memory_space<vmem_shared>>
      %dma_start3A_15 = arith.constant 0 : i32
      %dma_start3A_16 = tpu.memref_slice %arg5[%mul3A_0, %dma_start3A_15] : memref<10240x128xf32, #tpu.memory_space<hbm>> -> memref<640x128xf32, #tpu.memory_space<hbm>>
      tpu.enqueue_dma source(%dma_start3A_16 : memref<640x128xf32, #tpu.memory_space<hbm>>) target(%dma_start3A_14 : memref<640x128xf32, #tpu.memory_space<vmem_shared>>) target_semaphore(%run_scoped3A : memref<!tpu.dma_semaphore, #tpu.memory_space<semaphore_mem>>)
      %dma_wait3A = arith.constant 0 : i32
      %dma_wait3A_17 = tpu.memref_slice %arg10[%mul3A_0, %dma_wait3A] : memref<10240x128xf32, #tpu.memory_space<vmem_shared>> -> memref<640x128xf32, #tpu.memory_space<vmem_shared>>
      %dma_wait3A_18 = arith.constant 0 : i32
      %dma_wait3A_19 = tpu.memref_slice %arg5[%mul3A_0, %dma_wait3A_18] : memref<10240x128xf32, #tpu.memory_space<hbm>> -> memref<640x128xf32, #tpu.memory_space<hbm>>
      tpu.wait_dma2 semaphore(%run_scoped3A : memref<!tpu.dma_semaphore, #tpu.memory_space<semaphore_mem>>) src(%dma_wait3A_19 : memref<640x128xf32, #tpu.memory_space<hbm>>) dst(%dma_wait3A_17 : memref<640x128xf32, #tpu.memory_space<vmem_shared>>)
      tpu.yield
    }) : () -> ()
    %barrier3A = arith.constant 0 : index
    tpu.barrier barrier_id(%barrier3A)
    %mul3A_3 = arith.constant 79 : i32
    %mul3A_4 = arith.muli %add3A, %mul3A_3 : i32
    %scan3A = arith.constant 0 : i32
    %scan3A_5 = arith.constant 0 : i32
    %scan3A_6 = arith.constant 79 : i32
    %scan3A_7 = arith.addi %scan3A_5, %scan3A_6 : i32
    %scan3A_8 = arith.constant 1 : i32
    scf.for %scan3A_14 = %scan3A_5 to %scan3A_7 step %scan3A_8  : i32 {
      %add3A_15 = arith.addi %mul3A_4, %scan3A_14 : i32
      %mul3A_16 = arith.constant 128 : i32
      %mul3A_17 = arith.muli %add3A_15, %mul3A_16 : i32
      %multiple_of3A = tpu.assume_multiple %mul3A_17, 128 : i32
      "tpu.region"() ({
        %run_scoped3A = tpu.sem_alloc : memref<!tpu.dma_semaphore, #tpu.memory_space<semaphore_mem>>
        %dma_start3A_22 = tpu.memref_slice %arg2[%multiple_of3A] : memref<323584xi32, #tpu.memory_space<hbm>> -> memref<128xi32, #tpu.memory_space<hbm>>
        %dma_start3A_23 = tpu.memref_slice %arg2[%multiple_of3A] : memref<323584xi32, #tpu.memory_space<hbm>> -> memref<128xi32, #tpu.memory_space<hbm>>
        tpu.enqueue_dma source(%dma_start3A_23 : memref<128xi32, #tpu.memory_space<hbm>>) target(%arg7 : memref<128xi32, #tpu.memory_space<vmem>>) target_semaphore(%run_scoped3A : memref<!tpu.dma_semaphore, #tpu.memory_space<semaphore_mem>>)
        %dma_wait3A_24 = tpu.memref_slice %arg2[%multiple_of3A] : memref<323584xi32, #tpu.memory_space<hbm>> -> memref<128xi32, #tpu.memory_space<hbm>>
        %dma_wait3A_25 = tpu.memref_slice %arg2[%multiple_of3A] : memref<323584xi32, #tpu.memory_space<hbm>> -> memref<128xi32, #tpu.memory_space<hbm>>
        tpu.wait_dma2 semaphore(%run_scoped3A : memref<!tpu.dma_semaphore, #tpu.memory_space<semaphore_mem>>) src(%dma_wait3A_25 : memref<128xi32, #tpu.memory_space<hbm>>) dst(%arg7 : memref<128xi32, #tpu.memory_space<vmem>>)
        tpu.yield
      }) : () -> ()
      "tpu.region"() ({
        %run_scoped3A = tpu.sem_alloc : memref<!tpu.dma_semaphore, #tpu.memory_space<semaphore_mem>>
        %dma_start3A_22 = tpu.memref_slice %arg3[%multiple_of3A] : memref<323584xi32, #tpu.memory_space<hbm>> -> memref<128xi32, #tpu.memory_space<hbm>>
        %dma_start3A_23 = tpu.memref_slice %arg3[%multiple_of3A] : memref<323584xi32, #tpu.memory_space<hbm>> -> memref<128xi32, #tpu.memory_space<hbm>>
        tpu.enqueue_dma source(%dma_start3A_23 : memref<128xi32, #tpu.memory_space<hbm>>) target(%arg8 : memref<128xi32, #tpu.memory_space<vmem>>) target_semaphore(%run_scoped3A : memref<!tpu.dma_semaphore, #tpu.memory_space<semaphore_mem>>)
        %dma_wait3A_24 = tpu.memref_slice %arg3[%multiple_of3A] : memref<323584xi32, #tpu.memory_space<hbm>> -> memref<128xi32, #tpu.memory_space<hbm>>
        %dma_wait3A_25 = tpu.memref_slice %arg3[%multiple_of3A] : memref<323584xi32, #tpu.memory_space<hbm>> -> memref<128xi32, #tpu.memory_space<hbm>>
        tpu.wait_dma2 semaphore(%run_scoped3A : memref<!tpu.dma_semaphore, #tpu.memory_space<semaphore_mem>>) src(%dma_wait3A_25 : memref<128xi32, #tpu.memory_space<hbm>>) dst(%arg8 : memref<128xi32, #tpu.memory_space<vmem>>)
        tpu.yield
      }) : () -> ()
      %dma_start3A = arith.constant 0 : i32
      %dma_start3A_18 = arith.constant 0 : i32
      %dma_start3A_19 = tpu.memref_slice %arg4[%dma_start3A, %dma_start3A_18] : memref<10240x128xf32, #tpu.memory_space<hbm>> -> memref<10240x128xf32, #tpu.memory_space<hbm>>
      tpu.enqueue_indirect_dma source(%dma_start3A_19 : memref<10240x128xf32, #tpu.memory_space<hbm>>) target(%arg9 : memref<128x128xf32, #tpu.memory_space<vmem>>) offsets(%arg7 : memref<128xi32, #tpu.memory_space<vmem>>) semaphore(%arg11 : memref<!tpu.dma_semaphore, #tpu.memory_space<semaphore_mem>>)
      %dma_wait3A = arith.constant 0 : i32
      %dma_wait3A_20 = arith.constant 0 : i32
      %dma_wait3A_21 = tpu.memref_slice %arg4[%dma_wait3A, %dma_wait3A_20] : memref<10240x128xf32, #tpu.memory_space<hbm>> -> memref<10240x128xf32, #tpu.memory_space<hbm>>
      tpu.wait_indirect_dma semaphore(%arg11 : memref<!tpu.dma_semaphore, #tpu.memory_space<semaphore_mem>>) src(%dma_wait3A_21 : memref<10240x128xf32, #tpu.memory_space<hbm>>) dst(%arg9 : memref<128x128xf32, #tpu.memory_space<vmem>>)
      "tpu.region"() ({
        %run_scoped3A = tpu.sem_alloc : memref<!tpu.dma_semaphore, #tpu.memory_space<semaphore_mem>>
        %dma_start3A_22 = arith.constant 0 : i32
        %dma_start3A_23 = arith.constant 0 : i32
        %dma_start3A_24 = tpu.memref_slice %arg10[%dma_start3A_22, %dma_start3A_23] : memref<10240x128xf32, #tpu.memory_space<vmem_shared>> -> memref<10240x128xf32, #tpu.memory_space<vmem_shared>>
        tpu.enqueue_indirect_dma source(%arg9 : memref<128x128xf32, #tpu.memory_space<vmem>>) target(%dma_start3A_24 : memref<10240x128xf32, #tpu.memory_space<vmem_shared>>) offsets(%arg8 : memref<128xi32, #tpu.memory_space<vmem>>) semaphore(%run_scoped3A : memref<!tpu.dma_semaphore, #tpu.memory_space<semaphore_mem>>) {add = true}
        %dma_wait3A_25 = arith.constant 0 : i32
        %dma_wait3A_26 = arith.constant 0 : i32
        %dma_wait3A_27 = tpu.memref_slice %arg10[%dma_wait3A_25, %dma_wait3A_26] : memref<10240x128xf32, #tpu.memory_space<vmem_shared>> -> memref<10240x128xf32, #tpu.memory_space<vmem_shared>>
        tpu.wait_indirect_dma semaphore(%run_scoped3A : memref<!tpu.dma_semaphore, #tpu.memory_space<semaphore_mem>>) src(%arg9 : memref<128x128xf32, #tpu.memory_space<vmem>>) dst(%dma_wait3A_27 : memref<10240x128xf32, #tpu.memory_space<vmem_shared>>)
        tpu.yield
      }) : () -> ()
    }
    %scan3A_9 = arith.constant 79 : i32
    %barrier3A_10 = arith.constant 0 : index
    tpu.barrier barrier_id(%barrier3A_10)
    %mul3A_11 = arith.constant 10240 : i32
    %mul3A_12 = arith.muli %arg0, %mul3A_11 : i32
    %add3A_13 = arith.addi %mul3A_12, %mul3A_0 : i32
    "tpu.region"() ({
      %run_scoped3A = tpu.sem_alloc : memref<!tpu.dma_semaphore, #tpu.memory_space<semaphore_mem>>
      %dma_start3A = arith.constant 0 : i32
      %dma_start3A_14 = tpu.memref_slice %arg6[%add3A_13, %dma_start3A] : memref<20480x128xf32, #tpu.memory_space<hbm>> -> memref<640x128xf32, #tpu.memory_space<hbm>>
      %dma_start3A_15 = arith.constant 0 : i32
      %dma_start3A_16 = tpu.memref_slice %arg10[%mul3A_0, %dma_start3A_15] : memref<10240x128xf32, #tpu.memory_space<vmem_shared>> -> memref<640x128xf32, #tpu.memory_space<vmem_shared>>
      tpu.enqueue_dma source(%dma_start3A_16 : memref<640x128xf32, #tpu.memory_space<vmem_shared>>) target(%dma_start3A_14 : memref<640x128xf32, #tpu.memory_space<hbm>>) target_semaphore(%run_scoped3A : memref<!tpu.dma_semaphore, #tpu.memory_space<semaphore_mem>>)
      %dma_wait3A = arith.constant 0 : i32
      %dma_wait3A_17 = tpu.memref_slice %arg6[%add3A_13, %dma_wait3A] : memref<20480x128xf32, #tpu.memory_space<hbm>> -> memref<640x128xf32, #tpu.memory_space<hbm>>
      %dma_wait3A_18 = arith.constant 0 : i32
      %dma_wait3A_19 = tpu.memref_slice %arg10[%mul3A_0, %dma_wait3A_18] : memref<10240x128xf32, #tpu.memory_space<vmem_shared>> -> memref<640x128xf32, #tpu.memory_space<vmem_shared>>
      tpu.wait_dma2 semaphore(%run_scoped3A : memref<!tpu.dma_semaphore, #tpu.memory_space<semaphore_mem>>) src(%dma_wait3A_19 : memref<640x128xf32, #tpu.memory_space<vmem_shared>>) dst(%dma_wait3A_17 : memref<640x128xf32, #tpu.memory_space<hbm>>)
      tpu.yield
    }) : () -> ()
    return
  }
}

#map = affine_map<(d0, d1) -> (0)>
#map1 = affine_map<(d0, d1) -> (0, 0)>
module attributes {stable_mosaic.version = 14 : i64} {
  func.func @_spmv_kernel(%arg0: i32, %arg1: i32, %arg2: memref<323584xi32, #tpu.memory_space<hbm>>, %arg3: memref<323584xi32, #tpu.memory_space<hbm>>, %arg4: memref<10240x128xf32, #tpu.memory_space<hbm>>, %arg5: memref<10240x128xf32, #tpu.memory_space<hbm>>, %arg6: memref<20480x128xf32, #tpu.memory_space<hbm>>, %arg7: memref<128xi32, #tpu.memory_space<vmem>>, %arg8: memref<128xi32, #tpu.memory_space<vmem>>, %arg9: memref<128x128xf32, #tpu.memory_space<vmem>>, %arg10: memref<10240x128xf32, #tpu.memory_space<vmem_shared>>, %arg11: memref<!tpu.dma_semaphore, #tpu.memory_space<semaphore_mem>>) attributes {dimension_semantics = [#tpu.dimension_semantics<core_parallel>, #tpu.dimension_semantics<subcore_parallel>], iteration_bounds = array<i64: 2, 16>, scalar_prefetch = 0 : i64, scratch_operands = 5 : i64, tpu.core_type = #tpu.core_type<sc_vector_subcore>, window_params = [{transform_indices = #map}, {transform_indices = #map}, {transform_indices = #map1}, {transform_indices = #map1}, {transform_indices = #map1}]} {
    %mul3A = arith.constant 640 : i32
    %mul3A_0 = arith.muli %arg1, %mul3A : i32
    %mul3A_1 = arith.constant 16 : i32
    %mul3A_2 = arith.muli %arg0, %mul3A_1 : i32
    %add3A = arith.addi %mul3A_2, %arg1 : i32
    "tpu.region"() ({
      %run_scoped3A = tpu.sem_alloc : memref<!tpu.dma_semaphore, #tpu.memory_space<semaphore_mem>>
      %dma_start3A = arith.constant 0 : i32
      %dma_start3A_14 = tpu.memref_slice %arg10[%mul3A_0, %dma_start3A] : memref<10240x128xf32, #tpu.memory_space<vmem_shared>> -> memref<640x128xf32, #tpu.memory_space<vmem_shared>>
      %dma_start3A_15 = arith.constant 0 : i32
      %dma_start3A_16 = tpu.memref_slice %arg5[%mul3A_0, %dma_start3A_15] : memref<10240x128xf32, #tpu.memory_space<hbm>> -> memref<640x128xf32, #tpu.memory_space<hbm>>
      tpu.enqueue_dma source(%dma_start3A_16 : memref<640x128xf32, #tpu.memory_space<hbm>>) target(%dma_start3A_14 : memref<640x128xf32, #tpu.memory_space<vmem_shared>>) target_semaphore(%run_scoped3A : memref<!tpu.dma_semaphore, #tpu.memory_space<semaphore_mem>>)
      %dma_wait3A = arith.constant 0 : i32
      %dma_wait3A_17 = tpu.memref_slice %arg10[%mul3A_0, %dma_wait3A] : memref<10240x128xf32, #tpu.memory_space<vmem_shared>> -> memref<640x128xf32, #tpu.memory_space<vmem_shared>>
      %dma_wait3A_18 = arith.constant 0 : i32
      %dma_wait3A_19 = tpu.memref_slice %arg5[%mul3A_0, %dma_wait3A_18] : memref<10240x128xf32, #tpu.memory_space<hbm>> -> memref<640x128xf32, #tpu.memory_space<hbm>>
      tpu.wait_dma2 semaphore(%run_scoped3A : memref<!tpu.dma_semaphore, #tpu.memory_space<semaphore_mem>>) src(%dma_wait3A_19 : memref<640x128xf32, #tpu.memory_space<hbm>>) dst(%dma_wait3A_17 : memref<640x128xf32, #tpu.memory_space<vmem_shared>>)
      tpu.yield
    }) : () -> ()
    %barrier3A = arith.constant 0 : index
    tpu.barrier barrier_id(%barrier3A)
    %mul3A_3 = arith.constant 79 : i32
    %mul3A_4 = arith.muli %add3A, %mul3A_3 : i32
    %scan3A = arith.constant 0 : i32
    %scan3A_5 = arith.constant 0 : i32
    %scan3A_6 = arith.constant 79 : i32
    %scan3A_7 = arith.addi %scan3A_5, %scan3A_6 : i32
    %scan3A_8 = arith.constant 1 : i32
    scf.for %scan3A_14 = %scan3A_5 to %scan3A_7 step %scan3A_8  : i32 {
      %add3A_15 = arith.addi %mul3A_4, %scan3A_14 : i32
      %mul3A_16 = arith.constant 128 : i32
      %mul3A_17 = arith.muli %add3A_15, %mul3A_16 : i32
      %multiple_of3A = tpu.assume_multiple %mul3A_17, 128 : i32
      "tpu.region"() ({
        %run_scoped3A = tpu.sem_alloc : memref<!tpu.dma_semaphore, #tpu.memory_space<semaphore_mem>>
        %dma_start3A_22 = tpu.memref_slice %arg2[%multiple_of3A] : memref<323584xi32, #tpu.memory_space<hbm>> -> memref<128xi32, #tpu.memory_space<hbm>>
        %dma_start3A_23 = tpu.memref_slice %arg2[%multiple_of3A] : memref<323584xi32, #tpu.memory_space<hbm>> -> memref<128xi32, #tpu.memory_space<hbm>>
        tpu.enqueue_dma source(%dma_start3A_23 : memref<128xi32, #tpu.memory_space<hbm>>) target(%arg7 : memref<128xi32, #tpu.memory_space<vmem>>) target_semaphore(%run_scoped3A : memref<!tpu.dma_semaphore, #tpu.memory_space<semaphore_mem>>)
        %dma_wait3A_24 = tpu.memref_slice %arg2[%multiple_of3A] : memref<323584xi32, #tpu.memory_space<hbm>> -> memref<128xi32, #tpu.memory_space<hbm>>
        %dma_wait3A_25 = tpu.memref_slice %arg2[%multiple_of3A] : memref<323584xi32, #tpu.memory_space<hbm>> -> memref<128xi32, #tpu.memory_space<hbm>>
        tpu.wait_dma2 semaphore(%run_scoped3A : memref<!tpu.dma_semaphore, #tpu.memory_space<semaphore_mem>>) src(%dma_wait3A_25 : memref<128xi32, #tpu.memory_space<hbm>>) dst(%arg7 : memref<128xi32, #tpu.memory_space<vmem>>)
        tpu.yield
      }) : () -> ()
      "tpu.region"() ({
        %run_scoped3A = tpu.sem_alloc : memref<!tpu.dma_semaphore, #tpu.memory_space<semaphore_mem>>
        %dma_start3A_22 = tpu.memref_slice %arg3[%multiple_of3A] : memref<323584xi32, #tpu.memory_space<hbm>> -> memref<128xi32, #tpu.memory_space<hbm>>
        %dma_start3A_23 = tpu.memref_slice %arg3[%multiple_of3A] : memref<323584xi32, #tpu.memory_space<hbm>> -> memref<128xi32, #tpu.memory_space<hbm>>
        tpu.enqueue_dma source(%dma_start3A_23 : memref<128xi32, #tpu.memory_space<hbm>>) target(%arg8 : memref<128xi32, #tpu.memory_space<vmem>>) target_semaphore(%run_scoped3A : memref<!tpu.dma_semaphore, #tpu.memory_space<semaphore_mem>>)
        %dma_wait3A_24 = tpu.memref_slice %arg3[%multiple_of3A] : memref<323584xi32, #tpu.memory_space<hbm>> -> memref<128xi32, #tpu.memory_space<hbm>>
        %dma_wait3A_25 = tpu.memref_slice %arg3[%multiple_of3A] : memref<323584xi32, #tpu.memory_space<hbm>> -> memref<128xi32, #tpu.memory_space<hbm>>
        tpu.wait_dma2 semaphore(%run_scoped3A : memref<!tpu.dma_semaphore, #tpu.memory_space<semaphore_mem>>) src(%dma_wait3A_25 : memref<128xi32, #tpu.memory_space<hbm>>) dst(%arg8 : memref<128xi32, #tpu.memory_space<vmem>>)
        tpu.yield
      }) : () -> ()
      %dma_start3A = arith.constant 0 : i32
      %dma_start3A_18 = arith.constant 0 : i32
      %dma_start3A_19 = tpu.memref_slice %arg4[%dma_start3A, %dma_start3A_18] : memref<10240x128xf32, #tpu.memory_space<hbm>> -> memref<10240x128xf32, #tpu.memory_space<hbm>>
      tpu.enqueue_indirect_dma source(%dma_start3A_19 : memref<10240x128xf32, #tpu.memory_space<hbm>>) target(%arg9 : memref<128x128xf32, #tpu.memory_space<vmem>>) offsets(%arg7 : memref<128xi32, #tpu.memory_space<vmem>>) semaphore(%arg11 : memref<!tpu.dma_semaphore, #tpu.memory_space<semaphore_mem>>)
      %dma_wait3A = arith.constant 0 : i32
      %dma_wait3A_20 = arith.constant 0 : i32
      %dma_wait3A_21 = tpu.memref_slice %arg4[%dma_wait3A, %dma_wait3A_20] : memref<10240x128xf32, #tpu.memory_space<hbm>> -> memref<10240x128xf32, #tpu.memory_space<hbm>>
      tpu.wait_indirect_dma semaphore(%arg11 : memref<!tpu.dma_semaphore, #tpu.memory_space<semaphore_mem>>) src(%dma_wait3A_21 : memref<10240x128xf32, #tpu.memory_space<hbm>>) dst(%arg9 : memref<128x128xf32, #tpu.memory_space<vmem>>)
      "tpu.region"() ({
        %run_scoped3A = tpu.sem_alloc : memref<!tpu.dma_semaphore, #tpu.memory_space<semaphore_mem>>
        %dma_start3A_22 = arith.constant 0 : i32
        %dma_start3A_23 = arith.constant 0 : i32
        %dma_start3A_24 = tpu.memref_slice %arg10[%dma_start3A_22, %dma_start3A_23] : memref<10240x128xf32, #tpu.memory_space<vmem_shared>> -> memref<10240x128xf32, #tpu.memory_space<vmem_shared>>
        tpu.enqueue_indirect_dma source(%arg9 : memref<128x128xf32, #tpu.memory_space<vmem>>) target(%dma_start3A_24 : memref<10240x128xf32, #tpu.memory_space<vmem_shared>>) offsets(%arg8 : memref<128xi32, #tpu.memory_space<vmem>>) semaphore(%run_scoped3A : memref<!tpu.dma_semaphore, #tpu.memory_space<semaphore_mem>>) {add = true}
        %dma_wait3A_25 = arith.constant 0 : i32
        %dma_wait3A_26 = arith.constant 0 : i32
        %dma_wait3A_27 = tpu.memref_slice %arg10[%dma_wait3A_25, %dma_wait3A_26] : memref<10240x128xf32, #tpu.memory_space<vmem_shared>> -> memref<10240x128xf32, #tpu.memory_space<vmem_shared>>
        tpu.wait_indirect_dma semaphore(%run_scoped3A : memref<!tpu.dma_semaphore, #tpu.memory_space<semaphore_mem>>) src(%arg9 : memref<128x128xf32, #tpu.memory_space<vmem>>) dst(%dma_wait3A_27 : memref<10240x128xf32, #tpu.memory_space<vmem_shared>>)
        tpu.yield
      }) : () -> ()
    }
    %scan3A_9 = arith.constant 79 : i32
    %barrier3A_10 = arith.constant 0 : index
    tpu.barrier barrier_id(%barrier3A_10)
    %mul3A_11 = arith.constant 10240 : i32
    %mul3A_12 = arith.muli %arg0, %mul3A_11 : i32
    %add3A_13 = arith.addi %mul3A_12, %mul3A_0 : i32
    "tpu.region"() ({
      %run_scoped3A = tpu.sem_alloc : memref<!tpu.dma_semaphore, #tpu.memory_space<semaphore_mem>>
      %dma_start3A = arith.constant 0 : i32
      %dma_start3A_14 = tpu.memref_slice %arg6[%add3A_13, %dma_start3A] : memref<20480x128xf32, #tpu.memory_space<hbm>> -> memref<640x128xf32, #tpu.memory_space<hbm>>
      %dma_start3A_15 = arith.constant 0 : i32
      %dma_start3A_16 = tpu.memref_slice %arg10[%mul3A_0, %dma_start3A_15] : memref<10240x128xf32, #tpu.memory_space<vmem_shared>> -> memref<640x128xf32, #tpu.memory_space<vmem_shared>>
      tpu.enqueue_dma source(%dma_start3A_16 : memref<640x128xf32, #tpu.memory_space<vmem_shared>>) target(%dma_start3A_14 : memref<640x128xf32, #tpu.memory_space<hbm>>) target_semaphore(%run_scoped3A : memref<!tpu.dma_semaphore, #tpu.memory_space<semaphore_mem>>)
      %dma_wait3A = arith.constant 0 : i32
      %dma_wait3A_17 = tpu.memref_slice %arg6[%add3A_13, %dma_wait3A] : memref<20480x128xf32, #tpu.memory_space<hbm>> -> memref<640x128xf32, #tpu.memory_space<hbm>>
      %dma_wait3A_18 = arith.constant 0 : i32
      %dma_wait3A_19 = tpu.memref_slice %arg10[%mul3A_0, %dma_wait3A_18] : memref<10240x128xf32, #tpu.memory_space<vmem_shared>> -> memref<640x128xf32, #tpu.memory_space<vmem_shared>>
      tpu.wait_dma2 semaphore(%run_scoped3A : memref<!tpu.dma_semaphore, #tpu.memory_space<semaphore_mem>>) src(%dma_wait3A_19 : memref<640x128xf32, #tpu.memory_space<vmem_shared>>) dst(%dma_wait3A_17 : memref<640x128xf32, #tpu.memory_space<hbm>>)
      tpu.yield
    }) : () -> ()
    return
  }
}

#map = affine_map<(d0, d1) -> (0)>
#map1 = affine_map<(d0, d1) -> (0, 0)>
module attributes {stable_mosaic.version = 14 : i64} {
  func.func @_spmv_kernel(%arg0: i32, %arg1: i32, %arg2: memref<323584xi32, #tpu.memory_space<hbm>>, %arg3: memref<323584xi32, #tpu.memory_space<hbm>>, %arg4: memref<10240x128xf32, #tpu.memory_space<hbm>>, %arg5: memref<10240x128xf32, #tpu.memory_space<hbm>>, %arg6: memref<20480x128xf32, #tpu.memory_space<hbm>>, %arg7: memref<128xi32, #tpu.memory_space<vmem>>, %arg8: memref<128xi32, #tpu.memory_space<vmem>>, %arg9: memref<128x128xf32, #tpu.memory_space<vmem>>, %arg10: memref<10240x128xf32, #tpu.memory_space<vmem_shared>>, %arg11: memref<!tpu.dma_semaphore, #tpu.memory_space<semaphore_mem>>) attributes {dimension_semantics = [#tpu.dimension_semantics<core_parallel>, #tpu.dimension_semantics<subcore_parallel>], iteration_bounds = array<i64: 2, 16>, scalar_prefetch = 0 : i64, scratch_operands = 5 : i64, tpu.core_type = #tpu.core_type<sc_vector_subcore>, window_params = [{transform_indices = #map}, {transform_indices = #map}, {transform_indices = #map1}, {transform_indices = #map1}, {transform_indices = #map1}]} {
    %mul3A = arith.constant 640 : i32
    %mul3A_0 = arith.muli %arg1, %mul3A : i32
    %mul3A_1 = arith.constant 16 : i32
    %mul3A_2 = arith.muli %arg0, %mul3A_1 : i32
    %add3A = arith.addi %mul3A_2, %arg1 : i32
    "tpu.region"() ({
      %run_scoped3A = tpu.sem_alloc : memref<!tpu.dma_semaphore, #tpu.memory_space<semaphore_mem>>
      %dma_start3A = arith.constant 0 : i32
      %dma_start3A_14 = tpu.memref_slice %arg10[%mul3A_0, %dma_start3A] : memref<10240x128xf32, #tpu.memory_space<vmem_shared>> -> memref<640x128xf32, #tpu.memory_space<vmem_shared>>
      %dma_start3A_15 = arith.constant 0 : i32
      %dma_start3A_16 = tpu.memref_slice %arg5[%mul3A_0, %dma_start3A_15] : memref<10240x128xf32, #tpu.memory_space<hbm>> -> memref<640x128xf32, #tpu.memory_space<hbm>>
      tpu.enqueue_dma source(%dma_start3A_16 : memref<640x128xf32, #tpu.memory_space<hbm>>) target(%dma_start3A_14 : memref<640x128xf32, #tpu.memory_space<vmem_shared>>) target_semaphore(%run_scoped3A : memref<!tpu.dma_semaphore, #tpu.memory_space<semaphore_mem>>)
      %dma_wait3A = arith.constant 0 : i32
      %dma_wait3A_17 = tpu.memref_slice %arg10[%mul3A_0, %dma_wait3A] : memref<10240x128xf32, #tpu.memory_space<vmem_shared>> -> memref<640x128xf32, #tpu.memory_space<vmem_shared>>
      %dma_wait3A_18 = arith.constant 0 : i32
      %dma_wait3A_19 = tpu.memref_slice %arg5[%mul3A_0, %dma_wait3A_18] : memref<10240x128xf32, #tpu.memory_space<hbm>> -> memref<640x128xf32, #tpu.memory_space<hbm>>
      tpu.wait_dma2 semaphore(%run_scoped3A : memref<!tpu.dma_semaphore, #tpu.memory_space<semaphore_mem>>) src(%dma_wait3A_19 : memref<640x128xf32, #tpu.memory_space<hbm>>) dst(%dma_wait3A_17 : memref<640x128xf32, #tpu.memory_space<vmem_shared>>)
      tpu.yield
    }) : () -> ()
    %barrier3A = arith.constant 0 : index
    tpu.barrier barrier_id(%barrier3A)
    %mul3A_3 = arith.constant 79 : i32
    %mul3A_4 = arith.muli %add3A, %mul3A_3 : i32
    %scan3A = arith.constant 0 : i32
    %scan3A_5 = arith.constant 0 : i32
    %scan3A_6 = arith.constant 79 : i32
    %scan3A_7 = arith.addi %scan3A_5, %scan3A_6 : i32
    %scan3A_8 = arith.constant 1 : i32
    scf.for %scan3A_14 = %scan3A_5 to %scan3A_7 step %scan3A_8  : i32 {
      %add3A_15 = arith.addi %mul3A_4, %scan3A_14 : i32
      %mul3A_16 = arith.constant 128 : i32
      %mul3A_17 = arith.muli %add3A_15, %mul3A_16 : i32
      %multiple_of3A = tpu.assume_multiple %mul3A_17, 128 : i32
      "tpu.region"() ({
        %run_scoped3A = tpu.sem_alloc : memref<!tpu.dma_semaphore, #tpu.memory_space<semaphore_mem>>
        %dma_start3A_22 = tpu.memref_slice %arg2[%multiple_of3A] : memref<323584xi32, #tpu.memory_space<hbm>> -> memref<128xi32, #tpu.memory_space<hbm>>
        %dma_start3A_23 = tpu.memref_slice %arg2[%multiple_of3A] : memref<323584xi32, #tpu.memory_space<hbm>> -> memref<128xi32, #tpu.memory_space<hbm>>
        tpu.enqueue_dma source(%dma_start3A_23 : memref<128xi32, #tpu.memory_space<hbm>>) target(%arg7 : memref<128xi32, #tpu.memory_space<vmem>>) target_semaphore(%run_scoped3A : memref<!tpu.dma_semaphore, #tpu.memory_space<semaphore_mem>>)
        %dma_wait3A_24 = tpu.memref_slice %arg2[%multiple_of3A] : memref<323584xi32, #tpu.memory_space<hbm>> -> memref<128xi32, #tpu.memory_space<hbm>>
        %dma_wait3A_25 = tpu.memref_slice %arg2[%multiple_of3A] : memref<323584xi32, #tpu.memory_space<hbm>> -> memref<128xi32, #tpu.memory_space<hbm>>
        tpu.wait_dma2 semaphore(%run_scoped3A : memref<!tpu.dma_semaphore, #tpu.memory_space<semaphore_mem>>) src(%dma_wait3A_25 : memref<128xi32, #tpu.memory_space<hbm>>) dst(%arg7 : memref<128xi32, #tpu.memory_space<vmem>>)
        tpu.yield
      }) : () -> ()
      "tpu.region"() ({
        %run_scoped3A = tpu.sem_alloc : memref<!tpu.dma_semaphore, #tpu.memory_space<semaphore_mem>>
        %dma_start3A_22 = tpu.memref_slice %arg3[%multiple_of3A] : memref<323584xi32, #tpu.memory_space<hbm>> -> memref<128xi32, #tpu.memory_space<hbm>>
        %dma_start3A_23 = tpu.memref_slice %arg3[%multiple_of3A] : memref<323584xi32, #tpu.memory_space<hbm>> -> memref<128xi32, #tpu.memory_space<hbm>>
        tpu.enqueue_dma source(%dma_start3A_23 : memref<128xi32, #tpu.memory_space<hbm>>) target(%arg8 : memref<128xi32, #tpu.memory_space<vmem>>) target_semaphore(%run_scoped3A : memref<!tpu.dma_semaphore, #tpu.memory_space<semaphore_mem>>)
        %dma_wait3A_24 = tpu.memref_slice %arg3[%multiple_of3A] : memref<323584xi32, #tpu.memory_space<hbm>> -> memref<128xi32, #tpu.memory_space<hbm>>
        %dma_wait3A_25 = tpu.memref_slice %arg3[%multiple_of3A] : memref<323584xi32, #tpu.memory_space<hbm>> -> memref<128xi32, #tpu.memory_space<hbm>>
        tpu.wait_dma2 semaphore(%run_scoped3A : memref<!tpu.dma_semaphore, #tpu.memory_space<semaphore_mem>>) src(%dma_wait3A_25 : memref<128xi32, #tpu.memory_space<hbm>>) dst(%arg8 : memref<128xi32, #tpu.memory_space<vmem>>)
        tpu.yield
      }) : () -> ()
      %dma_start3A = arith.constant 0 : i32
      %dma_start3A_18 = arith.constant 0 : i32
      %dma_start3A_19 = tpu.memref_slice %arg4[%dma_start3A, %dma_start3A_18] : memref<10240x128xf32, #tpu.memory_space<hbm>> -> memref<10240x128xf32, #tpu.memory_space<hbm>>
      tpu.enqueue_indirect_dma source(%dma_start3A_19 : memref<10240x128xf32, #tpu.memory_space<hbm>>) target(%arg9 : memref<128x128xf32, #tpu.memory_space<vmem>>) offsets(%arg7 : memref<128xi32, #tpu.memory_space<vmem>>) semaphore(%arg11 : memref<!tpu.dma_semaphore, #tpu.memory_space<semaphore_mem>>)
      %dma_wait3A = arith.constant 0 : i32
      %dma_wait3A_20 = arith.constant 0 : i32
      %dma_wait3A_21 = tpu.memref_slice %arg4[%dma_wait3A, %dma_wait3A_20] : memref<10240x128xf32, #tpu.memory_space<hbm>> -> memref<10240x128xf32, #tpu.memory_space<hbm>>
      tpu.wait_indirect_dma semaphore(%arg11 : memref<!tpu.dma_semaphore, #tpu.memory_space<semaphore_mem>>) src(%dma_wait3A_21 : memref<10240x128xf32, #tpu.memory_space<hbm>>) dst(%arg9 : memref<128x128xf32, #tpu.memory_space<vmem>>)
      "tpu.region"() ({
        %run_scoped3A = tpu.sem_alloc : memref<!tpu.dma_semaphore, #tpu.memory_space<semaphore_mem>>
        %dma_start3A_22 = arith.constant 0 : i32
        %dma_start3A_23 = arith.constant 0 : i32
        %dma_start3A_24 = tpu.memref_slice %arg10[%dma_start3A_22, %dma_start3A_23] : memref<10240x128xf32, #tpu.memory_space<vmem_shared>> -> memref<10240x128xf32, #tpu.memory_space<vmem_shared>>
        tpu.enqueue_indirect_dma source(%arg9 : memref<128x128xf32, #tpu.memory_space<vmem>>) target(%dma_start3A_24 : memref<10240x128xf32, #tpu.memory_space<vmem_shared>>) offsets(%arg8 : memref<128xi32, #tpu.memory_space<vmem>>) semaphore(%run_scoped3A : memref<!tpu.dma_semaphore, #tpu.memory_space<semaphore_mem>>) {add = true}
        %dma_wait3A_25 = arith.constant 0 : i32
        %dma_wait3A_26 = arith.constant 0 : i32
        %dma_wait3A_27 = tpu.memref_slice %arg10[%dma_wait3A_25, %dma_wait3A_26] : memref<10240x128xf32, #tpu.memory_space<vmem_shared>> -> memref<10240x128xf32, #tpu.memory_space<vmem_shared>>
        tpu.wait_indirect_dma semaphore(%run_scoped3A : memref<!tpu.dma_semaphore, #tpu.memory_space<semaphore_mem>>) src(%arg9 : memref<128x128xf32, #tpu.memory_space<vmem>>) dst(%dma_wait3A_27 : memref<10240x128xf32, #tpu.memory_space<vmem_shared>>)
        tpu.yield
      }) : () -> ()
    }
    %scan3A_9 = arith.constant 79 : i32
    %barrier3A_10 = arith.constant 0 : index
    tpu.barrier barrier_id(%barrier3A_10)
    %mul3A_11 = arith.constant 10240 : i32
    %mul3A_12 = arith.muli %arg0, %mul3A_11 : i32
    %add3A_13 = arith.addi %mul3A_12, %mul3A_0 : i32
    "tpu.region"() ({
      %run_scoped3A = tpu.sem_alloc : memref<!tpu.dma_semaphore, #tpu.memory_space<semaphore_mem>>
      %dma_start3A = arith.constant 0 : i32
      %dma_start3A_14 = tpu.memref_slice %arg6[%add3A_13, %dma_start3A] : memref<20480x128xf32, #tpu.memory_space<hbm>> -> memref<640x128xf32, #tpu.memory_space<hbm>>
      %dma_start3A_15 = arith.constant 0 : i32
      %dma_start3A_16 = tpu.memref_slice %arg10[%mul3A_0, %dma_start3A_15] : memref<10240x128xf32, #tpu.memory_space<vmem_shared>> -> memref<640x128xf32, #tpu.memory_space<vmem_shared>>
      tpu.enqueue_dma source(%dma_start3A_16 : memref<640x128xf32, #tpu.memory_space<vmem_shared>>) target(%dma_start3A_14 : memref<640x128xf32, #tpu.memory_space<hbm>>) target_semaphore(%run_scoped3A : memref<!tpu.dma_semaphore, #tpu.memory_space<semaphore_mem>>)
      %dma_wait3A = arith.constant 0 : i32
      %dma_wait3A_17 = tpu.memref_slice %arg6[%add3A_13, %dma_wait3A] : memref<20480x128xf32, #tpu.memory_space<hbm>> -> memref<640x128xf32, #tpu.memory_space<hbm>>
      %dma_wait3A_18 = arith.constant 0 : i32
      %dma_wait3A_19 = tpu.memref_slice %arg10[%mul3A_0, %dma_wait3A_18] : memref<10240x128xf32, #tpu.memory_space<vmem_shared>> -> memref<640x128xf32, #tpu.memory_space<vmem_shared>>
      tpu.wait_dma2 semaphore(%run_scoped3A : memref<!tpu.dma_semaphore, #tpu.memory_space<semaphore_mem>>) src(%dma_wait3A_19 : memref<640x128xf32, #tpu.memory_space<vmem_shared>>) dst(%dma_wait3A_17 : memref<640x128xf32, #tpu.memory_space<hbm>>)
      tpu.yield
    }) : () -> ()
    return
  }
}

module attributes {stable_mosaic.version = 14 : i64} {
  func.func @_prologue_body(%arg0: i32, %arg1: memref<1x1xi32, #tpu.memory_space<vmem>>, %arg2: memref<1000x16xf32, #tpu.memory_space<vmem>>, %arg3: memref<1024x128xf32, #tpu.memory_space<vmem>>, %arg4: memref<144x128xf32, #tpu.memory_space<vmem>>, %arg5: memref<144x128xf32, #tpu.memory_space<vmem>>, %arg6: memref<1024x128xf32, #tpu.memory_space<vmem>>, %arg7: memref<1024x128xf32, #tpu.memory_space<vmem>>, %arg8: memref<1024x8xf32, #tpu.memory_space<vmem>>, %arg9: memref<1024x128xf32, #tpu.memory_space<vmem>>, %arg10: memref<1024x128xf32, #tpu.memory_space<vmem>>) attributes {dimension_semantics = [#tpu.dimension_semantics<arbitrary>], iteration_bounds = array<i64: 10>, scalar_prefetch = 0 : i64, scratch_operands = 0 : i64, tpu.core_type = #tpu.core_type<tc>, window_params = [{pipeline_mode = #tpu.pipeline_mode<synchronous>, transform_indices = @transform_0, window_bounds = array<i64: 1, 1>}, {pipeline_mode = #tpu.pipeline_mode<synchronous>, transform_indices = @transform_1, window_bounds = array<i64: 1000, 16>}, {transform_indices = @transform_2, window_bounds = array<i64: 1024, 128>}, {pipeline_mode = #tpu.pipeline_mode<synchronous>, transform_indices = @transform_3, window_bounds = array<i64: 144, 128>}, {pipeline_mode = #tpu.pipeline_mode<synchronous>, transform_indices = @transform_4, window_bounds = array<i64: 144, 128>}, {transform_indices = @transform_5, window_bounds = array<i64: 1024, 128>}, {transform_indices = @transform_6, window_bounds = array<i64: 1024, 128>}, {transform_indices = @transform_7, window_bounds = array<i64: 1024, 8>}, {transform_indices = @transform_8, window_bounds = array<i64: 1024, 128>}, {transform_indices = @transform_9, window_bounds = array<i64: 1024, 128>}]} {
    %get3A = arith.constant 0 : index
    %get3A_0 = arith.constant 0 : index
    %get3A_1 = vector.load %arg1[%get3A, %get3A_0] : memref<1x1xi32, #tpu.memory_space<vmem>>, vector<1x1xi32>
    %get3A_2 = vector.extract %get3A_1[0, 0] : i32 from vector<1x1xi32>
    %get3A_3 = arith.index_cast %get3A_2 : i32 to index
    %get3A_4 = arith.constant 0 : index
    %get3A_5 = vector.load %arg2[%get3A_3, %get3A_4] : memref<1000x16xf32, #tpu.memory_space<vmem>>, vector<1x16xf32>
    %get3A_6 = arith.constant 128 : index
    %get3A_7 = arith.constant 0 : index
    %get3A_8 = vector.load %arg4[%get3A_6, %get3A_7] : memref<144x128xf32, #tpu.memory_space<vmem>>, vector<16x128xf32>
    %dot_general3A = arith.constant dense<0.000000e+00> : vector<1x128xf32>
    %dot_general3A_9 = tpu.matmul %get3A_5, %get3A_8, %dot_general3A {dimension_numbers = #tpu.dot_dimension_numbers<[1], [0], [0], [1], [0, 0, 1, 1], [], []>, transpose_lhs_hint = false} : vector<1x16xf32>, vector<16x128xf32>, vector<1x128xf32> -> vector<1x128xf32>
    %get3A_10 = arith.constant 128 : index
    %get3A_11 = arith.constant 0 : index
    %get3A_12 = vector.load %arg5[%get3A_10, %get3A_11] : memref<144x128xf32, #tpu.memory_space<vmem>>, vector<16x128xf32>
    %dot_general3A_13 = arith.constant dense<0.000000e+00> : vector<1x128xf32>
    %dot_general3A_14 = tpu.matmul %get3A_5, %get3A_12, %dot_general3A_13 {dimension_numbers = #tpu.dot_dimension_numbers<[1], [0], [0], [1], [0, 0, 1, 1], [], []>, transpose_lhs_hint = false} : vector<1x16xf32>, vector<16x128xf32>, vector<1x128xf32> -> vector<1x128xf32>
    %get3A_15 = arith.constant 0 : index
    %get3A_16 = arith.constant 0 : index
    %get3A_17 = vector.load %arg6[%get3A_15, %get3A_16] : memref<1024x128xf32, #tpu.memory_space<vmem>>, vector<1024x1xf32>
    %get3A_18 = arith.constant 0 : index
    %get3A_19 = arith.constant 0 : index
    %get3A_20 = vector.load %arg7[%get3A_18, %get3A_19] : memref<1024x128xf32, #tpu.memory_space<vmem>>, vector<1024x1xf32>
    %add3A = arith.addf %get3A_17, %get3A_20 : vector<1024x1xf32>
    %add3A_21 = arith.constant 1.000000e+00 : f32
    %add3A_22 = vector.broadcast %add3A_21 : f32 to vector<1024x1xf32>
    %add3A_23 = arith.addf %add3A, %add3A_22 : vector<1024x1xf32>
    %rsqrt3A = math.rsqrt %add3A_23 : vector<1024x1xf32>
    %broadcast_in_dim3A = vector.shape_cast %rsqrt3A : vector<1024x1xf32> to vector<1024x1xf32>
    %broadcast_in_dim3A_24 = vector.broadcast %broadcast_in_dim3A : vector<1024x1xf32> to vector<1024x8xf32>
    %swap3A = arith.constant 0 : index
    %swap3A_25 = arith.constant 0 : index
    %swap3A_26 = vector.load %arg8[%swap3A, %swap3A_25] : memref<1024x8xf32, #tpu.memory_space<vmem>>, vector<1024x8xf32>
    tpu.vector_store %arg8[%swap3A, %swap3A_25], %broadcast_in_dim3A_24 {strides = array<i32>} : memref<1024x8xf32, #tpu.memory_space<vmem>>, vector<1024x8xf32>,
    %get3A_27 = arith.constant 0 : index
    %get3A_28 = arith.constant 0 : index
    %get3A_29 = vector.load %arg3[%get3A_27, %get3A_28] : memref<1024x128xf32, #tpu.memory_space<vmem>>, vector<1024x128xf32>
    %get3A_30 = arith.constant 0 : index
    %get3A_31 = arith.constant 0 : index
    %get3A_32 = vector.load %arg4[%get3A_30, %get3A_31] : memref<144x128xf32, #tpu.memory_space<vmem>>, vector<128x128xf32>
    %dot_general3A_33 = arith.constant dense<0.000000e+00> : vector<1024x128xf32>
    %dot_general3A_34 = tpu.matmul %get3A_29, %get3A_32, %dot_general3A_33 {dimension_numbers = #tpu.dot_dimension_numbers<[1], [0], [0], [1], [0, 0, 1, 1], [], []>, transpose_lhs_hint = false} : vector<1024x128xf32>, vector<128x128xf32>, vector<1024x128xf32> -> vector<1024x128xf32>
    %add3A_35 = vector.broadcast %dot_general3A_9 : vector<1x128xf32> to vector<1024x128xf32>
    %add3A_36 = arith.addf %dot_general3A_34, %add3A_35 : vector<1024x128xf32>
    %swap3A_37 = arith.constant 0 : index
    %swap3A_38 = arith.constant 0 : index
    %swap3A_39 = vector.load %arg9[%swap3A_37, %swap3A_38] : memref<1024x128xf32, #tpu.memory_space<vmem>>, vector<1024x128xf32>
    tpu.vector_store %arg9[%swap3A_37, %swap3A_38], %add3A_36 {strides = array<i32>} : memref<1024x128xf32, #tpu.memory_space<vmem>>, vector<1024x128xf32>,
    %get3A_40 = arith.constant 0 : index
    %get3A_41 = arith.constant 0 : index
    %get3A_42 = vector.load %arg5[%get3A_40, %get3A_41] : memref<144x128xf32, #tpu.memory_space<vmem>>, vector<128x128xf32>
    %dot_general3A_43 = arith.constant dense<0.000000e+00> : vector<1024x128xf32>
    %dot_general3A_44 = tpu.matmul %get3A_29, %get3A_42, %dot_general3A_43 {dimension_numbers = #tpu.dot_dimension_numbers<[1], [0], [0], [1], [0, 0, 1, 1], [], []>, transpose_lhs_hint = false} : vector<1024x128xf32>, vector<128x128xf32>, vector<1024x128xf32> -> vector<1024x128xf32>
    %add3A_45 = vector.broadcast %dot_general3A_14 : vector<1x128xf32> to vector<1024x128xf32>
    %add3A_46 = arith.addf %dot_general3A_44, %add3A_45 : vector<1024x128xf32>
    %mul3A = vector.broadcast %rsqrt3A : vector<1024x1xf32> to vector<1024x128xf32>
    %mul3A_47 = arith.mulf %add3A_46, %mul3A : vector<1024x128xf32>
    %swap3A_48 = arith.constant 0 : index
    %swap3A_49 = arith.constant 0 : index
    %swap3A_50 = vector.load %arg10[%swap3A_48, %swap3A_49] : memref<1024x128xf32, #tpu.memory_space<vmem>>, vector<1024x128xf32>
    tpu.vector_store %arg10[%swap3A_48, %swap3A_49], %mul3A_47 {strides = array<i32>} : memref<1024x128xf32, #tpu.memory_space<vmem>>, vector<1024x128xf32>,
    return
  }
  func.func @transform_0(%arg0: i32) -> (i32, i32) {
    %c0_i32 = arith.constant 0 : i32
    %c0_i32_0 = arith.constant 0 : i32
    %c0_i32_1 = arith.constant 0 : i32
    return %c0_i32, %c0_i32_0 : i32, i32
  }
  func.func @transform_1(%arg0: i32) -> (i32, i32) {
    %c0_i32 = arith.constant 0 : i32
    %c0_i32_0 = arith.constant 0 : i32
    %c0_i32_1 = arith.constant 0 : i32
    return %c0_i32, %c0_i32_0 : i32, i32
  }
  func.func @transform_2(%arg0: i32) -> (i32, i32) {
    %c0_i32 = arith.constant 0 : i32
    %c0_i32_0 = arith.constant 0 : i32
    return %arg0, %c0_i32 : i32, i32
  }
  func.func @transform_3(%arg0: i32) -> (i32, i32) {
    %c0_i32 = arith.constant 0 : i32
    %c0_i32_0 = arith.constant 0 : i32
    %c0_i32_1 = arith.constant 0 : i32
    return %c0_i32, %c0_i32_0 : i32, i32
  }
  func.func @transform_4(%arg0: i32) -> (i32, i32) {
    %c0_i32 = arith.constant 0 : i32
    %c0_i32_0 = arith.constant 0 : i32
    %c0_i32_1 = arith.constant 0 : i32
    return %c0_i32, %c0_i32_0 : i32, i32
  }
  func.func @transform_5(%arg0: i32) -> (i32, i32) {
    %c0_i32 = arith.constant 0 : i32
    %c0_i32_0 = arith.constant 0 : i32
    return %arg0, %c0_i32 : i32, i32
  }
  func.func @transform_6(%arg0: i32) -> (i32, i32) {
    %c0_i32 = arith.constant 0 : i32
    %c0_i32_0 = arith.constant 0 : i32
    return %arg0, %c0_i32 : i32, i32
  }
  func.func @transform_7(%arg0: i32) -> (i32, i32) {
    %c0_i32 = arith.constant 0 : i32
    %c0_i32_0 = arith.constant 0 : i32
    return %arg0, %c0_i32 : i32, i32
  }
  func.func @transform_8(%arg0: i32) -> (i32, i32) {
    %c0_i32 = arith.constant 0 : i32
    %c0_i32_0 = arith.constant 0 : i32
    return %arg0, %c0_i32 : i32, i32
  }
  func.func @transform_9(%arg0: i32) -> (i32, i32) {
    %c0_i32 = arith.constant 0 : i32
    %c0_i32_0 = arith.constant 0 : i32
    return %arg0, %c0_i32 : i32, i32
  }
}

module attributes {stable_mosaic.version = 14 : i64} {
  func.func @_combine_body(%arg0: i32, %arg1: memref<1024x128xf32, #tpu.memory_space<vmem>>, %arg2: memref<1024x128xf32, #tpu.memory_space<vmem>>, %arg3: memref<1024x128xf32, #tpu.memory_space<vmem>>, %arg4: memref<1024x128xf32, #tpu.memory_space<vmem>>, %arg5: memref<1024x8xf32, #tpu.memory_space<vmem>>, %arg6: memref<2x128xf32, #tpu.memory_space<vmem>>, %arg7: memref<128x128xf32, #tpu.memory_space<vmem>>, %arg8: memref<128x128xf32, #tpu.memory_space<vmem>>, %arg9: memref<1024x128xf32, #tpu.memory_space<vmem>>, %arg10: memref<1024x128xf32, #tpu.memory_space<vmem>>) attributes {dimension_semantics = [#tpu.dimension_semantics<arbitrary>], iteration_bounds = array<i64: 10>, scalar_prefetch = 0 : i64, scratch_operands = 0 : i64, tpu.core_type = #tpu.core_type<tc>, window_params = [{transform_indices = @transform_0, window_bounds = array<i64: 1024, 128>}, {transform_indices = @transform_1, window_bounds = array<i64: 1024, 128>}, {transform_indices = @transform_2, window_bounds = array<i64: 1024, 128>}, {transform_indices = @transform_3, window_bounds = array<i64: 1024, 128>}, {transform_indices = @transform_4, window_bounds = array<i64: 1024, 8>}, {pipeline_mode = #tpu.pipeline_mode<synchronous>, transform_indices = @transform_5, window_bounds = array<i64: 2, 128>}, {pipeline_mode = #tpu.pipeline_mode<synchronous>, transform_indices = @transform_6, window_bounds = array<i64: 128, 128>}, {pipeline_mode = #tpu.pipeline_mode<synchronous>, transform_indices = @transform_7, window_bounds = array<i64: 128, 128>}, {transform_indices = @transform_8, window_bounds = array<i64: 1024, 128>}, {transform_indices = @transform_9, window_bounds = array<i64: 1024, 128>}]} {
    %get3A = arith.constant 0 : index
    %get3A_0 = arith.constant 0 : index
    %get3A_1 = vector.load %arg5[%get3A, %get3A_0] : memref<1024x8xf32, #tpu.memory_space<vmem>>, vector<1024x1xf32>
    %get3A_2 = arith.constant 0 : index
    %get3A_3 = arith.constant 0 : index
    %get3A_4 = vector.load %arg2[%get3A_2, %get3A_3] : memref<1024x128xf32, #tpu.memory_space<vmem>>, vector<1024x128xf32>
    %get3A_5 = arith.constant 0 : index
    %get3A_6 = arith.constant 0 : index
    %get3A_7 = vector.load %arg3[%get3A_5, %get3A_6] : memref<1024x128xf32, #tpu.memory_space<vmem>>, vector<1024x128xf32>
    %add3A = arith.addf %get3A_4, %get3A_7 : vector<1024x128xf32>
    %get3A_8 = arith.constant 0 : index
    %get3A_9 = arith.constant 0 : index
    %get3A_10 = vector.load %arg4[%get3A_8, %get3A_9] : memref<1024x128xf32, #tpu.memory_space<vmem>>, vector<1024x128xf32>
    %add3A_11 = arith.addf %add3A, %get3A_10 : vector<1024x128xf32>
    %mul3A = vector.broadcast %get3A_1 : vector<1024x1xf32> to vector<1024x128xf32>
    %mul3A_12 = arith.mulf %mul3A, %add3A_11 : vector<1024x128xf32>
    %get3A_13 = arith.constant 0 : index
    %get3A_14 = arith.constant 0 : index
    %get3A_15 = vector.load %arg1[%get3A_13, %get3A_14] : memref<1024x128xf32, #tpu.memory_space<vmem>>, vector<1024x128xf32>
    %add3A_16 = arith.addf %get3A_15, %mul3A_12 : vector<1024x128xf32>
    %get3A_17 = arith.constant 0 : index
    %get3A_18 = arith.constant 0 : index
    %get3A_19 = vector.load %arg6[%get3A_17, %get3A_18] : memref<2x128xf32, #tpu.memory_space<vmem>>, vector<1x128xf32>
    %add3A_20 = vector.broadcast %get3A_19 : vector<1x128xf32> to vector<1024x128xf32>
    %add3A_21 = arith.addf %add3A_16, %add3A_20 : vector<1024x128xf32>
    %get3A_22 = arith.constant 1 : index
    %get3A_23 = arith.constant 0 : index
    %get3A_24 = vector.load %arg6[%get3A_22, %get3A_23] : memref<2x128xf32, #tpu.memory_space<vmem>>, vector<1x128xf32>
    %add3A_25 = vector.broadcast %get3A_24 : vector<1x128xf32> to vector<1024x128xf32>
    %add3A_26 = arith.addf %add3A_21, %add3A_25 : vector<1024x128xf32>
    %max3A = arith.constant 0.000000e+00 : f32
    %max3A_27 = vector.broadcast %max3A : f32 to vector<1024x128xf32>
    %max3A_28 = arith.maximumf %add3A_26, %max3A_27 : vector<1024x128xf32>
    %get3A_29 = arith.constant 0 : index
    %get3A_30 = arith.constant 0 : index
    %get3A_31 = vector.load %arg7[%get3A_29, %get3A_30] : memref<128x128xf32, #tpu.memory_space<vmem>>, vector<128x128xf32>
    %dot_general3A = arith.constant dense<0.000000e+00> : vector<1024x128xf32>
    %dot_general3A_32 = tpu.matmul %max3A_28, %get3A_31, %dot_general3A {dimension_numbers = #tpu.dot_dimension_numbers<[1], [0], [0], [1], [0, 0, 1, 1], [], []>, transpose_lhs_hint = false} : vector<1024x128xf32>, vector<128x128xf32>, vector<1024x128xf32> -> vector<1024x128xf32>
    %swap3A = arith.constant 0 : index
    %swap3A_33 = arith.constant 0 : index
    %swap3A_34 = vector.load %arg9[%swap3A, %swap3A_33] : memref<1024x128xf32, #tpu.memory_space<vmem>>, vector<1024x128xf32>
    tpu.vector_store %arg9[%swap3A, %swap3A_33], %dot_general3A_32 {strides = array<i32>} : memref<1024x128xf32, #tpu.memory_space<vmem>>, vector<1024x128xf32>,
    %get3A_35 = arith.constant 0 : index
    %get3A_36 = arith.constant 0 : index
    %get3A_37 = vector.load %arg8[%get3A_35, %get3A_36] : memref<128x128xf32, #tpu.memory_space<vmem>>, vector<128x128xf32>
    %dot_general3A_38 = arith.constant dense<0.000000e+00> : vector<1024x128xf32>
    %dot_general3A_39 = tpu.matmul %max3A_28, %get3A_37, %dot_general3A_38 {dimension_numbers = #tpu.dot_dimension_numbers<[1], [0], [0], [1], [0, 0, 1, 1], [], []>, transpose_lhs_hint = false} : vector<1024x128xf32>, vector<128x128xf32>, vector<1024x128xf32> -> vector<1024x128xf32>
    %mul3A_40 = vector.broadcast %get3A_1 : vector<1024x1xf32> to vector<1024x128xf32>
    %mul3A_41 = arith.mulf %dot_general3A_39, %mul3A_40 : vector<1024x128xf32>
    %swap3A_42 = arith.constant 0 : index
    %swap3A_43 = arith.constant 0 : index
    %swap3A_44 = vector.load %arg10[%swap3A_42, %swap3A_43] : memref<1024x128xf32, #tpu.memory_space<vmem>>, vector<1024x128xf32>
    tpu.vector_store %arg10[%swap3A_42, %swap3A_43], %mul3A_41 {strides = array<i32>} : memref<1024x128xf32, #tpu.memory_space<vmem>>, vector<1024x128xf32>,
    return
  }
  func.func @transform_0(%arg0: i32) -> (i32, i32) {
    %c0_i32 = arith.constant 0 : i32
    %c0_i32_0 = arith.constant 0 : i32
    return %arg0, %c0_i32 : i32, i32
  }
  func.func @transform_1(%arg0: i32) -> (i32, i32) {
    %c0_i32 = arith.constant 0 : i32
    %c0_i32_0 = arith.constant 0 : i32
    return %arg0, %c0_i32 : i32, i32
  }
  func.func @transform_2(%arg0: i32) -> (i32, i32) {
    %c0_i32 = arith.constant 0 : i32
    %c0_i32_0 = arith.constant 0 : i32
    return %arg0, %c0_i32 : i32, i32
  }
  func.func @transform_3(%arg0: i32) -> (i32, i32) {
    %c0_i32 = arith.constant 0 : i32
    %c0_i32_0 = arith.constant 0 : i32
    return %arg0, %c0_i32 : i32, i32
  }
  func.func @transform_4(%arg0: i32) -> (i32, i32) {
    %c0_i32 = arith.constant 0 : i32
    %c0_i32_0 = arith.constant 0 : i32
    return %arg0, %c0_i32 : i32, i32
  }
  func.func @transform_5(%arg0: i32) -> (i32, i32) {
    %c0_i32 = arith.constant 0 : i32
    %c0_i32_0 = arith.constant 0 : i32
    %c0_i32_1 = arith.constant 0 : i32
    return %c0_i32, %c0_i32_0 : i32, i32
  }
  func.func @transform_6(%arg0: i32) -> (i32, i32) {
    %c0_i32 = arith.constant 0 : i32
    %c0_i32_0 = arith.constant 0 : i32
    %c0_i32_1 = arith.constant 0 : i32
    return %c0_i32, %c0_i32_0 : i32, i32
  }
  func.func @transform_7(%arg0: i32) -> (i32, i32) {
    %c0_i32 = arith.constant 0 : i32
    %c0_i32_0 = arith.constant 0 : i32
    %c0_i32_1 = arith.constant 0 : i32
    return %c0_i32, %c0_i32_0 : i32, i32
  }
  func.func @transform_8(%arg0: i32) -> (i32, i32) {
    %c0_i32 = arith.constant 0 : i32
    %c0_i32_0 = arith.constant 0 : i32
    return %arg0, %c0_i32 : i32, i32
  }
  func.func @transform_9(%arg0: i32) -> (i32, i32) {
    %c0_i32 = arith.constant 0 : i32
    %c0_i32_0 = arith.constant 0 : i32
    return %arg0, %c0_i32 : i32, i32
  }
}

module attributes {stable_mosaic.version = 14 : i64} {
  func.func @_final_body(%arg0: i32, %arg1: memref<1024x128xf32, #tpu.memory_space<vmem>>, %arg2: memref<1024x128xf32, #tpu.memory_space<vmem>>, %arg3: memref<1024x128xf32, #tpu.memory_space<vmem>>, %arg4: memref<1024x128xf32, #tpu.memory_space<vmem>>, %arg5: memref<1024x8xf32, #tpu.memory_space<vmem>>, %arg6: memref<2x128xf32, #tpu.memory_space<vmem>>, %arg7: memref<1024x128xf32, #tpu.memory_space<vmem>>) attributes {dimension_semantics = [#tpu.dimension_semantics<arbitrary>], iteration_bounds = array<i64: 10>, scalar_prefetch = 0 : i64, scratch_operands = 0 : i64, tpu.core_type = #tpu.core_type<tc>, window_params = [{transform_indices = @transform_0, window_bounds = array<i64: 1024, 128>}, {transform_indices = @transform_1, window_bounds = array<i64: 1024, 128>}, {transform_indices = @transform_2, window_bounds = array<i64: 1024, 128>}, {transform_indices = @transform_3, window_bounds = array<i64: 1024, 128>}, {transform_indices = @transform_4, window_bounds = array<i64: 1024, 8>}, {pipeline_mode = #tpu.pipeline_mode<synchronous>, transform_indices = @transform_5, window_bounds = array<i64: 2, 128>}, {transform_indices = @transform_6, window_bounds = array<i64: 1024, 128>}]} {
    %get3A = arith.constant 0 : index
    %get3A_0 = arith.constant 0 : index
    %get3A_1 = vector.load %arg5[%get3A, %get3A_0] : memref<1024x8xf32, #tpu.memory_space<vmem>>, vector<1024x1xf32>
    %get3A_2 = arith.constant 0 : index
    %get3A_3 = arith.constant 0 : index
    %get3A_4 = vector.load %arg2[%get3A_2, %get3A_3] : memref<1024x128xf32, #tpu.memory_space<vmem>>, vector<1024x128xf32>
    %get3A_5 = arith.constant 0 : index
    %get3A_6 = arith.constant 0 : index
    %get3A_7 = vector.load %arg3[%get3A_5, %get3A_6] : memref<1024x128xf32, #tpu.memory_space<vmem>>, vector<1024x128xf32>
    %add3A = arith.addf %get3A_4, %get3A_7 : vector<1024x128xf32>
    %get3A_8 = arith.constant 0 : index
    %get3A_9 = arith.constant 0 : index
    %get3A_10 = vector.load %arg4[%get3A_8, %get3A_9] : memref<1024x128xf32, #tpu.memory_space<vmem>>, vector<1024x128xf32>
    %add3A_11 = arith.addf %add3A, %get3A_10 : vector<1024x128xf32>
    %mul3A = vector.broadcast %get3A_1 : vector<1024x1xf32> to vector<1024x128xf32>
    %mul3A_12 = arith.mulf %mul3A, %add3A_11 : vector<1024x128xf32>
    %get3A_13 = arith.constant 0 : index
    %get3A_14 = arith.constant 0 : index
    %get3A_15 = vector.load %arg1[%get3A_13, %get3A_14] : memref<1024x128xf32, #tpu.memory_space<vmem>>, vector<1024x128xf32>
    %add3A_16 = arith.addf %get3A_15, %mul3A_12 : vector<1024x128xf32>
    %get3A_17 = arith.constant 0 : index
    %get3A_18 = arith.constant 0 : index
    %get3A_19 = vector.load %arg6[%get3A_17, %get3A_18] : memref<2x128xf32, #tpu.memory_space<vmem>>, vector<1x128xf32>
    %add3A_20 = vector.broadcast %get3A_19 : vector<1x128xf32> to vector<1024x128xf32>
    %add3A_21 = arith.addf %add3A_16, %add3A_20 : vector<1024x128xf32>
    %get3A_22 = arith.constant 1 : index
    %get3A_23 = arith.constant 0 : index
    %get3A_24 = vector.load %arg6[%get3A_22, %get3A_23] : memref<2x128xf32, #tpu.memory_space<vmem>>, vector<1x128xf32>
    %add3A_25 = vector.broadcast %get3A_24 : vector<1x128xf32> to vector<1024x128xf32>
    %add3A_26 = arith.addf %add3A_21, %add3A_25 : vector<1024x128xf32>
    %max3A = arith.constant 0.000000e+00 : f32
    %max3A_27 = vector.broadcast %max3A : f32 to vector<1024x128xf32>
    %max3A_28 = arith.maximumf %add3A_26, %max3A_27 : vector<1024x128xf32>
    %swap3A = arith.constant 0 : index
    %swap3A_29 = arith.constant 0 : index
    %swap3A_30 = vector.load %arg7[%swap3A, %swap3A_29] : memref<1024x128xf32, #tpu.memory_space<vmem>>, vector<1024x128xf32>
    tpu.vector_store %arg7[%swap3A, %swap3A_29], %max3A_28 {strides = array<i32>} : memref<1024x128xf32, #tpu.memory_space<vmem>>, vector<1024x128xf32>,
    return
  }
  func.func @transform_0(%arg0: i32) -> (i32, i32) {
    %c0_i32 = arith.constant 0 : i32
    %c0_i32_0 = arith.constant 0 : i32
    return %arg0, %c0_i32 : i32, i32
  }
  func.func @transform_1(%arg0: i32) -> (i32, i32) {
    %c0_i32 = arith.constant 0 : i32
    %c0_i32_0 = arith.constant 0 : i32
    return %arg0, %c0_i32 : i32, i32
  }
  func.func @transform_2(%arg0: i32) -> (i32, i32) {
    %c0_i32 = arith.constant 0 : i32
    %c0_i32_0 = arith.constant 0 : i32
    return %arg0, %c0_i32 : i32, i32
  }
  func.func @transform_3(%arg0: i32) -> (i32, i32) {
    %c0_i32 = arith.constant 0 : i32
    %c0_i32_0 = arith.constant 0 : i32
    return %arg0, %c0_i32 : i32, i32
  }
  func.func @transform_4(%arg0: i32) -> (i32, i32) {
    %c0_i32 = arith.constant 0 : i32
    %c0_i32_0 = arith.constant 0 : i32
    return %arg0, %c0_i32 : i32, i32
  }
  func.func @transform_5(%arg0: i32) -> (i32, i32) {
    %c0_i32 = arith.constant 0 : i32
    %c0_i32_0 = arith.constant 0 : i32
    %c0_i32_1 = arith.constant 0 : i32
    return %c0_i32, %c0_i32_0 : i32, i32
  }
  func.func @transform_6(%arg0: i32) -> (i32, i32) {
    %c0_i32 = arith.constant 0 : i32
    %c0_i32_0 = arith.constant 0 : i32
    return %arg0, %c0_i32 : i32, i32
  }
}

</mosaic_0001>

<sc_bundles>
// kernel: kernel.22.cloned.1.call-start
scs
__scs_entry_jumppad:
0x0: {  	(pc) =	sbr.rel $0x88, $3  }
0x1: {  	(tag) =	ssettag $0x0;
	lr =	simm.s32 $0x1  }
0x2: {  	[smem:$0x3F82] =	sst lr;
	_ =	strace $0xD0000000  }
0x3: {  	_ = 	snop  }
0x4: {  	_ = 	snop  }
0x5: {  	_ = 	snop  }
0x6: {  	_ = 	snop  }
0x7: {  	_ = 	snop  }
__scs_overlays_trampoline_lowered:
0x8: {  	[smem:$0x3F91] =	sst s0  }
0x9: {  	[smem:$0x3F92] =	sst s1  }
0xa: {  	[smem:$0x3F93] =	sst s2  }
0xb: {  	[smem:$0x3F94] =	sst s3  }
0xc: {  	[smem:$0x3F95] =	sst s4  }
0xd: {  	[smem:$0x3F96] =	sst s5  }
0xe: {  	[smem:$0x3F97] =	sst s6  }
0xf: {  	[smem:$0x3F98] =	sst s7  }
0x10: {  	[smem:$0x3F99] =	sst s8  }
0x11: {  	[smem:$0x3F9A] =	sst s9;
	s0 =	simm.s32 @!p0 $0x0  }
0x12: {  	s1 =	sld [smem:$0x3F80];
	s0 =	simm.s32 @p0 $0x1  }
0x13: {  	[smem:$0x3F9B] =	sst s0;
	s0 =	simm.s32 @!p1 $0x0  }
0x14: {  	s2 =	sld [smem:$0x3F7F];
	s0 =	simm.s32 @p1 $0x1  }
0x15: {  	[smem:$0x3F9C] =	sst s0;
	s0 =	simm.s32 @!p2 $0x0  }
0x16: {  	s3 =	sld [smem:$0x3FDB];
	s0 =	simm.s32 @p2 $0x1  }
0x17: {  	s4 =	simm.s32 $0x1BF5;
	[smem:$0x3F9E] =	sst s0  }
0x18: {  	s0 =	sld [smem:$0x3F81];
	_ =	swait.ge [sflag:s4], $0x0  }
0x19: {  	s7 =	sld [smem:$0x3F82]  }
0x1a: {  	s8 =	sadd.s32 $0xFFFFE003, lr  }
0x1b: {  	s9 =	sadd.s32 $0xFFFFFEF7, lr;
	s5 =	simm.s32 $0xFFFFFFFF;
	p2 =	slt.u32 s8, $0xFFFFF086  }
0x1c: {  	p1 =	slt.u32 s9, $0xF7A;
	s5 =	simm.s32 @!p2 $0x0  }
0x1d: {  	s5 =	simm.s32 @p1 $0x1;
	p0 =	seq.s32 s7, s2  }
0x1e: {  	s7 =	smul.u32 @!p0 $0xF7A, s2;
	p2 =	seq.s32 @!p0 s5, $0x0  }
0x1f: {  	s9 =	smul.u32 $0xF7A, s1;
	s8 =	simm.s32 @!p0 $0x1BF5;
	p2 =	por !p2, p0  }
0x20: {  	[sflag:s8] =	ssyncset.s32 @!p0 $0xFFFFF086;
	s6 =	sadd.s32 @!p0 s3, s7;
	s7 =	simm.s32 @!p0 $0x108  }
0x21: {  	s3 =	sadd.s32 s3, s9;
	s6 =	sadd.s32 @!p0 $0x88, s6;
	s7 =	simm.s32 @p2 $0x1082  }
0x22: {  	[simem:s7], [sflag:s8] =	dma.local @!p0 [hbm:s6], $0xF7A  }
0x23: {  	s9 =	sor.u32 $0xD0000000, s2;
	s6 =	simm.s32 $0x108;
	_ =	swait.ge @!p0 [sflag:s8], $0x0  }
0x24: {  	s3 =	sadd.s32 $0x88, s3;
	s6 =	simm.s32 @!p1 $0x1082;
	[sflag:s4] =	ssyncset.s32 $0xFFFFF086  }
0x25: {  	[simem:s6], [sflag:s4] =	dma.local [hbm:s3], $0xF7A  }
0x26: {  	[smem:$0x3F82] =	sst s1;
	(tag) =	ssettag s2;
	_ =	strace s9  }
0x27: {  	s1 =	sld [smem:$0x3F92]  }
0x28: {  	s2 =	sld [smem:$0x3F93]  }
0x29: {  	s4 =	sld [smem:$0x3F95]  }
0x2a: {  	p0 =	seq.s32 s5, $0x0;
	s5 =	sld [smem:$0x3F96]  }
0x2b: {  	s6 =	sld [smem:$0x3F97]  }
0x2c: {  	s7 =	sld [smem:$0x3F98]  }
0x2d: {  	s3 =	simm.s32 $0x108;
	s8 =	sld [smem:$0x3F99]  }
0x2e: {  	s3 =	simm.s32 @!p0 $0x1082;
	s9 =	sld [smem:$0x3F9A]  }
0x2f: {  	lr =	sadd.s32 s0, s3;
	s0 =	sld [smem:$0x3F91]  }
0x30: {  	s3 =	sld [smem:$0x3F94]  }
0x31: {  	[smem:$0x3F9D] =	sst s10  }
0x32: {  	s10 =	sld [smem:$0x3F9B];
	_ =	sdelay $0x3  }
0x33: {  	p0 =	seq.s32 s10, $0x1;
	s10 =	sld [smem:$0x3F9D];
	_ =	sdelay $0x3  }
0x34: {  	[smem:$0x3F9D] =	sst s10  }
0x35: {  	s10 =	sld [smem:$0x3F9C];
	_ =	sdelay $0x3  }
0x36: {  	p1 =	seq.s32 s10, $0x1;
	s10 =	sld [smem:$0x3F9D];
	_ =	sdelay $0x3  }
0x37: {  	[smem:$0x3F9D] =	sst s10  }
0x38: {  	s10 =	sld [smem:$0x3F9E]  }
0x39: {  	_ = 	snop;
	(pc) =	sbr.ind lr, $3  }
0x3a: {  	_ = 	snop  }
0x3b: {  	_ = 	snop  }
0x3c: {  	p2 =	seq.s32 s10, $0x1;
	s10 =	sld [smem:$0x3F9D]  }
0x3d: {  	_ =	shalt  }
0x3e: {  	_ =	shalt  }
0x3f: {  	_ =	shalt  }
0x40: {  	_ =	shalt  }
0x41: {  	_ =	shalt  }
0x42: {  	_ =	shalt  }
0x43: {  	_ =	shalt  }
0x44: {  	_ =	shalt  }
0x45: {  	_ =	shalt  }
0x46: {  	_ =	shalt  }
0x47: {  	_ =	shalt  }
0x48: {  	_ =	shalt  }
0x49: {  	_ =	shalt  }
0x4a: {  	_ =	shalt  }
0x4b: {  	_ =	shalt  }
0x4c: {  	_ =	shalt  }
0x4d: {  	_ =	shalt  }
0x4e: {  	_ =	shalt  }
0x4f: {  	_ =	shalt  }
0x50: {  	_ =	shalt  }
0x51: {  	_ =	shalt  }
0x52: {  	_ =	shalt  }
0x53: {  	_ =	shalt  }
0x54: {  	_ =	shalt  }
0x55: {  	_ =	shalt  }
0x56: {  	_ =	shalt  }
0x57: {  	_ =	shalt  }
0x58: {  	_ =	shalt  }
0x59: {  	_ =	shalt  }
0x5a: {  	_ =	shalt  }
0x5b: {  	_ =	shalt  }
0x5c: {  	_ =	shalt  }
0x5d: {  	_ =	shalt  }
0x5e: {  	_ =	shalt  }
0x5f: {  	_ =	shalt  }
0x60: {  	_ =	shalt  }
0x61: {  	_ =	shalt  }
0x62: {  	_ =	shalt  }
0x63: {  	_ =	shalt  }
0x64: {  	_ =	shalt  }
0x65: {  	_ =	shalt  }
0x66: {  	_ =	shalt  }
0x67: {  	_ =	shalt  }
0x68: {  	_ =	shalt  }
0x69: {  	_ =	shalt  }
0x6a: {  	_ =	shalt  }
0x6b: {  	_ =	shalt  }
0x6c: {  	_ =	shalt  }
0x6d: {  	_ =	shalt  }
0x6e: {  	_ =	shalt  }
0x6f: {  	_ =	shalt  }
0x70: {  	_ =	shalt  }
0x71: {  	_ =	shalt  }
0x72: {  	_ =	shalt  }
0x73: {  	_ =	shalt  }
0x74: {  	_ =	shalt  }
0x75: {  	_ =	shalt  }
0x76: {  	_ =	shalt  }
0x77: {  	_ =	shalt  }
0x78: {  	_ =	shalt  }
0x79: {  	_ =	shalt  }
0x7a: {  	_ =	shalt  }
0x7b: {  	_ =	shalt  }
0x7c: {  	_ =	shalt  }
0x7d: {  	_ =	shalt  }
0x7e: {  	_ =	shalt  }
0x7f: {  	_ =	shalt  }
0x80: {  	_ =	shalt  }
0x81: {  	_ =	shalt  }
0x82: {  	_ =	shalt  }
0x83: {  	_ =	shalt  }
0x84: {  	_ =	shalt  }
0x85: {  	_ =	shalt  }
0x86: {  	_ =	shalt  }
0x87: {  	_ =	shalt  }
.Lfunc_end0:
.L_simem_size_0:
called_computation_lowered:
.L_overlay_start_0:
0x88: {  	s2 =	sld [smem:$0x3FD9]  }
0x89: {  	s3 =	sld [smem:$0x3FFE];
	_ =	sdelay $0x1  }
0x8a: {  	s1 =	srdreg.scid  }
0x8b: {  	s0 =	sand.u32 $0x1, s1  }
0x8c: {  	s17 =	sshll.u32 s0, $0xA;
	s2 =	sadd.s32 s3, s2  }
0x8d: {  	s2 =	sadd.s32 s2, s17  }
0x8e: {  	[smem:$0x3FA9] =	sst s2  }
0x8f: {  	_ = 	snop  }
0x90: {  	s2 =	sld [smem:$0x3FD0];
	(tm) =	ssettm $0x1  }
0x91: {  	s18 =	sld [smem:$0x3FFB];
	_ =	sdelay $0x3  }
0x92: {  	_ =	strace s18  }
0x93: {  	s3 =	sld [smem:$0x3FFC];
	_ =	sdelay $0x3  }
0x94: {  	_ =	strace s3  }
0x95: {  	s3 =	sld [smem:$0x3FFD];
	_ =	sdelay $0x3  }
0x96: {  	_ =	strace s3  }
0x97: {  	_ =	strace $0x8FFFFFFF  }
0x98: {  	s19 =	sld [smem:$0x3FDB];
	_ =	sdelay $0x1  }
0x99: {  	s4 =	simm.s32 $_scs_section_size  }
0x9a: {  	s5 =	simm.s32 $_size__tile_overlayer_lowered;
	s6 =	simm.s32 $_tile_overlayer_lowered  }
0x9b: {  	s22 =	simm.s32 $0x1BFF;
	s21 =	sshll.u32 s6, $0x1;
	s3 =	sadd.s32 s4, s19  }
0x9c: {  	s7 =	simm.s32 $0x0;
	s20 =	sshll.u32 s5, $0x1;
	s5 =	sadd.s32 s21, s3  }
0x9d: {  	[timem:s7], [sflag:s22] =	dma.local [hbm:s5], s20  }
0x9e: {  	_ =	swait.ge [sflag:s22], s20  }
0x9f: {  	s4 =	ssub.s32 $0x0, s20;
	[sflag:s22] =	ssyncset.done $0x0  }
0xa0: {  	[sflag:s22] =	ssyncadd.s32 s4;
	_ =	sdelay $0x1  }
0xa1: {  	s23 =	simm.s32 $0x1B8B  }
0xa2: {  	_ =	swait.ge [sflag:s23], $0x1  }
0xa3: {  	[sflag:s23] =	ssyncset.done $0x0  }
0xa4: {  	s25 =	simm.s32 $0x1B8E;
	s24 =	sld [smem:$0x3FFE];
	[sflag:s23] =	ssyncadd.s32 $0xFFFFFFFF  }
0xa5: {  	s26 =	simm.s32 $execute0_lowered;
	[smem:$0x3FD2] =	sst s25  }
0xa6: {  	s5 =	sshll.u32 s26, $0x1;
	_ =	strace $0x80000046;
	[dreg:$0x1] =	wrdreg $0xFFFFFFFF  }
0xa7: {  	s28 =	simm.s32 $_size_execute0_lowered;
	s3 =	sadd.s32 s3, s5;
	[dreg:$0x0] =	wrdreg $0x0  }
0xa8: {  	s5 =	sshll.u32 s28, $0x1;
	[dreg:$0x2] =	wrdreg s3  }
0xa9: {  	[dreg:$0x3] =	wrdreg s5  }
0xaa: {  	[dreg:$0x4] =	wrdreg $0xC0  }
0xab: {  	_ =	task [dreg:s7], $0x5FFFF  }
0xac: {  	[dreg:$0x1] =	wrdreg $0xFFFFFFFF  }
0xad: {  	[dreg:$0x0] =	wrdreg $0x60  }
0xae: {  	[dreg:$0x2] =	wrdreg s2  }
0xaf: {  	[dreg:$0x3] =	wrdreg s24  }
0xb0: {  	[dreg:$0x4] =	wrdreg $0x40800  }
0xb1: {  	[dreg:$0x5] =	wrdreg $0x9  }
0xb2: {  	_ =	task.clear_ibuf [dreg:s7], $0x6FFFF;
	_ =	strace $0x90000046  }
0xb3: {  	s29 =	simm.s32 $0x9;
	_ =	strace $0x80000048  }
0xb4: {  	_ =	swait.ge [sflag:s29], $0x1  }
0xb5: {  	[sflag:s29] =	ssyncadd.s32 $0xFFFFFFFF  }
0xb6: {  	_ =	strace $0x90000048  }
0xb7: {  	_ =	sfence  }
0xb8: {  	s30 =	sld [smem:$0x0];
	_ =	sdelay $0x2  }
0xb9: {  	s31 =	sshll.u32 s1, $0xD;
	s1 =	sshrl.u32 s1, $0x2  }
0xba: {  	s3 =	sand.u32 $0x4000, s31;
	s1 =	sadd.s32 s1, s30  }
0xbb: {  	s0 =	sor.u32 s3, s0;
	s1 =	sshll.u32 s1, $0x11  }
0xbc: {  	s0 =	sor.u32 s1, s0  }
0xbd: {  	s0 =	sadd.s32 $0x8F2B, s0  }
0xbe: {  	[sflag:s0] =	ssyncadd.remote.s32 $0x1  }
0xbf: {  	_ =	sfence.sel $0xFFFF  }
0xc0: {  	[dreg:$0x0] =	wrdreg $0xFFFFFFFF;
	(pc) =	sbr.abs _section_cstart, $3  }
0xc1: {  	[dreg:$0x1] =	wrdreg $0xFFFFFFFF  }
0xc2: {  	_ =	task.clear_ibuf [dreg:s7], $0x2FFFF;
	_ =	strace $0x9FFFFFFF  }
0xc3: {  	(tm) =	ssettm $0x7FFFFFFF  }
tec
execute0_lowered:
.L_overlay_start_1:
0x0: {  	(tag) =	ssettag $0x1  }
0x1: {  	s8 =	rddreg [dreg:$0x0]  }
0x2: {  	s5 =	rddreg [dreg:$0x1]  }
0x3: {  	s2 =	rddreg [dreg:$0x2]  }
0x4: {  	s0 =	rddreg [dreg:$0x3];
	s1 =	stileid.u32  }
0x5: {  	s4 =	srdreg.scid;
	s3 =	simm.s32 $0x0;
	s6 =	smul.u32 $0x2800, s1  }
0x6: {  	s7 =	sand.u32 $0x1, s4;
	[smem:$0x7FF] =	sst s3;
	s10 =	smul.u32 $0x50000, s1  }
0x7: {  	s4 =	sadd.s32 $0x9A00, s5;
	s29 =	sshll.u32 s1, $0x6;
	s30 =	smul.u32 $0x4F0, s1  }
0x8: {  	s9 =	smul.u32 $0x28000, s7;
	_ =	strace $0x80000047;
	s25 =	ssub.s32 $0x2, s7  }
0x9: {  	s13 =	smul.u32 $0x4F00, s7;
	s11 =	sadd.s32 s6, s5;
	s26 =	sshrl.u32 s25, $0x1  }
0xa: {  	s28 =	sshrl.u32 s10, $0x2;
	s6 =	sadd.s32 s6, s9;
	s9 =	ssub.s32 s25, s26  }
0xb: {  	s10 =	sadd.s32 s28, s2;
	s31 =	sadd.s32 s13, s8;
	s13 =	simm.s32 $0x0  }
0xc: {  	s12 =	sadd.s32 s6, s5;
	s5 =	sadd.s32 $0xA200, s11;
	s6 =	sor.u32 $0x1C01, s29  }
0xd: {  	s8 =	smax.u32 s9, $0x1;
	s9 =	sadd.s32 s30, s31;
	s10 =	sshrl.u32 s10, $0x3  }
0xe: {  	s11 =	simm.s32 $0x1;
	s7 =	sadd.s32 $0x32200, s12;
	s12 =	simm.s32 $0x80  }
.LBB2_1:
0xf: {  	[spmem:s10], [sflag:s6] =	dma.local [hbm:s5], $0x2800  }
0x10: {  	_ =	swait.ge [sflag:s11], $0x2800  }
0x11: {  	[sflag:s11] =	ssyncset.done $0x0  }
0x12: {  	[sflag:s11] =	ssyncadd.s32 $0xFFFFD800  }
0x13: {  	[tilespmem:s12], [sflag:$0x1] =	stream.linear.gather [hbm4b:s4+s3], $0x4000, $0x38;
	[tilespmem:$0x18080] =	vst v63  }
0x14: {  	_ =	swait.ge [sflag:s11], $0x4000  }
0x15: {  	[sflag:s11] =	ssyncset.done $0x0  }
0x16: {  	[sflag:s11] =	ssyncadd.s32 $0xFFFFC000  }
0x17: {  	s14 =	sadd.s32 $0x0, s9;
	[bflag:$0x0] =	sbarrier.arrive $0xFFFF  }
0x18: {  	[tilespmem:s3], [sflag:$0x1] =	stream.linear.gather [hbm4b:s14+s3], $0x80, $0x38;
	[tilespmem:$0x18080] =	vst v63  }
0x19: {  	_ =	swait.ge [sflag:s11], $0x80  }
0x1a: {  	[sflag:s11] =	ssyncset.done $0x0  }
0x1b: {  	[sflag:s11] =	ssyncadd.s32 $0xFFFFFF80  }
0x1c: {  	[spmem:s2] =	stream.indirect.scatter.add.f32 [tilespmem:s12], [sflag:$0x1], $0x80, s3, s12, $0xb8;
	[tilespmem:$0x18080] =	vst v63  }
0x1d: {  	_ =	swait.ge [sflag:s11], $0x4000  }
0x1e: {  	s15 =	simm.s32 $0x20;
	s14 =	simm.s32 $0x10;
	[sflag:s11] =	ssyncset.done $0x0  }
.LBB2_2:
0x1f: {  	s16 =	sadd.s32 s14, s9  }
0x20: {  	[sflag:s11] =	ssyncadd.s32 $0xFFFFC000;
	s14 =	smov.u32 s15;
	s17 =	sadd.s32 $0x10, s15  }
0x21: {  	[tilespmem:s3], [sflag:$0x1] =	stream.linear.gather [hbm4b:s16+s3], $0x80, $0x38;
	[tilespmem:$0x18080] =	vst v63  }
0x22: {  	p0 =	sne.s32 s15, $0x4E0;
	_ =	swait.ge [sflag:s11], $0x80  }
.Ltmp0:
0x23: {  	[sflag:s11] =	ssyncset.done $0x0;
	(pc) =	sbr.rel @p0 .LBB2_2-.Ltmp0, $4  }
0x24: {  	[sflag:s11] =	ssyncadd.s32 $0xFFFFFF80  }
0x25: {  	[spmem:s2] =	stream.indirect.scatter.add.f32 [tilespmem:s12], [sflag:$0x1], $0x80, s3, s12, $0xb8;
	[tilespmem:$0x18080] =	vst v63  }
0x26: {  	_ =	swait.ge [sflag:s11], $0x4000  }
0x27: {  	s15 =	smov.u32 s17;
	[sflag:s11] =	ssyncset.done $0x0  }
0x28: {  	s14 =	sadd.s32 s14, s9;
	[sflag:s11] =	ssyncadd.s32 $0xFFFFC000  }
0x29: {  	[tilespmem:s3], [sflag:$0x1] =	stream.linear.gather [hbm4b:s14+s3], $0x80, $0x38;
	[tilespmem:$0x18080] =	vst v63  }
0x2a: {  	_ =	swait.ge [sflag:s11], $0x80  }
0x2b: {  	[sflag:s11] =	ssyncset.done $0x0  }
0x2c: {  	[sflag:s11] =	ssyncadd.s32 $0xFFFFFF80  }
0x2d: {  	[spmem:s2] =	stream.indirect.scatter.add.f32 [tilespmem:s12], [sflag:$0x1], $0x80, s3, s12, $0xb8;
	[tilespmem:$0x18080] =	vst v63  }
0x2e: {  	_ =	swait.ge [sflag:s11], $0x4000  }
0x2f: {  	s13 =	sadd.s32 $0x1, s13;
	[sflag:s11] =	ssyncset.done $0x0  }
0x30: {  	p0 =	sne.s32 s13, s8;
	[sflag:s11] =	ssyncadd.s32 $0xFFFFC000  }
.Ltmp1:
0x31: {  	[bflag:$0x0] =	sbarrier.arrive $0xFFFF;
	(pc) =	sbr.rel @p0 .LBB2_1-.Ltmp1, $4  }
0x32: {  	[hbm:s7], [sflag:s6] =	dma.local [spmem:s10], $0x2800  }
0x33: {  	_ =	swait.ge [sflag:s11], $0x2800  }
0x34: {  	[sflag:s11] =	ssyncset.done $0x0  }
0x35: {  	[sflag:s11] =	ssyncadd.s32 $0xFFFFD800  }
0x36: {  	_ =	sfence.sel $0x180000  }
0x37: {  	[bflag:$0x0] =	sbarrier.arrive $0xFFFF  }
0x38: {  	p0 =	sne.s32 s1, $0x0;
	_ =	strace $0x90000047  }
0x39: {  	s0 =	sadd.s32 @!p0 $0x100000, s0;
	[bflag:$0x2] =	sbarrier.arrive $0xFFFF  }
0x3a: {  	[sflag:s0] =	ssyncadd.tile.s32 @!p0 $0x1;
	_ =	shalt  }
.Lfunc_end2:
_tile_overlayer_lowered:
.L_overlay_start_2:
0x3b: {  	(tag) =	ssettag $0x2  }
0x3c: {  	s0 =	rddreg [dreg:$0x0];
	s2 =	stileid.u32  }
0x3d: {  	s1 =	rddreg [dreg:$0x1];
	p0 =	sne.s32 s2, $0x0  }
0x3e: {  	s3 =	rddreg [dreg:$0x2];
	[bflag:$0x3] =	sbarrier.arrive $0xFFFF;
	s2 =	simm.s32 @!p0 $0x1C01  }
0x3f: {  	[timem:s3], [sflag:s2] =	dma.local @!p0 [hbm:s0], s1  }
0x40: {  	s0 =	simm.s32 @!p0 $0x1  }
0x41: {  	_ =	swait.ge @!p0 [sflag:s0], s1  }
0x42: {  	s1 =	ssub.s32 @!p0 $0x0, s1;
	[sflag:s0] =	ssyncset.done @!p0 $0x0  }
0x43: {  	[sflag:s0] =	ssyncadd.s32 @!p0 s1  }
0x44: {  	[bflag:$0x3] =	sbarrier.arrive $0xFFFF  }
0x45: {  	_ =	shalt  }

// kernel: kernel.25.cloned.1.call-start
scs
__scs_entry_jumppad:
0x0: {  	(pc) =	sbr.rel $0x88, $3  }
0x1: {  	(tag) =	ssettag $0x0;
	lr =	simm.s32 $0x1  }
0x2: {  	[smem:$0x3F82] =	sst lr;
	_ =	strace $0xD0000000  }
0x3: {  	_ = 	snop  }
0x4: {  	_ = 	snop  }
0x5: {  	_ = 	snop  }
0x6: {  	_ = 	snop  }
0x7: {  	_ = 	snop  }
__scs_overlays_trampoline_lowered:
0x8: {  	[smem:$0x3F91] =	sst s0  }
0x9: {  	[smem:$0x3F92] =	sst s1  }
0xa: {  	[smem:$0x3F93] =	sst s2  }
0xb: {  	[smem:$0x3F94] =	sst s3  }
0xc: {  	[smem:$0x3F95] =	sst s4  }
0xd: {  	[smem:$0x3F96] =	sst s5  }
0xe: {  	[smem:$0x3F97] =	sst s6  }
0xf: {  	[smem:$0x3F98] =	sst s7  }
0x10: {  	[smem:$0x3F99] =	sst s8  }
0x11: {  	[smem:$0x3F9A] =	sst s9;
	s0 =	simm.s32 @!p0 $0x0  }
0x12: {  	s1 =	sld [smem:$0x3F80];
	s0 =	simm.s32 @p0 $0x1  }
0x13: {  	[smem:$0x3F9B] =	sst s0;
	s0 =	simm.s32 @!p1 $0x0  }
0x14: {  	s2 =	sld [smem:$0x3F7F];
	s0 =	simm.s32 @p1 $0x1  }
0x15: {  	[smem:$0x3F9C] =	sst s0;
	s0 =	simm.s32 @!p2 $0x0  }
0x16: {  	s3 =	sld [smem:$0x3FDB];
	s0 =	simm.s32 @p2 $0x1  }
0x17: {  	s4 =	simm.s32 $0x1BF5;
	[smem:$0x3F9E] =	sst s0  }
0x18: {  	s0 =	sld [smem:$0x3F81];
	_ =	swait.ge [sflag:s4], $0x0  }
0x19: {  	s7 =	sld [smem:$0x3F82]  }
0x1a: {  	s8 =	sadd.s32 $0xFFFFE003, lr  }
0x1b: {  	s9 =	sadd.s32 $0xFFFFFEF7, lr;
	s5 =	simm.s32 $0xFFFFFFFF;
	p2 =	slt.u32 s8, $0xFFFFF086  }
0x1c: {  	p1 =	slt.u32 s9, $0xF7A;
	s5 =	simm.s32 @!p2 $0x0  }
0x1d: {  	s5 =	simm.s32 @p1 $0x1;
	p0 =	seq.s32 s7, s2  }
0x1e: {  	s7 =	smul.u32 @!p0 $0xF7A, s2;
	p2 =	seq.s32 @!p0 s5, $0x0  }
0x1f: {  	s9 =	smul.u32 $0xF7A, s1;
	s8 =	simm.s32 @!p0 $0x1BF5;
	p2 =	por !p2, p0  }
0x20: {  	[sflag:s8] =	ssyncset.s32 @!p0 $0xFFFFF086;
	s6 =	sadd.s32 @!p0 s3, s7;
	s7 =	simm.s32 @!p0 $0x108  }
0x21: {  	s3 =	sadd.s32 s3, s9;
	s6 =	sadd.s32 @!p0 $0x88, s6;
	s7 =	simm.s32 @p2 $0x1082  }
0x22: {  	[simem:s7], [sflag:s8] =	dma.local @!p0 [hbm:s6], $0xF7A  }
0x23: {  	s9 =	sor.u32 $0xD0000000, s2;
	s6 =	simm.s32 $0x108;
	_ =	swait.ge @!p0 [sflag:s8], $0x0  }
0x24: {  	s3 =	sadd.s32 $0x88, s3;
	s6 =	simm.s32 @!p1 $0x1082;
	[sflag:s4] =	ssyncset.s32 $0xFFFFF086  }
0x25: {  	[simem:s6], [sflag:s4] =	dma.local [hbm:s3], $0xF7A  }
0x26: {  	[smem:$0x3F82] =	sst s1;
	(tag) =	ssettag s2;
	_ =	strace s9  }
0x27: {  	s1 =	sld [smem:$0x3F92]  }
0x28: {  	s2 =	sld [smem:$0x3F93]  }
0x29: {  	s4 =	sld [smem:$0x3F95]  }
0x2a: {  	p0 =	seq.s32 s5, $0x0;
	s5 =	sld [smem:$0x3F96]  }
0x2b: {  	s6 =	sld [smem:$0x3F97]  }
0x2c: {  	s7 =	sld [smem:$0x3F98]  }
0x2d: {  	s3 =	simm.s32 $0x108;
	s8 =	sld [smem:$0x3F99]  }
0x2e: {  	s3 =	simm.s32 @!p0 $0x1082;
	s9 =	sld [smem:$0x3F9A]  }
0x2f: {  	lr =	sadd.s32 s0, s3;
	s0 =	sld [smem:$0x3F91]  }
0x30: {  	s3 =	sld [smem:$0x3F94]  }
0x31: {  	[smem:$0x3F9D] =	sst s10  }
0x32: {  	s10 =	sld [smem:$0x3F9B];
	_ =	sdelay $0x3  }
0x33: {  	p0 =	seq.s32 s10, $0x1;
	s10 =	sld [smem:$0x3F9D];
	_ =	sdelay $0x3  }
0x34: {  	[smem:$0x3F9D] =	sst s10  }
0x35: {  	s10 =	sld [smem:$0x3F9C];
	_ =	sdelay $0x3  }
0x36: {  	p1 =	seq.s32 s10, $0x1;
	s10 =	sld [smem:$0x3F9D];
	_ =	sdelay $0x3  }
0x37: {  	[smem:$0x3F9D] =	sst s10  }
0x38: {  	s10 =	sld [smem:$0x3F9E]  }
0x39: {  	_ = 	snop;
	(pc) =	sbr.ind lr, $3  }
0x3a: {  	_ = 	snop  }
0x3b: {  	_ = 	snop  }
0x3c: {  	p2 =	seq.s32 s10, $0x1;
	s10 =	sld [smem:$0x3F9D]  }
0x3d: {  	_ =	shalt  }
0x3e: {  	_ =	shalt  }
0x3f: {  	_ =	shalt  }
0x40: {  	_ =	shalt  }
0x41: {  	_ =	shalt  }
0x42: {  	_ =	shalt  }
0x43: {  	_ =	shalt  }
0x44: {  	_ =	shalt  }
0x45: {  	_ =	shalt  }
0x46: {  	_ =	shalt  }
0x47: {  	_ =	shalt  }
0x48: {  	_ =	shalt  }
0x49: {  	_ =	shalt  }
0x4a: {  	_ =	shalt  }
0x4b: {  	_ =	shalt  }
0x4c: {  	_ =	shalt  }
0x4d: {  	_ =	shalt  }
0x4e: {  	_ =	shalt  }
0x4f: {  	_ =	shalt  }
0x50: {  	_ =	shalt  }
0x51: {  	_ =	shalt  }
0x52: {  	_ =	shalt  }
0x53: {  	_ =	shalt  }
0x54: {  	_ =	shalt  }
0x55: {  	_ =	shalt  }
0x56: {  	_ =	shalt  }
0x57: {  	_ =	shalt  }
0x58: {  	_ =	shalt  }
0x59: {  	_ =	shalt  }
0x5a: {  	_ =	shalt  }
0x5b: {  	_ =	shalt  }
0x5c: {  	_ =	shalt  }
0x5d: {  	_ =	shalt  }
0x5e: {  	_ =	shalt  }
0x5f: {  	_ =	shalt  }
0x60: {  	_ =	shalt  }
0x61: {  	_ =	shalt  }
0x62: {  	_ =	shalt  }
0x63: {  	_ =	shalt  }
0x64: {  	_ =	shalt  }
0x65: {  	_ =	shalt  }
0x66: {  	_ =	shalt  }
0x67: {  	_ =	shalt  }
0x68: {  	_ =	shalt  }
0x69: {  	_ =	shalt  }
0x6a: {  	_ =	shalt  }
0x6b: {  	_ =	shalt  }
0x6c: {  	_ =	shalt  }
0x6d: {  	_ =	shalt  }
0x6e: {  	_ =	shalt  }
0x6f: {  	_ =	shalt  }
0x70: {  	_ =	shalt  }
0x71: {  	_ =	shalt  }
0x72: {  	_ =	shalt  }
0x73: {  	_ =	shalt  }
0x74: {  	_ =	shalt  }
0x75: {  	_ =	shalt  }
0x76: {  	_ =	shalt  }
0x77: {  	_ =	shalt  }
0x78: {  	_ =	shalt  }
0x79: {  	_ =	shalt  }
0x7a: {  	_ =	shalt  }
0x7b: {  	_ =	shalt  }
0x7c: {  	_ =	shalt  }
0x7d: {  	_ =	shalt  }
0x7e: {  	_ =	shalt  }
0x7f: {  	_ =	shalt  }
0x80: {  	_ =	shalt  }
0x81: {  	_ =	shalt  }
0x82: {  	_ =	shalt  }
0x83: {  	_ =	shalt  }
0x84: {  	_ =	shalt  }
0x85: {  	_ =	shalt  }
0x86: {  	_ =	shalt  }
0x87: {  	_ =	shalt  }
.Lfunc_end0:
.L_simem_size_0:
called_computation.1_lowered:
.L_overlay_start_0:
0x88: {  	s2 =	sld [smem:$0x3FD9]  }
0x89: {  	s3 =	sld [smem:$0x3FFE];
	_ =	sdelay $0x1  }
0x8a: {  	s1 =	srdreg.scid  }
0x8b: {  	s0 =	sand.u32 $0x1, s1  }
0x8c: {  	s17 =	sshll.u32 s0, $0xA;
	s2 =	sadd.s32 s3, s2  }
0x8d: {  	s2 =	sadd.s32 s2, s17  }
0x8e: {  	[smem:$0x3FA9] =	sst s2  }
0x8f: {  	_ = 	snop  }
0x90: {  	s2 =	sld [smem:$0x3FD0];
	(tm) =	ssettm $0x1  }
0x91: {  	s18 =	sld [smem:$0x3FFB];
	_ =	sdelay $0x3  }
0x92: {  	_ =	strace s18  }
0x93: {  	s3 =	sld [smem:$0x3FFC];
	_ =	sdelay $0x3  }
0x94: {  	_ =	strace s3  }
0x95: {  	s3 =	sld [smem:$0x3FFD];
	_ =	sdelay $0x3  }
0x96: {  	_ =	strace s3  }
0x97: {  	_ =	strace $0x8FFFFFFF  }
0x98: {  	s19 =	sld [smem:$0x3FDB];
	_ =	sdelay $0x1  }
0x99: {  	s4 =	simm.s32 $_scs_section_size  }
0x9a: {  	s5 =	simm.s32 $_size__tile_overlayer_lowered;
	s6 =	simm.s32 $_tile_overlayer_lowered  }
0x9b: {  	s22 =	simm.s32 $0x1BFF;
	s21 =	sshll.u32 s6, $0x1;
	s3 =	sadd.s32 s4, s19  }
0x9c: {  	s7 =	simm.s32 $0x0;
	s20 =	sshll.u32 s5, $0x1;
	s5 =	sadd.s32 s21, s3  }
0x9d: {  	[timem:s7], [sflag:s22] =	dma.local [hbm:s5], s20  }
0x9e: {  	_ =	swait.ge [sflag:s22], s20  }
0x9f: {  	s4 =	ssub.s32 $0x0, s20;
	[sflag:s22] =	ssyncset.done $0x0  }
0xa0: {  	[sflag:s22] =	ssyncadd.s32 s4;
	_ =	sdelay $0x1  }
0xa1: {  	s23 =	simm.s32 $0x1B8B  }
0xa2: {  	_ =	swait.ge [sflag:s23], $0x1  }
0xa3: {  	[sflag:s23] =	ssyncset.done $0x0  }
0xa4: {  	s25 =	simm.s32 $0x1B8E;
	s24 =	sld [smem:$0x3FFE];
	[sflag:s23] =	ssyncadd.s32 $0xFFFFFFFF  }
0xa5: {  	s26 =	simm.s32 $execute0_lowered;
	[smem:$0x3FD2] =	sst s25  }
0xa6: {  	s5 =	sshll.u32 s26, $0x1;
	_ =	strace $0x80000049;
	[dreg:$0x1] =	wrdreg $0xFFFFFFFF  }
0xa7: {  	s28 =	simm.s32 $_size_execute0_lowered;
	s3 =	sadd.s32 s3, s5;
	[dreg:$0x0] =	wrdreg $0x0  }
0xa8: {  	s5 =	sshll.u32 s28, $0x1;
	[dreg:$0x2] =	wrdreg s3  }
0xa9: {  	[dreg:$0x3] =	wrdreg s5  }
0xaa: {  	[dreg:$0x4] =	wrdreg $0xC0  }
0xab: {  	_ =	task [dreg:s7], $0x5FFFF  }
0xac: {  	[dreg:$0x1] =	wrdreg $0xFFFFFFFF  }
0xad: {  	[dreg:$0x0] =	wrdreg $0x60  }
0xae: {  	[dreg:$0x2] =	wrdreg s24  }
0xaf: {  	[dreg:$0x3] =	wrdreg s2  }
0xb0: {  	[dreg:$0x4] =	wrdreg $0x41000  }
0xb1: {  	[dreg:$0x5] =	wrdreg $0x9  }
0xb2: {  	_ =	task.clear_ibuf [dreg:s7], $0x6FFFF;
	_ =	strace $0x90000049  }
0xb3: {  	s29 =	simm.s32 $0x9;
	_ =	strace $0x8000004B  }
0xb4: {  	_ =	swait.ge [sflag:s29], $0x1  }
0xb5: {  	[sflag:s29] =	ssyncadd.s32 $0xFFFFFFFF  }
0xb6: {  	_ =	strace $0x9000004B  }
0xb7: {  	_ =	sfence  }
0xb8: {  	s30 =	sld [smem:$0x0];
	_ =	sdelay $0x2  }
0xb9: {  	s31 =	sshll.u32 s1, $0xD;
	s1 =	sshrl.u32 s1, $0x2  }
0xba: {  	s3 =	sand.u32 $0x4000, s31;
	s1 =	sadd.s32 s1, s30  }
0xbb: {  	s0 =	sor.u32 s3, s0;
	s1 =	sshll.u32 s1, $0x11  }
0xbc: {  	s0 =	sor.u32 s1, s0  }
0xbd: {  	s0 =	sadd.s32 $0x8F2B, s0  }
0xbe: {  	[sflag:s0] =	ssyncadd.remote.s32 $0x1  }
0xbf: {  	_ =	sfence.sel $0xFFFF  }
0xc0: {  	[dreg:$0x0] =	wrdreg $0xFFFFFFFF;
	(pc) =	sbr.abs _section_cstart, $3  }
0xc1: {  	[dreg:$0x1] =	wrdreg $0xFFFFFFFF  }
0xc2: {  	_ =	task.clear_ibuf [dreg:s7], $0x2FFFF;
	_ =	strace $0x9FFFFFFF  }
0xc3: {  	(tm) =	ssettm $0x7FFFFFFF  }
tec
execute0_lowered:
.L_overlay_start_1:
0x0: {  	(tag) =	ssettag $0x1  }
0x1: {  	s5 =	rddreg [dreg:$0x0]  }
0x2: {  	s8 =	rddreg [dreg:$0x1]  }
0x3: {  	s1 =	rddreg [dreg:$0x2];
	s2 =	srdreg.scid  }
0x4: {  	s0 =	rddreg [dreg:$0x3];
	s3 =	simm.s32 $0x0;
	s6 =	sand.u32 $0x1, s2  }
0x5: {  	s15 =	simm.s32 $0x1;
	s2 =	stileid.u32;
	s9 =	smul.u32 $0x4F00, s6  }
0x6: {  	s16 =	simm.s32 $0x0;
	[smem:$0x7FF] =	sst s3;
	s7 =	smul.u32 $0x2800, s2  }
0x7: {  	s4 =	sadd.s32 $0x32200, s5;
	_ =	strace $0x8000004A;
	s10 =	smul.u32 $0x28000, s6  }
0x8: {  	s6 =	ssub.s32 $0x2, s6;
	s13 =	smul.u32 $0x50000, s2;
	s29 =	sshll.u32 s2, $0x6  }
0x9: {  	s30 =	smul.u32 $0x4F0, s2;
	s12 =	sshrl.u32 s6, $0x1;
	s11 =	sadd.s32 s9, s5  }
0xa: {  	s10 =	sadd.s32 s7, s10;
	s7 =	sadd.s32 s7, s5;
	s12 =	ssub.s32 s6, s12  }
0xb: {  	s28 =	sshrl.u32 s13, $0x2;
	s6 =	sor.u32 $0x1C02, s29;
	s9 =	sadd.s32 s9, s8  }
0xc: {  	s13 =	simm.s32 $0x80;
	s10 =	sadd.s32 s10, s5;
	s14 =	sadd.s32 s28, s1  }
0xd: {  	s5 =	sadd.s32 $0xA200, s7;
	s31 =	sadd.s32 s30, s11;
	s8 =	smax.u32 s12, $0x1  }
0xe: {  	s9 =	sadd.s32 s30, s9;
	s12 =	simm.s32 $0x2;
	s7 =	sadd.s32 $0x8C200, s10  }
0xf: {  	s10 =	sadd.s32 $0x82400, s31;
	s11 =	sshrl.u32 s14, $0x3;
	s14 =	simm.s32 $0x100  }
.LBB2_1:
0x10: {  	[spmem:s11], [sflag:s6] =	dma.local [hbm:s5], $0x2800  }
0x11: {  	_ =	swait.ge [sflag:s12], $0x2800  }
0x12: {  	[sflag:s12] =	ssyncset.done $0x0  }
0x13: {  	[sflag:s12] =	ssyncadd.s32 $0xFFFFD800  }
0x14: {  	s17 =	sadd.s32 $0x0, s10;
	[bflag:$0x0] =	sbarrier.arrive $0xFFFF  }
0x15: {  	[tilespmem:s3], [sflag:$0x2] =	stream.linear.gather [hbm4b:s17+s3], $0x80, $0x38;
	[tilespmem:$0x18100] =	vst v63  }
0x16: {  	_ =	swait.ge [sflag:s12], $0x80  }
0x17: {  	[sflag:s12] =	ssyncset.done $0x0  }
0x18: {  	s31 =	sadd.s32 $0x0, s9;
	[sflag:s12] =	ssyncadd.s32 $0xFFFFFF80  }
0x19: {  	[tilespmem:s13], [sflag:$0x2] =	stream.linear.gather [hbm4b:s31+s3], $0x80, $0x38;
	[tilespmem:$0x18100] =	vst v63  }
0x1a: {  	_ =	swait.ge [sflag:s12], $0x80  }
0x1b: {  	[sflag:s12] =	ssyncset.done $0x0  }
0x1c: {  	[sflag:s12] =	ssyncadd.s32 $0xFFFFFF80  }
0x1d: {  	[tilespmem:s14], [sflag:$0x1] =	stream.indirect.gather [hbm4b:s4+s13], $0x80, s3, s13, $0xb8;
	[tilespmem:$0x18100] =	vst v63  }
0x1e: {  	_ =	swait.ge [sflag:s15], $0x4000  }
0x1f: {  	[sflag:s15] =	ssyncset.done $0x0  }
0x20: {  	[sflag:s15] =	ssyncadd.s32 $0xFFFFC000  }
0x21: {  	[spmem:s1] =	stream.indirect.scatter.add.f32 [tilespmem:s14], [sflag:$0x2], $0x80, s13, s13, $0xb8;
	[tilespmem:$0x18100] =	vst v63  }
0x22: {  	_ =	swait.ge [sflag:s12], $0x4000  }
0x23: {  	s18 =	simm.s32 $0x20;
	s17 =	simm.s32 $0x10;
	[sflag:s12] =	ssyncset.done $0x0  }
.LBB2_2:
0x24: {  	s19 =	sadd.s32 s17, s10  }
0x25: {  	[sflag:s12] =	ssyncadd.s32 $0xFFFFC000;
	s20 =	smov.u32 s18;
	s21 =	sadd.s32 $0x10, s18  }
0x26: {  	[tilespmem:s3], [sflag:$0x2] =	stream.linear.gather [hbm4b:s19+s3], $0x80, $0x38;
	[tilespmem:$0x18100] =	vst v63  }
0x27: {  	p0 =	sne.s32 s18, $0x4E0;
	_ =	swait.ge [sflag:s12], $0x80  }
0x28: {  	[sflag:s12] =	ssyncset.done $0x0  }
0x29: {  	s18 =	sadd.s32 s17, s9;
	s17 =	smov.u32 s20;
	[sflag:s12] =	ssyncadd.s32 $0xFFFFFF80  }
0x2a: {  	[tilespmem:s13], [sflag:$0x2] =	stream.linear.gather [hbm4b:s18+s3], $0x80, $0x38;
	[tilespmem:$0x18100] =	vst v63  }
0x2b: {  	_ =	swait.ge [sflag:s12], $0x80  }
0x2c: {  	[sflag:s12] =	ssyncset.done $0x0  }
0x2d: {  	[sflag:s12] =	ssyncadd.s32 $0xFFFFFF80  }
0x2e: {  	[tilespmem:s14], [sflag:$0x1] =	stream.indirect.gather [hbm4b:s4+s13], $0x80, s3, s13, $0xb8;
	[tilespmem:$0x18100] =	vst v63  }
0x2f: {  	_ =	swait.ge [sflag:s15], $0x4000  }
.Ltmp0:
0x30: {  	[sflag:s15] =	ssyncset.done $0x0;
	(pc) =	sbr.rel @p0 .LBB2_2-.Ltmp0, $4  }
0x31: {  	[sflag:s15] =	ssyncadd.s32 $0xFFFFC000  }
0x32: {  	[spmem:s1] =	stream.indirect.scatter.add.f32 [tilespmem:s14], [sflag:$0x2], $0x80, s13, s13, $0xb8;
	[tilespmem:$0x18100] =	vst v63  }
0x33: {  	_ =	swait.ge [sflag:s12], $0x4000  }
0x34: {  	s18 =	smov.u32 s21;
	[sflag:s12] =	ssyncset.done $0x0  }
0x35: {  	s18 =	sadd.s32 s17, s10;
	[sflag:s12] =	ssyncadd.s32 $0xFFFFC000  }
0x36: {  	[tilespmem:s3], [sflag:$0x2] =	stream.linear.gather [hbm4b:s18+s3], $0x80, $0x38;
	[tilespmem:$0x18100] =	vst v63  }
0x37: {  	_ =	swait.ge [sflag:s12], $0x80  }
0x38: {  	[sflag:s12] =	ssyncset.done $0x0  }
0x39: {  	s31 =	sadd.s32 s17, s9;
	[sflag:s12] =	ssyncadd.s32 $0xFFFFFF80  }
0x3a: {  	[tilespmem:s13], [sflag:$0x2] =	stream.linear.gather [hbm4b:s31+s3], $0x80, $0x38;
	[tilespmem:$0x18100] =	vst v63  }
0x3b: {  	_ =	swait.ge [sflag:s12], $0x80  }
0x3c: {  	[sflag:s12] =	ssyncset.done $0x0  }
0x3d: {  	[sflag:s12] =	ssyncadd.s32 $0xFFFFFF80  }
0x3e: {  	[tilespmem:s14], [sflag:$0x1] =	stream.indirect.gather [hbm4b:s4+s13], $0x80, s3, s13, $0xb8;
	[tilespmem:$0x18100] =	vst v63  }
0x3f: {  	_ =	swait.ge [sflag:s15], $0x4000  }
0x40: {  	[sflag:s15] =	ssyncset.done $0x0  }
0x41: {  	[sflag:s15] =	ssyncadd.s32 $0xFFFFC000  }
0x42: {  	[spmem:s1] =	stream.indirect.scatter.add.f32 [tilespmem:s14], [sflag:$0x2], $0x80, s13, s13, $0xb8;
	[tilespmem:$0x18100] =	vst v63  }
0x43: {  	_ =	swait.ge [sflag:s12], $0x4000  }
0x44: {  	s16 =	sadd.s32 $0x1, s16;
	[sflag:s12] =	ssyncset.done $0x0  }
0x45: {  	p0 =	sne.s32 s16, s8;
	[sflag:s12] =	ssyncadd.s32 $0xFFFFC000  }
.Ltmp1:
0x46: {  	[bflag:$0x0] =	sbarrier.arrive $0xFFFF;
	(pc) =	sbr.rel @p0 .LBB2_1-.Ltmp1, $4  }
0x47: {  	[hbm:s7], [sflag:s6] =	dma.local [spmem:s11], $0x2800  }
0x48: {  	_ =	swait.ge [sflag:s12], $0x2800  }
0x49: {  	[sflag:s12] =	ssyncset.done $0x0  }
0x4a: {  	[sflag:s12] =	ssyncadd.s32 $0xFFFFD800  }
0x4b: {  	_ =	sfence.sel $0x180000  }
0x4c: {  	[bflag:$0x0] =	sbarrier.arrive $0xFFFF  }
0x4d: {  	p0 =	sne.s32 s2, $0x0;
	_ =	strace $0x9000004A  }
0x4e: {  	s0 =	sadd.s32 @!p0 $0x100000, s0;
	[bflag:$0x2] =	sbarrier.arrive $0xFFFF  }
0x4f: {  	[sflag:s0] =	ssyncadd.tile.s32 @!p0 $0x1;
	_ =	shalt  }
.Lfunc_end2:
_tile_overlayer_lowered:
.L_overlay_start_2:
0x50: {  	(tag) =	ssettag $0x2  }
0x51: {  	s0 =	rddreg [dreg:$0x0];
	s2 =	stileid.u32  }
0x52: {  	s1 =	rddreg [dreg:$0x1];
	p0 =	sne.s32 s2, $0x0  }
0x53: {  	s3 =	rddreg [dreg:$0x2];
	[bflag:$0x3] =	sbarrier.arrive $0xFFFF;
	s2 =	simm.s32 @!p0 $0x1C02  }
0x54: {  	[timem:s3], [sflag:s2] =	dma.local @!p0 [hbm:s0], s1  }
0x55: {  	s0 =	simm.s32 @!p0 $0x2  }
0x56: {  	_ =	swait.ge @!p0 [sflag:s0], s1  }
0x57: {  	s1 =	ssub.s32 @!p0 $0x0, s1;
	[sflag:s0] =	ssyncset.done @!p0 $0x0  }
0x58: {  	[sflag:s0] =	ssyncadd.s32 @!p0 s1  }
0x59: {  	[bflag:$0x3] =	sbarrier.arrive $0xFFFF  }
0x5a: {  	_ =	shalt  }

// kernel: kernel.28.cloned.1.call-start
scs
__scs_entry_jumppad:
0x0: {  	(pc) =	sbr.rel $0x88, $3  }
0x1: {  	(tag) =	ssettag $0x0;
	lr =	simm.s32 $0x1  }
0x2: {  	[smem:$0x3F82] =	sst lr;
	_ =	strace $0xD0000000  }
0x3: {  	_ = 	snop  }
0x4: {  	_ = 	snop  }
0x5: {  	_ = 	snop  }
0x6: {  	_ = 	snop  }
0x7: {  	_ = 	snop  }
__scs_overlays_trampoline_lowered:
0x8: {  	[smem:$0x3F91] =	sst s0  }
0x9: {  	[smem:$0x3F92] =	sst s1  }
0xa: {  	[smem:$0x3F93] =	sst s2  }
0xb: {  	[smem:$0x3F94] =	sst s3  }
0xc: {  	[smem:$0x3F95] =	sst s4  }
0xd: {  	[smem:$0x3F96] =	sst s5  }
0xe: {  	[smem:$0x3F97] =	sst s6  }
0xf: {  	[smem:$0x3F98] =	sst s7  }
0x10: {  	[smem:$0x3F99] =	sst s8  }
0x11: {  	[smem:$0x3F9A] =	sst s9;
	s0 =	simm.s32 @!p0 $0x0  }
0x12: {  	s1 =	sld [smem:$0x3F80];
	s0 =	simm.s32 @p0 $0x1  }
0x13: {  	[smem:$0x3F9B] =	sst s0;
	s0 =	simm.s32 @!p1 $0x0  }
0x14: {  	s2 =	sld [smem:$0x3F7F];
	s0 =	simm.s32 @p1 $0x1  }
0x15: {  	[smem:$0x3F9C] =	sst s0;
	s0 =	simm.s32 @!p2 $0x0  }
0x16: {  	s3 =	sld [smem:$0x3FDB];
	s0 =	simm.s32 @p2 $0x1  }
0x17: {  	s4 =	simm.s32 $0x1BF5;
	[smem:$0x3F9E] =	sst s0  }
0x18: {  	s0 =	sld [smem:$0x3F81];
	_ =	swait.ge [sflag:s4], $0x0  }
0x19: {  	s7 =	sld [smem:$0x3F82]  }
0x1a: {  	s8 =	sadd.s32 $0xFFFFE003, lr  }
0x1b: {  	s9 =	sadd.s32 $0xFFFFFEF7, lr;
	s5 =	simm.s32 $0xFFFFFFFF;
	p2 =	slt.u32 s8, $0xFFFFF086  }
0x1c: {  	p1 =	slt.u32 s9, $0xF7A;
	s5 =	simm.s32 @!p2 $0x0  }
0x1d: {  	s5 =	simm.s32 @p1 $0x1;
	p0 =	seq.s32 s7, s2  }
0x1e: {  	s7 =	smul.u32 @!p0 $0xF7A, s2;
	p2 =	seq.s32 @!p0 s5, $0x0  }
0x1f: {  	s9 =	smul.u32 $0xF7A, s1;
	s8 =	simm.s32 @!p0 $0x1BF5;
	p2 =	por !p2, p0  }
0x20: {  	[sflag:s8] =	ssyncset.s32 @!p0 $0xFFFFF086;
	s6 =	sadd.s32 @!p0 s3, s7;
	s7 =	simm.s32 @!p0 $0x108  }
0x21: {  	s3 =	sadd.s32 s3, s9;
	s6 =	sadd.s32 @!p0 $0x88, s6;
	s7 =	simm.s32 @p2 $0x1082  }
0x22: {  	[simem:s7], [sflag:s8] =	dma.local @!p0 [hbm:s6], $0xF7A  }
0x23: {  	s9 =	sor.u32 $0xD0000000, s2;
	s6 =	simm.s32 $0x108;
	_ =	swait.ge @!p0 [sflag:s8], $0x0  }
0x24: {  	s3 =	sadd.s32 $0x88, s3;
	s6 =	simm.s32 @!p1 $0x1082;
	[sflag:s4] =	ssyncset.s32 $0xFFFFF086  }
0x25: {  	[simem:s6], [sflag:s4] =	dma.local [hbm:s3], $0xF7A  }
0x26: {  	[smem:$0x3F82] =	sst s1;
	(tag) =	ssettag s2;
	_ =	strace s9  }
0x27: {  	s1 =	sld [smem:$0x3F92]  }
0x28: {  	s2 =	sld [smem:$0x3F93]  }
0x29: {  	s4 =	sld [smem:$0x3F95]  }
0x2a: {  	p0 =	seq.s32 s5, $0x0;
	s5 =	sld [smem:$0x3F96]  }
0x2b: {  	s6 =	sld [smem:$0x3F97]  }
0x2c: {  	s7 =	sld [smem:$0x3F98]  }
0x2d: {  	s3 =	simm.s32 $0x108;
	s8 =	sld [smem:$0x3F99]  }
0x2e: {  	s3 =	simm.s32 @!p0 $0x1082;
	s9 =	sld [smem:$0x3F9A]  }
0x2f: {  	lr =	sadd.s32 s0, s3;
	s0 =	sld [smem:$0x3F91]  }
0x30: {  	s3 =	sld [smem:$0x3F94]  }
0x31: {  	[smem:$0x3F9D] =	sst s10  }
0x32: {  	s10 =	sld [smem:$0x3F9B];
	_ =	sdelay $0x3  }
0x33: {  	p0 =	seq.s32 s10, $0x1;
	s10 =	sld [smem:$0x3F9D];
	_ =	sdelay $0x3  }
0x34: {  	[smem:$0x3F9D] =	sst s10  }
0x35: {  	s10 =	sld [smem:$0x3F9C];
	_ =	sdelay $0x3  }
0x36: {  	p1 =	seq.s32 s10, $0x1;
	s10 =	sld [smem:$0x3F9D];
	_ =	sdelay $0x3  }
0x37: {  	[smem:$0x3F9D] =	sst s10  }
0x38: {  	s10 =	sld [smem:$0x3F9E]  }
0x39: {  	_ = 	snop;
	(pc) =	sbr.ind lr, $3  }
0x3a: {  	_ = 	snop  }
0x3b: {  	_ = 	snop  }
0x3c: {  	p2 =	seq.s32 s10, $0x1;
	s10 =	sld [smem:$0x3F9D]  }
0x3d: {  	_ =	shalt  }
0x3e: {  	_ =	shalt  }
0x3f: {  	_ =	shalt  }
0x40: {  	_ =	shalt  }
0x41: {  	_ =	shalt  }
0x42: {  	_ =	shalt  }
0x43: {  	_ =	shalt  }
0x44: {  	_ =	shalt  }
0x45: {  	_ =	shalt  }
0x46: {  	_ =	shalt  }
0x47: {  	_ =	shalt  }
0x48: {  	_ =	shalt  }
0x49: {  	_ =	shalt  }
0x4a: {  	_ =	shalt  }
0x4b: {  	_ =	shalt  }
0x4c: {  	_ =	shalt  }
0x4d: {  	_ =	shalt  }
0x4e: {  	_ =	shalt  }
0x4f: {  	_ =	shalt  }
0x50: {  	_ =	shalt  }
0x51: {  	_ =	shalt  }
0x52: {  	_ =	shalt  }
0x53: {  	_ =	shalt  }
0x54: {  	_ =	shalt  }
0x55: {  	_ =	shalt  }
0x56: {  	_ =	shalt  }
0x57: {  	_ =	shalt  }
0x58: {  	_ =	shalt  }
0x59: {  	_ =	shalt  }
0x5a: {  	_ =	shalt  }
0x5b: {  	_ =	shalt  }
0x5c: {  	_ =	shalt  }
0x5d: {  	_ =	shalt  }
0x5e: {  	_ =	shalt  }
0x5f: {  	_ =	shalt  }
0x60: {  	_ =	shalt  }
0x61: {  	_ =	shalt  }
0x62: {  	_ =	shalt  }
0x63: {  	_ =	shalt  }
0x64: {  	_ =	shalt  }
0x65: {  	_ =	shalt  }
0x66: {  	_ =	shalt  }
0x67: {  	_ =	shalt  }
0x68: {  	_ =	shalt  }
0x69: {  	_ =	shalt  }
0x6a: {  	_ =	shalt  }
0x6b: {  	_ =	shalt  }
0x6c: {  	_ =	shalt  }
0x6d: {  	_ =	shalt  }
0x6e: {  	_ =	shalt  }
0x6f: {  	_ =	shalt  }
0x70: {  	_ =	shalt  }
0x71: {  	_ =	shalt  }
0x72: {  	_ =	shalt  }
0x73: {  	_ =	shalt  }
0x74: {  	_ =	shalt  }
0x75: {  	_ =	shalt  }
0x76: {  	_ =	shalt  }
0x77: {  	_ =	shalt  }
0x78: {  	_ =	shalt  }
0x79: {  	_ =	shalt  }
0x7a: {  	_ =	shalt  }
0x7b: {  	_ =	shalt  }
0x7c: {  	_ =	shalt  }
0x7d: {  	_ =	shalt  }
0x7e: {  	_ =	shalt  }
0x7f: {  	_ =	shalt  }
0x80: {  	_ =	shalt  }
0x81: {  	_ =	shalt  }
0x82: {  	_ =	shalt  }
0x83: {  	_ =	shalt  }
0x84: {  	_ =	shalt  }
0x85: {  	_ =	shalt  }
0x86: {  	_ =	shalt  }
0x87: {  	_ =	shalt  }
.Lfunc_end0:
.L_simem_size_0:
called_computation.2_lowered:
.L_overlay_start_0:
0x88: {  	s2 =	sld [smem:$0x3FD9]  }
0x89: {  	s3 =	sld [smem:$0x3FFE];
	_ =	sdelay $0x1  }
0x8a: {  	s1 =	srdreg.scid  }
0x8b: {  	s0 =	sand.u32 $0x1, s1  }
0x8c: {  	s17 =	sshll.u32 s0, $0xA;
	s2 =	sadd.s32 s3, s2  }
0x8d: {  	s2 =	sadd.s32 s2, s17  }
0x8e: {  	[smem:$0x3FA9] =	sst s2  }
0x8f: {  	_ = 	snop  }
0x90: {  	s2 =	sld [smem:$0x3FD0];
	(tm) =	ssettm $0x1  }
0x91: {  	s18 =	sld [smem:$0x3FFB];
	_ =	sdelay $0x3  }
0x92: {  	_ =	strace s18  }
0x93: {  	s3 =	sld [smem:$0x3FFC];
	_ =	sdelay $0x3  }
0x94: {  	_ =	strace s3  }
0x95: {  	s3 =	sld [smem:$0x3FFD];
	_ =	sdelay $0x3  }
0x96: {  	_ =	strace s3  }
0x97: {  	_ =	strace $0x8FFFFFFF  }
0x98: {  	s19 =	sld [smem:$0x3FDB];
	_ =	sdelay $0x1  }
0x99: {  	s4 =	simm.s32 $_scs_section_size  }
0x9a: {  	s5 =	simm.s32 $_size__tile_overlayer_lowered;
	s6 =	simm.s32 $_tile_overlayer_lowered  }
0x9b: {  	s22 =	simm.s32 $0x1BFF;
	s21 =	sshll.u32 s6, $0x1;
	s3 =	sadd.s32 s4, s19  }
0x9c: {  	s7 =	simm.s32 $0x0;
	s20 =	sshll.u32 s5, $0x1;
	s5 =	sadd.s32 s21, s3  }
0x9d: {  	[timem:s7], [sflag:s22] =	dma.local [hbm:s5], s20  }
0x9e: {  	_ =	swait.ge [sflag:s22], s20  }
0x9f: {  	s4 =	ssub.s32 $0x0, s20;
	[sflag:s22] =	ssyncset.done $0x0  }
0xa0: {  	[sflag:s22] =	ssyncadd.s32 s4;
	_ =	sdelay $0x1  }
0xa1: {  	s23 =	simm.s32 $0x1B8B  }
0xa2: {  	_ =	swait.ge [sflag:s23], $0x1  }
0xa3: {  	[sflag:s23] =	ssyncset.done $0x0  }
0xa4: {  	s25 =	simm.s32 $0x1B8E;
	s24 =	sld [smem:$0x3FFE];
	[sflag:s23] =	ssyncadd.s32 $0xFFFFFFFF  }
0xa5: {  	s26 =	simm.s32 $execute0_lowered;
	[smem:$0x3FD2] =	sst s25  }
0xa6: {  	s5 =	sshll.u32 s26, $0x1;
	_ =	strace $0x8000004C;
	[dreg:$0x1] =	wrdreg $0xFFFFFFFF  }
0xa7: {  	s28 =	simm.s32 $_size_execute0_lowered;
	s3 =	sadd.s32 s3, s5;
	[dreg:$0x0] =	wrdreg $0x0  }
0xa8: {  	s5 =	sshll.u32 s28, $0x1;
	[dreg:$0x2] =	wrdreg s3  }
0xa9: {  	[dreg:$0x3] =	wrdreg s5  }
0xaa: {  	[dreg:$0x4] =	wrdreg $0xC0  }
0xab: {  	_ =	task [dreg:s7], $0x5FFFF  }
0xac: {  	[dreg:$0x1] =	wrdreg $0xFFFFFFFF  }
0xad: {  	[dreg:$0x0] =	wrdreg $0x60  }
0xae: {  	[dreg:$0x2] =	wrdreg s24  }
0xaf: {  	[dreg:$0x3] =	wrdreg s2  }
0xb0: {  	[dreg:$0x4] =	wrdreg $0x41000  }
0xb1: {  	[dreg:$0x5] =	wrdreg $0x9  }
0xb2: {  	_ =	task.clear_ibuf [dreg:s7], $0x6FFFF;
	_ =	strace $0x9000004C  }
0xb3: {  	s29 =	simm.s32 $0x9;
	_ =	strace $0x8000004E  }
0xb4: {  	_ =	swait.ge [sflag:s29], $0x1  }
0xb5: {  	[sflag:s29] =	ssyncadd.s32 $0xFFFFFFFF  }
0xb6: {  	_ =	strace $0x9000004E  }
0xb7: {  	_ =	sfence  }
0xb8: {  	s30 =	sld [smem:$0x0];
	_ =	sdelay $0x2  }
0xb9: {  	s31 =	sshll.u32 s1, $0xD;
	s1 =	sshrl.u32 s1, $0x2  }
0xba: {  	s3 =	sand.u32 $0x4000, s31;
	s1 =	sadd.s32 s1, s30  }
0xbb: {  	s0 =	sor.u32 s3, s0;
	s1 =	sshll.u32 s1, $0x11  }
0xbc: {  	s0 =	sor.u32 s1, s0  }
0xbd: {  	s0 =	sadd.s32 $0x8F2B, s0  }
0xbe: {  	[sflag:s0] =	ssyncadd.remote.s32 $0x1  }
0xbf: {  	_ =	sfence.sel $0xFFFF  }
0xc0: {  	[dreg:$0x0] =	wrdreg $0xFFFFFFFF;
	(pc) =	sbr.abs _section_cstart, $3  }
0xc1: {  	[dreg:$0x1] =	wrdreg $0xFFFFFFFF  }
0xc2: {  	_ =	task.clear_ibuf [dreg:s7], $0x2FFFF;
	_ =	strace $0x9FFFFFFF  }
0xc3: {  	(tm) =	ssettm $0x7FFFFFFF  }
tec
execute0_lowered:
.L_overlay_start_1:
0x0: {  	(tag) =	ssettag $0x1  }
0x1: {  	s5 =	rddreg [dreg:$0x0]  }
0x2: {  	s8 =	rddreg [dreg:$0x1]  }
0x3: {  	s1 =	rddreg [dreg:$0x2];
	s2 =	srdreg.scid  }
0x4: {  	s0 =	rddreg [dreg:$0x3];
	s3 =	simm.s32 $0x0;
	s6 =	sand.u32 $0x1, s2  }
0x5: {  	s15 =	simm.s32 $0x1;
	s2 =	stileid.u32;
	s9 =	smul.u32 $0x4F00, s6  }
0x6: {  	s16 =	simm.s32 $0x0;
	[smem:$0x7FF] =	sst s3;
	s7 =	smul.u32 $0x2800, s2  }
0x7: {  	s4 =	sadd.s32 $0x32200, s5;
	_ =	strace $0x8000004D;
	s10 =	smul.u32 $0x28000, s6  }
0x8: {  	s6 =	ssub.s32 $0x2, s6;
	s13 =	smul.u32 $0x50000, s2;
	s29 =	sshll.u32 s2, $0x6  }
0x9: {  	s30 =	smul.u32 $0x4F0, s2;
	s12 =	sshrl.u32 s6, $0x1;
	s11 =	sadd.s32 s9, s5  }
0xa: {  	s10 =	sadd.s32 s7, s10;
	s7 =	sadd.s32 s7, s5;
	s12 =	ssub.s32 s6, s12  }
0xb: {  	s28 =	sshrl.u32 s13, $0x2;
	s6 =	sor.u32 $0x1C02, s29;
	s9 =	sadd.s32 s9, s8  }
0xc: {  	s13 =	simm.s32 $0x80;
	s10 =	sadd.s32 s10, s5;
	s14 =	sadd.s32 s28, s1  }
0xd: {  	s5 =	sadd.s32 $0xA200, s7;
	s31 =	sadd.s32 s30, s11;
	s8 =	smax.u32 s12, $0x1  }
0xe: {  	s9 =	sadd.s32 s30, s9;
	s12 =	simm.s32 $0x2;
	s7 =	sadd.s32 $0x8C200, s10  }
0xf: {  	s10 =	sadd.s32 $0x82400, s31;
	s11 =	sshrl.u32 s14, $0x3;
	s14 =	simm.s32 $0x100  }
.LBB2_1:
0x10: {  	[spmem:s11], [sflag:s6] =	dma.local [hbm:s5], $0x2800  }
0x11: {  	_ =	swait.ge [sflag:s12], $0x2800  }
0x12: {  	[sflag:s12] =	ssyncset.done $0x0  }
0x13: {  	[sflag:s12] =	ssyncadd.s32 $0xFFFFD800  }
0x14: {  	s17 =	sadd.s32 $0x0, s10;
	[bflag:$0x0] =	sbarrier.arrive $0xFFFF  }
0x15: {  	[tilespmem:s3], [sflag:$0x2] =	stream.linear.gather [hbm4b:s17+s3], $0x80, $0x38;
	[tilespmem:$0x18100] =	vst v63  }
0x16: {  	_ =	swait.ge [sflag:s12], $0x80  }
0x17: {  	[sflag:s12] =	ssyncset.done $0x0  }
0x18: {  	s31 =	sadd.s32 $0x0, s9;
	[sflag:s12] =	ssyncadd.s32 $0xFFFFFF80  }
0x19: {  	[tilespmem:s13], [sflag:$0x2] =	stream.linear.gather [hbm4b:s31+s3], $0x80, $0x38;
	[tilespmem:$0x18100] =	vst v63  }
0x1a: {  	_ =	swait.ge [sflag:s12], $0x80  }
0x1b: {  	[sflag:s12] =	ssyncset.done $0x0  }
0x1c: {  	[sflag:s12] =	ssyncadd.s32 $0xFFFFFF80  }
0x1d: {  	[tilespmem:s14], [sflag:$0x1] =	stream.indirect.gather [hbm4b:s4+s13], $0x80, s3, s13, $0xb8;
	[tilespmem:$0x18100] =	vst v63  }
0x1e: {  	_ =	swait.ge [sflag:s15], $0x4000  }
0x1f: {  	[sflag:s15] =	ssyncset.done $0x0  }
0x20: {  	[sflag:s15] =	ssyncadd.s32 $0xFFFFC000  }
0x21: {  	[spmem:s1] =	stream.indirect.scatter.add.f32 [tilespmem:s14], [sflag:$0x2], $0x80, s13, s13, $0xb8;
	[tilespmem:$0x18100] =	vst v63  }
0x22: {  	_ =	swait.ge [sflag:s12], $0x4000  }
0x23: {  	s18 =	simm.s32 $0x20;
	s17 =	simm.s32 $0x10;
	[sflag:s12] =	ssyncset.done $0x0  }
.LBB2_2:
0x24: {  	s19 =	sadd.s32 s17, s10  }
0x25: {  	[sflag:s12] =	ssyncadd.s32 $0xFFFFC000;
	s20 =	smov.u32 s18;
	s21 =	sadd.s32 $0x10, s18  }
0x26: {  	[tilespmem:s3], [sflag:$0x2] =	stream.linear.gather [hbm4b:s19+s3], $0x80, $0x38;
	[tilespmem:$0x18100] =	vst v63  }
0x27: {  	p0 =	sne.s32 s18, $0x4E0;
	_ =	swait.ge [sflag:s12], $0x80  }
0x28: {  	[sflag:s12] =	ssyncset.done $0x0  }
0x29: {  	s18 =	sadd.s32 s17, s9;
	s17 =	smov.u32 s20;
	[sflag:s12] =	ssyncadd.s32 $0xFFFFFF80  }
0x2a: {  	[tilespmem:s13], [sflag:$0x2] =	stream.linear.gather [hbm4b:s18+s3], $0x80, $0x38;
	[tilespmem:$0x18100] =	vst v63  }
0x2b: {  	_ =	swait.ge [sflag:s12], $0x80  }
0x2c: {  	[sflag:s12] =	ssyncset.done $0x0  }
0x2d: {  	[sflag:s12] =	ssyncadd.s32 $0xFFFFFF80  }
0x2e: {  	[tilespmem:s14], [sflag:$0x1] =	stream.indirect.gather [hbm4b:s4+s13], $0x80, s3, s13, $0xb8;
	[tilespmem:$0x18100] =	vst v63  }
0x2f: {  	_ =	swait.ge [sflag:s15], $0x4000  }
.Ltmp0:
0x30: {  	[sflag:s15] =	ssyncset.done $0x0;
	(pc) =	sbr.rel @p0 .LBB2_2-.Ltmp0, $4  }
0x31: {  	[sflag:s15] =	ssyncadd.s32 $0xFFFFC000  }
0x32: {  	[spmem:s1] =	stream.indirect.scatter.add.f32 [tilespmem:s14], [sflag:$0x2], $0x80, s13, s13, $0xb8;
	[tilespmem:$0x18100] =	vst v63  }
0x33: {  	_ =	swait.ge [sflag:s12], $0x4000  }
0x34: {  	s18 =	smov.u32 s21;
	[sflag:s12] =	ssyncset.done $0x0  }
0x35: {  	s18 =	sadd.s32 s17, s10;
	[sflag:s12] =	ssyncadd.s32 $0xFFFFC000  }
0x36: {  	[tilespmem:s3], [sflag:$0x2] =	stream.linear.gather [hbm4b:s18+s3], $0x80, $0x38;
	[tilespmem:$0x18100] =	vst v63  }
0x37: {  	_ =	swait.ge [sflag:s12], $0x80  }
0x38: {  	[sflag:s12] =	ssyncset.done $0x0  }
0x39: {  	s31 =	sadd.s32 s17, s9;
	[sflag:s12] =	ssyncadd.s32 $0xFFFFFF80  }
0x3a: {  	[tilespmem:s13], [sflag:$0x2] =	stream.linear.gather [hbm4b:s31+s3], $0x80, $0x38;
	[tilespmem:$0x18100] =	vst v63  }
0x3b: {  	_ =	swait.ge [sflag:s12], $0x80  }
0x3c: {  	[sflag:s12] =	ssyncset.done $0x0  }
0x3d: {  	[sflag:s12] =	ssyncadd.s32 $0xFFFFFF80  }
0x3e: {  	[tilespmem:s14], [sflag:$0x1] =	stream.indirect.gather [hbm4b:s4+s13], $0x80, s3, s13, $0xb8;
	[tilespmem:$0x18100] =	vst v63  }
0x3f: {  	_ =	swait.ge [sflag:s15], $0x4000  }
0x40: {  	[sflag:s15] =	ssyncset.done $0x0  }
0x41: {  	[sflag:s15] =	ssyncadd.s32 $0xFFFFC000  }
0x42: {  	[spmem:s1] =	stream.indirect.scatter.add.f32 [tilespmem:s14], [sflag:$0x2], $0x80, s13, s13, $0xb8;
	[tilespmem:$0x18100] =	vst v63  }
0x43: {  	_ =	swait.ge [sflag:s12], $0x4000  }
0x44: {  	s16 =	sadd.s32 $0x1, s16;
	[sflag:s12] =	ssyncset.done $0x0  }
0x45: {  	p0 =	sne.s32 s16, s8;
	[sflag:s12] =	ssyncadd.s32 $0xFFFFC000  }
.Ltmp1:
0x46: {  	[bflag:$0x0] =	sbarrier.arrive $0xFFFF;
	(pc) =	sbr.rel @p0 .LBB2_1-.Ltmp1, $4  }
0x47: {  	[hbm:s7], [sflag:s6] =	dma.local [spmem:s11], $0x2800  }
0x48: {  	_ =	swait.ge [sflag:s12], $0x2800  }
0x49: {  	[sflag:s12] =	ssyncset.done $0x0  }
0x4a: {  	[sflag:s12] =	ssyncadd.s32 $0xFFFFD800  }
0x4b: {  	_ =	sfence.sel $0x180000  }
0x4c: {  	[bflag:$0x0] =	sbarrier.arrive $0xFFFF  }
0x4d: {  	p0 =	sne.s32 s2, $0x0;
	_ =	strace $0x9000004D  }
0x4e: {  	s0 =	sadd.s32 @!p0 $0x100000, s0;
	[bflag:$0x2] =	sbarrier.arrive $0xFFFF  }
0x4f: {  	[sflag:s0] =	ssyncadd.tile.s32 @!p0 $0x1;
	_ =	shalt  }
.Lfunc_end2:
_tile_overlayer_lowered:
.L_overlay_start_2:
0x50: {  	(tag) =	ssettag $0x2  }
0x51: {  	s0 =	rddreg [dreg:$0x0];
	s2 =	stileid.u32  }
0x52: {  	s1 =	rddreg [dreg:$0x1];
	p0 =	sne.s32 s2, $0x0  }
0x53: {  	s3 =	rddreg [dreg:$0x2];
	[bflag:$0x3] =	sbarrier.arrive $0xFFFF;
	s2 =	simm.s32 @!p0 $0x1C02  }
0x54: {  	[timem:s3], [sflag:s2] =	dma.local @!p0 [hbm:s0], s1  }
0x55: {  	s0 =	simm.s32 @!p0 $0x2  }
0x56: {  	_ =	swait.ge @!p0 [sflag:s0], s1  }
0x57: {  	s1 =	ssub.s32 @!p0 $0x0, s1;
	[sflag:s0] =	ssyncset.done @!p0 $0x0  }
0x58: {  	[sflag:s0] =	ssyncadd.s32 @!p0 s1  }
0x59: {  	[bflag:$0x3] =	sbarrier.arrive $0xFFFF  }
0x5a: {  	_ =	shalt  }

// kernel: kernel.31.cloned.1.call-start
scs
__scs_entry_jumppad:
0x0: {  	(pc) =	sbr.rel $0x88, $3  }
0x1: {  	(tag) =	ssettag $0x0;
	lr =	simm.s32 $0x1  }
0x2: {  	[smem:$0x3F82] =	sst lr;
	_ =	strace $0xD0000000  }
0x3: {  	_ = 	snop  }
0x4: {  	_ = 	snop  }
0x5: {  	_ = 	snop  }
0x6: {  	_ = 	snop  }
0x7: {  	_ = 	snop  }
__scs_overlays_trampoline_lowered:
0x8: {  	[smem:$0x3F91] =	sst s0  }
0x9: {  	[smem:$0x3F92] =	sst s1  }
0xa: {  	[smem:$0x3F93] =	sst s2  }
0xb: {  	[smem:$0x3F94] =	sst s3  }
0xc: {  	[smem:$0x3F95] =	sst s4  }
0xd: {  	[smem:$0x3F96] =	sst s5  }
0xe: {  	[smem:$0x3F97] =	sst s6  }
0xf: {  	[smem:$0x3F98] =	sst s7  }
0x10: {  	[smem:$0x3F99] =	sst s8  }
0x11: {  	[smem:$0x3F9A] =	sst s9;
	s0 =	simm.s32 @!p0 $0x0  }
0x12: {  	s1 =	sld [smem:$0x3F80];
	s0 =	simm.s32 @p0 $0x1  }
0x13: {  	[smem:$0x3F9B] =	sst s0;
	s0 =	simm.s32 @!p1 $0x0  }
0x14: {  	s2 =	sld [smem:$0x3F7F];
	s0 =	simm.s32 @p1 $0x1  }
0x15: {  	[smem:$0x3F9C] =	sst s0;
	s0 =	simm.s32 @!p2 $0x0  }
0x16: {  	s3 =	sld [smem:$0x3FDB];
	s0 =	simm.s32 @p2 $0x1  }
0x17: {  	s4 =	simm.s32 $0x1BF5;
	[smem:$0x3F9E] =	sst s0  }
0x18: {  	s0 =	sld [smem:$0x3F81];
	_ =	swait.ge [sflag:s4], $0x0  }
0x19: {  	s7 =	sld [smem:$0x3F82]  }
0x1a: {  	s8 =	sadd.s32 $0xFFFFE003, lr  }
0x1b: {  	s9 =	sadd.s32 $0xFFFFFEF7, lr;
	s5 =	simm.s32 $0xFFFFFFFF;
	p2 =	slt.u32 s8, $0xFFFFF086  }
0x1c: {  	p1 =	slt.u32 s9, $0xF7A;
	s5 =	simm.s32 @!p2 $0x0  }
0x1d: {  	s5 =	simm.s32 @p1 $0x1;
	p0 =	seq.s32 s7, s2  }
0x1e: {  	s7 =	smul.u32 @!p0 $0xF7A, s2;
	p2 =	seq.s32 @!p0 s5, $0x0  }
0x1f: {  	s9 =	smul.u32 $0xF7A, s1;
	s8 =	simm.s32 @!p0 $0x1BF5;
	p2 =	por !p2, p0  }
0x20: {  	[sflag:s8] =	ssyncset.s32 @!p0 $0xFFFFF086;
	s6 =	sadd.s32 @!p0 s3, s7;
	s7 =	simm.s32 @!p0 $0x108  }
0x21: {  	s3 =	sadd.s32 s3, s9;
	s6 =	sadd.s32 @!p0 $0x88, s6;
	s7 =	simm.s32 @p2 $0x1082  }
0x22: {  	[simem:s7], [sflag:s8] =	dma.local @!p0 [hbm:s6], $0xF7A  }
0x23: {  	s9 =	sor.u32 $0xD0000000, s2;
	s6 =	simm.s32 $0x108;
	_ =	swait.ge @!p0 [sflag:s8], $0x0  }
0x24: {  	s3 =	sadd.s32 $0x88, s3;
	s6 =	simm.s32 @!p1 $0x1082;
	[sflag:s4] =	ssyncset.s32 $0xFFFFF086  }
0x25: {  	[simem:s6], [sflag:s4] =	dma.local [hbm:s3], $0xF7A  }
0x26: {  	[smem:$0x3F82] =	sst s1;
	(tag) =	ssettag s2;
	_ =	strace s9  }
0x27: {  	s1 =	sld [smem:$0x3F92]  }
0x28: {  	s2 =	sld [smem:$0x3F93]  }
0x29: {  	s4 =	sld [smem:$0x3F95]  }
0x2a: {  	p0 =	seq.s32 s5, $0x0;
	s5 =	sld [smem:$0x3F96]  }
0x2b: {  	s6 =	sld [smem:$0x3F97]  }
0x2c: {  	s7 =	sld [smem:$0x3F98]  }
0x2d: {  	s3 =	simm.s32 $0x108;
	s8 =	sld [smem:$0x3F99]  }
0x2e: {  	s3 =	simm.s32 @!p0 $0x1082;
	s9 =	sld [smem:$0x3F9A]  }
0x2f: {  	lr =	sadd.s32 s0, s3;
	s0 =	sld [smem:$0x3F91]  }
0x30: {  	s3 =	sld [smem:$0x3F94]  }
0x31: {  	[smem:$0x3F9D] =	sst s10  }
0x32: {  	s10 =	sld [smem:$0x3F9B];
	_ =	sdelay $0x3  }
0x33: {  	p0 =	seq.s32 s10, $0x1;
	s10 =	sld [smem:$0x3F9D];
	_ =	sdelay $0x3  }
0x34: {  	[smem:$0x3F9D] =	sst s10  }
0x35: {  	s10 =	sld [smem:$0x3F9C];
	_ =	sdelay $0x3  }
0x36: {  	p1 =	seq.s32 s10, $0x1;
	s10 =	sld [smem:$0x3F9D];
	_ =	sdelay $0x3  }
0x37: {  	[smem:$0x3F9D] =	sst s10  }
0x38: {  	s10 =	sld [smem:$0x3F9E]  }
0x39: {  	_ = 	snop;
	(pc) =	sbr.ind lr, $3  }
0x3a: {  	_ = 	snop  }
0x3b: {  	_ = 	snop  }
0x3c: {  	p2 =	seq.s32 s10, $0x1;
	s10 =	sld [smem:$0x3F9D]  }
0x3d: {  	_ =	shalt  }
0x3e: {  	_ =	shalt  }
0x3f: {  	_ =	shalt  }
0x40: {  	_ =	shalt  }
0x41: {  	_ =	shalt  }
0x42: {  	_ =	shalt  }
0x43: {  	_ =	shalt  }
0x44: {  	_ =	shalt  }
0x45: {  	_ =	shalt  }
0x46: {  	_ =	shalt  }
0x47: {  	_ =	shalt  }
0x48: {  	_ =	shalt  }
0x49: {  	_ =	shalt  }
0x4a: {  	_ =	shalt  }
0x4b: {  	_ =	shalt  }
0x4c: {  	_ =	shalt  }
0x4d: {  	_ =	shalt  }
0x4e: {  	_ =	shalt  }
0x4f: {  	_ =	shalt  }
0x50: {  	_ =	shalt  }
0x51: {  	_ =	shalt  }
0x52: {  	_ =	shalt  }
0x53: {  	_ =	shalt  }
0x54: {  	_ =	shalt  }
0x55: {  	_ =	shalt  }
0x56: {  	_ =	shalt  }
0x57: {  	_ =	shalt  }
0x58: {  	_ =	shalt  }
0x59: {  	_ =	shalt  }
0x5a: {  	_ =	shalt  }
0x5b: {  	_ =	shalt  }
0x5c: {  	_ =	shalt  }
0x5d: {  	_ =	shalt  }
0x5e: {  	_ =	shalt  }
0x5f: {  	_ =	shalt  }
0x60: {  	_ =	shalt  }
0x61: {  	_ =	shalt  }
0x62: {  	_ =	shalt  }
0x63: {  	_ =	shalt  }
0x64: {  	_ =	shalt  }
0x65: {  	_ =	shalt  }
0x66: {  	_ =	shalt  }
0x67: {  	_ =	shalt  }
0x68: {  	_ =	shalt  }
0x69: {  	_ =	shalt  }
0x6a: {  	_ =	shalt  }
0x6b: {  	_ =	shalt  }
0x6c: {  	_ =	shalt  }
0x6d: {  	_ =	shalt  }
0x6e: {  	_ =	shalt  }
0x6f: {  	_ =	shalt  }
0x70: {  	_ =	shalt  }
0x71: {  	_ =	shalt  }
0x72: {  	_ =	shalt  }
0x73: {  	_ =	shalt  }
0x74: {  	_ =	shalt  }
0x75: {  	_ =	shalt  }
0x76: {  	_ =	shalt  }
0x77: {  	_ =	shalt  }
0x78: {  	_ =	shalt  }
0x79: {  	_ =	shalt  }
0x7a: {  	_ =	shalt  }
0x7b: {  	_ =	shalt  }
0x7c: {  	_ =	shalt  }
0x7d: {  	_ =	shalt  }
0x7e: {  	_ =	shalt  }
0x7f: {  	_ =	shalt  }
0x80: {  	_ =	shalt  }
0x81: {  	_ =	shalt  }
0x82: {  	_ =	shalt  }
0x83: {  	_ =	shalt  }
0x84: {  	_ =	shalt  }
0x85: {  	_ =	shalt  }
0x86: {  	_ =	shalt  }
0x87: {  	_ =	shalt  }
.Lfunc_end0:
.L_simem_size_0:
called_computation.3_lowered:
.L_overlay_start_0:
0x88: {  	s2 =	sld [smem:$0x3FD9]  }
0x89: {  	s3 =	sld [smem:$0x3FFE];
	_ =	sdelay $0x1  }
0x8a: {  	s1 =	srdreg.scid  }
0x8b: {  	s0 =	sand.u32 $0x1, s1  }
0x8c: {  	s17 =	sshll.u32 s0, $0xA;
	s2 =	sadd.s32 s3, s2  }
0x8d: {  	s2 =	sadd.s32 s2, s17  }
0x8e: {  	[smem:$0x3FA9] =	sst s2  }
0x8f: {  	_ = 	snop  }
0x90: {  	s2 =	sld [smem:$0x3FD0];
	(tm) =	ssettm $0x1  }
0x91: {  	s18 =	sld [smem:$0x3FFB];
	_ =	sdelay $0x3  }
0x92: {  	_ =	strace s18  }
0x93: {  	s3 =	sld [smem:$0x3FFC];
	_ =	sdelay $0x3  }
0x94: {  	_ =	strace s3  }
0x95: {  	s3 =	sld [smem:$0x3FFD];
	_ =	sdelay $0x3  }
0x96: {  	_ =	strace s3  }
0x97: {  	_ =	strace $0x8FFFFFFF  }
0x98: {  	s19 =	sld [smem:$0x3FDB];
	_ =	sdelay $0x1  }
0x99: {  	s4 =	simm.s32 $_scs_section_size  }
0x9a: {  	s5 =	simm.s32 $_size__tile_overlayer_lowered;
	s6 =	simm.s32 $_tile_overlayer_lowered  }
0x9b: {  	s22 =	simm.s32 $0x1BFF;
	s21 =	sshll.u32 s6, $0x1;
	s3 =	sadd.s32 s4, s19  }
0x9c: {  	s7 =	simm.s32 $0x0;
	s20 =	sshll.u32 s5, $0x1;
	s5 =	sadd.s32 s21, s3  }
0x9d: {  	[timem:s7], [sflag:s22] =	dma.local [hbm:s5], s20  }
0x9e: {  	_ =	swait.ge [sflag:s22], s20  }
0x9f: {  	s4 =	ssub.s32 $0x0, s20;
	[sflag:s22] =	ssyncset.done $0x0  }
0xa0: {  	[sflag:s22] =	ssyncadd.s32 s4;
	_ =	sdelay $0x1  }
0xa1: {  	s23 =	simm.s32 $0x1B8B  }
0xa2: {  	_ =	swait.ge [sflag:s23], $0x1  }
0xa3: {  	[sflag:s23] =	ssyncset.done $0x0  }
0xa4: {  	s25 =	simm.s32 $0x1B8E;
	s24 =	sld [smem:$0x3FFE];
	[sflag:s23] =	ssyncadd.s32 $0xFFFFFFFF  }
0xa5: {  	s26 =	simm.s32 $execute0_lowered;
	[smem:$0x3FD2] =	sst s25  }
0xa6: {  	s5 =	sshll.u32 s26, $0x1;
	_ =	strace $0x8000004F;
	[dreg:$0x1] =	wrdreg $0xFFFFFFFF  }
0xa7: {  	s28 =	simm.s32 $_size_execute0_lowered;
	s3 =	sadd.s32 s3, s5;
	[dreg:$0x0] =	wrdreg $0x0  }
0xa8: {  	s5 =	sshll.u32 s28, $0x1;
	[dreg:$0x2] =	wrdreg s3  }
0xa9: {  	[dreg:$0x3] =	wrdreg s5  }
0xaa: {  	[dreg:$0x4] =	wrdreg $0xC0  }
0xab: {  	_ =	task [dreg:s7], $0x5FFFF  }
0xac: {  	[dreg:$0x1] =	wrdreg $0xFFFFFFFF  }
0xad: {  	[dreg:$0x0] =	wrdreg $0x60  }
0xae: {  	[dreg:$0x2] =	wrdreg s24  }
0xaf: {  	[dreg:$0x3] =	wrdreg s2  }
0xb0: {  	[dreg:$0x4] =	wrdreg $0x41000  }
0xb1: {  	[dreg:$0x5] =	wrdreg $0x9  }
0xb2: {  	_ =	task.clear_ibuf [dreg:s7], $0x6FFFF;
	_ =	strace $0x9000004F  }
0xb3: {  	s29 =	simm.s32 $0x9;
	_ =	strace $0x80000051  }
0xb4: {  	_ =	swait.ge [sflag:s29], $0x1  }
0xb5: {  	[sflag:s29] =	ssyncadd.s32 $0xFFFFFFFF  }
0xb6: {  	_ =	strace $0x90000051  }
0xb7: {  	_ =	sfence  }
0xb8: {  	s30 =	sld [smem:$0x0];
	_ =	sdelay $0x2  }
0xb9: {  	s31 =	sshll.u32 s1, $0xD;
	s1 =	sshrl.u32 s1, $0x2  }
0xba: {  	s3 =	sand.u32 $0x4000, s31;
	s1 =	sadd.s32 s1, s30  }
0xbb: {  	s0 =	sor.u32 s3, s0;
	s1 =	sshll.u32 s1, $0x11  }
0xbc: {  	s0 =	sor.u32 s1, s0  }
0xbd: {  	s0 =	sadd.s32 $0x8F2B, s0  }
0xbe: {  	[sflag:s0] =	ssyncadd.remote.s32 $0x1  }
0xbf: {  	_ =	sfence.sel $0xFFFF  }
0xc0: {  	[dreg:$0x0] =	wrdreg $0xFFFFFFFF;
	(pc) =	sbr.abs _section_cstart, $3  }
0xc1: {  	[dreg:$0x1] =	wrdreg $0xFFFFFFFF  }
0xc2: {  	_ =	task.clear_ibuf [dreg:s7], $0x2FFFF;
	_ =	strace $0x9FFFFFFF  }
0xc3: {  	(tm) =	ssettm $0x7FFFFFFF  }
tec
execute0_lowered:
.L_overlay_start_1:
0x0: {  	(tag) =	ssettag $0x1  }
0x1: {  	s5 =	rddreg [dreg:$0x0]  }
0x2: {  	s8 =	rddreg [dreg:$0x1]  }
0x3: {  	s1 =	rddreg [dreg:$0x2];
	s2 =	srdreg.scid  }
0x4: {  	s0 =	rddreg [dreg:$0x3];
	s3 =	simm.s32 $0x0;
	s6 =	sand.u32 $0x1, s2  }
0x5: {  	s15 =	simm.s32 $0x1;
	s2 =	stileid.u32;
	s9 =	smul.u32 $0x4F00, s6  }
0x6: {  	s16 =	simm.s32 $0x0;
	[smem:$0x7FF] =	sst s3;
	s7 =	smul.u32 $0x2800, s2  }
0x7: {  	s4 =	sadd.s32 $0x32200, s5;
	_ =	strace $0x80000050;
	s10 =	smul.u32 $0x28000, s6  }
0x8: {  	s6 =	ssub.s32 $0x2, s6;
	s13 =	smul.u32 $0x50000, s2;
	s29 =	sshll.u32 s2, $0x6  }
0x9: {  	s30 =	smul.u32 $0x4F0, s2;
	s12 =	sshrl.u32 s6, $0x1;
	s11 =	sadd.s32 s9, s5  }
0xa: {  	s10 =	sadd.s32 s7, s10;
	s7 =	sadd.s32 s7, s5;
	s12 =	ssub.s32 s6, s12  }
0xb: {  	s28 =	sshrl.u32 s13, $0x2;
	s6 =	sor.u32 $0x1C02, s29;
	s9 =	sadd.s32 s9, s8  }
0xc: {  	s13 =	simm.s32 $0x80;
	s10 =	sadd.s32 s10, s5;
	s14 =	sadd.s32 s28, s1  }
0xd: {  	s5 =	sadd.s32 $0xA200, s7;
	s31 =	sadd.s32 s30, s11;
	s8 =	smax.u32 s12, $0x1  }
0xe: {  	s9 =	sadd.s32 s30, s9;
	s12 =	simm.s32 $0x2;
	s7 =	sadd.s32 $0x8C200, s10  }
0xf: {  	s10 =	sadd.s32 $0x82400, s31;
	s11 =	sshrl.u32 s14, $0x3;
	s14 =	simm.s32 $0x100  }
.LBB2_1:
0x10: {  	[spmem:s11], [sflag:s6] =	dma.local [hbm:s5], $0x2800  }
0x11: {  	_ =	swait.ge [sflag:s12], $0x2800  }
0x12: {  	[sflag:s12] =	ssyncset.done $0x0  }
0x13: {  	[sflag:s12] =	ssyncadd.s32 $0xFFFFD800  }
0x14: {  	s17 =	sadd.s32 $0x0, s10;
	[bflag:$0x0] =	sbarrier.arrive $0xFFFF  }
0x15: {  	[tilespmem:s3], [sflag:$0x2] =	stream.linear.gather [hbm4b:s17+s3], $0x80, $0x38;
	[tilespmem:$0x18100] =	vst v63  }
0x16: {  	_ =	swait.ge [sflag:s12], $0x80  }
0x17: {  	[sflag:s12] =	ssyncset.done $0x0  }
0x18: {  	s31 =	sadd.s32 $0x0, s9;
	[sflag:s12] =	ssyncadd.s32 $0xFFFFFF80  }
0x19: {  	[tilespmem:s13], [sflag:$0x2] =	stream.linear.gather [hbm4b:s31+s3], $0x80, $0x38;
	[tilespmem:$0x18100] =	vst v63  }
0x1a: {  	_ =	swait.ge [sflag:s12], $0x80  }
0x1b: {  	[sflag:s12] =	ssyncset.done $0x0  }
0x1c: {  	[sflag:s12] =	ssyncadd.s32 $0xFFFFFF80  }
0x1d: {  	[tilespmem:s14], [sflag:$0x1] =	stream.indirect.gather [hbm4b:s4+s13], $0x80, s3, s13, $0xb8;
	[tilespmem:$0x18100] =	vst v63  }
0x1e: {  	_ =	swait.ge [sflag:s15], $0x4000  }
0x1f: {  	[sflag:s15] =	ssyncset.done $0x0  }
0x20: {  	[sflag:s15] =	ssyncadd.s32 $0xFFFFC000  }
0x21: {  	[spmem:s1] =	stream.indirect.scatter.add.f32 [tilespmem:s14], [sflag:$0x2], $0x80, s13, s13, $0xb8;
	[tilespmem:$0x18100] =	vst v63  }
0x22: {  	_ =	swait.ge [sflag:s12], $0x4000  }
0x23: {  	s18 =	simm.s32 $0x20;
	s17 =	simm.s32 $0x10;
	[sflag:s12] =	ssyncset.done $0x0  }
.LBB2_2:
0x24: {  	s19 =	sadd.s32 s17, s10  }
0x25: {  	[sflag:s12] =	ssyncadd.s32 $0xFFFFC000;
	s20 =	smov.u32 s18;
	s21 =	sadd.s32 $0x10, s18  }
0x26: {  	[tilespmem:s3], [sflag:$0x2] =	stream.linear.gather [hbm4b:s19+s3], $0x80, $0x38;
	[tilespmem:$0x18100] =	vst v63  }
0x27: {  	p0 =	sne.s32 s18, $0x4E0;
	_ =	swait.ge [sflag:s12], $0x80  }
0x28: {  	[sflag:s12] =	ssyncset.done $0x0  }
0x29: {  	s18 =	sadd.s32 s17, s9;
	s17 =	smov.u32 s20;
	[sflag:s12] =	ssyncadd.s32 $0xFFFFFF80  }
0x2a: {  	[tilespmem:s13], [sflag:$0x2] =	stream.linear.gather [hbm4b:s18+s3], $0x80, $0x38;
	[tilespmem:$0x18100] =	vst v63  }
0x2b: {  	_ =	swait.ge [sflag:s12], $0x80  }
0x2c: {  	[sflag:s12] =	ssyncset.done $0x0  }
0x2d: {  	[sflag:s12] =	ssyncadd.s32 $0xFFFFFF80  }
0x2e: {  	[tilespmem:s14], [sflag:$0x1] =	stream.indirect.gather [hbm4b:s4+s13], $0x80, s3, s13, $0xb8;
	[tilespmem:$0x18100] =	vst v63  }
0x2f: {  	_ =	swait.ge [sflag:s15], $0x4000  }
.Ltmp0:
0x30: {  	[sflag:s15] =	ssyncset.done $0x0;
	(pc) =	sbr.rel @p0 .LBB2_2-.Ltmp0, $4  }
0x31: {  	[sflag:s15] =	ssyncadd.s32 $0xFFFFC000  }
0x32: {  	[spmem:s1] =	stream.indirect.scatter.add.f32 [tilespmem:s14], [sflag:$0x2], $0x80, s13, s13, $0xb8;
	[tilespmem:$0x18100] =	vst v63  }
0x33: {  	_ =	swait.ge [sflag:s12], $0x4000  }
0x34: {  	s18 =	smov.u32 s21;
	[sflag:s12] =	ssyncset.done $0x0  }
0x35: {  	s18 =	sadd.s32 s17, s10;
	[sflag:s12] =	ssyncadd.s32 $0xFFFFC000  }
0x36: {  	[tilespmem:s3], [sflag:$0x2] =	stream.linear.gather [hbm4b:s18+s3], $0x80, $0x38;
	[tilespmem:$0x18100] =	vst v63  }
0x37: {  	_ =	swait.ge [sflag:s12], $0x80  }
0x38: {  	[sflag:s12] =	ssyncset.done $0x0  }
0x39: {  	s31 =	sadd.s32 s17, s9;
	[sflag:s12] =	ssyncadd.s32 $0xFFFFFF80  }
0x3a: {  	[tilespmem:s13], [sflag:$0x2] =	stream.linear.gather [hbm4b:s31+s3], $0x80, $0x38;
	[tilespmem:$0x18100] =	vst v63  }
0x3b: {  	_ =	swait.ge [sflag:s12], $0x80  }
0x3c: {  	[sflag:s12] =	ssyncset.done $0x0  }
0x3d: {  	[sflag:s12] =	ssyncadd.s32 $0xFFFFFF80  }
0x3e: {  	[tilespmem:s14], [sflag:$0x1] =	stream.indirect.gather [hbm4b:s4+s13], $0x80, s3, s13, $0xb8;
	[tilespmem:$0x18100] =	vst v63  }
0x3f: {  	_ =	swait.ge [sflag:s15], $0x4000  }
0x40: {  	[sflag:s15] =	ssyncset.done $0x0  }
0x41: {  	[sflag:s15] =	ssyncadd.s32 $0xFFFFC000  }
0x42: {  	[spmem:s1] =	stream.indirect.scatter.add.f32 [tilespmem:s14], [sflag:$0x2], $0x80, s13, s13, $0xb8;
	[tilespmem:$0x18100] =	vst v63  }
0x43: {  	_ =	swait.ge [sflag:s12], $0x4000  }
0x44: {  	s16 =	sadd.s32 $0x1, s16;
	[sflag:s12] =	ssyncset.done $0x0  }
0x45: {  	p0 =	sne.s32 s16, s8;
	[sflag:s12] =	ssyncadd.s32 $0xFFFFC000  }
.Ltmp1:
0x46: {  	[bflag:$0x0] =	sbarrier.arrive $0xFFFF;
	(pc) =	sbr.rel @p0 .LBB2_1-.Ltmp1, $4  }
0x47: {  	[hbm:s7], [sflag:s6] =	dma.local [spmem:s11], $0x2800  }
0x48: {  	_ =	swait.ge [sflag:s12], $0x2800  }
0x49: {  	[sflag:s12] =	ssyncset.done $0x0  }
0x4a: {  	[sflag:s12] =	ssyncadd.s32 $0xFFFFD800  }
0x4b: {  	_ =	sfence.sel $0x180000  }
0x4c: {  	[bflag:$0x0] =	sbarrier.arrive $0xFFFF  }
0x4d: {  	p0 =	sne.s32 s2, $0x0;
	_ =	strace $0x90000050  }
0x4e: {  	s0 =	sadd.s32 @!p0 $0x100000, s0;
	[bflag:$0x2] =	sbarrier.arrive $0xFFFF  }
0x4f: {  	[sflag:s0] =	ssyncadd.tile.s32 @!p0 $0x1;
	_ =	shalt  }
.Lfunc_end2:
_tile_overlayer_lowered:
.L_overlay_start_2:
0x50: {  	(tag) =	ssettag $0x2  }
0x51: {  	s0 =	rddreg [dreg:$0x0];
	s2 =	stileid.u32  }
0x52: {  	s1 =	rddreg [dreg:$0x1];
	p0 =	sne.s32 s2, $0x0  }
0x53: {  	s3 =	rddreg [dreg:$0x2];
	[bflag:$0x3] =	sbarrier.arrive $0xFFFF;
	s2 =	simm.s32 @!p0 $0x1C02  }
0x54: {  	[timem:s3], [sflag:s2] =	dma.local @!p0 [hbm:s0], s1  }
0x55: {  	s0 =	simm.s32 @!p0 $0x2  }
0x56: {  	_ =	swait.ge @!p0 [sflag:s0], s1  }
0x57: {  	s1 =	ssub.s32 @!p0 $0x0, s1;
	[sflag:s0] =	ssyncset.done @!p0 $0x0  }
0x58: {  	[sflag:s0] =	ssyncadd.s32 @!p0 s1  }
0x59: {  	[bflag:$0x3] =	sbarrier.arrive $0xFFFF  }
0x5a: {  	_ =	shalt  }

// kernel: kernel.34.cloned.1.call-start
scs
__scs_entry_jumppad:
0x0: {  	(pc) =	sbr.rel $0x88, $3  }
0x1: {  	(tag) =	ssettag $0x0;
	lr =	simm.s32 $0x1  }
0x2: {  	[smem:$0x3F82] =	sst lr;
	_ =	strace $0xD0000000  }
0x3: {  	_ = 	snop  }
0x4: {  	_ = 	snop  }
0x5: {  	_ = 	snop  }
0x6: {  	_ = 	snop  }
0x7: {  	_ = 	snop  }
__scs_overlays_trampoline_lowered:
0x8: {  	[smem:$0x3F91] =	sst s0  }
0x9: {  	[smem:$0x3F92] =	sst s1  }
0xa: {  	[smem:$0x3F93] =	sst s2  }
0xb: {  	[smem:$0x3F94] =	sst s3  }
0xc: {  	[smem:$0x3F95] =	sst s4  }
0xd: {  	[smem:$0x3F96] =	sst s5  }
0xe: {  	[smem:$0x3F97] =	sst s6  }
0xf: {  	[smem:$0x3F98] =	sst s7  }
0x10: {  	[smem:$0x3F99] =	sst s8  }
0x11: {  	[smem:$0x3F9A] =	sst s9;
	s0 =	simm.s32 @!p0 $0x0  }
0x12: {  	s1 =	sld [smem:$0x3F80];
	s0 =	simm.s32 @p0 $0x1  }
0x13: {  	[smem:$0x3F9B] =	sst s0;
	s0 =	simm.s32 @!p1 $0x0  }
0x14: {  	s2 =	sld [smem:$0x3F7F];
	s0 =	simm.s32 @p1 $0x1  }
0x15: {  	[smem:$0x3F9C] =	sst s0;
	s0 =	simm.s32 @!p2 $0x0  }
0x16: {  	s3 =	sld [smem:$0x3FDB];
	s0 =	simm.s32 @p2 $0x1  }
0x17: {  	s4 =	simm.s32 $0x1BF5;
	[smem:$0x3F9E] =	sst s0  }
0x18: {  	s0 =	sld [smem:$0x3F81];
	_ =	swait.ge [sflag:s4], $0x0  }
0x19: {  	s7 =	sld [smem:$0x3F82]  }
0x1a: {  	s8 =	sadd.s32 $0xFFFFE003, lr  }
0x1b: {  	s9 =	sadd.s32 $0xFFFFFEF7, lr;
	s5 =	simm.s32 $0xFFFFFFFF;
	p2 =	slt.u32 s8, $0xFFFFF086  }
0x1c: {  	p1 =	slt.u32 s9, $0xF7A;
	s5 =	simm.s32 @!p2 $0x0  }
0x1d: {  	s5 =	simm.s32 @p1 $0x1;
	p0 =	seq.s32 s7, s2  }
0x1e: {  	s7 =	smul.u32 @!p0 $0xF7A, s2;
	p2 =	seq.s32 @!p0 s5, $0x0  }
0x1f: {  	s9 =	smul.u32 $0xF7A, s1;
	s8 =	simm.s32 @!p0 $0x1BF5;
	p2 =	por !p2, p0  }
0x20: {  	[sflag:s8] =	ssyncset.s32 @!p0 $0xFFFFF086;
	s6 =	sadd.s32 @!p0 s3, s7;
	s7 =	simm.s32 @!p0 $0x108  }
0x21: {  	s3 =	sadd.s32 s3, s9;
	s6 =	sadd.s32 @!p0 $0x88, s6;
	s7 =	simm.s32 @p2 $0x1082  }
0x22: {  	[simem:s7], [sflag:s8] =	dma.local @!p0 [hbm:s6], $0xF7A  }
0x23: {  	s9 =	sor.u32 $0xD0000000, s2;
	s6 =	simm.s32 $0x108;
	_ =	swait.ge @!p0 [sflag:s8], $0x0  }
0x24: {  	s3 =	sadd.s32 $0x88, s3;
	s6 =	simm.s32 @!p1 $0x1082;
	[sflag:s4] =	ssyncset.s32 $0xFFFFF086  }
0x25: {  	[simem:s6], [sflag:s4] =	dma.local [hbm:s3], $0xF7A  }
0x26: {  	[smem:$0x3F82] =	sst s1;
	(tag) =	ssettag s2;
	_ =	strace s9  }
0x27: {  	s1 =	sld [smem:$0x3F92]  }
0x28: {  	s2 =	sld [smem:$0x3F93]  }
0x29: {  	s4 =	sld [smem:$0x3F95]  }
0x2a: {  	p0 =	seq.s32 s5, $0x0;
	s5 =	sld [smem:$0x3F96]  }
0x2b: {  	s6 =	sld [smem:$0x3F97]  }
0x2c: {  	s7 =	sld [smem:$0x3F98]  }
0x2d: {  	s3 =	simm.s32 $0x108;
	s8 =	sld [smem:$0x3F99]  }
0x2e: {  	s3 =	simm.s32 @!p0 $0x1082;
	s9 =	sld [smem:$0x3F9A]  }
0x2f: {  	lr =	sadd.s32 s0, s3;
	s0 =	sld [smem:$0x3F91]  }
0x30: {  	s3 =	sld [smem:$0x3F94]  }
0x31: {  	[smem:$0x3F9D] =	sst s10  }
0x32: {  	s10 =	sld [smem:$0x3F9B];
	_ =	sdelay $0x3  }
0x33: {  	p0 =	seq.s32 s10, $0x1;
	s10 =	sld [smem:$0x3F9D];
	_ =	sdelay $0x3  }
0x34: {  	[smem:$0x3F9D] =	sst s10  }
0x35: {  	s10 =	sld [smem:$0x3F9C];
	_ =	sdelay $0x3  }
0x36: {  	p1 =	seq.s32 s10, $0x1;
	s10 =	sld [smem:$0x3F9D];
	_ =	sdelay $0x3  }
0x37: {  	[smem:$0x3F9D] =	sst s10  }
0x38: {  	s10 =	sld [smem:$0x3F9E]  }
0x39: {  	_ = 	snop;
	(pc) =	sbr.ind lr, $3  }
0x3a: {  	_ = 	snop  }
0x3b: {  	_ = 	snop  }
0x3c: {  	p2 =	seq.s32 s10, $0x1;
	s10 =	sld [smem:$0x3F9D]  }
0x3d: {  	_ =	shalt  }
0x3e: {  	_ =	shalt  }
0x3f: {  	_ =	shalt  }
0x40: {  	_ =	shalt  }
0x41: {  	_ =	shalt  }
0x42: {  	_ =	shalt  }
0x43: {  	_ =	shalt  }
0x44: {  	_ =	shalt  }
0x45: {  	_ =	shalt  }
0x46: {  	_ =	shalt  }
0x47: {  	_ =	shalt  }
0x48: {  	_ =	shalt  }
0x49: {  	_ =	shalt  }
0x4a: {  	_ =	shalt  }
0x4b: {  	_ =	shalt  }
0x4c: {  	_ =	shalt  }
0x4d: {  	_ =	shalt  }
0x4e: {  	_ =	shalt  }
0x4f: {  	_ =	shalt  }
0x50: {  	_ =	shalt  }
0x51: {  	_ =	shalt  }
0x52: {  	_ =	shalt  }
0x53: {  	_ =	shalt  }
0x54: {  	_ =	shalt  }
0x55: {  	_ =	shalt  }
0x56: {  	_ =	shalt  }
0x57: {  	_ =	shalt  }
0x58: {  	_ =	shalt  }
0x59: {  	_ =	shalt  }
0x5a: {  	_ =	shalt  }
0x5b: {  	_ =	shalt  }
0x5c: {  	_ =	shalt  }
0x5d: {  	_ =	shalt  }
0x5e: {  	_ =	shalt  }
0x5f: {  	_ =	shalt  }
0x60: {  	_ =	shalt  }
0x61: {  	_ =	shalt  }
0x62: {  	_ =	shalt  }
0x63: {  	_ =	shalt  }
0x64: {  	_ =	shalt  }
0x65: {  	_ =	shalt  }
0x66: {  	_ =	shalt  }
0x67: {  	_ =	shalt  }
0x68: {  	_ =	shalt  }
0x69: {  	_ =	shalt  }
0x6a: {  	_ =	shalt  }
0x6b: {  	_ =	shalt  }
0x6c: {  	_ =	shalt  }
0x6d: {  	_ =	shalt  }
0x6e: {  	_ =	shalt  }
0x6f: {  	_ =	shalt  }
0x70: {  	_ =	shalt  }
0x71: {  	_ =	shalt  }
0x72: {  	_ =	shalt  }
0x73: {  	_ =	shalt  }
0x74: {  	_ =	shalt  }
0x75: {  	_ =	shalt  }
0x76: {  	_ =	shalt  }
0x77: {  	_ =	shalt  }
0x78: {  	_ =	shalt  }
0x79: {  	_ =	shalt  }
0x7a: {  	_ =	shalt  }
0x7b: {  	_ =	shalt  }
0x7c: {  	_ =	shalt  }
0x7d: {  	_ =	shalt  }
0x7e: {  	_ =	shalt  }
0x7f: {  	_ =	shalt  }
0x80: {  	_ =	shalt  }
0x81: {  	_ =	shalt  }
0x82: {  	_ =	shalt  }
0x83: {  	_ =	shalt  }
0x84: {  	_ =	shalt  }
0x85: {  	_ =	shalt  }
0x86: {  	_ =	shalt  }
0x87: {  	_ =	shalt  }
.Lfunc_end0:
.L_simem_size_0:
called_computation.4_lowered:
.L_overlay_start_0:
0x88: {  	s2 =	sld [smem:$0x3FD9]  }
0x89: {  	s3 =	sld [smem:$0x3FFE];
	_ =	sdelay $0x1  }
0x8a: {  	s1 =	srdreg.scid  }
0x8b: {  	s0 =	sand.u32 $0x1, s1  }
0x8c: {  	s17 =	sshll.u32 s0, $0xA;
	s2 =	sadd.s32 s3, s2  }
0x8d: {  	s2 =	sadd.s32 s2, s17  }
0x8e: {  	[smem:$0x3FA9] =	sst s2  }
0x8f: {  	_ = 	snop  }
0x90: {  	s2 =	sld [smem:$0x3FD0];
	(tm) =	ssettm $0x1  }
0x91: {  	s18 =	sld [smem:$0x3FFB];
	_ =	sdelay $0x3  }
0x92: {  	_ =	strace s18  }
0x93: {  	s3 =	sld [smem:$0x3FFC];
	_ =	sdelay $0x3  }
0x94: {  	_ =	strace s3  }
0x95: {  	s3 =	sld [smem:$0x3FFD];
	_ =	sdelay $0x3  }
0x96: {  	_ =	strace s3  }
0x97: {  	_ =	strace $0x8FFFFFFF  }
0x98: {  	s19 =	sld [smem:$0x3FDB];
	_ =	sdelay $0x1  }
0x99: {  	s4 =	simm.s32 $_scs_section_size  }
0x9a: {  	s5 =	simm.s32 $_size__tile_overlayer_lowered;
	s6 =	simm.s32 $_tile_overlayer_lowered  }
0x9b: {  	s22 =	simm.s32 $0x1BFF;
	s21 =	sshll.u32 s6, $0x1;
	s3 =	sadd.s32 s4, s19  }
0x9c: {  	s7 =	simm.s32 $0x0;
	s20 =	sshll.u32 s5, $0x1;
	s5 =	sadd.s32 s21, s3  }
0x9d: {  	[timem:s7], [sflag:s22] =	dma.local [hbm:s5], s20  }
0x9e: {  	_ =	swait.ge [sflag:s22], s20  }
0x9f: {  	s4 =	ssub.s32 $0x0, s20;
	[sflag:s22] =	ssyncset.done $0x0  }
0xa0: {  	[sflag:s22] =	ssyncadd.s32 s4;
	_ =	sdelay $0x1  }
0xa1: {  	s23 =	simm.s32 $0x1B8B  }
0xa2: {  	_ =	swait.ge [sflag:s23], $0x1  }
0xa3: {  	[sflag:s23] =	ssyncset.done $0x0  }
0xa4: {  	s25 =	simm.s32 $0x1B8E;
	s24 =	sld [smem:$0x3FFE];
	[sflag:s23] =	ssyncadd.s32 $0xFFFFFFFF  }
0xa5: {  	s26 =	simm.s32 $execute0_lowered;
	[smem:$0x3FD2] =	sst s25  }
0xa6: {  	s5 =	sshll.u32 s26, $0x1;
	_ =	strace $0x80000052;
	[dreg:$0x1] =	wrdreg $0xFFFFFFFF  }
0xa7: {  	s28 =	simm.s32 $_size_execute0_lowered;
	s3 =	sadd.s32 s3, s5;
	[dreg:$0x0] =	wrdreg $0x0  }
0xa8: {  	s5 =	sshll.u32 s28, $0x1;
	[dreg:$0x2] =	wrdreg s3  }
0xa9: {  	[dreg:$0x3] =	wrdreg s5  }
0xaa: {  	[dreg:$0x4] =	wrdreg $0xC0  }
0xab: {  	_ =	task [dreg:s7], $0x5FFFF  }
0xac: {  	[dreg:$0x1] =	wrdreg $0xFFFFFFFF  }
0xad: {  	[dreg:$0x0] =	wrdreg $0x60  }
0xae: {  	[dreg:$0x2] =	wrdreg s24  }
0xaf: {  	[dreg:$0x3] =	wrdreg s2  }
0xb0: {  	[dreg:$0x4] =	wrdreg $0x41000  }
0xb1: {  	[dreg:$0x5] =	wrdreg $0x9  }
0xb2: {  	_ =	task.clear_ibuf [dreg:s7], $0x6FFFF;
	_ =	strace $0x90000052  }
0xb3: {  	s29 =	simm.s32 $0x9;
	_ =	strace $0x80000054  }
0xb4: {  	_ =	swait.ge [sflag:s29], $0x1  }
0xb5: {  	[sflag:s29] =	ssyncadd.s32 $0xFFFFFFFF  }
0xb6: {  	_ =	strace $0x90000054  }
0xb7: {  	_ =	sfence  }
0xb8: {  	s30 =	sld [smem:$0x0];
	_ =	sdelay $0x2  }
0xb9: {  	s31 =	sshll.u32 s1, $0xD;
	s1 =	sshrl.u32 s1, $0x2  }
0xba: {  	s3 =	sand.u32 $0x4000, s31;
	s1 =	sadd.s32 s1, s30  }
0xbb: {  	s0 =	sor.u32 s3, s0;
	s1 =	sshll.u32 s1, $0x11  }
0xbc: {  	s0 =	sor.u32 s1, s0  }
0xbd: {  	s0 =	sadd.s32 $0x8F2B, s0  }
0xbe: {  	[sflag:s0] =	ssyncadd.remote.s32 $0x1  }
0xbf: {  	_ =	sfence.sel $0xFFFF  }
0xc0: {  	[dreg:$0x0] =	wrdreg $0xFFFFFFFF;
	(pc) =	sbr.abs _section_cstart, $3  }
0xc1: {  	[dreg:$0x1] =	wrdreg $0xFFFFFFFF  }
0xc2: {  	_ =	task.clear_ibuf [dreg:s7], $0x2FFFF;
	_ =	strace $0x9FFFFFFF  }
0xc3: {  	(tm) =	ssettm $0x7FFFFFFF  }
tec
execute0_lowered:
.L_overlay_start_1:
0x0: {  	(tag) =	ssettag $0x1  }
0x1: {  	s5 =	rddreg [dreg:$0x0]  }
0x2: {  	s8 =	rddreg [dreg:$0x1]  }
0x3: {  	s1 =	rddreg [dreg:$0x2];
	s2 =	srdreg.scid  }
0x4: {  	s0 =	rddreg [dreg:$0x3];
	s3 =	simm.s32 $0x0;
	s6 =	sand.u32 $0x1, s2  }
0x5: {  	s15 =	simm.s32 $0x1;
	s2 =	stileid.u32;
	s9 =	smul.u32 $0x4F00, s6  }
0x6: {  	s16 =	simm.s32 $0x0;
	[smem:$0x7FF] =	sst s3;
	s7 =	smul.u32 $0x2800, s2  }
0x7: {  	s4 =	sadd.s32 $0x32200, s5;
	_ =	strace $0x80000053;
	s10 =	smul.u32 $0x28000, s6  }
0x8: {  	s6 =	ssub.s32 $0x2, s6;
	s13 =	smul.u32 $0x50000, s2;
	s29 =	sshll.u32 s2, $0x6  }
0x9: {  	s30 =	smul.u32 $0x4F0, s2;
	s12 =	sshrl.u32 s6, $0x1;
	s11 =	sadd.s32 s9, s5  }
0xa: {  	s10 =	sadd.s32 s7, s10;
	s7 =	sadd.s32 s7, s5;
	s12 =	ssub.s32 s6, s12  }
0xb: {  	s28 =	sshrl.u32 s13, $0x2;
	s6 =	sor.u32 $0x1C02, s29;
	s9 =	sadd.s32 s9, s8  }
0xc: {  	s13 =	simm.s32 $0x80;
	s10 =	sadd.s32 s10, s5;
	s14 =	sadd.s32 s28, s1  }
0xd: {  	s5 =	sadd.s32 $0xA200, s7;
	s31 =	sadd.s32 s30, s11;
	s8 =	smax.u32 s12, $0x1  }
0xe: {  	s9 =	sadd.s32 s30, s9;
	s12 =	simm.s32 $0x2;
	s7 =	sadd.s32 $0x8C200, s10  }
0xf: {  	s10 =	sadd.s32 $0x82400, s31;
	s11 =	sshrl.u32 s14, $0x3;
	s14 =	simm.s32 $0x100  }
.LBB2_1:
0x10: {  	[spmem:s11], [sflag:s6] =	dma.local [hbm:s5], $0x2800  }
0x11: {  	_ =	swait.ge [sflag:s12], $0x2800  }
0x12: {  	[sflag:s12] =	ssyncset.done $0x0  }
0x13: {  	[sflag:s12] =	ssyncadd.s32 $0xFFFFD800  }
0x14: {  	s17 =	sadd.s32 $0x0, s10;
	[bflag:$0x0] =	sbarrier.arrive $0xFFFF  }
0x15: {  	[tilespmem:s3], [sflag:$0x2] =	stream.linear.gather [hbm4b:s17+s3], $0x80, $0x38;
	[tilespmem:$0x18100] =	vst v63  }
0x16: {  	_ =	swait.ge [sflag:s12], $0x80  }
0x17: {  	[sflag:s12] =	ssyncset.done $0x0  }
0x18: {  	s31 =	sadd.s32 $0x0, s9;
	[sflag:s12] =	ssyncadd.s32 $0xFFFFFF80  }
0x19: {  	[tilespmem:s13], [sflag:$0x2] =	stream.linear.gather [hbm4b:s31+s3], $0x80, $0x38;
	[tilespmem:$0x18100] =	vst v63  }
0x1a: {  	_ =	swait.ge [sflag:s12], $0x80  }
0x1b: {  	[sflag:s12] =	ssyncset.done $0x0  }
0x1c: {  	[sflag:s12] =	ssyncadd.s32 $0xFFFFFF80  }
0x1d: {  	[tilespmem:s14], [sflag:$0x1] =	stream.indirect.gather [hbm4b:s4+s13], $0x80, s3, s13, $0xb8;
	[tilespmem:$0x18100] =	vst v63  }
0x1e: {  	_ =	swait.ge [sflag:s15], $0x4000  }
0x1f: {  	[sflag:s15] =	ssyncset.done $0x0  }
0x20: {  	[sflag:s15] =	ssyncadd.s32 $0xFFFFC000  }
0x21: {  	[spmem:s1] =	stream.indirect.scatter.add.f32 [tilespmem:s14], [sflag:$0x2], $0x80, s13, s13, $0xb8;
	[tilespmem:$0x18100] =	vst v63  }
0x22: {  	_ =	swait.ge [sflag:s12], $0x4000  }
0x23: {  	s18 =	simm.s32 $0x20;
	s17 =	simm.s32 $0x10;
	[sflag:s12] =	ssyncset.done $0x0  }
.LBB2_2:
0x24: {  	s19 =	sadd.s32 s17, s10  }
0x25: {  	[sflag:s12] =	ssyncadd.s32 $0xFFFFC000;
	s20 =	smov.u32 s18;
	s21 =	sadd.s32 $0x10, s18  }
0x26: {  	[tilespmem:s3], [sflag:$0x2] =	stream.linear.gather [hbm4b:s19+s3], $0x80, $0x38;
	[tilespmem:$0x18100] =	vst v63  }
0x27: {  	p0 =	sne.s32 s18, $0x4E0;
	_ =	swait.ge [sflag:s12], $0x80  }
0x28: {  	[sflag:s12] =	ssyncset.done $0x0  }
0x29: {  	s18 =	sadd.s32 s17, s9;
	s17 =	smov.u32 s20;
	[sflag:s12] =	ssyncadd.s32 $0xFFFFFF80  }
0x2a: {  	[tilespmem:s13], [sflag:$0x2] =	stream.linear.gather [hbm4b:s18+s3], $0x80, $0x38;
	[tilespmem:$0x18100] =	vst v63  }
0x2b: {  	_ =	swait.ge [sflag:s12], $0x80  }
0x2c: {  	[sflag:s12] =	ssyncset.done $0x0  }
0x2d: {  	[sflag:s12] =	ssyncadd.s32 $0xFFFFFF80  }
0x2e: {  	[tilespmem:s14], [sflag:$0x1] =	stream.indirect.gather [hbm4b:s4+s13], $0x80, s3, s13, $0xb8;
	[tilespmem:$0x18100] =	vst v63  }
0x2f: {  	_ =	swait.ge [sflag:s15], $0x4000  }
.Ltmp0:
0x30: {  	[sflag:s15] =	ssyncset.done $0x0;
	(pc) =	sbr.rel @p0 .LBB2_2-.Ltmp0, $4  }
0x31: {  	[sflag:s15] =	ssyncadd.s32 $0xFFFFC000  }
0x32: {  	[spmem:s1] =	stream.indirect.scatter.add.f32 [tilespmem:s14], [sflag:$0x2], $0x80, s13, s13, $0xb8;
	[tilespmem:$0x18100] =	vst v63  }
0x33: {  	_ =	swait.ge [sflag:s12], $0x4000  }
0x34: {  	s18 =	smov.u32 s21;
	[sflag:s12] =	ssyncset.done $0x0  }
0x35: {  	s18 =	sadd.s32 s17, s10;
	[sflag:s12] =	ssyncadd.s32 $0xFFFFC000  }
0x36: {  	[tilespmem:s3], [sflag:$0x2] =	stream.linear.gather [hbm4b:s18+s3], $0x80, $0x38;
	[tilespmem:$0x18100] =	vst v63  }
0x37: {  	_ =	swait.ge [sflag:s12], $0x80  }
0x38: {  	[sflag:s12] =	ssyncset.done $0x0  }
0x39: {  	s31 =	sadd.s32 s17, s9;
	[sflag:s12] =	ssyncadd.s32 $0xFFFFFF80  }
0x3a: {  	[tilespmem:s13], [sflag:$0x2] =	stream.linear.gather [hbm4b:s31+s3], $0x80, $0x38;
	[tilespmem:$0x18100] =	vst v63  }
0x3b: {  	_ =	swait.ge [sflag:s12], $0x80  }
0x3c: {  	[sflag:s12] =	ssyncset.done $0x0  }
0x3d: {  	[sflag:s12] =	ssyncadd.s32 $0xFFFFFF80  }
0x3e: {  	[tilespmem:s14], [sflag:$0x1] =	stream.indirect.gather [hbm4b:s4+s13], $0x80, s3, s13, $0xb8;
	[tilespmem:$0x18100] =	vst v63  }
0x3f: {  	_ =	swait.ge [sflag:s15], $0x4000  }
0x40: {  	[sflag:s15] =	ssyncset.done $0x0  }
0x41: {  	[sflag:s15] =	ssyncadd.s32 $0xFFFFC000  }
0x42: {  	[spmem:s1] =	stream.indirect.scatter.add.f32 [tilespmem:s14], [sflag:$0x2], $0x80, s13, s13, $0xb8;
	[tilespmem:$0x18100] =	vst v63  }
0x43: {  	_ =	swait.ge [sflag:s12], $0x4000  }
0x44: {  	s16 =	sadd.s32 $0x1, s16;
	[sflag:s12] =	ssyncset.done $0x0  }
0x45: {  	p0 =	sne.s32 s16, s8;
	[sflag:s12] =	ssyncadd.s32 $0xFFFFC000  }
.Ltmp1:
0x46: {  	[bflag:$0x0] =	sbarrier.arrive $0xFFFF;
	(pc) =	sbr.rel @p0 .LBB2_1-.Ltmp1, $4  }
0x47: {  	[hbm:s7], [sflag:s6] =	dma.local [spmem:s11], $0x2800  }
0x48: {  	_ =	swait.ge [sflag:s12], $0x2800  }
0x49: {  	[sflag:s12] =	ssyncset.done $0x0  }
0x4a: {  	[sflag:s12] =	ssyncadd.s32 $0xFFFFD800  }
0x4b: {  	_ =	sfence.sel $0x180000  }
0x4c: {  	[bflag:$0x0] =	sbarrier.arrive $0xFFFF  }
0x4d: {  	p0 =	sne.s32 s2, $0x0;
	_ =	strace $0x90000053  }
0x4e: {  	s0 =	sadd.s32 @!p0 $0x100000, s0;
	[bflag:$0x2] =	sbarrier.arrive $0xFFFF  }
0x4f: {  	[sflag:s0] =	ssyncadd.tile.s32 @!p0 $0x1;
	_ =	shalt  }
.Lfunc_end2:
_tile_overlayer_lowered:
.L_overlay_start_2:
0x50: {  	(tag) =	ssettag $0x2  }
0x51: {  	s0 =	rddreg [dreg:$0x0];
	s2 =	stileid.u32  }
0x52: {  	s1 =	rddreg [dreg:$0x1];
	p0 =	sne.s32 s2, $0x0  }
0x53: {  	s3 =	rddreg [dreg:$0x2];
	[bflag:$0x3] =	sbarrier.arrive $0xFFFF;
	s2 =	simm.s32 @!p0 $0x1C02  }
0x54: {  	[timem:s3], [sflag:s2] =	dma.local @!p0 [hbm:s0], s1  }
0x55: {  	s0 =	simm.s32 @!p0 $0x2  }
0x56: {  	_ =	swait.ge @!p0 [sflag:s0], s1  }
0x57: {  	s1 =	ssub.s32 @!p0 $0x0, s1;
	[sflag:s0] =	ssyncset.done @!p0 $0x0  }
0x58: {  	[sflag:s0] =	ssyncadd.s32 @!p0 s1  }
0x59: {  	[bflag:$0x3] =	sbarrier.arrive $0xFFFF  }
0x5a: {  	_ =	shalt  }

// kernel: kernel.37.cloned.1.call-start
scs
__scs_entry_jumppad:
0x0: {  	(pc) =	sbr.rel $0x88, $3  }
0x1: {  	(tag) =	ssettag $0x0;
	lr =	simm.s32 $0x1  }
0x2: {  	[smem:$0x3F82] =	sst lr;
	_ =	strace $0xD0000000  }
0x3: {  	_ = 	snop  }
0x4: {  	_ = 	snop  }
0x5: {  	_ = 	snop  }
0x6: {  	_ = 	snop  }
0x7: {  	_ = 	snop  }
__scs_overlays_trampoline_lowered:
0x8: {  	[smem:$0x3F91] =	sst s0  }
0x9: {  	[smem:$0x3F92] =	sst s1  }
0xa: {  	[smem:$0x3F93] =	sst s2  }
0xb: {  	[smem:$0x3F94] =	sst s3  }
0xc: {  	[smem:$0x3F95] =	sst s4  }
0xd: {  	[smem:$0x3F96] =	sst s5  }
0xe: {  	[smem:$0x3F97] =	sst s6  }
0xf: {  	[smem:$0x3F98] =	sst s7  }
0x10: {  	[smem:$0x3F99] =	sst s8  }
0x11: {  	[smem:$0x3F9A] =	sst s9;
	s0 =	simm.s32 @!p0 $0x0  }
0x12: {  	s1 =	sld [smem:$0x3F80];
	s0 =	simm.s32 @p0 $0x1  }
0x13: {  	[smem:$0x3F9B] =	sst s0;
	s0 =	simm.s32 @!p1 $0x0  }
0x14: {  	s2 =	sld [smem:$0x3F7F];
	s0 =	simm.s32 @p1 $0x1  }
0x15: {  	[smem:$0x3F9C] =	sst s0;
	s0 =	simm.s32 @!p2 $0x0  }
0x16: {  	s3 =	sld [smem:$0x3FDB];
	s0 =	simm.s32 @p2 $0x1  }
0x17: {  	s4 =	simm.s32 $0x1BF5;
	[smem:$0x3F9E] =	sst s0  }
0x18: {  	s0 =	sld [smem:$0x3F81];
	_ =	swait.ge [sflag:s4], $0x0  }
0x19: {  	s7 =	sld [smem:$0x3F82]  }
0x1a: {  	s8 =	sadd.s32 $0xFFFFE003, lr  }
0x1b: {  	s9 =	sadd.s32 $0xFFFFFEF7, lr;
	s5 =	simm.s32 $0xFFFFFFFF;
	p2 =	slt.u32 s8, $0xFFFFF086  }
0x1c: {  	p1 =	slt.u32 s9, $0xF7A;
	s5 =	simm.s32 @!p2 $0x0  }
0x1d: {  	s5 =	simm.s32 @p1 $0x1;
	p0 =	seq.s32 s7, s2  }
0x1e: {  	s7 =	smul.u32 @!p0 $0xF7A, s2;
	p2 =	seq.s32 @!p0 s5, $0x0  }
0x1f: {  	s9 =	smul.u32 $0xF7A, s1;
	s8 =	simm.s32 @!p0 $0x1BF5;
	p2 =	por !p2, p0  }
0x20: {  	[sflag:s8] =	ssyncset.s32 @!p0 $0xFFFFF086;
	s6 =	sadd.s32 @!p0 s3, s7;
	s7 =	simm.s32 @!p0 $0x108  }
0x21: {  	s3 =	sadd.s32 s3, s9;
	s6 =	sadd.s32 @!p0 $0x88, s6;
	s7 =	simm.s32 @p2 $0x1082  }
0x22: {  	[simem:s7], [sflag:s8] =	dma.local @!p0 [hbm:s6], $0xF7A  }
0x23: {  	s9 =	sor.u32 $0xD0000000, s2;
	s6 =	simm.s32 $0x108;
	_ =	swait.ge @!p0 [sflag:s8], $0x0  }
0x24: {  	s3 =	sadd.s32 $0x88, s3;
	s6 =	simm.s32 @!p1 $0x1082;
	[sflag:s4] =	ssyncset.s32 $0xFFFFF086  }
0x25: {  	[simem:s6], [sflag:s4] =	dma.local [hbm:s3], $0xF7A  }
0x26: {  	[smem:$0x3F82] =	sst s1;
	(tag) =	ssettag s2;
	_ =	strace s9  }
0x27: {  	s1 =	sld [smem:$0x3F92]  }
0x28: {  	s2 =	sld [smem:$0x3F93]  }
0x29: {  	s4 =	sld [smem:$0x3F95]  }
0x2a: {  	p0 =	seq.s32 s5, $0x0;
	s5 =	sld [smem:$0x3F96]  }
0x2b: {  	s6 =	sld [smem:$0x3F97]  }
0x2c: {  	s7 =	sld [smem:$0x3F98]  }
0x2d: {  	s3 =	simm.s32 $0x108;
	s8 =	sld [smem:$0x3F99]  }
0x2e: {  	s3 =	simm.s32 @!p0 $0x1082;
	s9 =	sld [smem:$0x3F9A]  }
0x2f: {  	lr =	sadd.s32 s0, s3;
	s0 =	sld [smem:$0x3F91]  }
0x30: {  	s3 =	sld [smem:$0x3F94]  }
0x31: {  	[smem:$0x3F9D] =	sst s10  }
0x32: {  	s10 =	sld [smem:$0x3F9B];
	_ =	sdelay $0x3  }
0x33: {  	p0 =	seq.s32 s10, $0x1;
	s10 =	sld [smem:$0x3F9D];
	_ =	sdelay $0x3  }
0x34: {  	[smem:$0x3F9D] =	sst s10  }
0x35: {  	s10 =	sld [smem:$0x3F9C];
	_ =	sdelay $0x3  }
0x36: {  	p1 =	seq.s32 s10, $0x1;
	s10 =	sld [smem:$0x3F9D];
	_ =	sdelay $0x3  }
0x37: {  	[smem:$0x3F9D] =	sst s10  }
0x38: {  	s10 =	sld [smem:$0x3F9E]  }
0x39: {  	_ = 	snop;
	(pc) =	sbr.ind lr, $3  }
0x3a: {  	_ = 	snop  }
0x3b: {  	_ = 	snop  }
0x3c: {  	p2 =	seq.s32 s10, $0x1;
	s10 =	sld [smem:$0x3F9D]  }
0x3d: {  	_ =	shalt  }
0x3e: {  	_ =	shalt  }
0x3f: {  	_ =	shalt  }
0x40: {  	_ =	shalt  }
0x41: {  	_ =	shalt  }
0x42: {  	_ =	shalt  }
0x43: {  	_ =	shalt  }
0x44: {  	_ =	shalt  }
0x45: {  	_ =	shalt  }
0x46: {  	_ =	shalt  }
0x47: {  	_ =	shalt  }
0x48: {  	_ =	shalt  }
0x49: {  	_ =	shalt  }
0x4a: {  	_ =	shalt  }
0x4b: {  	_ =	shalt  }
0x4c: {  	_ =	shalt  }
0x4d: {  	_ =	shalt  }
0x4e: {  	_ =	shalt  }
0x4f: {  	_ =	shalt  }
0x50: {  	_ =	shalt  }
0x51: {  	_ =	shalt  }
0x52: {  	_ =	shalt  }
0x53: {  	_ =	shalt  }
0x54: {  	_ =	shalt  }
0x55: {  	_ =	shalt  }
0x56: {  	_ =	shalt  }
0x57: {  	_ =	shalt  }
0x58: {  	_ =	shalt  }
0x59: {  	_ =	shalt  }
0x5a: {  	_ =	shalt  }
0x5b: {  	_ =	shalt  }
0x5c: {  	_ =	shalt  }
0x5d: {  	_ =	shalt  }
0x5e: {  	_ =	shalt  }
0x5f: {  	_ =	shalt  }
0x60: {  	_ =	shalt  }
0x61: {  	_ =	shalt  }
0x62: {  	_ =	shalt  }
0x63: {  	_ =	shalt  }
0x64: {  	_ =	shalt  }
0x65: {  	_ =	shalt  }
0x66: {  	_ =	shalt  }
0x67: {  	_ =	shalt  }
0x68: {  	_ =	shalt  }
0x69: {  	_ =	shalt  }
0x6a: {  	_ =	shalt  }
0x6b: {  	_ =	shalt  }
0x6c: {  	_ =	shalt  }
0x6d: {  	_ =	shalt  }
0x6e: {  	_ =	shalt  }
0x6f: {  	_ =	shalt  }
0x70: {  	_ =	shalt  }
0x71: {  	_ =	shalt  }
0x72: {  	_ =	shalt  }
0x73: {  	_ =	shalt  }
0x74: {  	_ =	shalt  }
0x75: {  	_ =	shalt  }
0x76: {  	_ =	shalt  }
0x77: {  	_ =	shalt  }
0x78: {  	_ =	shalt  }
0x79: {  	_ =	shalt  }
0x7a: {  	_ =	shalt  }
0x7b: {  	_ =	shalt  }
0x7c: {  	_ =	shalt  }
0x7d: {  	_ =	shalt  }
0x7e: {  	_ =	shalt  }
0x7f: {  	_ =	shalt  }
0x80: {  	_ =	shalt  }
0x81: {  	_ =	shalt  }
0x82: {  	_ =	shalt  }
0x83: {  	_ =	shalt  }
0x84: {  	_ =	shalt  }
0x85: {  	_ =	shalt  }
0x86: {  	_ =	shalt  }
0x87: {  	_ =	shalt  }
.Lfunc_end0:
.L_simem_size_0:
called_computation.5_lowered:
.L_overlay_start_0:
0x88: {  	s2 =	sld [smem:$0x3FD9]  }
0x89: {  	s3 =	sld [smem:$0x3FFE];
	_ =	sdelay $0x1  }
0x8a: {  	s1 =	srdreg.scid  }
0x8b: {  	s0 =	sand.u32 $0x1, s1  }
0x8c: {  	s17 =	sshll.u32 s0, $0xA;
	s2 =	sadd.s32 s3, s2  }
0x8d: {  	s2 =	sadd.s32 s2, s17  }
0x8e: {  	[smem:$0x3FA9] =	sst s2  }
0x8f: {  	_ = 	snop  }
0x90: {  	s2 =	sld [smem:$0x3FD0];
	(tm) =	ssettm $0x1  }
0x91: {  	s18 =	sld [smem:$0x3FFB];
	_ =	sdelay $0x3  }
0x92: {  	_ =	strace s18  }
0x93: {  	s3 =	sld [smem:$0x3FFC];
	_ =	sdelay $0x3  }
0x94: {  	_ =	strace s3  }
0x95: {  	s3 =	sld [smem:$0x3FFD];
	_ =	sdelay $0x3  }
0x96: {  	_ =	strace s3  }
0x97: {  	_ =	strace $0x8FFFFFFF  }
0x98: {  	s19 =	sld [smem:$0x3FDB];
	_ =	sdelay $0x1  }
0x99: {  	s4 =	simm.s32 $_scs_section_size  }
0x9a: {  	s5 =	simm.s32 $_size__tile_overlayer_lowered;
	s6 =	simm.s32 $_tile_overlayer_lowered  }
0x9b: {  	s22 =	simm.s32 $0x1BFF;
	s21 =	sshll.u32 s6, $0x1;
	s3 =	sadd.s32 s4, s19  }
0x9c: {  	s7 =	simm.s32 $0x0;
	s20 =	sshll.u32 s5, $0x1;
	s5 =	sadd.s32 s21, s3  }
0x9d: {  	[timem:s7], [sflag:s22] =	dma.local [hbm:s5], s20  }
0x9e: {  	_ =	swait.ge [sflag:s22], s20  }
0x9f: {  	s4 =	ssub.s32 $0x0, s20;
	[sflag:s22] =	ssyncset.done $0x0  }
0xa0: {  	[sflag:s22] =	ssyncadd.s32 s4;
	_ =	sdelay $0x1  }
0xa1: {  	s23 =	simm.s32 $0x1B8B  }
0xa2: {  	_ =	swait.ge [sflag:s23], $0x1  }
0xa3: {  	[sflag:s23] =	ssyncset.done $0x0  }
0xa4: {  	s25 =	simm.s32 $0x1B8E;
	s24 =	sld [smem:$0x3FFE];
	[sflag:s23] =	ssyncadd.s32 $0xFFFFFFFF  }
0xa5: {  	s26 =	simm.s32 $execute0_lowered;
	[smem:$0x3FD2] =	sst s25  }
0xa6: {  	s5 =	sshll.u32 s26, $0x1;
	_ =	strace $0x80000055;
	[dreg:$0x1] =	wrdreg $0xFFFFFFFF  }
0xa7: {  	s28 =	simm.s32 $_size_execute0_lowered;
	s3 =	sadd.s32 s3, s5;
	[dreg:$0x0] =	wrdreg $0x0  }
0xa8: {  	s5 =	sshll.u32 s28, $0x1;
	[dreg:$0x2] =	wrdreg s3  }
0xa9: {  	[dreg:$0x3] =	wrdreg s5  }
0xaa: {  	[dreg:$0x4] =	wrdreg $0xC0  }
0xab: {  	_ =	task [dreg:s7], $0x5FFFF  }
0xac: {  	[dreg:$0x1] =	wrdreg $0xFFFFFFFF  }
0xad: {  	[dreg:$0x0] =	wrdreg $0x60  }
0xae: {  	[dreg:$0x2] =	wrdreg s24  }
0xaf: {  	[dreg:$0x3] =	wrdreg s2  }
0xb0: {  	[dreg:$0x4] =	wrdreg $0x41000  }
0xb1: {  	[dreg:$0x5] =	wrdreg $0x9  }
0xb2: {  	_ =	task.clear_ibuf [dreg:s7], $0x6FFFF;
	_ =	strace $0x90000055  }
0xb3: {  	s29 =	simm.s32 $0x9;
	_ =	strace $0x80000057  }
0xb4: {  	_ =	swait.ge [sflag:s29], $0x1  }
0xb5: {  	[sflag:s29] =	ssyncadd.s32 $0xFFFFFFFF  }
0xb6: {  	_ =	strace $0x90000057  }
0xb7: {  	_ =	sfence  }
0xb8: {  	s30 =	sld [smem:$0x0];
	_ =	sdelay $0x2  }
0xb9: {  	s31 =	sshll.u32 s1, $0xD;
	s1 =	sshrl.u32 s1, $0x2  }
0xba: {  	s3 =	sand.u32 $0x4000, s31;
	s1 =	sadd.s32 s1, s30  }
0xbb: {  	s0 =	sor.u32 s3, s0;
	s1 =	sshll.u32 s1, $0x11  }
0xbc: {  	s0 =	sor.u32 s1, s0  }
0xbd: {  	s0 =	sadd.s32 $0x8F2B, s0  }
0xbe: {  	[sflag:s0] =	ssyncadd.remote.s32 $0x1  }
0xbf: {  	_ =	sfence.sel $0xFFFF  }
0xc0: {  	[dreg:$0x0] =	wrdreg $0xFFFFFFFF;
	(pc) =	sbr.abs _section_cstart, $3  }
0xc1: {  	[dreg:$0x1] =	wrdreg $0xFFFFFFFF  }
0xc2: {  	_ =	task.clear_ibuf [dreg:s7], $0x2FFFF;
	_ =	strace $0x9FFFFFFF  }
0xc3: {  	(tm) =	ssettm $0x7FFFFFFF  }
tec
execute0_lowered:
.L_overlay_start_1:
0x0: {  	(tag) =	ssettag $0x1  }
0x1: {  	s5 =	rddreg [dreg:$0x0]  }
0x2: {  	s8 =	rddreg [dreg:$0x1]  }
0x3: {  	s1 =	rddreg [dreg:$0x2];
	s2 =	srdreg.scid  }
0x4: {  	s0 =	rddreg [dreg:$0x3];
	s3 =	simm.s32 $0x0;
	s6 =	sand.u32 $0x1, s2  }
0x5: {  	s15 =	simm.s32 $0x1;
	s2 =	stileid.u32;
	s9 =	smul.u32 $0x4F00, s6  }
0x6: {  	s16 =	simm.s32 $0x0;
	[smem:$0x7FF] =	sst s3;
	s7 =	smul.u32 $0x2800, s2  }
0x7: {  	s4 =	sadd.s32 $0x32200, s5;
	_ =	strace $0x80000056;
	s10 =	smul.u32 $0x28000, s6  }
0x8: {  	s6 =	ssub.s32 $0x2, s6;
	s13 =	smul.u32 $0x50000, s2;
	s29 =	sshll.u32 s2, $0x6  }
0x9: {  	s30 =	smul.u32 $0x4F0, s2;
	s12 =	sshrl.u32 s6, $0x1;
	s11 =	sadd.s32 s9, s5  }
0xa: {  	s10 =	sadd.s32 s7, s10;
	s7 =	sadd.s32 s7, s5;
	s12 =	ssub.s32 s6, s12  }
0xb: {  	s28 =	sshrl.u32 s13, $0x2;
	s6 =	sor.u32 $0x1C02, s29;
	s9 =	sadd.s32 s9, s8  }
0xc: {  	s13 =	simm.s32 $0x80;
	s10 =	sadd.s32 s10, s5;
	s14 =	sadd.s32 s28, s1  }
0xd: {  	s5 =	sadd.s32 $0xA200, s7;
	s31 =	sadd.s32 s30, s11;
	s8 =	smax.u32 s12, $0x1  }
0xe: {  	s9 =	sadd.s32 s30, s9;
	s12 =	simm.s32 $0x2;
	s7 =	sadd.s32 $0x8C200, s10  }
0xf: {  	s10 =	sadd.s32 $0x82400, s31;
	s11 =	sshrl.u32 s14, $0x3;
	s14 =	simm.s32 $0x100  }
.LBB2_1:
0x10: {  	[spmem:s11], [sflag:s6] =	dma.local [hbm:s5], $0x2800  }
0x11: {  	_ =	swait.ge [sflag:s12], $0x2800  }
0x12: {  	[sflag:s12] =	ssyncset.done $0x0  }
0x13: {  	[sflag:s12] =	ssyncadd.s32 $0xFFFFD800  }
0x14: {  	s17 =	sadd.s32 $0x0, s10;
	[bflag:$0x0] =	sbarrier.arrive $0xFFFF  }
0x15: {  	[tilespmem:s3], [sflag:$0x2] =	stream.linear.gather [hbm4b:s17+s3], $0x80, $0x38;
	[tilespmem:$0x18100] =	vst v63  }
0x16: {  	_ =	swait.ge [sflag:s12], $0x80  }
0x17: {  	[sflag:s12] =	ssyncset.done $0x0  }
0x18: {  	s31 =	sadd.s32 $0x0, s9;
	[sflag:s12] =	ssyncadd.s32 $0xFFFFFF80  }
0x19: {  	[tilespmem:s13], [sflag:$0x2] =	stream.linear.gather [hbm4b:s31+s3], $0x80, $0x38;
	[tilespmem:$0x18100] =	vst v63  }
0x1a: {  	_ =	swait.ge [sflag:s12], $0x80  }
0x1b: {  	[sflag:s12] =	ssyncset.done $0x0  }
0x1c: {  	[sflag:s12] =	ssyncadd.s32 $0xFFFFFF80  }
0x1d: {  	[tilespmem:s14], [sflag:$0x1] =	stream.indirect.gather [hbm4b:s4+s13], $0x80, s3, s13, $0xb8;
	[tilespmem:$0x18100] =	vst v63  }
0x1e: {  	_ =	swait.ge [sflag:s15], $0x4000  }
0x1f: {  	[sflag:s15] =	ssyncset.done $0x0  }
0x20: {  	[sflag:s15] =	ssyncadd.s32 $0xFFFFC000  }
0x21: {  	[spmem:s1] =	stream.indirect.scatter.add.f32 [tilespmem:s14], [sflag:$0x2], $0x80, s13, s13, $0xb8;
	[tilespmem:$0x18100] =	vst v63  }
0x22: {  	_ =	swait.ge [sflag:s12], $0x4000  }
0x23: {  	s18 =	simm.s32 $0x20;
	s17 =	simm.s32 $0x10;
	[sflag:s12] =	ssyncset.done $0x0  }
.LBB2_2:
0x24: {  	s19 =	sadd.s32 s17, s10  }
0x25: {  	[sflag:s12] =	ssyncadd.s32 $0xFFFFC000;
	s20 =	smov.u32 s18;
	s21 =	sadd.s32 $0x10, s18  }
0x26: {  	[tilespmem:s3], [sflag:$0x2] =	stream.linear.gather [hbm4b:s19+s3], $0x80, $0x38;
	[tilespmem:$0x18100] =	vst v63  }
0x27: {  	p0 =	sne.s32 s18, $0x4E0;
	_ =	swait.ge [sflag:s12], $0x80  }
0x28: {  	[sflag:s12] =	ssyncset.done $0x0  }
0x29: {  	s18 =	sadd.s32 s17, s9;
	s17 =	smov.u32 s20;
	[sflag:s12] =	ssyncadd.s32 $0xFFFFFF80  }
0x2a: {  	[tilespmem:s13], [sflag:$0x2] =	stream.linear.gather [hbm4b:s18+s3], $0x80, $0x38;
	[tilespmem:$0x18100] =	vst v63  }
0x2b: {  	_ =	swait.ge [sflag:s12], $0x80  }
0x2c: {  	[sflag:s12] =	ssyncset.done $0x0  }
0x2d: {  	[sflag:s12] =	ssyncadd.s32 $0xFFFFFF80  }
0x2e: {  	[tilespmem:s14], [sflag:$0x1] =	stream.indirect.gather [hbm4b:s4+s13], $0x80, s3, s13, $0xb8;
	[tilespmem:$0x18100] =	vst v63  }
0x2f: {  	_ =	swait.ge [sflag:s15], $0x4000  }
.Ltmp0:
0x30: {  	[sflag:s15] =	ssyncset.done $0x0;
	(pc) =	sbr.rel @p0 .LBB2_2-.Ltmp0, $4  }
0x31: {  	[sflag:s15] =	ssyncadd.s32 $0xFFFFC000  }
0x32: {  	[spmem:s1] =	stream.indirect.scatter.add.f32 [tilespmem:s14], [sflag:$0x2], $0x80, s13, s13, $0xb8;
	[tilespmem:$0x18100] =	vst v63  }
0x33: {  	_ =	swait.ge [sflag:s12], $0x4000  }
0x34: {  	s18 =	smov.u32 s21;
	[sflag:s12] =	ssyncset.done $0x0  }
0x35: {  	s18 =	sadd.s32 s17, s10;
	[sflag:s12] =	ssyncadd.s32 $0xFFFFC000  }
0x36: {  	[tilespmem:s3], [sflag:$0x2] =	stream.linear.gather [hbm4b:s18+s3], $0x80, $0x38;
	[tilespmem:$0x18100] =	vst v63  }
0x37: {  	_ =	swait.ge [sflag:s12], $0x80  }
0x38: {  	[sflag:s12] =	ssyncset.done $0x0  }
0x39: {  	s31 =	sadd.s32 s17, s9;
	[sflag:s12] =	ssyncadd.s32 $0xFFFFFF80  }
0x3a: {  	[tilespmem:s13], [sflag:$0x2] =	stream.linear.gather [hbm4b:s31+s3], $0x80, $0x38;
	[tilespmem:$0x18100] =	vst v63  }
0x3b: {  	_ =	swait.ge [sflag:s12], $0x80  }
0x3c: {  	[sflag:s12] =	ssyncset.done $0x0  }
0x3d: {  	[sflag:s12] =	ssyncadd.s32 $0xFFFFFF80  }
0x3e: {  	[tilespmem:s14], [sflag:$0x1] =	stream.indirect.gather [hbm4b:s4+s13], $0x80, s3, s13, $0xb8;
	[tilespmem:$0x18100] =	vst v63  }
0x3f: {  	_ =	swait.ge [sflag:s15], $0x4000  }
0x40: {  	[sflag:s15] =	ssyncset.done $0x0  }
0x41: {  	[sflag:s15] =	ssyncadd.s32 $0xFFFFC000  }
0x42: {  	[spmem:s1] =	stream.indirect.scatter.add.f32 [tilespmem:s14], [sflag:$0x2], $0x80, s13, s13, $0xb8;
	[tilespmem:$0x18100] =	vst v63  }
0x43: {  	_ =	swait.ge [sflag:s12], $0x4000  }
0x44: {  	s16 =	sadd.s32 $0x1, s16;
	[sflag:s12] =	ssyncset.done $0x0  }
0x45: {  	p0 =	sne.s32 s16, s8;
	[sflag:s12] =	ssyncadd.s32 $0xFFFFC000  }
.Ltmp1:
0x46: {  	[bflag:$0x0] =	sbarrier.arrive $0xFFFF;
	(pc) =	sbr.rel @p0 .LBB2_1-.Ltmp1, $4  }
0x47: {  	[hbm:s7], [sflag:s6] =	dma.local [spmem:s11], $0x2800  }
0x48: {  	_ =	swait.ge [sflag:s12], $0x2800  }
0x49: {  	[sflag:s12] =	ssyncset.done $0x0  }
0x4a: {  	[sflag:s12] =	ssyncadd.s32 $0xFFFFD800  }
0x4b: {  	_ =	sfence.sel $0x180000  }
0x4c: {  	[bflag:$0x0] =	sbarrier.arrive $0xFFFF  }
0x4d: {  	p0 =	sne.s32 s2, $0x0;
	_ =	strace $0x90000056  }
0x4e: {  	s0 =	sadd.s32 @!p0 $0x100000, s0;
	[bflag:$0x2] =	sbarrier.arrive $0xFFFF  }
0x4f: {  	[sflag:s0] =	ssyncadd.tile.s32 @!p0 $0x1;
	_ =	shalt  }
.Lfunc_end2:
_tile_overlayer_lowered:
.L_overlay_start_2:
0x50: {  	(tag) =	ssettag $0x2  }
0x51: {  	s0 =	rddreg [dreg:$0x0];
	s2 =	stileid.u32  }
0x52: {  	s1 =	rddreg [dreg:$0x1];
	p0 =	sne.s32 s2, $0x0  }
0x53: {  	s3 =	rddreg [dreg:$0x2];
	[bflag:$0x3] =	sbarrier.arrive $0xFFFF;
	s2 =	simm.s32 @!p0 $0x1C02  }
0x54: {  	[timem:s3], [sflag:s2] =	dma.local @!p0 [hbm:s0], s1  }
0x55: {  	s0 =	simm.s32 @!p0 $0x2  }
0x56: {  	_ =	swait.ge @!p0 [sflag:s0], s1  }
0x57: {  	s1 =	ssub.s32 @!p0 $0x0, s1;
	[sflag:s0] =	ssyncset.done @!p0 $0x0  }
0x58: {  	[sflag:s0] =	ssyncadd.s32 @!p0 s1  }
0x59: {  	[bflag:$0x3] =	sbarrier.arrive $0xFFFF  }
0x5a: {  	_ =	shalt  }

// kernel: kernel.40.cloned.1.call-start
scs
__scs_entry_jumppad:
0x0: {  	(pc) =	sbr.rel $0x88, $3  }
0x1: {  	(tag) =	ssettag $0x0;
	lr =	simm.s32 $0x1  }
0x2: {  	[smem:$0x3F82] =	sst lr;
	_ =	strace $0xD0000000  }
0x3: {  	_ = 	snop  }
0x4: {  	_ = 	snop  }
0x5: {  	_ = 	snop  }
0x6: {  	_ = 	snop  }
0x7: {  	_ = 	snop  }
__scs_overlays_trampoline_lowered:
0x8: {  	[smem:$0x3F91] =	sst s0  }
0x9: {  	[smem:$0x3F92] =	sst s1  }
0xa: {  	[smem:$0x3F93] =	sst s2  }
0xb: {  	[smem:$0x3F94] =	sst s3  }
0xc: {  	[smem:$0x3F95] =	sst s4  }
0xd: {  	[smem:$0x3F96] =	sst s5  }
0xe: {  	[smem:$0x3F97] =	sst s6  }
0xf: {  	[smem:$0x3F98] =	sst s7  }
0x10: {  	[smem:$0x3F99] =	sst s8  }
0x11: {  	[smem:$0x3F9A] =	sst s9;
	s0 =	simm.s32 @!p0 $0x0  }
0x12: {  	s1 =	sld [smem:$0x3F80];
	s0 =	simm.s32 @p0 $0x1  }
0x13: {  	[smem:$0x3F9B] =	sst s0;
	s0 =	simm.s32 @!p1 $0x0  }
0x14: {  	s2 =	sld [smem:$0x3F7F];
	s0 =	simm.s32 @p1 $0x1  }
0x15: {  	[smem:$0x3F9C] =	sst s0;
	s0 =	simm.s32 @!p2 $0x0  }
0x16: {  	s3 =	sld [smem:$0x3FDB];
	s0 =	simm.s32 @p2 $0x1  }
0x17: {  	s4 =	simm.s32 $0x1BF5;
	[smem:$0x3F9E] =	sst s0  }
0x18: {  	s0 =	sld [smem:$0x3F81];
	_ =	swait.ge [sflag:s4], $0x0  }
0x19: {  	s7 =	sld [smem:$0x3F82]  }
0x1a: {  	s8 =	sadd.s32 $0xFFFFE003, lr  }
0x1b: {  	s9 =	sadd.s32 $0xFFFFFEF7, lr;
	s5 =	simm.s32 $0xFFFFFFFF;
	p2 =	slt.u32 s8, $0xFFFFF086  }
0x1c: {  	p1 =	slt.u32 s9, $0xF7A;
	s5 =	simm.s32 @!p2 $0x0  }
0x1d: {  	s5 =	simm.s32 @p1 $0x1;
	p0 =	seq.s32 s7, s2  }
0x1e: {  	s7 =	smul.u32 @!p0 $0xF7A, s2;
	p2 =	seq.s32 @!p0 s5, $0x0  }
0x1f: {  	s9 =	smul.u32 $0xF7A, s1;
	s8 =	simm.s32 @!p0 $0x1BF5;
	p2 =	por !p2, p0  }
0x20: {  	[sflag:s8] =	ssyncset.s32 @!p0 $0xFFFFF086;
	s6 =	sadd.s32 @!p0 s3, s7;
	s7 =	simm.s32 @!p0 $0x108  }
0x21: {  	s3 =	sadd.s32 s3, s9;
	s6 =	sadd.s32 @!p0 $0x88, s6;
	s7 =	simm.s32 @p2 $0x1082  }
0x22: {  	[simem:s7], [sflag:s8] =	dma.local @!p0 [hbm:s6], $0xF7A  }
0x23: {  	s9 =	sor.u32 $0xD0000000, s2;
	s6 =	simm.s32 $0x108;
	_ =	swait.ge @!p0 [sflag:s8], $0x0  }
0x24: {  	s3 =	sadd.s32 $0x88, s3;
	s6 =	simm.s32 @!p1 $0x1082;
	[sflag:s4] =	ssyncset.s32 $0xFFFFF086  }
0x25: {  	[simem:s6], [sflag:s4] =	dma.local [hbm:s3], $0xF7A  }
0x26: {  	[smem:$0x3F82] =	sst s1;
	(tag) =	ssettag s2;
	_ =	strace s9  }
0x27: {  	s1 =	sld [smem:$0x3F92]  }
0x28: {  	s2 =	sld [smem:$0x3F93]  }
0x29: {  	s4 =	sld [smem:$0x3F95]  }
0x2a: {  	p0 =	seq.s32 s5, $0x0;
	s5 =	sld [smem:$0x3F96]  }
0x2b: {  	s6 =	sld [smem:$0x3F97]  }
0x2c: {  	s7 =	sld [smem:$0x3F98]  }
0x2d: {  	s3 =	simm.s32 $0x108;
	s8 =	sld [smem:$0x3F99]  }
0x2e: {  	s3 =	simm.s32 @!p0 $0x1082;
	s9 =	sld [smem:$0x3F9A]  }
0x2f: {  	lr =	sadd.s32 s0, s3;
	s0 =	sld [smem:$0x3F91]  }
0x30: {  	s3 =	sld [smem:$0x3F94]  }
0x31: {  	[smem:$0x3F9D] =	sst s10  }
0x32: {  	s10 =	sld [smem:$0x3F9B];
	_ =	sdelay $0x3  }
0x33: {  	p0 =	seq.s32 s10, $0x1;
	s10 =	sld [smem:$0x3F9D];
	_ =	sdelay $0x3  }
0x34: {  	[smem:$0x3F9D] =	sst s10  }
0x35: {  	s10 =	sld [smem:$0x3F9C];
	_ =	sdelay $0x3  }
0x36: {  	p1 =	seq.s32 s10, $0x1;
	s10 =	sld [smem:$0x3F9D];
	_ =	sdelay $0x3  }
0x37: {  	[smem:$0x3F9D] =	sst s10  }
0x38: {  	s10 =	sld [smem:$0x3F9E]  }
0x39: {  	_ = 	snop;
	(pc) =	sbr.ind lr, $3  }
0x3a: {  	_ = 	snop  }
0x3b: {  	_ = 	snop  }
0x3c: {  	p2 =	seq.s32 s10, $0x1;
	s10 =	sld [smem:$0x3F9D]  }
0x3d: {  	_ =	shalt  }
0x3e: {  	_ =	shalt  }
0x3f: {  	_ =	shalt  }
0x40: {  	_ =	shalt  }
0x41: {  	_ =	shalt  }
0x42: {  	_ =	shalt  }
0x43: {  	_ =	shalt  }
0x44: {  	_ =	shalt  }
0x45: {  	_ =	shalt  }
0x46: {  	_ =	shalt  }
0x47: {  	_ =	shalt  }
0x48: {  	_ =	shalt  }
0x49: {  	_ =	shalt  }
0x4a: {  	_ =	shalt  }
0x4b: {  	_ =	shalt  }
0x4c: {  	_ =	shalt  }
0x4d: {  	_ =	shalt  }
0x4e: {  	_ =	shalt  }
0x4f: {  	_ =	shalt  }
0x50: {  	_ =	shalt  }
0x51: {  	_ =	shalt  }
0x52: {  	_ =	shalt  }
0x53: {  	_ =	shalt  }
0x54: {  	_ =	shalt  }
0x55: {  	_ =	shalt  }
0x56: {  	_ =	shalt  }
0x57: {  	_ =	shalt  }
0x58: {  	_ =	shalt  }
0x59: {  	_ =	shalt  }
0x5a: {  	_ =	shalt  }
0x5b: {  	_ =	shalt  }
0x5c: {  	_ =	shalt  }
0x5d: {  	_ =	shalt  }
0x5e: {  	_ =	shalt  }
0x5f: {  	_ =	shalt  }
0x60: {  	_ =	shalt  }
0x61: {  	_ =	shalt  }
0x62: {  	_ =	shalt  }
0x63: {  	_ =	shalt  }
0x64: {  	_ =	shalt  }
0x65: {  	_ =	shalt  }
0x66: {  	_ =	shalt  }
0x67: {  	_ =	shalt  }
0x68: {  	_ =	shalt  }
0x69: {  	_ =	shalt  }
0x6a: {  	_ =	shalt  }
0x6b: {  	_ =	shalt  }
0x6c: {  	_ =	shalt  }
0x6d: {  	_ =	shalt  }
0x6e: {  	_ =	shalt  }
0x6f: {  	_ =	shalt  }
0x70: {  	_ =	shalt  }
0x71: {  	_ =	shalt  }
0x72: {  	_ =	shalt  }
0x73: {  	_ =	shalt  }
0x74: {  	_ =	shalt  }
0x75: {  	_ =	shalt  }
0x76: {  	_ =	shalt  }
0x77: {  	_ =	shalt  }
0x78: {  	_ =	shalt  }
0x79: {  	_ =	shalt  }
0x7a: {  	_ =	shalt  }
0x7b: {  	_ =	shalt  }
0x7c: {  	_ =	shalt  }
0x7d: {  	_ =	shalt  }
0x7e: {  	_ =	shalt  }
0x7f: {  	_ =	shalt  }
0x80: {  	_ =	shalt  }
0x81: {  	_ =	shalt  }
0x82: {  	_ =	shalt  }
0x83: {  	_ =	shalt  }
0x84: {  	_ =	shalt  }
0x85: {  	_ =	shalt  }
0x86: {  	_ =	shalt  }
0x87: {  	_ =	shalt  }
.Lfunc_end0:
.L_simem_size_0:
called_computation.6_lowered:
.L_overlay_start_0:
0x88: {  	s2 =	sld [smem:$0x3FD9]  }
0x89: {  	s3 =	sld [smem:$0x3FFE];
	_ =	sdelay $0x1  }
0x8a: {  	s1 =	srdreg.scid  }
0x8b: {  	s0 =	sand.u32 $0x1, s1  }
0x8c: {  	s17 =	sshll.u32 s0, $0xA;
	s2 =	sadd.s32 s3, s2  }
0x8d: {  	s2 =	sadd.s32 s2, s17  }
0x8e: {  	[smem:$0x3FA9] =	sst s2  }
0x8f: {  	_ = 	snop  }
0x90: {  	s2 =	sld [smem:$0x3FD0];
	(tm) =	ssettm $0x1  }
0x91: {  	s18 =	sld [smem:$0x3FFB];
	_ =	sdelay $0x3  }
0x92: {  	_ =	strace s18  }
0x93: {  	s3 =	sld [smem:$0x3FFC];
	_ =	sdelay $0x3  }
0x94: {  	_ =	strace s3  }
0x95: {  	s3 =	sld [smem:$0x3FFD];
	_ =	sdelay $0x3  }
0x96: {  	_ =	strace s3  }
0x97: {  	_ =	strace $0x8FFFFFFF  }
0x98: {  	s19 =	sld [smem:$0x3FDB];
	_ =	sdelay $0x1  }
0x99: {  	s4 =	simm.s32 $_scs_section_size  }
0x9a: {  	s5 =	simm.s32 $_size__tile_overlayer_lowered;
	s6 =	simm.s32 $_tile_overlayer_lowered  }
0x9b: {  	s22 =	simm.s32 $0x1BFF;
	s21 =	sshll.u32 s6, $0x1;
	s3 =	sadd.s32 s4, s19  }
0x9c: {  	s7 =	simm.s32 $0x0;
	s20 =	sshll.u32 s5, $0x1;
	s5 =	sadd.s32 s21, s3  }
0x9d: {  	[timem:s7], [sflag:s22] =	dma.local [hbm:s5], s20  }
0x9e: {  	_ =	swait.ge [sflag:s22], s20  }
0x9f: {  	s4 =	ssub.s32 $0x0, s20;
	[sflag:s22] =	ssyncset.done $0x0  }
0xa0: {  	[sflag:s22] =	ssyncadd.s32 s4;
	_ =	sdelay $0x1  }
0xa1: {  	s23 =	simm.s32 $0x1B8B  }
0xa2: {  	_ =	swait.ge [sflag:s23], $0x1  }
0xa3: {  	[sflag:s23] =	ssyncset.done $0x0  }
0xa4: {  	s25 =	simm.s32 $0x1B8E;
	s24 =	sld [smem:$0x3FFE];
	[sflag:s23] =	ssyncadd.s32 $0xFFFFFFFF  }
0xa5: {  	s26 =	simm.s32 $execute0_lowered;
	[smem:$0x3FD2] =	sst s25  }
0xa6: {  	s5 =	sshll.u32 s26, $0x1;
	_ =	strace $0x80000058;
	[dreg:$0x1] =	wrdreg $0xFFFFFFFF  }
0xa7: {  	s28 =	simm.s32 $_size_execute0_lowered;
	s3 =	sadd.s32 s3, s5;
	[dreg:$0x0] =	wrdreg $0x0  }
0xa8: {  	s5 =	sshll.u32 s28, $0x1;
	[dreg:$0x2] =	wrdreg s3  }
0xa9: {  	[dreg:$0x3] =	wrdreg s5  }
0xaa: {  	[dreg:$0x4] =	wrdreg $0xC0  }
0xab: {  	_ =	task [dreg:s7], $0x5FFFF  }
0xac: {  	[dreg:$0x1] =	wrdreg $0xFFFFFFFF  }
0xad: {  	[dreg:$0x0] =	wrdreg $0x60  }
0xae: {  	[dreg:$0x2] =	wrdreg s24  }
0xaf: {  	[dreg:$0x3] =	wrdreg s2  }
0xb0: {  	[dreg:$0x4] =	wrdreg $0x41000  }
0xb1: {  	[dreg:$0x5] =	wrdreg $0x9  }
0xb2: {  	_ =	task.clear_ibuf [dreg:s7], $0x6FFFF;
	_ =	strace $0x90000058  }
0xb3: {  	s29 =	simm.s32 $0x9;
	_ =	strace $0x8000005A  }
0xb4: {  	_ =	swait.ge [sflag:s29], $0x1  }
0xb5: {  	[sflag:s29] =	ssyncadd.s32 $0xFFFFFFFF  }
0xb6: {  	_ =	strace $0x9000005A  }
0xb7: {  	_ =	sfence  }
0xb8: {  	s30 =	sld [smem:$0x0];
	_ =	sdelay $0x2  }
0xb9: {  	s31 =	sshll.u32 s1, $0xD;
	s1 =	sshrl.u32 s1, $0x2  }
0xba: {  	s3 =	sand.u32 $0x4000, s31;
	s1 =	sadd.s32 s1, s30  }
0xbb: {  	s0 =	sor.u32 s3, s0;
	s1 =	sshll.u32 s1, $0x11  }
0xbc: {  	s0 =	sor.u32 s1, s0  }
0xbd: {  	s0 =	sadd.s32 $0x8F2B, s0  }
0xbe: {  	[sflag:s0] =	ssyncadd.remote.s32 $0x1  }
0xbf: {  	_ =	sfence.sel $0xFFFF  }
0xc0: {  	[dreg:$0x0] =	wrdreg $0xFFFFFFFF;
	(pc) =	sbr.abs _section_cstart, $3  }
0xc1: {  	[dreg:$0x1] =	wrdreg $0xFFFFFFFF  }
0xc2: {  	_ =	task.clear_ibuf [dreg:s7], $0x2FFFF;
	_ =	strace $0x9FFFFFFF  }
0xc3: {  	(tm) =	ssettm $0x7FFFFFFF  }
tec
execute0_lowered:
.L_overlay_start_1:
0x0: {  	(tag) =	ssettag $0x1  }
0x1: {  	s5 =	rddreg [dreg:$0x0]  }
0x2: {  	s8 =	rddreg [dreg:$0x1]  }
0x3: {  	s1 =	rddreg [dreg:$0x2];
	s2 =	srdreg.scid  }
0x4: {  	s0 =	rddreg [dreg:$0x3];
	s3 =	simm.s32 $0x0;
	s6 =	sand.u32 $0x1, s2  }
0x5: {  	s15 =	simm.s32 $0x1;
	s2 =	stileid.u32;
	s9 =	smul.u32 $0x4F00, s6  }
0x6: {  	s16 =	simm.s32 $0x0;
	[smem:$0x7FF] =	sst s3;
	s7 =	smul.u32 $0x2800, s2  }
0x7: {  	s4 =	sadd.s32 $0x32200, s5;
	_ =	strace $0x80000059;
	s10 =	smul.u32 $0x28000, s6  }
0x8: {  	s6 =	ssub.s32 $0x2, s6;
	s13 =	smul.u32 $0x50000, s2;
	s29 =	sshll.u32 s2, $0x6  }
0x9: {  	s30 =	smul.u32 $0x4F0, s2;
	s12 =	sshrl.u32 s6, $0x1;
	s11 =	sadd.s32 s9, s5  }
0xa: {  	s10 =	sadd.s32 s7, s10;
	s7 =	sadd.s32 s7, s5;
	s12 =	ssub.s32 s6, s12  }
0xb: {  	s28 =	sshrl.u32 s13, $0x2;
	s6 =	sor.u32 $0x1C02, s29;
	s9 =	sadd.s32 s9, s8  }
0xc: {  	s13 =	simm.s32 $0x80;
	s10 =	sadd.s32 s10, s5;
	s14 =	sadd.s32 s28, s1  }
0xd: {  	s5 =	sadd.s32 $0xA200, s7;
	s31 =	sadd.s32 s30, s11;
	s8 =	smax.u32 s12, $0x1  }
0xe: {  	s9 =	sadd.s32 s30, s9;
	s12 =	simm.s32 $0x2;
	s7 =	sadd.s32 $0x8C200, s10  }
0xf: {  	s10 =	sadd.s32 $0x82400, s31;
	s11 =	sshrl.u32 s14, $0x3;
	s14 =	simm.s32 $0x100  }
.LBB2_1:
0x10: {  	[spmem:s11], [sflag:s6] =	dma.local [hbm:s5], $0x2800  }
0x11: {  	_ =	swait.ge [sflag:s12], $0x2800  }
0x12: {  	[sflag:s12] =	ssyncset.done $0x0  }
0x13: {  	[sflag:s12] =	ssyncadd.s32 $0xFFFFD800  }
0x14: {  	s17 =	sadd.s32 $0x0, s10;
	[bflag:$0x0] =	sbarrier.arrive $0xFFFF  }
0x15: {  	[tilespmem:s3], [sflag:$0x2] =	stream.linear.gather [hbm4b:s17+s3], $0x80, $0x38;
	[tilespmem:$0x18100] =	vst v63  }
0x16: {  	_ =	swait.ge [sflag:s12], $0x80  }
0x17: {  	[sflag:s12] =	ssyncset.done $0x0  }
0x18: {  	s31 =	sadd.s32 $0x0, s9;
	[sflag:s12] =	ssyncadd.s32 $0xFFFFFF80  }
0x19: {  	[tilespmem:s13], [sflag:$0x2] =	stream.linear.gather [hbm4b:s31+s3], $0x80, $0x38;
	[tilespmem:$0x18100] =	vst v63  }
0x1a: {  	_ =	swait.ge [sflag:s12], $0x80  }
0x1b: {  	[sflag:s12] =	ssyncset.done $0x0  }
0x1c: {  	[sflag:s12] =	ssyncadd.s32 $0xFFFFFF80  }
0x1d: {  	[tilespmem:s14], [sflag:$0x1] =	stream.indirect.gather [hbm4b:s4+s13], $0x80, s3, s13, $0xb8;
	[tilespmem:$0x18100] =	vst v63  }
0x1e: {  	_ =	swait.ge [sflag:s15], $0x4000  }
0x1f: {  	[sflag:s15] =	ssyncset.done $0x0  }
0x20: {  	[sflag:s15] =	ssyncadd.s32 $0xFFFFC000  }
0x21: {  	[spmem:s1] =	stream.indirect.scatter.add.f32 [tilespmem:s14], [sflag:$0x2], $0x80, s13, s13, $0xb8;
	[tilespmem:$0x18100] =	vst v63  }
0x22: {  	_ =	swait.ge [sflag:s12], $0x4000  }
0x23: {  	s18 =	simm.s32 $0x20;
	s17 =	simm.s32 $0x10;
	[sflag:s12] =	ssyncset.done $0x0  }
.LBB2_2:
0x24: {  	s19 =	sadd.s32 s17, s10  }
0x25: {  	[sflag:s12] =	ssyncadd.s32 $0xFFFFC000;
	s20 =	smov.u32 s18;
	s21 =	sadd.s32 $0x10, s18  }
0x26: {  	[tilespmem:s3], [sflag:$0x2] =	stream.linear.gather [hbm4b:s19+s3], $0x80, $0x38;
	[tilespmem:$0x18100] =	vst v63  }
0x27: {  	p0 =	sne.s32 s18, $0x4E0;
	_ =	swait.ge [sflag:s12], $0x80  }
0x28: {  	[sflag:s12] =	ssyncset.done $0x0  }
0x29: {  	s18 =	sadd.s32 s17, s9;
	s17 =	smov.u32 s20;
	[sflag:s12] =	ssyncadd.s32 $0xFFFFFF80  }
0x2a: {  	[tilespmem:s13], [sflag:$0x2] =	stream.linear.gather [hbm4b:s18+s3], $0x80, $0x38;
	[tilespmem:$0x18100] =	vst v63  }
0x2b: {  	_ =	swait.ge [sflag:s12], $0x80  }
0x2c: {  	[sflag:s12] =	ssyncset.done $0x0  }
0x2d: {  	[sflag:s12] =	ssyncadd.s32 $0xFFFFFF80  }
0x2e: {  	[tilespmem:s14], [sflag:$0x1] =	stream.indirect.gather [hbm4b:s4+s13], $0x80, s3, s13, $0xb8;
	[tilespmem:$0x18100] =	vst v63  }
0x2f: {  	_ =	swait.ge [sflag:s15], $0x4000  }
.Ltmp0:
0x30: {  	[sflag:s15] =	ssyncset.done $0x0;
	(pc) =	sbr.rel @p0 .LBB2_2-.Ltmp0, $4  }
0x31: {  	[sflag:s15] =	ssyncadd.s32 $0xFFFFC000  }
0x32: {  	[spmem:s1] =	stream.indirect.scatter.add.f32 [tilespmem:s14], [sflag:$0x2], $0x80, s13, s13, $0xb8;
	[tilespmem:$0x18100] =	vst v63  }
0x33: {  	_ =	swait.ge [sflag:s12], $0x4000  }
0x34: {  	s18 =	smov.u32 s21;
	[sflag:s12] =	ssyncset.done $0x0  }
0x35: {  	s18 =	sadd.s32 s17, s10;
	[sflag:s12] =	ssyncadd.s32 $0xFFFFC000  }
0x36: {  	[tilespmem:s3], [sflag:$0x2] =	stream.linear.gather [hbm4b:s18+s3], $0x80, $0x38;
	[tilespmem:$0x18100] =	vst v63  }
0x37: {  	_ =	swait.ge [sflag:s12], $0x80  }
0x38: {  	[sflag:s12] =	ssyncset.done $0x0  }
0x39: {  	s31 =	sadd.s32 s17, s9;
	[sflag:s12] =	ssyncadd.s32 $0xFFFFFF80  }
0x3a: {  	[tilespmem:s13], [sflag:$0x2] =	stream.linear.gather [hbm4b:s31+s3], $0x80, $0x38;
	[tilespmem:$0x18100] =	vst v63  }
0x3b: {  	_ =	swait.ge [sflag:s12], $0x80  }
0x3c: {  	[sflag:s12] =	ssyncset.done $0x0  }
0x3d: {  	[sflag:s12] =	ssyncadd.s32 $0xFFFFFF80  }
0x3e: {  	[tilespmem:s14], [sflag:$0x1] =	stream.indirect.gather [hbm4b:s4+s13], $0x80, s3, s13, $0xb8;
	[tilespmem:$0x18100] =	vst v63  }
0x3f: {  	_ =	swait.ge [sflag:s15], $0x4000  }
0x40: {  	[sflag:s15] =	ssyncset.done $0x0  }
0x41: {  	[sflag:s15] =	ssyncadd.s32 $0xFFFFC000  }
0x42: {  	[spmem:s1] =	stream.indirect.scatter.add.f32 [tilespmem:s14], [sflag:$0x2], $0x80, s13, s13, $0xb8;
	[tilespmem:$0x18100] =	vst v63  }
0x43: {  	_ =	swait.ge [sflag:s12], $0x4000  }
0x44: {  	s16 =	sadd.s32 $0x1, s16;
	[sflag:s12] =	ssyncset.done $0x0  }
0x45: {  	p0 =	sne.s32 s16, s8;
	[sflag:s12] =	ssyncadd.s32 $0xFFFFC000  }
.Ltmp1:
0x46: {  	[bflag:$0x0] =	sbarrier.arrive $0xFFFF;
	(pc) =	sbr.rel @p0 .LBB2_1-.Ltmp1, $4  }
0x47: {  	[hbm:s7], [sflag:s6] =	dma.local [spmem:s11], $0x2800  }
0x48: {  	_ =	swait.ge [sflag:s12], $0x2800  }
0x49: {  	[sflag:s12] =	ssyncset.done $0x0  }
0x4a: {  	[sflag:s12] =	ssyncadd.s32 $0xFFFFD800  }
0x4b: {  	_ =	sfence.sel $0x180000  }
0x4c: {  	[bflag:$0x0] =	sbarrier.arrive $0xFFFF  }
0x4d: {  	p0 =	sne.s32 s2, $0x0;
	_ =	strace $0x90000059  }
0x4e: {  	s0 =	sadd.s32 @!p0 $0x100000, s0;
	[bflag:$0x2] =	sbarrier.arrive $0xFFFF  }
0x4f: {  	[sflag:s0] =	ssyncadd.tile.s32 @!p0 $0x1;
	_ =	shalt  }
.Lfunc_end2:
_tile_overlayer_lowered:
.L_overlay_start_2:
0x50: {  	(tag) =	ssettag $0x2  }
0x51: {  	s0 =	rddreg [dreg:$0x0];
	s2 =	stileid.u32  }
0x52: {  	s1 =	rddreg [dreg:$0x1];
	p0 =	sne.s32 s2, $0x0  }
0x53: {  	s3 =	rddreg [dreg:$0x2];
	[bflag:$0x3] =	sbarrier.arrive $0xFFFF;
	s2 =	simm.s32 @!p0 $0x1C02  }
0x54: {  	[timem:s3], [sflag:s2] =	dma.local @!p0 [hbm:s0], s1  }
0x55: {  	s0 =	simm.s32 @!p0 $0x2  }
0x56: {  	_ =	swait.ge @!p0 [sflag:s0], s1  }
0x57: {  	s1 =	ssub.s32 @!p0 $0x0, s1;
	[sflag:s0] =	ssyncset.done @!p0 $0x0  }
0x58: {  	[sflag:s0] =	ssyncadd.s32 @!p0 s1  }
0x59: {  	[bflag:$0x3] =	sbarrier.arrive $0xFFFF  }
0x5a: {  	_ =	shalt  }

// kernel: kernel.43.cloned.1.call-start
scs
__scs_entry_jumppad:
0x0: {  	(pc) =	sbr.rel $0x88, $3  }
0x1: {  	(tag) =	ssettag $0x0;
	lr =	simm.s32 $0x1  }
0x2: {  	[smem:$0x3F82] =	sst lr;
	_ =	strace $0xD0000000  }
0x3: {  	_ = 	snop  }
0x4: {  	_ = 	snop  }
0x5: {  	_ = 	snop  }
0x6: {  	_ = 	snop  }
0x7: {  	_ = 	snop  }
__scs_overlays_trampoline_lowered:
0x8: {  	[smem:$0x3F91] =	sst s0  }
0x9: {  	[smem:$0x3F92] =	sst s1  }
0xa: {  	[smem:$0x3F93] =	sst s2  }
0xb: {  	[smem:$0x3F94] =	sst s3  }
0xc: {  	[smem:$0x3F95] =	sst s4  }
0xd: {  	[smem:$0x3F96] =	sst s5  }
0xe: {  	[smem:$0x3F97] =	sst s6  }
0xf: {  	[smem:$0x3F98] =	sst s7  }
0x10: {  	[smem:$0x3F99] =	sst s8  }
0x11: {  	[smem:$0x3F9A] =	sst s9;
	s0 =	simm.s32 @!p0 $0x0  }
0x12: {  	s1 =	sld [smem:$0x3F80];
	s0 =	simm.s32 @p0 $0x1  }
0x13: {  	[smem:$0x3F9B] =	sst s0;
	s0 =	simm.s32 @!p1 $0x0  }
0x14: {  	s2 =	sld [smem:$0x3F7F];
	s0 =	simm.s32 @p1 $0x1  }
0x15: {  	[smem:$0x3F9C] =	sst s0;
	s0 =	simm.s32 @!p2 $0x0  }
0x16: {  	s3 =	sld [smem:$0x3FDB];
	s0 =	simm.s32 @p2 $0x1  }
0x17: {  	s4 =	simm.s32 $0x1BF5;
	[smem:$0x3F9E] =	sst s0  }
0x18: {  	s0 =	sld [smem:$0x3F81];
	_ =	swait.ge [sflag:s4], $0x0  }
0x19: {  	s7 =	sld [smem:$0x3F82]  }
0x1a: {  	s8 =	sadd.s32 $0xFFFFE003, lr  }
0x1b: {  	s9 =	sadd.s32 $0xFFFFFEF7, lr;
	s5 =	simm.s32 $0xFFFFFFFF;
	p2 =	slt.u32 s8, $0xFFFFF086  }
0x1c: {  	p1 =	slt.u32 s9, $0xF7A;
	s5 =	simm.s32 @!p2 $0x0  }
0x1d: {  	s5 =	simm.s32 @p1 $0x1;
	p0 =	seq.s32 s7, s2  }
0x1e: {  	s7 =	smul.u32 @!p0 $0xF7A, s2;
	p2 =	seq.s32 @!p0 s5, $0x0  }
0x1f: {  	s9 =	smul.u32 $0xF7A, s1;
	s8 =	simm.s32 @!p0 $0x1BF5;
	p2 =	por !p2, p0  }
0x20: {  	[sflag:s8] =	ssyncset.s32 @!p0 $0xFFFFF086;
	s6 =	sadd.s32 @!p0 s3, s7;
	s7 =	simm.s32 @!p0 $0x108  }
0x21: {  	s3 =	sadd.s32 s3, s9;
	s6 =	sadd.s32 @!p0 $0x88, s6;
	s7 =	simm.s32 @p2 $0x1082  }
0x22: {  	[simem:s7], [sflag:s8] =	dma.local @!p0 [hbm:s6], $0xF7A  }
0x23: {  	s9 =	sor.u32 $0xD0000000, s2;
	s6 =	simm.s32 $0x108;
	_ =	swait.ge @!p0 [sflag:s8], $0x0  }
0x24: {  	s3 =	sadd.s32 $0x88, s3;
	s6 =	simm.s32 @!p1 $0x1082;
	[sflag:s4] =	ssyncset.s32 $0xFFFFF086  }
0x25: {  	[simem:s6], [sflag:s4] =	dma.local [hbm:s3], $0xF7A  }
0x26: {  	[smem:$0x3F82] =	sst s1;
	(tag) =	ssettag s2;
	_ =	strace s9  }
0x27: {  	s1 =	sld [smem:$0x3F92]  }
0x28: {  	s2 =	sld [smem:$0x3F93]  }
0x29: {  	s4 =	sld [smem:$0x3F95]  }
0x2a: {  	p0 =	seq.s32 s5, $0x0;
	s5 =	sld [smem:$0x3F96]  }
0x2b: {  	s6 =	sld [smem:$0x3F97]  }
0x2c: {  	s7 =	sld [smem:$0x3F98]  }
0x2d: {  	s3 =	simm.s32 $0x108;
	s8 =	sld [smem:$0x3F99]  }
0x2e: {  	s3 =	simm.s32 @!p0 $0x1082;
	s9 =	sld [smem:$0x3F9A]  }
0x2f: {  	lr =	sadd.s32 s0, s3;
	s0 =	sld [smem:$0x3F91]  }
0x30: {  	s3 =	sld [smem:$0x3F94]  }
0x31: {  	[smem:$0x3F9D] =	sst s10  }
0x32: {  	s10 =	sld [smem:$0x3F9B];
	_ =	sdelay $0x3  }
0x33: {  	p0 =	seq.s32 s10, $0x1;
	s10 =	sld [smem:$0x3F9D];
	_ =	sdelay $0x3  }
0x34: {  	[smem:$0x3F9D] =	sst s10  }
0x35: {  	s10 =	sld [smem:$0x3F9C];
	_ =	sdelay $0x3  }
0x36: {  	p1 =	seq.s32 s10, $0x1;
	s10 =	sld [smem:$0x3F9D];
	_ =	sdelay $0x3  }
0x37: {  	[smem:$0x3F9D] =	sst s10  }
0x38: {  	s10 =	sld [smem:$0x3F9E]  }
0x39: {  	_ = 	snop;
	(pc) =	sbr.ind lr, $3  }
0x3a: {  	_ = 	snop  }
0x3b: {  	_ = 	snop  }
0x3c: {  	p2 =	seq.s32 s10, $0x1;
	s10 =	sld [smem:$0x3F9D]  }
0x3d: {  	_ =	shalt  }
0x3e: {  	_ =	shalt  }
0x3f: {  	_ =	shalt  }
0x40: {  	_ =	shalt  }
0x41: {  	_ =	shalt  }
0x42: {  	_ =	shalt  }
0x43: {  	_ =	shalt  }
0x44: {  	_ =	shalt  }
0x45: {  	_ =	shalt  }
0x46: {  	_ =	shalt  }
0x47: {  	_ =	shalt  }
0x48: {  	_ =	shalt  }
0x49: {  	_ =	shalt  }
0x4a: {  	_ =	shalt  }
0x4b: {  	_ =	shalt  }
0x4c: {  	_ =	shalt  }
0x4d: {  	_ =	shalt  }
0x4e: {  	_ =	shalt  }
0x4f: {  	_ =	shalt  }
0x50: {  	_ =	shalt  }
0x51: {  	_ =	shalt  }
0x52: {  	_ =	shalt  }
0x53: {  	_ =	shalt  }
0x54: {  	_ =	shalt  }
0x55: {  	_ =	shalt  }
0x56: {  	_ =	shalt  }
0x57: {  	_ =	shalt  }
0x58: {  	_ =	shalt  }
0x59: {  	_ =	shalt  }
0x5a: {  	_ =	shalt  }
0x5b: {  	_ =	shalt  }
0x5c: {  	_ =	shalt  }
0x5d: {  	_ =	shalt  }
0x5e: {  	_ =	shalt  }
0x5f: {  	_ =	shalt  }
0x60: {  	_ =	shalt  }
0x61: {  	_ =	shalt  }
0x62: {  	_ =	shalt  }
0x63: {  	_ =	shalt  }
0x64: {  	_ =	shalt  }
0x65: {  	_ =	shalt  }
0x66: {  	_ =	shalt  }
0x67: {  	_ =	shalt  }
0x68: {  	_ =	shalt  }
0x69: {  	_ =	shalt  }
0x6a: {  	_ =	shalt  }
0x6b: {  	_ =	shalt  }
0x6c: {  	_ =	shalt  }
0x6d: {  	_ =	shalt  }
0x6e: {  	_ =	shalt  }
0x6f: {  	_ =	shalt  }
0x70: {  	_ =	shalt  }
0x71: {  	_ =	shalt  }
0x72: {  	_ =	shalt  }
0x73: {  	_ =	shalt  }
0x74: {  	_ =	shalt  }
0x75: {  	_ =	shalt  }
0x76: {  	_ =	shalt  }
0x77: {  	_ =	shalt  }
0x78: {  	_ =	shalt  }
0x79: {  	_ =	shalt  }
0x7a: {  	_ =	shalt  }
0x7b: {  	_ =	shalt  }
0x7c: {  	_ =	shalt  }
0x7d: {  	_ =	shalt  }
0x7e: {  	_ =	shalt  }
0x7f: {  	_ =	shalt  }
0x80: {  	_ =	shalt  }
0x81: {  	_ =	shalt  }
0x82: {  	_ =	shalt  }
0x83: {  	_ =	shalt  }
0x84: {  	_ =	shalt  }
0x85: {  	_ =	shalt  }
0x86: {  	_ =	shalt  }
0x87: {  	_ =	shalt  }
.Lfunc_end0:
.L_simem_size_0:
called_computation.7_lowered:
.L_overlay_start_0:
0x88: {  	s2 =	sld [smem:$0x3FD9]  }
0x89: {  	s3 =	sld [smem:$0x3FFE];
	_ =	sdelay $0x1  }
0x8a: {  	s1 =	srdreg.scid  }
0x8b: {  	s0 =	sand.u32 $0x1, s1  }
0x8c: {  	s17 =	sshll.u32 s0, $0xA;
	s2 =	sadd.s32 s3, s2  }
0x8d: {  	s2 =	sadd.s32 s2, s17  }
0x8e: {  	[smem:$0x3FA9] =	sst s2  }
0x8f: {  	_ = 	snop  }
0x90: {  	s2 =	sld [smem:$0x3FD0];
	(tm) =	ssettm $0x1  }
0x91: {  	s18 =	sld [smem:$0x3FFB];
	_ =	sdelay $0x3  }
0x92: {  	_ =	strace s18  }
0x93: {  	s3 =	sld [smem:$0x3FFC];
	_ =	sdelay $0x3  }
0x94: {  	_ =	strace s3  }
0x95: {  	s3 =	sld [smem:$0x3FFD];
	_ =	sdelay $0x3  }
0x96: {  	_ =	strace s3  }
0x97: {  	_ =	strace $0x8FFFFFFF  }
0x98: {  	s19 =	sld [smem:$0x3FDB];
	_ =	sdelay $0x1  }
0x99: {  	s4 =	simm.s32 $_scs_section_size  }
0x9a: {  	s5 =	simm.s32 $_size__tile_overlayer_lowered;
	s6 =	simm.s32 $_tile_overlayer_lowered  }
0x9b: {  	s22 =	simm.s32 $0x1BFF;
	s21 =	sshll.u32 s6, $0x1;
	s3 =	sadd.s32 s4, s19  }
0x9c: {  	s7 =	simm.s32 $0x0;
	s20 =	sshll.u32 s5, $0x1;
	s5 =	sadd.s32 s21, s3  }
0x9d: {  	[timem:s7], [sflag:s22] =	dma.local [hbm:s5], s20  }
0x9e: {  	_ =	swait.ge [sflag:s22], s20  }
0x9f: {  	s4 =	ssub.s32 $0x0, s20;
	[sflag:s22] =	ssyncset.done $0x0  }
0xa0: {  	[sflag:s22] =	ssyncadd.s32 s4;
	_ =	sdelay $0x1  }
0xa1: {  	s23 =	simm.s32 $0x1B8B  }
0xa2: {  	_ =	swait.ge [sflag:s23], $0x1  }
0xa3: {  	[sflag:s23] =	ssyncset.done $0x0  }
0xa4: {  	s25 =	simm.s32 $0x1B8E;
	s24 =	sld [smem:$0x3FFE];
	[sflag:s23] =	ssyncadd.s32 $0xFFFFFFFF  }
0xa5: {  	s26 =	simm.s32 $execute0_lowered;
	[smem:$0x3FD2] =	sst s25  }
0xa6: {  	s5 =	sshll.u32 s26, $0x1;
	_ =	strace $0x8000005B;
	[dreg:$0x1] =	wrdreg $0xFFFFFFFF  }
0xa7: {  	s28 =	simm.s32 $_size_execute0_lowered;
	s3 =	sadd.s32 s3, s5;
	[dreg:$0x0] =	wrdreg $0x0  }
0xa8: {  	s5 =	sshll.u32 s28, $0x1;
	[dreg:$0x2] =	wrdreg s3  }
0xa9: {  	[dreg:$0x3] =	wrdreg s5  }
0xaa: {  	[dreg:$0x4] =	wrdreg $0xC0  }
0xab: {  	_ =	task [dreg:s7], $0x5FFFF  }
0xac: {  	[dreg:$0x1] =	wrdreg $0xFFFFFFFF  }
0xad: {  	[dreg:$0x0] =	wrdreg $0x60  }
0xae: {  	[dreg:$0x2] =	wrdreg s24  }
0xaf: {  	[dreg:$0x3] =	wrdreg s2  }
0xb0: {  	[dreg:$0x4] =	wrdreg $0x41000  }
0xb1: {  	[dreg:$0x5] =	wrdreg $0x9  }
0xb2: {  	_ =	task.clear_ibuf [dreg:s7], $0x6FFFF;
	_ =	strace $0x9000005B  }
0xb3: {  	s29 =	simm.s32 $0x9;
	_ =	strace $0x8000005D  }
0xb4: {  	_ =	swait.ge [sflag:s29], $0x1  }
0xb5: {  	[sflag:s29] =	ssyncadd.s32 $0xFFFFFFFF  }
0xb6: {  	_ =	strace $0x9000005D  }
0xb7: {  	_ =	sfence  }
0xb8: {  	s30 =	sld [smem:$0x0];
	_ =	sdelay $0x2  }
0xb9: {  	s31 =	sshll.u32 s1, $0xD;
	s1 =	sshrl.u32 s1, $0x2  }
0xba: {  	s3 =	sand.u32 $0x4000, s31;
	s1 =	sadd.s32 s1, s30  }
0xbb: {  	s0 =	sor.u32 s3, s0;
	s1 =	sshll.u32 s1, $0x11  }
0xbc: {  	s0 =	sor.u32 s1, s0  }
0xbd: {  	s0 =	sadd.s32 $0x8F2B, s0  }
0xbe: {  	[sflag:s0] =	ssyncadd.remote.s32 $0x1  }
0xbf: {  	_ =	sfence.sel $0xFFFF  }
0xc0: {  	[dreg:$0x0] =	wrdreg $0xFFFFFFFF;
	(pc) =	sbr.abs _section_cstart, $3  }
0xc1: {  	[dreg:$0x1] =	wrdreg $0xFFFFFFFF  }
0xc2: {  	_ =	task.clear_ibuf [dreg:s7], $0x2FFFF;
	_ =	strace $0x9FFFFFFF  }
0xc3: {  	(tm) =	ssettm $0x7FFFFFFF  }
tec
execute0_lowered:
.L_overlay_start_1:
0x0: {  	(tag) =	ssettag $0x1  }
0x1: {  	s5 =	rddreg [dreg:$0x0]  }
0x2: {  	s8 =	rddreg [dreg:$0x1]  }
0x3: {  	s1 =	rddreg [dreg:$0x2];
	s2 =	srdreg.scid  }
0x4: {  	s0 =	rddreg [dreg:$0x3];
	s3 =	simm.s32 $0x0;
	s6 =	sand.u32 $0x1, s2  }
0x5: {  	s15 =	simm.s32 $0x1;
	s2 =	stileid.u32;
	s9 =	smul.u32 $0x4F00, s6  }
0x6: {  	s16 =	simm.s32 $0x0;
	[smem:$0x7FF] =	sst s3;
	s7 =	smul.u32 $0x2800, s2  }
0x7: {  	s4 =	sadd.s32 $0x32200, s5;
	_ =	strace $0x8000005C;
	s10 =	smul.u32 $0x28000, s6  }
0x8: {  	s6 =	ssub.s32 $0x2, s6;
	s13 =	smul.u32 $0x50000, s2;
	s29 =	sshll.u32 s2, $0x6  }
0x9: {  	s30 =	smul.u32 $0x4F0, s2;
	s12 =	sshrl.u32 s6, $0x1;
	s11 =	sadd.s32 s9, s5  }
0xa: {  	s10 =	sadd.s32 s7, s10;
	s7 =	sadd.s32 s7, s5;
	s12 =	ssub.s32 s6, s12  }
0xb: {  	s28 =	sshrl.u32 s13, $0x2;
	s6 =	sor.u32 $0x1C02, s29;
	s9 =	sadd.s32 s9, s8  }
0xc: {  	s13 =	simm.s32 $0x80;
	s10 =	sadd.s32 s10, s5;
	s14 =	sadd.s32 s28, s1  }
0xd: {  	s5 =	sadd.s32 $0xA200, s7;
	s31 =	sadd.s32 s30, s11;
	s8 =	smax.u32 s12, $0x1  }
0xe: {  	s9 =	sadd.s32 s30, s9;
	s12 =	simm.s32 $0x2;
	s7 =	sadd.s32 $0x8C200, s10  }
0xf: {  	s10 =	sadd.s32 $0x82400, s31;
	s11 =	sshrl.u32 s14, $0x3;
	s14 =	simm.s32 $0x100  }
.LBB2_1:
0x10: {  	[spmem:s11], [sflag:s6] =	dma.local [hbm:s5], $0x2800  }
0x11: {  	_ =	swait.ge [sflag:s12], $0x2800  }
0x12: {  	[sflag:s12] =	ssyncset.done $0x0  }
0x13: {  	[sflag:s12] =	ssyncadd.s32 $0xFFFFD800  }
0x14: {  	s17 =	sadd.s32 $0x0, s10;
	[bflag:$0x0] =	sbarrier.arrive $0xFFFF  }
0x15: {  	[tilespmem:s3], [sflag:$0x2] =	stream.linear.gather [hbm4b:s17+s3], $0x80, $0x38;
	[tilespmem:$0x18100] =	vst v63  }
0x16: {  	_ =	swait.ge [sflag:s12], $0x80  }
0x17: {  	[sflag:s12] =	ssyncset.done $0x0  }
0x18: {  	s31 =	sadd.s32 $0x0, s9;
	[sflag:s12] =	ssyncadd.s32 $0xFFFFFF80  }
0x19: {  	[tilespmem:s13], [sflag:$0x2] =	stream.linear.gather [hbm4b:s31+s3], $0x80, $0x38;
	[tilespmem:$0x18100] =	vst v63  }
0x1a: {  	_ =	swait.ge [sflag:s12], $0x80  }
0x1b: {  	[sflag:s12] =	ssyncset.done $0x0  }
0x1c: {  	[sflag:s12] =	ssyncadd.s32 $0xFFFFFF80  }
0x1d: {  	[tilespmem:s14], [sflag:$0x1] =	stream.indirect.gather [hbm4b:s4+s13], $0x80, s3, s13, $0xb8;
	[tilespmem:$0x18100] =	vst v63  }
0x1e: {  	_ =	swait.ge [sflag:s15], $0x4000  }
0x1f: {  	[sflag:s15] =	ssyncset.done $0x0  }
0x20: {  	[sflag:s15] =	ssyncadd.s32 $0xFFFFC000  }
0x21: {  	[spmem:s1] =	stream.indirect.scatter.add.f32 [tilespmem:s14], [sflag:$0x2], $0x80, s13, s13, $0xb8;
	[tilespmem:$0x18100] =	vst v63  }
0x22: {  	_ =	swait.ge [sflag:s12], $0x4000  }
0x23: {  	s18 =	simm.s32 $0x20;
	s17 =	simm.s32 $0x10;
	[sflag:s12] =	ssyncset.done $0x0  }
.LBB2_2:
0x24: {  	s19 =	sadd.s32 s17, s10  }
0x25: {  	[sflag:s12] =	ssyncadd.s32 $0xFFFFC000;
	s20 =	smov.u32 s18;
	s21 =	sadd.s32 $0x10, s18  }
0x26: {  	[tilespmem:s3], [sflag:$0x2] =	stream.linear.gather [hbm4b:s19+s3], $0x80, $0x38;
	[tilespmem:$0x18100] =	vst v63  }
0x27: {  	p0 =	sne.s32 s18, $0x4E0;
	_ =	swait.ge [sflag:s12], $0x80  }
0x28: {  	[sflag:s12] =	ssyncset.done $0x0  }
0x29: {  	s18 =	sadd.s32 s17, s9;
	s17 =	smov.u32 s20;
	[sflag:s12] =	ssyncadd.s32 $0xFFFFFF80  }
0x2a: {  	[tilespmem:s13], [sflag:$0x2] =	stream.linear.gather [hbm4b:s18+s3], $0x80, $0x38;
	[tilespmem:$0x18100] =	vst v63  }
0x2b: {  	_ =	swait.ge [sflag:s12], $0x80  }
0x2c: {  	[sflag:s12] =	ssyncset.done $0x0  }
0x2d: {  	[sflag:s12] =	ssyncadd.s32 $0xFFFFFF80  }
0x2e: {  	[tilespmem:s14], [sflag:$0x1] =	stream.indirect.gather [hbm4b:s4+s13], $0x80, s3, s13, $0xb8;
	[tilespmem:$0x18100] =	vst v63  }
0x2f: {  	_ =	swait.ge [sflag:s15], $0x4000  }
.Ltmp0:
0x30: {  	[sflag:s15] =	ssyncset.done $0x0;
	(pc) =	sbr.rel @p0 .LBB2_2-.Ltmp0, $4  }
0x31: {  	[sflag:s15] =	ssyncadd.s32 $0xFFFFC000  }
0x32: {  	[spmem:s1] =	stream.indirect.scatter.add.f32 [tilespmem:s14], [sflag:$0x2], $0x80, s13, s13, $0xb8;
	[tilespmem:$0x18100] =	vst v63  }
0x33: {  	_ =	swait.ge [sflag:s12], $0x4000  }
0x34: {  	s18 =	smov.u32 s21;
	[sflag:s12] =	ssyncset.done $0x0  }
0x35: {  	s18 =	sadd.s32 s17, s10;
	[sflag:s12] =	ssyncadd.s32 $0xFFFFC000  }
0x36: {  	[tilespmem:s3], [sflag:$0x2] =	stream.linear.gather [hbm4b:s18+s3], $0x80, $0x38;
	[tilespmem:$0x18100] =	vst v63  }
0x37: {  	_ =	swait.ge [sflag:s12], $0x80  }
0x38: {  	[sflag:s12] =	ssyncset.done $0x0  }
0x39: {  	s31 =	sadd.s32 s17, s9;
	[sflag:s12] =	ssyncadd.s32 $0xFFFFFF80  }
0x3a: {  	[tilespmem:s13], [sflag:$0x2] =	stream.linear.gather [hbm4b:s31+s3], $0x80, $0x38;
	[tilespmem:$0x18100] =	vst v63  }
0x3b: {  	_ =	swait.ge [sflag:s12], $0x80  }
0x3c: {  	[sflag:s12] =	ssyncset.done $0x0  }
0x3d: {  	[sflag:s12] =	ssyncadd.s32 $0xFFFFFF80  }
0x3e: {  	[tilespmem:s14], [sflag:$0x1] =	stream.indirect.gather [hbm4b:s4+s13], $0x80, s3, s13, $0xb8;
	[tilespmem:$0x18100] =	vst v63  }
0x3f: {  	_ =	swait.ge [sflag:s15], $0x4000  }
0x40: {  	[sflag:s15] =	ssyncset.done $0x0  }
0x41: {  	[sflag:s15] =	ssyncadd.s32 $0xFFFFC000  }
0x42: {  	[spmem:s1] =	stream.indirect.scatter.add.f32 [tilespmem:s14], [sflag:$0x2], $0x80, s13, s13, $0xb8;
	[tilespmem:$0x18100] =	vst v63  }
0x43: {  	_ =	swait.ge [sflag:s12], $0x4000  }
0x44: {  	s16 =	sadd.s32 $0x1, s16;
	[sflag:s12] =	ssyncset.done $0x0  }
0x45: {  	p0 =	sne.s32 s16, s8;
	[sflag:s12] =	ssyncadd.s32 $0xFFFFC000  }
.Ltmp1:
0x46: {  	[bflag:$0x0] =	sbarrier.arrive $0xFFFF;
	(pc) =	sbr.rel @p0 .LBB2_1-.Ltmp1, $4  }
0x47: {  	[hbm:s7], [sflag:s6] =	dma.local [spmem:s11], $0x2800  }
0x48: {  	_ =	swait.ge [sflag:s12], $0x2800  }
0x49: {  	[sflag:s12] =	ssyncset.done $0x0  }
0x4a: {  	[sflag:s12] =	ssyncadd.s32 $0xFFFFD800  }
0x4b: {  	_ =	sfence.sel $0x180000  }
0x4c: {  	[bflag:$0x0] =	sbarrier.arrive $0xFFFF  }
0x4d: {  	p0 =	sne.s32 s2, $0x0;
	_ =	strace $0x9000005C  }
0x4e: {  	s0 =	sadd.s32 @!p0 $0x100000, s0;
	[bflag:$0x2] =	sbarrier.arrive $0xFFFF  }
0x4f: {  	[sflag:s0] =	ssyncadd.tile.s32 @!p0 $0x1;
	_ =	shalt  }
.Lfunc_end2:
_tile_overlayer_lowered:
.L_overlay_start_2:
0x50: {  	(tag) =	ssettag $0x2  }
0x51: {  	s0 =	rddreg [dreg:$0x0];
	s2 =	stileid.u32  }
0x52: {  	s1 =	rddreg [dreg:$0x1];
	p0 =	sne.s32 s2, $0x0  }
0x53: {  	s3 =	rddreg [dreg:$0x2];
	[bflag:$0x3] =	sbarrier.arrive $0xFFFF;
	s2 =	simm.s32 @!p0 $0x1C02  }
0x54: {  	[timem:s3], [sflag:s2] =	dma.local @!p0 [hbm:s0], s1  }
0x55: {  	s0 =	simm.s32 @!p0 $0x2  }
0x56: {  	_ =	swait.ge @!p0 [sflag:s0], s1  }
0x57: {  	s1 =	ssub.s32 @!p0 $0x0, s1;
	[sflag:s0] =	ssyncset.done @!p0 $0x0  }
0x58: {  	[sflag:s0] =	ssyncadd.s32 @!p0 s1  }
0x59: {  	[bflag:$0x3] =	sbarrier.arrive $0xFFFF  }
0x5a: {  	_ =	shalt  }

// kernel: kernel.46.cloned.1.call-start
scs
__scs_entry_jumppad:
0x0: {  	(pc) =	sbr.rel $0x88, $3  }
0x1: {  	(tag) =	ssettag $0x0;
	lr =	simm.s32 $0x1  }
0x2: {  	[smem:$0x3F82] =	sst lr;
	_ =	strace $0xD0000000  }
0x3: {  	_ = 	snop  }
0x4: {  	_ = 	snop  }
0x5: {  	_ = 	snop  }
0x6: {  	_ = 	snop  }
0x7: {  	_ = 	snop  }
__scs_overlays_trampoline_lowered:
0x8: {  	[smem:$0x3F91] =	sst s0  }
0x9: {  	[smem:$0x3F92] =	sst s1  }
0xa: {  	[smem:$0x3F93] =	sst s2  }
0xb: {  	[smem:$0x3F94] =	sst s3  }
0xc: {  	[smem:$0x3F95] =	sst s4  }
0xd: {  	[smem:$0x3F96] =	sst s5  }
0xe: {  	[smem:$0x3F97] =	sst s6  }
0xf: {  	[smem:$0x3F98] =	sst s7  }
0x10: {  	[smem:$0x3F99] =	sst s8  }
0x11: {  	[smem:$0x3F9A] =	sst s9;
	s0 =	simm.s32 @!p0 $0x0  }
0x12: {  	s1 =	sld [smem:$0x3F80];
	s0 =	simm.s32 @p0 $0x1  }
0x13: {  	[smem:$0x3F9B] =	sst s0;
	s0 =	simm.s32 @!p1 $0x0  }
0x14: {  	s2 =	sld [smem:$0x3F7F];
	s0 =	simm.s32 @p1 $0x1  }
0x15: {  	[smem:$0x3F9C] =	sst s0;
	s0 =	simm.s32 @!p2 $0x0  }
0x16: {  	s3 =	sld [smem:$0x3FDB];
	s0 =	simm.s32 @p2 $0x1  }
0x17: {  	s4 =	simm.s32 $0x1BF5;
	[smem:$0x3F9E] =	sst s0  }
0x18: {  	s0 =	sld [smem:$0x3F81];
	_ =	swait.ge [sflag:s4], $0x0  }
0x19: {  	s7 =	sld [smem:$0x3F82]  }
0x1a: {  	s8 =	sadd.s32 $0xFFFFE003, lr  }
0x1b: {  	s9 =	sadd.s32 $0xFFFFFEF7, lr;
	s5 =	simm.s32 $0xFFFFFFFF;
	p2 =	slt.u32 s8, $0xFFFFF086  }
0x1c: {  	p1 =	slt.u32 s9, $0xF7A;
	s5 =	simm.s32 @!p2 $0x0  }
0x1d: {  	s5 =	simm.s32 @p1 $0x1;
	p0 =	seq.s32 s7, s2  }
0x1e: {  	s7 =	smul.u32 @!p0 $0xF7A, s2;
	p2 =	seq.s32 @!p0 s5, $0x0  }
0x1f: {  	s9 =	smul.u32 $0xF7A, s1;
	s8 =	simm.s32 @!p0 $0x1BF5;
	p2 =	por !p2, p0  }
0x20: {  	[sflag:s8] =	ssyncset.s32 @!p0 $0xFFFFF086;
	s6 =	sadd.s32 @!p0 s3, s7;
	s7 =	simm.s32 @!p0 $0x108  }
0x21: {  	s3 =	sadd.s32 s3, s9;
	s6 =	sadd.s32 @!p0 $0x88, s6;
	s7 =	simm.s32 @p2 $0x1082  }
0x22: {  	[simem:s7], [sflag:s8] =	dma.local @!p0 [hbm:s6], $0xF7A  }
0x23: {  	s9 =	sor.u32 $0xD0000000, s2;
	s6 =	simm.s32 $0x108;
	_ =	swait.ge @!p0 [sflag:s8], $0x0  }
0x24: {  	s3 =	sadd.s32 $0x88, s3;
	s6 =	simm.s32 @!p1 $0x1082;
	[sflag:s4] =	ssyncset.s32 $0xFFFFF086  }
0x25: {  	[simem:s6], [sflag:s4] =	dma.local [hbm:s3], $0xF7A  }
0x26: {  	[smem:$0x3F82] =	sst s1;
	(tag) =	ssettag s2;
	_ =	strace s9  }
0x27: {  	s1 =	sld [smem:$0x3F92]  }
0x28: {  	s2 =	sld [smem:$0x3F93]  }
0x29: {  	s4 =	sld [smem:$0x3F95]  }
0x2a: {  	p0 =	seq.s32 s5, $0x0;
	s5 =	sld [smem:$0x3F96]  }
0x2b: {  	s6 =	sld [smem:$0x3F97]  }
0x2c: {  	s7 =	sld [smem:$0x3F98]  }
0x2d: {  	s3 =	simm.s32 $0x108;
	s8 =	sld [smem:$0x3F99]  }
0x2e: {  	s3 =	simm.s32 @!p0 $0x1082;
	s9 =	sld [smem:$0x3F9A]  }
0x2f: {  	lr =	sadd.s32 s0, s3;
	s0 =	sld [smem:$0x3F91]  }
0x30: {  	s3 =	sld [smem:$0x3F94]  }
0x31: {  	[smem:$0x3F9D] =	sst s10  }
0x32: {  	s10 =	sld [smem:$0x3F9B];
	_ =	sdelay $0x3  }
0x33: {  	p0 =	seq.s32 s10, $0x1;
	s10 =	sld [smem:$0x3F9D];
	_ =	sdelay $0x3  }
0x34: {  	[smem:$0x3F9D] =	sst s10  }
0x35: {  	s10 =	sld [smem:$0x3F9C];
	_ =	sdelay $0x3  }
0x36: {  	p1 =	seq.s32 s10, $0x1;
	s10 =	sld [smem:$0x3F9D];
	_ =	sdelay $0x3  }
0x37: {  	[smem:$0x3F9D] =	sst s10  }
0x38: {  	s10 =	sld [smem:$0x3F9E]  }
0x39: {  	_ = 	snop;
	(pc) =	sbr.ind lr, $3  }
0x3a: {  	_ = 	snop  }
0x3b: {  	_ = 	snop  }
0x3c: {  	p2 =	seq.s32 s10, $0x1;
	s10 =	sld [smem:$0x3F9D]  }
0x3d: {  	_ =	shalt  }
0x3e: {  	_ =	shalt  }
0x3f: {  	_ =	shalt  }
0x40: {  	_ =	shalt  }
0x41: {  	_ =	shalt  }
0x42: {  	_ =	shalt  }
0x43: {  	_ =	shalt  }
0x44: {  	_ =	shalt  }
0x45: {  	_ =	shalt  }
0x46: {  	_ =	shalt  }
0x47: {  	_ =	shalt  }
0x48: {  	_ =	shalt  }
0x49: {  	_ =	shalt  }
0x4a: {  	_ =	shalt  }
0x4b: {  	_ =	shalt  }
0x4c: {  	_ =	shalt  }
0x4d: {  	_ =	shalt  }
0x4e: {  	_ =	shalt  }
0x4f: {  	_ =	shalt  }
0x50: {  	_ =	shalt  }
0x51: {  	_ =	shalt  }
0x52: {  	_ =	shalt  }
0x53: {  	_ =	shalt  }
0x54: {  	_ =	shalt  }
0x55: {  	_ =	shalt  }
0x56: {  	_ =	shalt  }
0x57: {  	_ =	shalt  }
0x58: {  	_ =	shalt  }
0x59: {  	_ =	shalt  }
0x5a: {  	_ =	shalt  }
0x5b: {  	_ =	shalt  }
0x5c: {  	_ =	shalt  }
0x5d: {  	_ =	shalt  }
0x5e: {  	_ =	shalt  }
0x5f: {  	_ =	shalt  }
0x60: {  	_ =	shalt  }
0x61: {  	_ =	shalt  }
0x62: {  	_ =	shalt  }
0x63: {  	_ =	shalt  }
0x64: {  	_ =	shalt  }
0x65: {  	_ =	shalt  }
0x66: {  	_ =	shalt  }
0x67: {  	_ =	shalt  }
0x68: {  	_ =	shalt  }
0x69: {  	_ =	shalt  }
0x6a: {  	_ =	shalt  }
0x6b: {  	_ =	shalt  }
0x6c: {  	_ =	shalt  }
0x6d: {  	_ =	shalt  }
0x6e: {  	_ =	shalt  }
0x6f: {  	_ =	shalt  }
0x70: {  	_ =	shalt  }
0x71: {  	_ =	shalt  }
0x72: {  	_ =	shalt  }
0x73: {  	_ =	shalt  }
0x74: {  	_ =	shalt  }
0x75: {  	_ =	shalt  }
0x76: {  	_ =	shalt  }
0x77: {  	_ =	shalt  }
0x78: {  	_ =	shalt  }
0x79: {  	_ =	shalt  }
0x7a: {  	_ =	shalt  }
0x7b: {  	_ =	shalt  }
0x7c: {  	_ =	shalt  }
0x7d: {  	_ =	shalt  }
0x7e: {  	_ =	shalt  }
0x7f: {  	_ =	shalt  }
0x80: {  	_ =	shalt  }
0x81: {  	_ =	shalt  }
0x82: {  	_ =	shalt  }
0x83: {  	_ =	shalt  }
0x84: {  	_ =	shalt  }
0x85: {  	_ =	shalt  }
0x86: {  	_ =	shalt  }
0x87: {  	_ =	shalt  }
.Lfunc_end0:
.L_simem_size_0:
called_computation.8_lowered:
.L_overlay_start_0:
0x88: {  	s2 =	sld [smem:$0x3FD9]  }
0x89: {  	s3 =	sld [smem:$0x3FFE];
	_ =	sdelay $0x1  }
0x8a: {  	s1 =	srdreg.scid  }
0x8b: {  	s0 =	sand.u32 $0x1, s1  }
0x8c: {  	s17 =	sshll.u32 s0, $0xA;
	s2 =	sadd.s32 s3, s2  }
0x8d: {  	s2 =	sadd.s32 s2, s17  }
0x8e: {  	[smem:$0x3FA9] =	sst s2  }
0x8f: {  	_ = 	snop  }
0x90: {  	s2 =	sld [smem:$0x3FD0];
	(tm) =	ssettm $0x1  }
0x91: {  	s18 =	sld [smem:$0x3FFB];
	_ =	sdelay $0x3  }
0x92: {  	_ =	strace s18  }
0x93: {  	s3 =	sld [smem:$0x3FFC];
	_ =	sdelay $0x3  }
0x94: {  	_ =	strace s3  }
0x95: {  	s3 =	sld [smem:$0x3FFD];
	_ =	sdelay $0x3  }
0x96: {  	_ =	strace s3  }
0x97: {  	_ =	strace $0x8FFFFFFF  }
0x98: {  	s19 =	sld [smem:$0x3FDB];
	_ =	sdelay $0x1  }
0x99: {  	s4 =	simm.s32 $_scs_section_size  }
0x9a: {  	s5 =	simm.s32 $_size__tile_overlayer_lowered;
	s6 =	simm.s32 $_tile_overlayer_lowered  }
0x9b: {  	s22 =	simm.s32 $0x1BFF;
	s21 =	sshll.u32 s6, $0x1;
	s3 =	sadd.s32 s4, s19  }
0x9c: {  	s7 =	simm.s32 $0x0;
	s20 =	sshll.u32 s5, $0x1;
	s5 =	sadd.s32 s21, s3  }
0x9d: {  	[timem:s7], [sflag:s22] =	dma.local [hbm:s5], s20  }
0x9e: {  	_ =	swait.ge [sflag:s22], s20  }
0x9f: {  	s4 =	ssub.s32 $0x0, s20;
	[sflag:s22] =	ssyncset.done $0x0  }
0xa0: {  	[sflag:s22] =	ssyncadd.s32 s4;
	_ =	sdelay $0x1  }
0xa1: {  	s23 =	simm.s32 $0x1B8B  }
0xa2: {  	_ =	swait.ge [sflag:s23], $0x1  }
0xa3: {  	[sflag:s23] =	ssyncset.done $0x0  }
0xa4: {  	s25 =	simm.s32 $0x1B8E;
	s24 =	sld [smem:$0x3FFE];
	[sflag:s23] =	ssyncadd.s32 $0xFFFFFFFF  }
0xa5: {  	s26 =	simm.s32 $execute0_lowered;
	[smem:$0x3FD2] =	sst s25  }
0xa6: {  	s5 =	sshll.u32 s26, $0x1;
	_ =	strace $0x8000005E;
	[dreg:$0x1] =	wrdreg $0xFFFFFFFF  }
0xa7: {  	s28 =	simm.s32 $_size_execute0_lowered;
	s3 =	sadd.s32 s3, s5;
	[dreg:$0x0] =	wrdreg $0x0  }
0xa8: {  	s5 =	sshll.u32 s28, $0x1;
	[dreg:$0x2] =	wrdreg s3  }
0xa9: {  	[dreg:$0x3] =	wrdreg s5  }
0xaa: {  	[dreg:$0x4] =	wrdreg $0xC0  }
0xab: {  	_ =	task [dreg:s7], $0x5FFFF  }
0xac: {  	[dreg:$0x1] =	wrdreg $0xFFFFFFFF  }
0xad: {  	[dreg:$0x0] =	wrdreg $0x60  }
0xae: {  	[dreg:$0x2] =	wrdreg s24  }
0xaf: {  	[dreg:$0x3] =	wrdreg s2  }
0xb0: {  	[dreg:$0x4] =	wrdreg $0x41000  }
0xb1: {  	[dreg:$0x5] =	wrdreg $0x9  }
0xb2: {  	_ =	task.clear_ibuf [dreg:s7], $0x6FFFF;
	_ =	strace $0x9000005E  }
0xb3: {  	s29 =	simm.s32 $0x9;
	_ =	strace $0x80000060  }
0xb4: {  	_ =	swait.ge [sflag:s29], $0x1  }
0xb5: {  	[sflag:s29] =	ssyncadd.s32 $0xFFFFFFFF  }
0xb6: {  	_ =	strace $0x90000060  }
0xb7: {  	_ =	sfence  }
0xb8: {  	s30 =	sld [smem:$0x0];
	_ =	sdelay $0x2  }
0xb9: {  	s31 =	sshll.u32 s1, $0xD;
	s1 =	sshrl.u32 s1, $0x2  }
0xba: {  	s3 =	sand.u32 $0x4000, s31;
	s1 =	sadd.s32 s1, s30  }
0xbb: {  	s0 =	sor.u32 s3, s0;
	s1 =	sshll.u32 s1, $0x11  }
0xbc: {  	s0 =	sor.u32 s1, s0  }
0xbd: {  	s0 =	sadd.s32 $0x8F2B, s0  }
0xbe: {  	[sflag:s0] =	ssyncadd.remote.s32 $0x1  }
0xbf: {  	_ =	sfence.sel $0xFFFF  }
0xc0: {  	[dreg:$0x0] =	wrdreg $0xFFFFFFFF;
	(pc) =	sbr.abs _section_cstart, $3  }
0xc1: {  	[dreg:$0x1] =	wrdreg $0xFFFFFFFF  }
0xc2: {  	_ =	task.clear_ibuf [dreg:s7], $0x2FFFF;
	_ =	strace $0x9FFFFFFF  }
0xc3: {  	(tm) =	ssettm $0x7FFFFFFF  }
tec
execute0_lowered:
.L_overlay_start_1:
0x0: {  	(tag) =	ssettag $0x1  }
0x1: {  	s5 =	rddreg [dreg:$0x0]  }
0x2: {  	s8 =	rddreg [dreg:$0x1]  }
0x3: {  	s1 =	rddreg [dreg:$0x2];
	s2 =	srdreg.scid  }
0x4: {  	s0 =	rddreg [dreg:$0x3];
	s3 =	simm.s32 $0x0;
	s6 =	sand.u32 $0x1, s2  }
0x5: {  	s15 =	simm.s32 $0x1;
	s2 =	stileid.u32;
	s9 =	smul.u32 $0x4F00, s6  }
0x6: {  	s16 =	simm.s32 $0x0;
	[smem:$0x7FF] =	sst s3;
	s7 =	smul.u32 $0x2800, s2  }
0x7: {  	s4 =	sadd.s32 $0x32200, s5;
	_ =	strace $0x8000005F;
	s10 =	smul.u32 $0x28000, s6  }
0x8: {  	s6 =	ssub.s32 $0x2, s6;
	s13 =	smul.u32 $0x50000, s2;
	s29 =	sshll.u32 s2, $0x6  }
0x9: {  	s30 =	smul.u32 $0x4F0, s2;
	s12 =	sshrl.u32 s6, $0x1;
	s11 =	sadd.s32 s9, s5  }
0xa: {  	s10 =	sadd.s32 s7, s10;
	s7 =	sadd.s32 s7, s5;
	s12 =	ssub.s32 s6, s12  }
0xb: {  	s28 =	sshrl.u32 s13, $0x2;
	s6 =	sor.u32 $0x1C02, s29;
	s9 =	sadd.s32 s9, s8  }
0xc: {  	s13 =	simm.s32 $0x80;
	s10 =	sadd.s32 s10, s5;
	s14 =	sadd.s32 s28, s1  }
0xd: {  	s5 =	sadd.s32 $0xA200, s7;
	s31 =	sadd.s32 s30, s11;
	s8 =	smax.u32 s12, $0x1  }
0xe: {  	s9 =	sadd.s32 s30, s9;
	s12 =	simm.s32 $0x2;
	s7 =	sadd.s32 $0x8C200, s10  }
0xf: {  	s10 =	sadd.s32 $0x82400, s31;
	s11 =	sshrl.u32 s14, $0x3;
	s14 =	simm.s32 $0x100  }
.LBB2_1:
0x10: {  	[spmem:s11], [sflag:s6] =	dma.local [hbm:s5], $0x2800  }
0x11: {  	_ =	swait.ge [sflag:s12], $0x2800  }
0x12: {  	[sflag:s12] =	ssyncset.done $0x0  }
0x13: {  	[sflag:s12] =	ssyncadd.s32 $0xFFFFD800  }
0x14: {  	s17 =	sadd.s32 $0x0, s10;
	[bflag:$0x0] =	sbarrier.arrive $0xFFFF  }
0x15: {  	[tilespmem:s3], [sflag:$0x2] =	stream.linear.gather [hbm4b:s17+s3], $0x80, $0x38;
	[tilespmem:$0x18100] =	vst v63  }
0x16: {  	_ =	swait.ge [sflag:s12], $0x80  }
0x17: {  	[sflag:s12] =	ssyncset.done $0x0  }
0x18: {  	s31 =	sadd.s32 $0x0, s9;
	[sflag:s12] =	ssyncadd.s32 $0xFFFFFF80  }
0x19: {  	[tilespmem:s13], [sflag:$0x2] =	stream.linear.gather [hbm4b:s31+s3], $0x80, $0x38;
	[tilespmem:$0x18100] =	vst v63  }
0x1a: {  	_ =	swait.ge [sflag:s12], $0x80  }
0x1b: {  	[sflag:s12] =	ssyncset.done $0x0  }
0x1c: {  	[sflag:s12] =	ssyncadd.s32 $0xFFFFFF80  }
0x1d: {  	[tilespmem:s14], [sflag:$0x1] =	stream.indirect.gather [hbm4b:s4+s13], $0x80, s3, s13, $0xb8;
	[tilespmem:$0x18100] =	vst v63  }
0x1e: {  	_ =	swait.ge [sflag:s15], $0x4000  }
0x1f: {  	[sflag:s15] =	ssyncset.done $0x0  }
0x20: {  	[sflag:s15] =	ssyncadd.s32 $0xFFFFC000  }
0x21: {  	[spmem:s1] =	stream.indirect.scatter.add.f32 [tilespmem:s14], [sflag:$0x2], $0x80, s13, s13, $0xb8;
	[tilespmem:$0x18100] =	vst v63  }
0x22: {  	_ =	swait.ge [sflag:s12], $0x4000  }
0x23: {  	s18 =	simm.s32 $0x20;
	s17 =	simm.s32 $0x10;
	[sflag:s12] =	ssyncset.done $0x0  }
.LBB2_2:
0x24: {  	s19 =	sadd.s32 s17, s10  }
0x25: {  	[sflag:s12] =	ssyncadd.s32 $0xFFFFC000;
	s20 =	smov.u32 s18;
	s21 =	sadd.s32 $0x10, s18  }
0x26: {  	[tilespmem:s3], [sflag:$0x2] =	stream.linear.gather [hbm4b:s19+s3], $0x80, $0x38;
	[tilespmem:$0x18100] =	vst v63  }
0x27: {  	p0 =	sne.s32 s18, $0x4E0;
	_ =	swait.ge [sflag:s12], $0x80  }
0x28: {  	[sflag:s12] =	ssyncset.done $0x0  }
0x29: {  	s18 =	sadd.s32 s17, s9;
	s17 =	smov.u32 s20;
	[sflag:s12] =	ssyncadd.s32 $0xFFFFFF80  }
0x2a: {  	[tilespmem:s13], [sflag:$0x2] =	stream.linear.gather [hbm4b:s18+s3], $0x80, $0x38;
	[tilespmem:$0x18100] =	vst v63  }
0x2b: {  	_ =	swait.ge [sflag:s12], $0x80  }
0x2c: {  	[sflag:s12] =	ssyncset.done $0x0  }
0x2d: {  	[sflag:s12] =	ssyncadd.s32 $0xFFFFFF80  }
0x2e: {  	[tilespmem:s14], [sflag:$0x1] =	stream.indirect.gather [hbm4b:s4+s13], $0x80, s3, s13, $0xb8;
	[tilespmem:$0x18100] =	vst v63  }
0x2f: {  	_ =	swait.ge [sflag:s15], $0x4000  }
.Ltmp0:
0x30: {  	[sflag:s15] =	ssyncset.done $0x0;
	(pc) =	sbr.rel @p0 .LBB2_2-.Ltmp0, $4  }
0x31: {  	[sflag:s15] =	ssyncadd.s32 $0xFFFFC000  }
0x32: {  	[spmem:s1] =	stream.indirect.scatter.add.f32 [tilespmem:s14], [sflag:$0x2], $0x80, s13, s13, $0xb8;
	[tilespmem:$0x18100] =	vst v63  }
0x33: {  	_ =	swait.ge [sflag:s12], $0x4000  }
0x34: {  	s18 =	smov.u32 s21;
	[sflag:s12] =	ssyncset.done $0x0  }
0x35: {  	s18 =	sadd.s32 s17, s10;
	[sflag:s12] =	ssyncadd.s32 $0xFFFFC000  }
0x36: {  	[tilespmem:s3], [sflag:$0x2] =	stream.linear.gather [hbm4b:s18+s3], $0x80, $0x38;
	[tilespmem:$0x18100] =	vst v63  }
0x37: {  	_ =	swait.ge [sflag:s12], $0x80  }
0x38: {  	[sflag:s12] =	ssyncset.done $0x0  }
0x39: {  	s31 =	sadd.s32 s17, s9;
	[sflag:s12] =	ssyncadd.s32 $0xFFFFFF80  }
0x3a: {  	[tilespmem:s13], [sflag:$0x2] =	stream.linear.gather [hbm4b:s31+s3], $0x80, $0x38;
	[tilespmem:$0x18100] =	vst v63  }
0x3b: {  	_ =	swait.ge [sflag:s12], $0x80  }
0x3c: {  	[sflag:s12] =	ssyncset.done $0x0  }
0x3d: {  	[sflag:s12] =	ssyncadd.s32 $0xFFFFFF80  }
0x3e: {  	[tilespmem:s14], [sflag:$0x1] =	stream.indirect.gather [hbm4b:s4+s13], $0x80, s3, s13, $0xb8;
	[tilespmem:$0x18100] =	vst v63  }
0x3f: {  	_ =	swait.ge [sflag:s15], $0x4000  }
0x40: {  	[sflag:s15] =	ssyncset.done $0x0  }
0x41: {  	[sflag:s15] =	ssyncadd.s32 $0xFFFFC000  }
0x42: {  	[spmem:s1] =	stream.indirect.scatter.add.f32 [tilespmem:s14], [sflag:$0x2], $0x80, s13, s13, $0xb8;
	[tilespmem:$0x18100] =	vst v63  }
0x43: {  	_ =	swait.ge [sflag:s12], $0x4000  }
0x44: {  	s16 =	sadd.s32 $0x1, s16;
	[sflag:s12] =	ssyncset.done $0x0  }
0x45: {  	p0 =	sne.s32 s16, s8;
	[sflag:s12] =	ssyncadd.s32 $0xFFFFC000  }
.Ltmp1:
0x46: {  	[bflag:$0x0] =	sbarrier.arrive $0xFFFF;
	(pc) =	sbr.rel @p0 .LBB2_1-.Ltmp1, $4  }
0x47: {  	[hbm:s7], [sflag:s6] =	dma.local [spmem:s11], $0x2800  }
0x48: {  	_ =	swait.ge [sflag:s12], $0x2800  }
0x49: {  	[sflag:s12] =	ssyncset.done $0x0  }
0x4a: {  	[sflag:s12] =	ssyncadd.s32 $0xFFFFD800  }
0x4b: {  	_ =	sfence.sel $0x180000  }
0x4c: {  	[bflag:$0x0] =	sbarrier.arrive $0xFFFF  }
0x4d: {  	p0 =	sne.s32 s2, $0x0;
	_ =	strace $0x9000005F  }
0x4e: {  	s0 =	sadd.s32 @!p0 $0x100000, s0;
	[bflag:$0x2] =	sbarrier.arrive $0xFFFF  }
0x4f: {  	[sflag:s0] =	ssyncadd.tile.s32 @!p0 $0x1;
	_ =	shalt  }
.Lfunc_end2:
_tile_overlayer_lowered:
.L_overlay_start_2:
0x50: {  	(tag) =	ssettag $0x2  }
0x51: {  	s0 =	rddreg [dreg:$0x0];
	s2 =	stileid.u32  }
0x52: {  	s1 =	rddreg [dreg:$0x1];
	p0 =	sne.s32 s2, $0x0  }
0x53: {  	s3 =	rddreg [dreg:$0x2];
	[bflag:$0x3] =	sbarrier.arrive $0xFFFF;
	s2 =	simm.s32 @!p0 $0x1C02  }
0x54: {  	[timem:s3], [sflag:s2] =	dma.local @!p0 [hbm:s0], s1  }
0x55: {  	s0 =	simm.s32 @!p0 $0x2  }
0x56: {  	_ =	swait.ge @!p0 [sflag:s0], s1  }
0x57: {  	s1 =	ssub.s32 @!p0 $0x0, s1;
	[sflag:s0] =	ssyncset.done @!p0 $0x0  }
0x58: {  	[sflag:s0] =	ssyncadd.s32 @!p0 s1  }
0x59: {  	[bflag:$0x3] =	sbarrier.arrive $0xFFFF  }
0x5a: {  	_ =	shalt  }

// kernel: kernel.49.cloned.1.call-start
scs
__scs_entry_jumppad:
0x0: {  	(pc) =	sbr.rel $0x88, $3  }
0x1: {  	(tag) =	ssettag $0x0;
	lr =	simm.s32 $0x1  }
0x2: {  	[smem:$0x3F82] =	sst lr;
	_ =	strace $0xD0000000  }
0x3: {  	_ = 	snop  }
0x4: {  	_ = 	snop  }
0x5: {  	_ = 	snop  }
0x6: {  	_ = 	snop  }
0x7: {  	_ = 	snop  }
__scs_overlays_trampoline_lowered:
0x8: {  	[smem:$0x3F91] =	sst s0  }
0x9: {  	[smem:$0x3F92] =	sst s1  }
0xa: {  	[smem:$0x3F93] =	sst s2  }
0xb: {  	[smem:$0x3F94] =	sst s3  }
0xc: {  	[smem:$0x3F95] =	sst s4  }
0xd: {  	[smem:$0x3F96] =	sst s5  }
0xe: {  	[smem:$0x3F97] =	sst s6  }
0xf: {  	[smem:$0x3F98] =	sst s7  }
0x10: {  	[smem:$0x3F99] =	sst s8  }
0x11: {  	[smem:$0x3F9A] =	sst s9;
	s0 =	simm.s32 @!p0 $0x0  }
0x12: {  	s1 =	sld [smem:$0x3F80];
	s0 =	simm.s32 @p0 $0x1  }
0x13: {  	[smem:$0x3F9B] =	sst s0;
	s0 =	simm.s32 @!p1 $0x0  }
0x14: {  	s2 =	sld [smem:$0x3F7F];
	s0 =	simm.s32 @p1 $0x1  }
0x15: {  	[smem:$0x3F9C] =	sst s0;
	s0 =	simm.s32 @!p2 $0x0  }
0x16: {  	s3 =	sld [smem:$0x3FDB];
	s0 =	simm.s32 @p2 $0x1  }
0x17: {  	s4 =	simm.s32 $0x1BF5;
	[smem:$0x3F9E] =	sst s0  }
0x18: {  	s0 =	sld [smem:$0x3F81];
	_ =	swait.ge [sflag:s4], $0x0  }
0x19: {  	s7 =	sld [smem:$0x3F82]  }
0x1a: {  	s8 =	sadd.s32 $0xFFFFE003, lr  }
0x1b: {  	s9 =	sadd.s32 $0xFFFFFEF7, lr;
	s5 =	simm.s32 $0xFFFFFFFF;
	p2 =	slt.u32 s8, $0xFFFFF086  }
0x1c: {  	p1 =	slt.u32 s9, $0xF7A;
	s5 =	simm.s32 @!p2 $0x0  }
0x1d: {  	s5 =	simm.s32 @p1 $0x1;
	p0 =	seq.s32 s7, s2  }
0x1e: {  	s7 =	smul.u32 @!p0 $0xF7A, s2;
	p2 =	seq.s32 @!p0 s5, $0x0  }
0x1f: {  	s9 =	smul.u32 $0xF7A, s1;
	s8 =	simm.s32 @!p0 $0x1BF5;
	p2 =	por !p2, p0  }
0x20: {  	[sflag:s8] =	ssyncset.s32 @!p0 $0xFFFFF086;
	s6 =	sadd.s32 @!p0 s3, s7;
	s7 =	simm.s32 @!p0 $0x108  }
0x21: {  	s3 =	sadd.s32 s3, s9;
	s6 =	sadd.s32 @!p0 $0x88, s6;
	s7 =	simm.s32 @p2 $0x1082  }
0x22: {  	[simem:s7], [sflag:s8] =	dma.local @!p0 [hbm:s6], $0xF7A  }
0x23: {  	s9 =	sor.u32 $0xD0000000, s2;
	s6 =	simm.s32 $0x108;
	_ =	swait.ge @!p0 [sflag:s8], $0x0  }
0x24: {  	s3 =	sadd.s32 $0x88, s3;
	s6 =	simm.s32 @!p1 $0x1082;
	[sflag:s4] =	ssyncset.s32 $0xFFFFF086  }
0x25: {  	[simem:s6], [sflag:s4] =	dma.local [hbm:s3], $0xF7A  }
0x26: {  	[smem:$0x3F82] =	sst s1;
	(tag) =	ssettag s2;
	_ =	strace s9  }
0x27: {  	s1 =	sld [smem:$0x3F92]  }
0x28: {  	s2 =	sld [smem:$0x3F93]  }
0x29: {  	s4 =	sld [smem:$0x3F95]  }
0x2a: {  	p0 =	seq.s32 s5, $0x0;
	s5 =	sld [smem:$0x3F96]  }
0x2b: {  	s6 =	sld [smem:$0x3F97]  }
0x2c: {  	s7 =	sld [smem:$0x3F98]  }
0x2d: {  	s3 =	simm.s32 $0x108;
	s8 =	sld [smem:$0x3F99]  }
0x2e: {  	s3 =	simm.s32 @!p0 $0x1082;
	s9 =	sld [smem:$0x3F9A]  }
0x2f: {  	lr =	sadd.s32 s0, s3;
	s0 =	sld [smem:$0x3F91]  }
0x30: {  	s3 =	sld [smem:$0x3F94]  }
0x31: {  	[smem:$0x3F9D] =	sst s10  }
0x32: {  	s10 =	sld [smem:$0x3F9B];
	_ =	sdelay $0x3  }
0x33: {  	p0 =	seq.s32 s10, $0x1;
	s10 =	sld [smem:$0x3F9D];
	_ =	sdelay $0x3  }
0x34: {  	[smem:$0x3F9D] =	sst s10  }
0x35: {  	s10 =	sld [smem:$0x3F9C];
	_ =	sdelay $0x3  }
0x36: {  	p1 =	seq.s32 s10, $0x1;
	s10 =	sld [smem:$0x3F9D];
	_ =	sdelay $0x3  }
0x37: {  	[smem:$0x3F9D] =	sst s10  }
0x38: {  	s10 =	sld [smem:$0x3F9E]  }
0x39: {  	_ = 	snop;
	(pc) =	sbr.ind lr, $3  }
0x3a: {  	_ = 	snop  }
0x3b: {  	_ = 	snop  }
0x3c: {  	p2 =	seq.s32 s10, $0x1;
	s10 =	sld [smem:$0x3F9D]  }
0x3d: {  	_ =	shalt  }
0x3e: {  	_ =	shalt  }
0x3f: {  	_ =	shalt  }
0x40: {  	_ =	shalt  }
0x41: {  	_ =	shalt  }
0x42: {  	_ =	shalt  }
0x43: {  	_ =	shalt  }
0x44: {  	_ =	shalt  }
0x45: {  	_ =	shalt  }
0x46: {  	_ =	shalt  }
0x47: {  	_ =	shalt  }
0x48: {  	_ =	shalt  }
0x49: {  	_ =	shalt  }
0x4a: {  	_ =	shalt  }
0x4b: {  	_ =	shalt  }
0x4c: {  	_ =	shalt  }
0x4d: {  	_ =	shalt  }
0x4e: {  	_ =	shalt  }
0x4f: {  	_ =	shalt  }
0x50: {  	_ =	shalt  }
0x51: {  	_ =	shalt  }
0x52: {  	_ =	shalt  }
0x53: {  	_ =	shalt  }
0x54: {  	_ =	shalt  }
0x55: {  	_ =	shalt  }
0x56: {  	_ =	shalt  }
0x57: {  	_ =	shalt  }
0x58: {  	_ =	shalt  }
0x59: {  	_ =	shalt  }
0x5a: {  	_ =	shalt  }
0x5b: {  	_ =	shalt  }
0x5c: {  	_ =	shalt  }
0x5d: {  	_ =	shalt  }
0x5e: {  	_ =	shalt  }
0x5f: {  	_ =	shalt  }
0x60: {  	_ =	shalt  }
0x61: {  	_ =	shalt  }
0x62: {  	_ =	shalt  }
0x63: {  	_ =	shalt  }
0x64: {  	_ =	shalt  }
0x65: {  	_ =	shalt  }
0x66: {  	_ =	shalt  }
0x67: {  	_ =	shalt  }
0x68: {  	_ =	shalt  }
0x69: {  	_ =	shalt  }
0x6a: {  	_ =	shalt  }
0x6b: {  	_ =	shalt  }
0x6c: {  	_ =	shalt  }
0x6d: {  	_ =	shalt  }
0x6e: {  	_ =	shalt  }
0x6f: {  	_ =	shalt  }
0x70: {  	_ =	shalt  }
0x71: {  	_ =	shalt  }
0x72: {  	_ =	shalt  }
0x73: {  	_ =	shalt  }
0x74: {  	_ =	shalt  }
0x75: {  	_ =	shalt  }
0x76: {  	_ =	shalt  }
0x77: {  	_ =	shalt  }
0x78: {  	_ =	shalt  }
0x79: {  	_ =	shalt  }
0x7a: {  	_ =	shalt  }
0x7b: {  	_ =	shalt  }
0x7c: {  	_ =	shalt  }
0x7d: {  	_ =	shalt  }
0x7e: {  	_ =	shalt  }
0x7f: {  	_ =	shalt  }
0x80: {  	_ =	shalt  }
0x81: {  	_ =	shalt  }
0x82: {  	_ =	shalt  }
0x83: {  	_ =	shalt  }
0x84: {  	_ =	shalt  }
0x85: {  	_ =	shalt  }
0x86: {  	_ =	shalt  }
0x87: {  	_ =	shalt  }
.Lfunc_end0:
.L_simem_size_0:
called_computation.9_lowered:
.L_overlay_start_0:
0x88: {  	s2 =	sld [smem:$0x3FD9]  }
0x89: {  	s3 =	sld [smem:$0x3FFE];
	_ =	sdelay $0x1  }
0x8a: {  	s1 =	srdreg.scid  }
0x8b: {  	s0 =	sand.u32 $0x1, s1  }
0x8c: {  	s17 =	sshll.u32 s0, $0xA;
	s2 =	sadd.s32 s3, s2  }
0x8d: {  	s2 =	sadd.s32 s2, s17  }
0x8e: {  	[smem:$0x3FA9] =	sst s2  }
0x8f: {  	_ = 	snop  }
0x90: {  	s2 =	sld [smem:$0x3FD0];
	(tm) =	ssettm $0x1  }
0x91: {  	s18 =	sld [smem:$0x3FFB];
	_ =	sdelay $0x3  }
0x92: {  	_ =	strace s18  }
0x93: {  	s3 =	sld [smem:$0x3FFC];
	_ =	sdelay $0x3  }
0x94: {  	_ =	strace s3  }
0x95: {  	s3 =	sld [smem:$0x3FFD];
	_ =	sdelay $0x3  }
0x96: {  	_ =	strace s3  }
0x97: {  	_ =	strace $0x8FFFFFFF  }
0x98: {  	s19 =	sld [smem:$0x3FDB];
	_ =	sdelay $0x1  }
0x99: {  	s4 =	simm.s32 $_scs_section_size  }
0x9a: {  	s5 =	simm.s32 $_size__tile_overlayer_lowered;
	s6 =	simm.s32 $_tile_overlayer_lowered  }
0x9b: {  	s22 =	simm.s32 $0x1BFF;
	s21 =	sshll.u32 s6, $0x1;
	s3 =	sadd.s32 s4, s19  }
0x9c: {  	s7 =	simm.s32 $0x0;
	s20 =	sshll.u32 s5, $0x1;
	s5 =	sadd.s32 s21, s3  }
0x9d: {  	[timem:s7], [sflag:s22] =	dma.local [hbm:s5], s20  }
0x9e: {  	_ =	swait.ge [sflag:s22], s20  }
0x9f: {  	s4 =	ssub.s32 $0x0, s20;
	[sflag:s22] =	ssyncset.done $0x0  }
0xa0: {  	[sflag:s22] =	ssyncadd.s32 s4;
	_ =	sdelay $0x1  }
0xa1: {  	s23 =	simm.s32 $0x1B8B  }
0xa2: {  	_ =	swait.ge [sflag:s23], $0x1  }
0xa3: {  	[sflag:s23] =	ssyncset.done $0x0  }
0xa4: {  	s25 =	simm.s32 $0x1B8E;
	s24 =	sld [smem:$0x3FFE];
	[sflag:s23] =	ssyncadd.s32 $0xFFFFFFFF  }
0xa5: {  	s26 =	simm.s32 $execute0_lowered;
	[smem:$0x3FD2] =	sst s25  }
0xa6: {  	s5 =	sshll.u32 s26, $0x1;
	_ =	strace $0x80000061;
	[dreg:$0x1] =	wrdreg $0xFFFFFFFF  }
0xa7: {  	s28 =	simm.s32 $_size_execute0_lowered;
	s3 =	sadd.s32 s3, s5;
	[dreg:$0x0] =	wrdreg $0x0  }
0xa8: {  	s5 =	sshll.u32 s28, $0x1;
	[dreg:$0x2] =	wrdreg s3  }
0xa9: {  	[dreg:$0x3] =	wrdreg s5  }
0xaa: {  	[dreg:$0x4] =	wrdreg $0xC0  }
0xab: {  	_ =	task [dreg:s7], $0x5FFFF  }
0xac: {  	[dreg:$0x1] =	wrdreg $0xFFFFFFFF  }
0xad: {  	[dreg:$0x0] =	wrdreg $0x60  }
0xae: {  	[dreg:$0x2] =	wrdreg s24  }
0xaf: {  	[dreg:$0x3] =	wrdreg s2  }
0xb0: {  	[dreg:$0x4] =	wrdreg $0x41000  }
0xb1: {  	[dreg:$0x5] =	wrdreg $0x9  }
0xb2: {  	_ =	task.clear_ibuf [dreg:s7], $0x6FFFF;
	_ =	strace $0x90000061  }
0xb3: {  	s29 =	simm.s32 $0x9;
	_ =	strace $0x80000063  }
0xb4: {  	_ =	swait.ge [sflag:s29], $0x1  }
0xb5: {  	[sflag:s29] =	ssyncadd.s32 $0xFFFFFFFF  }
0xb6: {  	_ =	strace $0x90000063  }
0xb7: {  	_ =	sfence  }
0xb8: {  	s30 =	sld [smem:$0x0];
	_ =	sdelay $0x2  }
0xb9: {  	s31 =	sshll.u32 s1, $0xD;
	s1 =	sshrl.u32 s1, $0x2  }
0xba: {  	s3 =	sand.u32 $0x4000, s31;
	s1 =	sadd.s32 s1, s30  }
0xbb: {  	s0 =	sor.u32 s3, s0;
	s1 =	sshll.u32 s1, $0x11  }
0xbc: {  	s0 =	sor.u32 s1, s0  }
0xbd: {  	s0 =	sadd.s32 $0x8F2B, s0  }
0xbe: {  	[sflag:s0] =	ssyncadd.remote.s32 $0x1  }
0xbf: {  	_ =	sfence.sel $0xFFFF  }
0xc0: {  	[dreg:$0x0] =	wrdreg $0xFFFFFFFF;
	(pc) =	sbr.abs _section_cstart, $3  }
0xc1: {  	[dreg:$0x1] =	wrdreg $0xFFFFFFFF  }
0xc2: {  	_ =	task.clear_ibuf [dreg:s7], $0x2FFFF;
	_ =	strace $0x9FFFFFFF  }
0xc3: {  	(tm) =	ssettm $0x7FFFFFFF  }
tec
execute0_lowered:
.L_overlay_start_1:
0x0: {  	(tag) =	ssettag $0x1  }
0x1: {  	s5 =	rddreg [dreg:$0x0]  }
0x2: {  	s8 =	rddreg [dreg:$0x1]  }
0x3: {  	s1 =	rddreg [dreg:$0x2];
	s2 =	srdreg.scid  }
0x4: {  	s0 =	rddreg [dreg:$0x3];
	s3 =	simm.s32 $0x0;
	s6 =	sand.u32 $0x1, s2  }
0x5: {  	s15 =	simm.s32 $0x1;
	s2 =	stileid.u32;
	s9 =	smul.u32 $0x4F00, s6  }
0x6: {  	s16 =	simm.s32 $0x0;
	[smem:$0x7FF] =	sst s3;
	s7 =	smul.u32 $0x2800, s2  }
0x7: {  	s4 =	sadd.s32 $0x32200, s5;
	_ =	strace $0x80000062;
	s10 =	smul.u32 $0x28000, s6  }
0x8: {  	s6 =	ssub.s32 $0x2, s6;
	s13 =	smul.u32 $0x50000, s2;
	s29 =	sshll.u32 s2, $0x6  }
0x9: {  	s30 =	smul.u32 $0x4F0, s2;
	s12 =	sshrl.u32 s6, $0x1;
	s11 =	sadd.s32 s9, s5  }
0xa: {  	s10 =	sadd.s32 s7, s10;
	s7 =	sadd.s32 s7, s5;
	s12 =	ssub.s32 s6, s12  }
0xb: {  	s28 =	sshrl.u32 s13, $0x2;
	s6 =	sor.u32 $0x1C02, s29;
	s9 =	sadd.s32 s9, s8  }
0xc: {  	s13 =	simm.s32 $0x80;
	s10 =	sadd.s32 s10, s5;
	s14 =	sadd.s32 s28, s1  }
0xd: {  	s5 =	sadd.s32 $0xA200, s7;
	s31 =	sadd.s32 s30, s11;
	s8 =	smax.u32 s12, $0x1  }
0xe: {  	s9 =	sadd.s32 s30, s9;
	s12 =	simm.s32 $0x2;
	s7 =	sadd.s32 $0x8C200, s10  }
0xf: {  	s10 =	sadd.s32 $0x82400, s31;
	s11 =	sshrl.u32 s14, $0x3;
	s14 =	simm.s32 $0x100  }
.LBB2_1:
0x10: {  	[spmem:s11], [sflag:s6] =	dma.local [hbm:s5], $0x2800  }
0x11: {  	_ =	swait.ge [sflag:s12], $0x2800  }
0x12: {  	[sflag:s12] =	ssyncset.done $0x0  }
0x13: {  	[sflag:s12] =	ssyncadd.s32 $0xFFFFD800  }
0x14: {  	s17 =	sadd.s32 $0x0, s10;
	[bflag:$0x0] =	sbarrier.arrive $0xFFFF  }
0x15: {  	[tilespmem:s3], [sflag:$0x2] =	stream.linear.gather [hbm4b:s17+s3], $0x80, $0x38;
	[tilespmem:$0x18100] =	vst v63  }
0x16: {  	_ =	swait.ge [sflag:s12], $0x80  }
0x17: {  	[sflag:s12] =	ssyncset.done $0x0  }
0x18: {  	s31 =	sadd.s32 $0x0, s9;
	[sflag:s12] =	ssyncadd.s32 $0xFFFFFF80  }
0x19: {  	[tilespmem:s13], [sflag:$0x2] =	stream.linear.gather [hbm4b:s31+s3], $0x80, $0x38;
	[tilespmem:$0x18100] =	vst v63  }
0x1a: {  	_ =	swait.ge [sflag:s12], $0x80  }
0x1b: {  	[sflag:s12] =	ssyncset.done $0x0  }
0x1c: {  	[sflag:s12] =	ssyncadd.s32 $0xFFFFFF80  }
0x1d: {  	[tilespmem:s14], [sflag:$0x1] =	stream.indirect.gather [hbm4b:s4+s13], $0x80, s3, s13, $0xb8;
	[tilespmem:$0x18100] =	vst v63  }
0x1e: {  	_ =	swait.ge [sflag:s15], $0x4000  }
0x1f: {  	[sflag:s15] =	ssyncset.done $0x0  }
0x20: {  	[sflag:s15] =	ssyncadd.s32 $0xFFFFC000  }
0x21: {  	[spmem:s1] =	stream.indirect.scatter.add.f32 [tilespmem:s14], [sflag:$0x2], $0x80, s13, s13, $0xb8;
	[tilespmem:$0x18100] =	vst v63  }
0x22: {  	_ =	swait.ge [sflag:s12], $0x4000  }
0x23: {  	s18 =	simm.s32 $0x20;
	s17 =	simm.s32 $0x10;
	[sflag:s12] =	ssyncset.done $0x0  }
.LBB2_2:
0x24: {  	s19 =	sadd.s32 s17, s10  }
0x25: {  	[sflag:s12] =	ssyncadd.s32 $0xFFFFC000;
	s20 =	smov.u32 s18;
	s21 =	sadd.s32 $0x10, s18  }
0x26: {  	[tilespmem:s3], [sflag:$0x2] =	stream.linear.gather [hbm4b:s19+s3], $0x80, $0x38;
	[tilespmem:$0x18100] =	vst v63  }
0x27: {  	p0 =	sne.s32 s18, $0x4E0;
	_ =	swait.ge [sflag:s12], $0x80  }
0x28: {  	[sflag:s12] =	ssyncset.done $0x0  }
0x29: {  	s18 =	sadd.s32 s17, s9;
	s17 =	smov.u32 s20;
	[sflag:s12] =	ssyncadd.s32 $0xFFFFFF80  }
0x2a: {  	[tilespmem:s13], [sflag:$0x2] =	stream.linear.gather [hbm4b:s18+s3], $0x80, $0x38;
	[tilespmem:$0x18100] =	vst v63  }
0x2b: {  	_ =	swait.ge [sflag:s12], $0x80  }
0x2c: {  	[sflag:s12] =	ssyncset.done $0x0  }
0x2d: {  	[sflag:s12] =	ssyncadd.s32 $0xFFFFFF80  }
0x2e: {  	[tilespmem:s14], [sflag:$0x1] =	stream.indirect.gather [hbm4b:s4+s13], $0x80, s3, s13, $0xb8;
	[tilespmem:$0x18100] =	vst v63  }
0x2f: {  	_ =	swait.ge [sflag:s15], $0x4000  }
.Ltmp0:
0x30: {  	[sflag:s15] =	ssyncset.done $0x0;
	(pc) =	sbr.rel @p0 .LBB2_2-.Ltmp0, $4  }
0x31: {  	[sflag:s15] =	ssyncadd.s32 $0xFFFFC000  }
0x32: {  	[spmem:s1] =	stream.indirect.scatter.add.f32 [tilespmem:s14], [sflag:$0x2], $0x80, s13, s13, $0xb8;
	[tilespmem:$0x18100] =	vst v63  }
0x33: {  	_ =	swait.ge [sflag:s12], $0x4000  }
0x34: {  	s18 =	smov.u32 s21;
	[sflag:s12] =	ssyncset.done $0x0  }
0x35: {  	s18 =	sadd.s32 s17, s10;
	[sflag:s12] =	ssyncadd.s32 $0xFFFFC000  }
0x36: {  	[tilespmem:s3], [sflag:$0x2] =	stream.linear.gather [hbm4b:s18+s3], $0x80, $0x38;
	[tilespmem:$0x18100] =	vst v63  }
0x37: {  	_ =	swait.ge [sflag:s12], $0x80  }
0x38: {  	[sflag:s12] =	ssyncset.done $0x0  }
0x39: {  	s31 =	sadd.s32 s17, s9;
	[sflag:s12] =	ssyncadd.s32 $0xFFFFFF80  }
0x3a: {  	[tilespmem:s13], [sflag:$0x2] =	stream.linear.gather [hbm4b:s31+s3], $0x80, $0x38;
	[tilespmem:$0x18100] =	vst v63  }
0x3b: {  	_ =	swait.ge [sflag:s12], $0x80  }
0x3c: {  	[sflag:s12] =	ssyncset.done $0x0  }
0x3d: {  	[sflag:s12] =	ssyncadd.s32 $0xFFFFFF80  }
0x3e: {  	[tilespmem:s14], [sflag:$0x1] =	stream.indirect.gather [hbm4b:s4+s13], $0x80, s3, s13, $0xb8;
	[tilespmem:$0x18100] =	vst v63  }
0x3f: {  	_ =	swait.ge [sflag:s15], $0x4000  }
0x40: {  	[sflag:s15] =	ssyncset.done $0x0  }
0x41: {  	[sflag:s15] =	ssyncadd.s32 $0xFFFFC000  }
0x42: {  	[spmem:s1] =	stream.indirect.scatter.add.f32 [tilespmem:s14], [sflag:$0x2], $0x80, s13, s13, $0xb8;
	[tilespmem:$0x18100] =	vst v63  }
0x43: {  	_ =	swait.ge [sflag:s12], $0x4000  }
0x44: {  	s16 =	sadd.s32 $0x1, s16;
	[sflag:s12] =	ssyncset.done $0x0  }
0x45: {  	p0 =	sne.s32 s16, s8;
	[sflag:s12] =	ssyncadd.s32 $0xFFFFC000  }
.Ltmp1:
0x46: {  	[bflag:$0x0] =	sbarrier.arrive $0xFFFF;
	(pc) =	sbr.rel @p0 .LBB2_1-.Ltmp1, $4  }
0x47: {  	[hbm:s7], [sflag:s6] =	dma.local [spmem:s11], $0x2800  }
0x48: {  	_ =	swait.ge [sflag:s12], $0x2800  }
0x49: {  	[sflag:s12] =	ssyncset.done $0x0  }
0x4a: {  	[sflag:s12] =	ssyncadd.s32 $0xFFFFD800  }
0x4b: {  	_ =	sfence.sel $0x180000  }
0x4c: {  	[bflag:$0x0] =	sbarrier.arrive $0xFFFF  }
0x4d: {  	p0 =	sne.s32 s2, $0x0;
	_ =	strace $0x90000062  }
0x4e: {  	s0 =	sadd.s32 @!p0 $0x100000, s0;
	[bflag:$0x2] =	sbarrier.arrive $0xFFFF  }
0x4f: {  	[sflag:s0] =	ssyncadd.tile.s32 @!p0 $0x1;
	_ =	shalt  }
.Lfunc_end2:
_tile_overlayer_lowered:
.L_overlay_start_2:
0x50: {  	(tag) =	ssettag $0x2  }
0x51: {  	s0 =	rddreg [dreg:$0x0];
	s2 =	stileid.u32  }
0x52: {  	s1 =	rddreg [dreg:$0x1];
	p0 =	sne.s32 s2, $0x0  }
0x53: {  	s3 =	rddreg [dreg:$0x2];
	[bflag:$0x3] =	sbarrier.arrive $0xFFFF;
	s2 =	simm.s32 @!p0 $0x1C02  }
0x54: {  	[timem:s3], [sflag:s2] =	dma.local @!p0 [hbm:s0], s1  }
0x55: {  	s0 =	simm.s32 @!p0 $0x2  }
0x56: {  	_ =	swait.ge @!p0 [sflag:s0], s1  }
0x57: {  	s1 =	ssub.s32 @!p0 $0x0, s1;
	[sflag:s0] =	ssyncset.done @!p0 $0x0  }
0x58: {  	[sflag:s0] =	ssyncadd.s32 @!p0 s1  }
0x59: {  	[bflag:$0x3] =	sbarrier.arrive $0xFFFF  }
0x5a: {  	_ =	shalt  }

</sc_bundles>
